<compile_context>
chip_gen: v7x
topology: tpu7x:2x2x1
jax: 0.10.2.dev20260603
libtpu: 0.0.44.dev20260713+nightly
codegen_flags: <defaults>
</compile_context>

<pallas_src>
import jax
import jax.numpy as jnp
import numpy as np
from jax import lax
from jax.experimental import pallas as pl
from jax.experimental.pallas import tpu as pltpu
from jax.experimental.pallas import tpu_sc as plsc

N = 10000
E = 320000
D = 128
H = 8
DH = 16
N_ACC = 10080
ROW = D + DH
R = 200

NC = 2
NS = 16
NW = NC * NS
E_PER_W = E // NW
C = 40
CHUNKS = E_PER_W // C
ROWS_PER_TILE = N_ACC // NS
WBR = 30

LANE_OF = (0, 8, 4, 12, 2, 10, 6, 14)

_GDN = lax.GatherDimensionNumbers(
    offset_dims=(), collapsed_slice_dims=(0,), start_index_map=(0,))


def _shuf(x, idx):
    return lax.gather(x, idx[:, None], _GDN, (1,),
                      mode=lax.GatherScatterMode.PROMISE_IN_BOUNDS)


def _edge_kernel(q_hbm, kvx_hbm, kvr_hbm, ei_hbm, et_hbm, out_hbm,
                 ix, wrow, qv, kv, acc, kvr_spm, sems):
    cid = lax.axis_index("c")
    sid = lax.axis_index("s")
    wid = cid * NS + sid
    ebase = wid * E_PER_W

    @pl.when(sid == 0)
    def _stage_rel():
        pltpu.sync_copy(kvr_hbm, kvr_spm)

    def _zrow(i, _):
        for j in range(ROW // 16):
            wrow[i, pl.ds(j * 16, 16)] = jnp.zeros((16,), jnp.float32)
        return 0
    lax.fori_loop(0, C, _zrow, 0)
    row0 = sid * ROWS_PER_TILE
    for b in range(ROWS_PER_TILE // WBR):
        pltpu.sync_copy(wrow.at[pl.ds(0, WBR)],
                        acc.at[pl.ds(row0 + b * WBR, WBR)])
    plsc.subcore_barrier()

    lanes = lax.iota(jnp.int32, 16)
    px = {h: lanes ^ h for h in (8, 4, 2, 1)}
    msk = {h: (lanes & h) == 0 for h in (8, 4, 2)}
    bcast = [jnp.full((16,), LANE_OF[h], jnp.int32) for h in range(H)]

    def _merge(a, b, half):
        a2 = a + _shuf(a, px[half])
        b2 = b + _shuf(b, px[half])
        return jnp.where(msk[half], a2, _shuf(b2, px[half]))

    def _load_idx(c, p):
        off = ebase + c * C
        c1 = pltpu.async_copy(ei_hbm.at[0, pl.ds(off, C)], ix.at[p, 0],
                              sems.at[2])
        c2 = pltpu.async_copy(ei_hbm.at[1, pl.ds(off, C)], ix.at[p, 1],
                              sems.at[2])
        c3 = pltpu.async_copy(et_hbm.at[pl.ds(off, C)], ix.at[p, 2],
                              sems.at[2])
        c1.wait()
        c2.wait()
        c3.wait()

    def _issue(p):
        pltpu.async_copy(q_hbm.at[ix.at[p, 1]], qv.at[p], sems.at[p])
        pltpu.async_copy(kvx_hbm.at[ix.at[p, 0]], kv.at[p], sems.at[p])

    def _wait_gathers(p):
        pltpu.make_async_copy(q_hbm.at[ix.at[p, 1]], qv.at[p],
                              sems.at[p]).wait()
        pltpu.make_async_copy(kvx_hbm.at[ix.at[p, 0]], kv.at[p],
                              sems.at[p]).wait()

    def _compute_scatter(p):
        @plsc.parallel_loop(0, C, 1, unroll=2)
        def _edge(e):
            u = [qv[p, e, pl.ds(h * 16, 16)] * kv[p, e, pl.ds(h * 16, 16)]
                 for h in range(H)]
            v1 = [_merge(u[2 * i], u[2 * i + 1], 8) for i in range(4)]
            v2 = [_merge(v1[2 * i], v1[2 * i + 1], 4) for i in range(2)]
            r = _merge(v2[0], v2[1], 2)
            r = r + _shuf(r, px[1])
            pv = jnp.exp(r)
            for h in range(H):
                ph = _shuf(pv, bcast[h])
                wrow[e, pl.ds(h * 16, 16)] = ph * kv[p, e, pl.ds(D + h * 16, 16)]
            wrow[e, pl.ds(D, 16)] = pv
        pltpu.async_copy(wrow, acc.at[ix.at[p, 1]], sems.at[3], add=True)

    def _wait_scatter():
        pltpu.make_async_copy(wrow, acc.at[ix.at[0, 1]], sems.at[3]).wait()

    def _body(i, _):
        c0 = 2 * i
        _wait_gathers(0)
        ga = pltpu.async_copy(kvr_spm.at[ix.at[0, 2]], kv.at[0], sems.at[0],
                              add=True)
        _wait_scatter()
        _load_idx(c0 + 1, 1)
        _issue(1)
        ga.wait()
        _compute_scatter(0)
        _wait_gathers(1)
        gb = pltpu.async_copy(kvr_spm.at[ix.at[1, 2]], kv.at[1], sems.at[1],
                              add=True)
        _wait_scatter()
        c2 = lax.min(c0 + 2, CHUNKS - 1)
        _load_idx(c2, 0)
        _issue(0)
        gb.wait()
        _compute_scatter(1)
        return 0

    _load_idx(0, 0)
    _issue(0)
    pltpu.async_copy(wrow, acc.at[ix.at[0, 1]], sems.at[3], add=True)
    lax.fori_loop(0, CHUNKS // 2, _body, 0)
    _wait_gathers(0)
    _wait_scatter()

    plsc.subcore_barrier()
    for b in range(ROWS_PER_TILE // WBR):
        r0 = row0 + b * WBR
        pltpu.sync_copy(acc.at[pl.ds(r0, WBR)], wrow.at[pl.ds(0, WBR)])
        pltpu.sync_copy(wrow.at[pl.ds(0, WBR)],
                        out_hbm.at[cid, pl.ds(r0, WBR)])


_edge_pass = pl.kernel(
    _edge_kernel,
    out_type=jax.ShapeDtypeStruct((NC, N_ACC, ROW), jnp.float32),
    mesh=plsc.VectorSubcoreMesh(core_axis_name="c", subcore_axis_name="s"),
    compiler_params=pltpu.CompilerParams(needs_layout_passes=False,
                                         use_tc_tiling_on_sc=False),
    scratch_types=[
        pltpu.VMEM((2, 3, C), jnp.int32),
        pltpu.VMEM((C, ROW), jnp.float32),
        pltpu.VMEM((2, C, D), jnp.float32),
        pltpu.VMEM((2, C, 2 * D), jnp.float32),
        pltpu.VMEM_SHARED((N_ACC, ROW), jnp.float32),
        pltpu.VMEM_SHARED((R, 2 * D), jnp.float32),
        pltpu.SemaphoreType.DMA((4,)),
    ],
)


def _proj_body(x_ref, wq_ref, wk_ref, wv_ref, q_ref, kv_ref):
    xb = x_ref[...]
    q_ref[...] = jnp.dot(xb, wq_ref[...], preferred_element_type=jnp.float32) * (1.0 / 4.0)
    kv_ref[:, :D] = jnp.dot(xb, wk_ref[...],
                            preferred_element_type=jnp.float32)
    kv_ref[:, D:] = jnp.dot(xb, wv_ref[...],
                            preferred_element_type=jnp.float32)


def _project(x, w_q, w_k, w_v):
    bn = 400
    wspec = pl.BlockSpec((D, D), lambda i: (0, 0))
    return pl.pallas_call(
        _proj_body,
        grid=(N // bn,),
        in_specs=[pl.BlockSpec((bn, D), lambda i: (i, 0)),
                  wspec, wspec, wspec],
        out_specs=[pl.BlockSpec((bn, D), lambda i: (i, 0)),
                   pl.BlockSpec((bn, 2 * D), lambda i: (i, 0))],
        out_shape=[jax.ShapeDtypeStruct((N, D), jnp.float32),
                   jax.ShapeDtypeStruct((N, 2 * D), jnp.float32)],
    )(x, w_q, w_k, w_v)


def _rel_body(r_ref, wk_ref, wv_ref, o_ref):
    rb = r_ref[...]
    o_ref[:, :D] = jnp.dot(rb, wk_ref[...],
                           preferred_element_type=jnp.float32)
    o_ref[:, D:] = jnp.dot(rb, wv_ref[...],
                           preferred_element_type=jnp.float32)


def _project_rel(rel_emb, w_k, w_v):
    nr = rel_emb.shape[0]
    return pl.pallas_call(
        _rel_body,
        out_shape=jax.ShapeDtypeStruct((nr, 2 * D), jnp.float32),
    )(rel_emb, w_k, w_v)


def _fin_body(a_ref, ex_ref, wo_ref, o_ref):
    a = a_ref[0] + a_ref[1]
    den = jnp.dot(a, ex_ref[...], preferred_element_type=jnp.float32,
                  precision=lax.Precision.HIGHEST)
    agg = a[:, :D] / (den + 1e-16)
    o_ref[...] = jnp.dot(agg, wo_ref[...], preferred_element_type=jnp.float32,
                         precision=lax.Precision.HIGHEST)


def _finalize(part, expand, w_o):
    bn = 400
    return pl.pallas_call(
        _fin_body,
        grid=(N // bn,),
        in_specs=[pl.BlockSpec((NC, bn, ROW), lambda i: (0, i, 0)),
                  pl.BlockSpec((ROW, D), lambda i: (0, 0)),
                  pl.BlockSpec((D, D), lambda i: (0, 0))],
        out_specs=pl.BlockSpec((bn, D), lambda i: (i, 0)),
        out_shape=jax.ShapeDtypeStruct((N, D), jnp.float32),
    )(part, expand, w_o)


_EXPAND = np.zeros((ROW, D), np.float32)
for _h in range(H):
    _EXPAND[D + LANE_OF[_h], _h * DH:(_h + 1) * DH] = 1.0


def kernel(x, edge_index, edge_type, W_q, W_k, W_v, W_o, rel_emb):
    ei = edge_index.astype(jnp.int32)
    et = edge_type.astype(jnp.int32)

    q_all, kv_x = _project(x, W_q, W_k, W_v)
    kv_r = _project_rel(rel_emb, W_k, W_v)

    part = _edge_pass(q_all, kv_x, kv_r, ei, et)

    return _finalize(part, jnp.asarray(_EXPAND), W_o)

# --- scband reference (transcript-rebuilt; emitter-appended) ---
"""Pipeline reference for scband-kgtransformer-py-g-27685359190570 (READ-ONLY COPY).

The authoritative reference and input builder live on the scoring server;
editing this copy changes nothing except your own understanding.
"""

import jax, jax.numpy as jnp
import numpy as np

N = 10000
E = 320000
D = 128
NUM_RELS = 200
H = 8
DH = D // H

def setup_inputs(seed: int = 0) -> dict:
    key = jax.random.key(seed)
    ks = jax.random.split(key, 10)
    x = jax.random.normal(ks[0], (N, D), dtype=jnp.float32)
    edge_index = jax.random.randint(ks[1], (2, E), 0, N, dtype=jnp.int64)
    edge_type = jax.random.randint(ks[2], (E,), 0, NUM_RELS, dtype=jnp.int64)
    sc = 1.0 / np.sqrt(D)
    W_q = jax.random.normal(ks[3], (D, D), dtype=jnp.float32) * sc
    W_k = jax.random.normal(ks[4], (D, D), dtype=jnp.float32) * sc
    W_v = jax.random.normal(ks[5], (D, D), dtype=jnp.float32) * sc
    W_o = jax.random.normal(ks[6], (D, D), dtype=jnp.float32) * sc
    rel_emb = jax.random.normal(ks[7], (NUM_RELS, D), dtype=jnp.float32) * sc
    return {"x": x, "edge_index": edge_index, "edge_type": edge_type,
            "W_q": W_q, "W_k": W_k, "W_v": W_v, "W_o": W_o, "rel_emb": rel_emb}

def reference(x, edge_index, edge_type, W_q, W_k, W_v, W_o, rel_emb):
    src = edge_index[0]
    dst = edge_index[1]
    # per-edge query from destination node, key/value from source node + relation embedding
    q_all = x @ W_q                      # [N, D]
    q = jnp.take(q_all, dst, axis=0).reshape(E, H, DH)      # gather [E, H, DH]
    msg = jnp.take(x, src, axis=0) + jnp.take(rel_emb, edge_type, axis=0)  # [E, D]
    k = (msg @ W_k).reshape(E, H, DH)
    v = (msg @ W_v).reshape(E, H, DH)
    score = jnp.sum(q * k, axis=-1) / jnp.sqrt(jnp.float32(DH))  # [E, H]
    # segment softmax over incoming edges per destination node
    m = jax.ops.segment_max(score, dst, num_segments=N)          # [N, H]
    score_exp = jnp.exp(score - jnp.take(m, dst, axis=0))        # [E, H]
    denom = jax.ops.segment_sum(score_exp, dst, num_segments=N)  # [N, H]
    alpha = score_exp / (jnp.take(denom, dst, axis=0) + 1e-16)   # [E, H]
    weighted = alpha[:, :, None] * v                             # [E, H, DH]
    agg = jax.ops.segment_sum(weighted, dst, num_segments=N)     # [N, H, DH]
    out = agg.reshape(N, D) @ W_o                                # [N, D]
    return out

if __name__ == "__main__":
    import jax
    _d = setup_inputs()
    print(jax.jit(kernel)(*tuple(_d.values())))

</pallas_src>

<mosaic_0001>
#map = affine_map<(d0, d1) -> (0, 0)>
#map1 = affine_map<(d0, d1) -> (0)>
#map2 = affine_map<(d0, d1) -> (0, 0, 0)>
module attributes {stable_mosaic.version = 14 : i64} {
  func.func @_edge_kernel(%arg0: i32, %arg1: i32, %arg2: memref<10000x128xf32, #tpu.memory_space<hbm>>, %arg3: memref<10000x256xf32, #tpu.memory_space<hbm>>, %arg4: memref<200x256xf32, #tpu.memory_space<hbm>>, %arg5: memref<2x320000xi32, #tpu.memory_space<hbm>>, %arg6: memref<320000xi32, #tpu.memory_space<hbm>>, %arg7: memref<2x10080x144xf32, #tpu.memory_space<hbm>>, %arg8: memref<2x3x40xi32, #tpu.memory_space<vmem>>, %arg9: memref<40x144xf32, #tpu.memory_space<vmem>>, %arg10: memref<2x40x128xf32, #tpu.memory_space<vmem>>, %arg11: memref<2x40x256xf32, #tpu.memory_space<vmem>>, %arg12: memref<10080x144xf32, #tpu.memory_space<vmem_shared>>, %arg13: memref<200x256xf32, #tpu.memory_space<vmem_shared>>, %arg14: memref<4x!tpu.dma_semaphore, #tpu.memory_space<semaphore_mem>>) attributes {dimension_semantics = [#tpu.dimension_semantics<core_parallel>, #tpu.dimension_semantics<subcore_parallel>], iteration_bounds = array<i64: 2, 16>, scalar_prefetch = 0 : i64, scratch_operands = 7 : i64, tpu.core_type = #tpu.core_type<sc_vector_subcore>, window_params = [{transform_indices = #map}, {transform_indices = #map}, {transform_indices = #map}, {transform_indices = #map}, {transform_indices = #map1}, {transform_indices = #map2}]} {
    %mul3A = arith.constant 16 : i32
    %mul3A_0 = arith.muli %arg0, %mul3A : i32
    %add3A = arith.addi %mul3A_0, %arg1 : i32
    %mul3A_1 = arith.constant 10000 : i32
    %mul3A_2 = arith.muli %add3A, %mul3A_1 : i32
    %eq3A = arith.constant 0 : i32
    %eq3A_3 = arith.cmpi eq, %arg1, %eq3A : i32
    %convert_element_type3A = arith.extui %eq3A_3 : i1 to i32
    %cond3A = arith.constant 0 : i32
    %cond3A_4 = arith.cmpi ne, %convert_element_type3A, %cond3A : i32
    scf.if %cond3A_4 {
      "tpu.region"() ({
        %run_scoped3A = tpu.sem_alloc : memref<!tpu.dma_semaphore, #tpu.memory_space<semaphore_mem>>
        tpu.enqueue_dma source(%arg4 : memref<200x256xf32, #tpu.memory_space<hbm>>) target(%arg13 : memref<200x256xf32, #tpu.memory_space<vmem_shared>>) target_semaphore(%run_scoped3A : memref<!tpu.dma_semaphore, #tpu.memory_space<semaphore_mem>>)
        tpu.wait_dma2 semaphore(%run_scoped3A : memref<!tpu.dma_semaphore, #tpu.memory_space<semaphore_mem>>) src(%arg4 : memref<200x256xf32, #tpu.memory_space<hbm>>) dst(%arg13 : memref<200x256xf32, #tpu.memory_space<vmem_shared>>)
        tpu.yield
      }) : () -> ()
    } else {
    }
    %scan3A = arith.constant 0 : i32
    %scan3A_5 = arith.constant 0 : i32
    %scan3A_6 = arith.constant 40 : i32
    %scan3A_7 = arith.addi %scan3A_5, %scan3A_6 : i32
    %scan3A_8 = arith.constant 1 : i32
    %scan3A_9 = scf.for %scan3A_324 = %scan3A_5 to %scan3A_7 step %scan3A_8 iter_args(%scan3A_325 = %scan3A) -> (i32)  : i32 {
      %broadcast_in_dim3A_326 = arith.constant 0.000000e+00 : f32
      %broadcast_in_dim3A_327 = vector.broadcast %broadcast_in_dim3A_326 : f32 to vector<16xf32>
      %swap3A = arith.index_cast %scan3A_324 : i32 to index
      %swap3A_328 = arith.constant 0 : index
      %swap3A_329 = tpu.vector_load %arg9[%swap3A, %swap3A_328] {strides = array<i32>} : memref<40x144xf32, #tpu.memory_space<vmem>>, vector<16xf32>,
      tpu.vector_store %arg9[%swap3A, %swap3A_328], %broadcast_in_dim3A_327 {strides = array<i32>} : memref<40x144xf32, #tpu.memory_space<vmem>>, vector<16xf32>,
      %broadcast_in_dim3A_330 = arith.constant 0.000000e+00 : f32
      %broadcast_in_dim3A_331 = vector.broadcast %broadcast_in_dim3A_330 : f32 to vector<16xf32>
      %swap3A_332 = arith.index_cast %scan3A_324 : i32 to index
      %swap3A_333 = arith.constant 16 : index
      %swap3A_334 = tpu.vector_load %arg9[%swap3A_332, %swap3A_333] {strides = array<i32>} : memref<40x144xf32, #tpu.memory_space<vmem>>, vector<16xf32>,
      tpu.vector_store %arg9[%swap3A_332, %swap3A_333], %broadcast_in_dim3A_331 {strides = array<i32>} : memref<40x144xf32, #tpu.memory_space<vmem>>, vector<16xf32>,
      %broadcast_in_dim3A_335 = arith.constant 0.000000e+00 : f32
      %broadcast_in_dim3A_336 = vector.broadcast %broadcast_in_dim3A_335 : f32 to vector<16xf32>
      %swap3A_337 = arith.index_cast %scan3A_324 : i32 to index
      %swap3A_338 = arith.constant 32 : index
      %swap3A_339 = tpu.vector_load %arg9[%swap3A_337, %swap3A_338] {strides = array<i32>} : memref<40x144xf32, #tpu.memory_space<vmem>>, vector<16xf32>,
      tpu.vector_store %arg9[%swap3A_337, %swap3A_338], %broadcast_in_dim3A_336 {strides = array<i32>} : memref<40x144xf32, #tpu.memory_space<vmem>>, vector<16xf32>,
      %broadcast_in_dim3A_340 = arith.constant 0.000000e+00 : f32
      %broadcast_in_dim3A_341 = vector.broadcast %broadcast_in_dim3A_340 : f32 to vector<16xf32>
      %swap3A_342 = arith.index_cast %scan3A_324 : i32 to index
      %swap3A_343 = arith.constant 48 : index
      %swap3A_344 = tpu.vector_load %arg9[%swap3A_342, %swap3A_343] {strides = array<i32>} : memref<40x144xf32, #tpu.memory_space<vmem>>, vector<16xf32>,
      tpu.vector_store %arg9[%swap3A_342, %swap3A_343], %broadcast_in_dim3A_341 {strides = array<i32>} : memref<40x144xf32, #tpu.memory_space<vmem>>, vector<16xf32>,
      %broadcast_in_dim3A_345 = arith.constant 0.000000e+00 : f32
      %broadcast_in_dim3A_346 = vector.broadcast %broadcast_in_dim3A_345 : f32 to vector<16xf32>
      %swap3A_347 = arith.index_cast %scan3A_324 : i32 to index
      %swap3A_348 = arith.constant 64 : index
      %swap3A_349 = tpu.vector_load %arg9[%swap3A_347, %swap3A_348] {strides = array<i32>} : memref<40x144xf32, #tpu.memory_space<vmem>>, vector<16xf32>,
      tpu.vector_store %arg9[%swap3A_347, %swap3A_348], %broadcast_in_dim3A_346 {strides = array<i32>} : memref<40x144xf32, #tpu.memory_space<vmem>>, vector<16xf32>,
      %broadcast_in_dim3A_350 = arith.constant 0.000000e+00 : f32
      %broadcast_in_dim3A_351 = vector.broadcast %broadcast_in_dim3A_350 : f32 to vector<16xf32>
      %swap3A_352 = arith.index_cast %scan3A_324 : i32 to index
      %swap3A_353 = arith.constant 80 : index
      %swap3A_354 = tpu.vector_load %arg9[%swap3A_352, %swap3A_353] {strides = array<i32>} : memref<40x144xf32, #tpu.memory_space<vmem>>, vector<16xf32>,
      tpu.vector_store %arg9[%swap3A_352, %swap3A_353], %broadcast_in_dim3A_351 {strides = array<i32>} : memref<40x144xf32, #tpu.memory_space<vmem>>, vector<16xf32>,
      %broadcast_in_dim3A_355 = arith.constant 0.000000e+00 : f32
      %broadcast_in_dim3A_356 = vector.broadcast %broadcast_in_dim3A_355 : f32 to vector<16xf32>
      %swap3A_357 = arith.index_cast %scan3A_324 : i32 to index
      %swap3A_358 = arith.constant 96 : index
      %swap3A_359 = tpu.vector_load %arg9[%swap3A_357, %swap3A_358] {strides = array<i32>} : memref<40x144xf32, #tpu.memory_space<vmem>>, vector<16xf32>,
      tpu.vector_store %arg9[%swap3A_357, %swap3A_358], %broadcast_in_dim3A_356 {strides = array<i32>} : memref<40x144xf32, #tpu.memory_space<vmem>>, vector<16xf32>,
      %broadcast_in_dim3A_360 = arith.constant 0.000000e+00 : f32
      %broadcast_in_dim3A_361 = vector.broadcast %broadcast_in_dim3A_360 : f32 to vector<16xf32>
      %swap3A_362 = arith.index_cast %scan3A_324 : i32 to index
      %swap3A_363 = arith.constant 112 : index
      %swap3A_364 = tpu.vector_load %arg9[%swap3A_362, %swap3A_363] {strides = array<i32>} : memref<40x144xf32, #tpu.memory_space<vmem>>, vector<16xf32>,
      tpu.vector_store %arg9[%swap3A_362, %swap3A_363], %broadcast_in_dim3A_361 {strides = array<i32>} : memref<40x144xf32, #tpu.memory_space<vmem>>, vector<16xf32>,
      %broadcast_in_dim3A_365 = arith.constant 0.000000e+00 : f32
      %broadcast_in_dim3A_366 = vector.broadcast %broadcast_in_dim3A_365 : f32 to vector<16xf32>
      %swap3A_367 = arith.index_cast %scan3A_324 : i32 to index
      %swap3A_368 = arith.constant 128 : index
      %swap3A_369 = tpu.vector_load %arg9[%swap3A_367, %swap3A_368] {strides = array<i32>} : memref<40x144xf32, #tpu.memory_space<vmem>>, vector<16xf32>,
      tpu.vector_store %arg9[%swap3A_367, %swap3A_368], %broadcast_in_dim3A_366 {strides = array<i32>} : memref<40x144xf32, #tpu.memory_space<vmem>>, vector<16xf32>,
      %scan3A_370 = arith.constant 0 : i32
      scf.yield %scan3A_370 : i32
    }
    %scan3A_10 = arith.constant 40 : i32
    %mul3A_11 = arith.constant 630 : i32
    %mul3A_12 = arith.muli %arg1, %mul3A_11 : i32
    %add3A_13 = arith.constant 0 : i32
    %add3A_14 = arith.addi %mul3A_12, %add3A_13 : i32
    "tpu.region"() ({
      %run_scoped3A = tpu.sem_alloc : memref<!tpu.dma_semaphore, #tpu.memory_space<semaphore_mem>>
      %dma_start3A_324 = arith.constant 0 : i32
      %dma_start3A_325 = arith.constant 0 : i32
      %dma_start3A_326 = tpu.memref_slice %arg9[%dma_start3A_324, %dma_start3A_325] : memref<40x144xf32, #tpu.memory_space<vmem>> -> memref<30x144xf32, #tpu.memory_space<vmem>>
      %dma_start3A_327 = arith.constant 0 : i32
      %dma_start3A_328 = tpu.memref_slice %arg12[%add3A_14, %dma_start3A_327] : memref<10080x144xf32, #tpu.memory_space<vmem_shared>> -> memref<30x144xf32, #tpu.memory_space<vmem_shared>>
      %dma_start3A_329 = arith.constant 0 : i32
      %dma_start3A_330 = tpu.memref_slice %arg12[%add3A_14, %dma_start3A_329] : memref<10080x144xf32, #tpu.memory_space<vmem_shared>> -> memref<30x144xf32, #tpu.memory_space<vmem_shared>>
      %dma_start3A_331 = arith.constant 0 : i32
      %dma_start3A_332 = arith.constant 0 : i32
      %dma_start3A_333 = tpu.memref_slice %arg9[%dma_start3A_331, %dma_start3A_332] : memref<40x144xf32, #tpu.memory_space<vmem>> -> memref<30x144xf32, #tpu.memory_space<vmem>>
      tpu.enqueue_dma source(%dma_start3A_333 : memref<30x144xf32, #tpu.memory_space<vmem>>) target(%dma_start3A_330 : memref<30x144xf32, #tpu.memory_space<vmem_shared>>) target_semaphore(%run_scoped3A : memref<!tpu.dma_semaphore, #tpu.memory_space<semaphore_mem>>)
      %dma_wait3A_334 = arith.constant 0 : i32
      %dma_wait3A_335 = arith.constant 0 : i32
      %dma_wait3A_336 = tpu.memref_slice %arg9[%dma_wait3A_334, %dma_wait3A_335] : memref<40x144xf32, #tpu.memory_space<vmem>> -> memref<30x144xf32, #tpu.memory_space<vmem>>
      %dma_wait3A_337 = arith.constant 0 : i32
      %dma_wait3A_338 = tpu.memref_slice %arg12[%add3A_14, %dma_wait3A_337] : memref<10080x144xf32, #tpu.memory_space<vmem_shared>> -> memref<30x144xf32, #tpu.memory_space<vmem_shared>>
      %dma_wait3A_339 = arith.constant 0 : i32
      %dma_wait3A_340 = tpu.memref_slice %arg12[%add3A_14, %dma_wait3A_339] : memref<10080x144xf32, #tpu.memory_space<vmem_shared>> -> memref<30x144xf32, #tpu.memory_space<vmem_shared>>
      %dma_wait3A_341 = arith.constant 0 : i32
      %dma_wait3A_342 = arith.constant 0 : i32
      %dma_wait3A_343 = tpu.memref_slice %arg9[%dma_wait3A_341, %dma_wait3A_342] : memref<40x144xf32, #tpu.memory_space<vmem>> -> memref<30x144xf32, #tpu.memory_space<vmem>>
      tpu.wait_dma2 semaphore(%run_scoped3A : memref<!tpu.dma_semaphore, #tpu.memory_space<semaphore_mem>>) src(%dma_wait3A_343 : memref<30x144xf32, #tpu.memory_space<vmem>>) dst(%dma_wait3A_340 : memref<30x144xf32, #tpu.memory_space<vmem_shared>>)
      tpu.yield
    }) : () -> ()
    %add3A_15 = arith.constant 30 : i32
    %add3A_16 = arith.addi %mul3A_12, %add3A_15 : i32
    "tpu.region"() ({
      %run_scoped3A = tpu.sem_alloc : memref<!tpu.dma_semaphore, #tpu.memory_space<semaphore_mem>>
      %dma_start3A_324 = arith.constant 0 : i32
      %dma_start3A_325 = arith.constant 0 : i32
      %dma_start3A_326 = tpu.memref_slice %arg9[%dma_start3A_324, %dma_start3A_325] : memref<40x144xf32, #tpu.memory_space<vmem>> -> memref<30x144xf32, #tpu.memory_space<vmem>>
      %dma_start3A_327 = arith.constant 0 : i32
      %dma_start3A_328 = tpu.memref_slice %arg12[%add3A_16, %dma_start3A_327] : memref<10080x144xf32, #tpu.memory_space<vmem_shared>> -> memref<30x144xf32, #tpu.memory_space<vmem_shared>>
      %dma_start3A_329 = arith.constant 0 : i32
      %dma_start3A_330 = tpu.memref_slice %arg12[%add3A_16, %dma_start3A_329] : memref<10080x144xf32, #tpu.memory_space<vmem_shared>> -> memref<30x144xf32, #tpu.memory_space<vmem_shared>>
      %dma_start3A_331 = arith.constant 0 : i32
      %dma_start3A_332 = arith.constant 0 : i32
      %dma_start3A_333 = tpu.memref_slice %arg9[%dma_start3A_331, %dma_start3A_332] : memref<40x144xf32, #tpu.memory_space<vmem>> -> memref<30x144xf32, #tpu.memory_space<vmem>>
      tpu.enqueue_dma source(%dma_start3A_333 : memref<30x144xf32, #tpu.memory_space<vmem>>) target(%dma_start3A_330 : memref<30x144xf32, #tpu.memory_space<vmem_shared>>) target_semaphore(%run_scoped3A : memref<!tpu.dma_semaphore, #tpu.memory_space<semaphore_mem>>)
      %dma_wait3A_334 = arith.constant 0 : i32
      %dma_wait3A_335 = arith.constant 0 : i32
      %dma_wait3A_336 = tpu.memref_slice %arg9[%dma_wait3A_334, %dma_wait3A_335] : memref<40x144xf32, #tpu.memory_space<vmem>> -> memref<30x144xf32, #tpu.memory_space<vmem>>
      %dma_wait3A_337 = arith.constant 0 : i32
      %dma_wait3A_338 = tpu.memref_slice %arg12[%add3A_16, %dma_wait3A_337] : memref<10080x144xf32, #tpu.memory_space<vmem_shared>> -> memref<30x144xf32, #tpu.memory_space<vmem_shared>>
      %dma_wait3A_339 = arith.constant 0 : i32
      %dma_wait3A_340 = tpu.memref_slice %arg12[%add3A_16, %dma_wait3A_339] : memref<10080x144xf32, #tpu.memory_space<vmem_shared>> -> memref<30x144xf32, #tpu.memory_space<vmem_shared>>
      %dma_wait3A_341 = arith.constant 0 : i32
      %dma_wait3A_342 = arith.constant 0 : i32
      %dma_wait3A_343 = tpu.memref_slice %arg9[%dma_wait3A_341, %dma_wait3A_342] : memref<40x144xf32, #tpu.memory_space<vmem>> -> memref<30x144xf32, #tpu.memory_space<vmem>>
      tpu.wait_dma2 semaphore(%run_scoped3A : memref<!tpu.dma_semaphore, #tpu.memory_space<semaphore_mem>>) src(%dma_wait3A_343 : memref<30x144xf32, #tpu.memory_space<vmem>>) dst(%dma_wait3A_340 : memref<30x144xf32, #tpu.memory_space<vmem_shared>>)
      tpu.yield
    }) : () -> ()
    %add3A_17 = arith.constant 60 : i32
    %add3A_18 = arith.addi %mul3A_12, %add3A_17 : i32
    "tpu.region"() ({
      %run_scoped3A = tpu.sem_alloc : memref<!tpu.dma_semaphore, #tpu.memory_space<semaphore_mem>>
      %dma_start3A_324 = arith.constant 0 : i32
      %dma_start3A_325 = arith.constant 0 : i32
      %dma_start3A_326 = tpu.memref_slice %arg9[%dma_start3A_324, %dma_start3A_325] : memref<40x144xf32, #tpu.memory_space<vmem>> -> memref<30x144xf32, #tpu.memory_space<vmem>>
      %dma_start3A_327 = arith.constant 0 : i32
      %dma_start3A_328 = tpu.memref_slice %arg12[%add3A_18, %dma_start3A_327] : memref<10080x144xf32, #tpu.memory_space<vmem_shared>> -> memref<30x144xf32, #tpu.memory_space<vmem_shared>>
      %dma_start3A_329 = arith.constant 0 : i32
      %dma_start3A_330 = tpu.memref_slice %arg12[%add3A_18, %dma_start3A_329] : memref<10080x144xf32, #tpu.memory_space<vmem_shared>> -> memref<30x144xf32, #tpu.memory_space<vmem_shared>>
      %dma_start3A_331 = arith.constant 0 : i32
      %dma_start3A_332 = arith.constant 0 : i32
      %dma_start3A_333 = tpu.memref_slice %arg9[%dma_start3A_331, %dma_start3A_332] : memref<40x144xf32, #tpu.memory_space<vmem>> -> memref<30x144xf32, #tpu.memory_space<vmem>>
      tpu.enqueue_dma source(%dma_start3A_333 : memref<30x144xf32, #tpu.memory_space<vmem>>) target(%dma_start3A_330 : memref<30x144xf32, #tpu.memory_space<vmem_shared>>) target_semaphore(%run_scoped3A : memref<!tpu.dma_semaphore, #tpu.memory_space<semaphore_mem>>)
      %dma_wait3A_334 = arith.constant 0 : i32
      %dma_wait3A_335 = arith.constant 0 : i32
      %dma_wait3A_336 = tpu.memref_slice %arg9[%dma_wait3A_334, %dma_wait3A_335] : memref<40x144xf32, #tpu.memory_space<vmem>> -> memref<30x144xf32, #tpu.memory_space<vmem>>
      %dma_wait3A_337 = arith.constant 0 : i32
      %dma_wait3A_338 = tpu.memref_slice %arg12[%add3A_18, %dma_wait3A_337] : memref<10080x144xf32, #tpu.memory_space<vmem_shared>> -> memref<30x144xf32, #tpu.memory_space<vmem_shared>>
      %dma_wait3A_339 = arith.constant 0 : i32
      %dma_wait3A_340 = tpu.memref_slice %arg12[%add3A_18, %dma_wait3A_339] : memref<10080x144xf32, #tpu.memory_space<vmem_shared>> -> memref<30x144xf32, #tpu.memory_space<vmem_shared>>
      %dma_wait3A_341 = arith.constant 0 : i32
      %dma_wait3A_342 = arith.constant 0 : i32
      %dma_wait3A_343 = tpu.memref_slice %arg9[%dma_wait3A_341, %dma_wait3A_342] : memref<40x144xf32, #tpu.memory_space<vmem>> -> memref<30x144xf32, #tpu.memory_space<vmem>>
      tpu.wait_dma2 semaphore(%run_scoped3A : memref<!tpu.dma_semaphore, #tpu.memory_space<semaphore_mem>>) src(%dma_wait3A_343 : memref<30x144xf32, #tpu.memory_space<vmem>>) dst(%dma_wait3A_340 : memref<30x144xf32, #tpu.memory_space<vmem_shared>>)
      tpu.yield
    }) : () -> ()
    %add3A_19 = arith.constant 90 : i32
    %add3A_20 = arith.addi %mul3A_12, %add3A_19 : i32
    "tpu.region"() ({
      %run_scoped3A = tpu.sem_alloc : memref<!tpu.dma_semaphore, #tpu.memory_space<semaphore_mem>>
      %dma_start3A_324 = arith.constant 0 : i32
      %dma_start3A_325 = arith.constant 0 : i32
      %dma_start3A_326 = tpu.memref_slice %arg9[%dma_start3A_324, %dma_start3A_325] : memref<40x144xf32, #tpu.memory_space<vmem>> -> memref<30x144xf32, #tpu.memory_space<vmem>>
      %dma_start3A_327 = arith.constant 0 : i32
      %dma_start3A_328 = tpu.memref_slice %arg12[%add3A_20, %dma_start3A_327] : memref<10080x144xf32, #tpu.memory_space<vmem_shared>> -> memref<30x144xf32, #tpu.memory_space<vmem_shared>>
      %dma_start3A_329 = arith.constant 0 : i32
      %dma_start3A_330 = tpu.memref_slice %arg12[%add3A_20, %dma_start3A_329] : memref<10080x144xf32, #tpu.memory_space<vmem_shared>> -> memref<30x144xf32, #tpu.memory_space<vmem_shared>>
      %dma_start3A_331 = arith.constant 0 : i32
      %dma_start3A_332 = arith.constant 0 : i32
      %dma_start3A_333 = tpu.memref_slice %arg9[%dma_start3A_331, %dma_start3A_332] : memref<40x144xf32, #tpu.memory_space<vmem>> -> memref<30x144xf32, #tpu.memory_space<vmem>>
      tpu.enqueue_dma source(%dma_start3A_333 : memref<30x144xf32, #tpu.memory_space<vmem>>) target(%dma_start3A_330 : memref<30x144xf32, #tpu.memory_space<vmem_shared>>) target_semaphore(%run_scoped3A : memref<!tpu.dma_semaphore, #tpu.memory_space<semaphore_mem>>)
      %dma_wait3A_334 = arith.constant 0 : i32
      %dma_wait3A_335 = arith.constant 0 : i32
      %dma_wait3A_336 = tpu.memref_slice %arg9[%dma_wait3A_334, %dma_wait3A_335] : memref<40x144xf32, #tpu.memory_space<vmem>> -> memref<30x144xf32, #tpu.memory_space<vmem>>
      %dma_wait3A_337 = arith.constant 0 : i32
      %dma_wait3A_338 = tpu.memref_slice %arg12[%add3A_20, %dma_wait3A_337] : memref<10080x144xf32, #tpu.memory_space<vmem_shared>> -> memref<30x144xf32, #tpu.memory_space<vmem_shared>>
      %dma_wait3A_339 = arith.constant 0 : i32
      %dma_wait3A_340 = tpu.memref_slice %arg12[%add3A_20, %dma_wait3A_339] : memref<10080x144xf32, #tpu.memory_space<vmem_shared>> -> memref<30x144xf32, #tpu.memory_space<vmem_shared>>
      %dma_wait3A_341 = arith.constant 0 : i32
      %dma_wait3A_342 = arith.constant 0 : i32
      %dma_wait3A_343 = tpu.memref_slice %arg9[%dma_wait3A_341, %dma_wait3A_342] : memref<40x144xf32, #tpu.memory_space<vmem>> -> memref<30x144xf32, #tpu.memory_space<vmem>>
      tpu.wait_dma2 semaphore(%run_scoped3A : memref<!tpu.dma_semaphore, #tpu.memory_space<semaphore_mem>>) src(%dma_wait3A_343 : memref<30x144xf32, #tpu.memory_space<vmem>>) dst(%dma_wait3A_340 : memref<30x144xf32, #tpu.memory_space<vmem_shared>>)
      tpu.yield
    }) : () -> ()
    %add3A_21 = arith.constant 120 : i32
    %add3A_22 = arith.addi %mul3A_12, %add3A_21 : i32
    "tpu.region"() ({
      %run_scoped3A = tpu.sem_alloc : memref<!tpu.dma_semaphore, #tpu.memory_space<semaphore_mem>>
      %dma_start3A_324 = arith.constant 0 : i32
      %dma_start3A_325 = arith.constant 0 : i32
      %dma_start3A_326 = tpu.memref_slice %arg9[%dma_start3A_324, %dma_start3A_325] : memref<40x144xf32, #tpu.memory_space<vmem>> -> memref<30x144xf32, #tpu.memory_space<vmem>>
      %dma_start3A_327 = arith.constant 0 : i32
      %dma_start3A_328 = tpu.memref_slice %arg12[%add3A_22, %dma_start3A_327] : memref<10080x144xf32, #tpu.memory_space<vmem_shared>> -> memref<30x144xf32, #tpu.memory_space<vmem_shared>>
      %dma_start3A_329 = arith.constant 0 : i32
      %dma_start3A_330 = tpu.memref_slice %arg12[%add3A_22, %dma_start3A_329] : memref<10080x144xf32, #tpu.memory_space<vmem_shared>> -> memref<30x144xf32, #tpu.memory_space<vmem_shared>>
      %dma_start3A_331 = arith.constant 0 : i32
      %dma_start3A_332 = arith.constant 0 : i32
      %dma_start3A_333 = tpu.memref_slice %arg9[%dma_start3A_331, %dma_start3A_332] : memref<40x144xf32, #tpu.memory_space<vmem>> -> memref<30x144xf32, #tpu.memory_space<vmem>>
      tpu.enqueue_dma source(%dma_start3A_333 : memref<30x144xf32, #tpu.memory_space<vmem>>) target(%dma_start3A_330 : memref<30x144xf32, #tpu.memory_space<vmem_shared>>) target_semaphore(%run_scoped3A : memref<!tpu.dma_semaphore, #tpu.memory_space<semaphore_mem>>)
      %dma_wait3A_334 = arith.constant 0 : i32
      %dma_wait3A_335 = arith.constant 0 : i32
      %dma_wait3A_336 = tpu.memref_slice %arg9[%dma_wait3A_334, %dma_wait3A_335] : memref<40x144xf32, #tpu.memory_space<vmem>> -> memref<30x144xf32, #tpu.memory_space<vmem>>
      %dma_wait3A_337 = arith.constant 0 : i32
      %dma_wait3A_338 = tpu.memref_slice %arg12[%add3A_22, %dma_wait3A_337] : memref<10080x144xf32, #tpu.memory_space<vmem_shared>> -> memref<30x144xf32, #tpu.memory_space<vmem_shared>>
      %dma_wait3A_339 = arith.constant 0 : i32
      %dma_wait3A_340 = tpu.memref_slice %arg12[%add3A_22, %dma_wait3A_339] : memref<10080x144xf32, #tpu.memory_space<vmem_shared>> -> memref<30x144xf32, #tpu.memory_space<vmem_shared>>
      %dma_wait3A_341 = arith.constant 0 : i32
      %dma_wait3A_342 = arith.constant 0 : i32
      %dma_wait3A_343 = tpu.memref_slice %arg9[%dma_wait3A_341, %dma_wait3A_342] : memref<40x144xf32, #tpu.memory_space<vmem>> -> memref<30x144xf32, #tpu.memory_space<vmem>>
      tpu.wait_dma2 semaphore(%run_scoped3A : memref<!tpu.dma_semaphore, #tpu.memory_space<semaphore_mem>>) src(%dma_wait3A_343 : memref<30x144xf32, #tpu.memory_space<vmem>>) dst(%dma_wait3A_340 : memref<30x144xf32, #tpu.memory_space<vmem_shared>>)
      tpu.yield
    }) : () -> ()
    %add3A_23 = arith.constant 150 : i32
    %add3A_24 = arith.addi %mul3A_12, %add3A_23 : i32
    "tpu.region"() ({
      %run_scoped3A = tpu.sem_alloc : memref<!tpu.dma_semaphore, #tpu.memory_space<semaphore_mem>>
      %dma_start3A_324 = arith.constant 0 : i32
      %dma_start3A_325 = arith.constant 0 : i32
      %dma_start3A_326 = tpu.memref_slice %arg9[%dma_start3A_324, %dma_start3A_325] : memref<40x144xf32, #tpu.memory_space<vmem>> -> memref<30x144xf32, #tpu.memory_space<vmem>>
      %dma_start3A_327 = arith.constant 0 : i32
      %dma_start3A_328 = tpu.memref_slice %arg12[%add3A_24, %dma_start3A_327] : memref<10080x144xf32, #tpu.memory_space<vmem_shared>> -> memref<30x144xf32, #tpu.memory_space<vmem_shared>>
      %dma_start3A_329 = arith.constant 0 : i32
      %dma_start3A_330 = tpu.memref_slice %arg12[%add3A_24, %dma_start3A_329] : memref<10080x144xf32, #tpu.memory_space<vmem_shared>> -> memref<30x144xf32, #tpu.memory_space<vmem_shared>>
      %dma_start3A_331 = arith.constant 0 : i32
      %dma_start3A_332 = arith.constant 0 : i32
      %dma_start3A_333 = tpu.memref_slice %arg9[%dma_start3A_331, %dma_start3A_332] : memref<40x144xf32, #tpu.memory_space<vmem>> -> memref<30x144xf32, #tpu.memory_space<vmem>>
      tpu.enqueue_dma source(%dma_start3A_333 : memref<30x144xf32, #tpu.memory_space<vmem>>) target(%dma_start3A_330 : memref<30x144xf32, #tpu.memory_space<vmem_shared>>) target_semaphore(%run_scoped3A : memref<!tpu.dma_semaphore, #tpu.memory_space<semaphore_mem>>)
      %dma_wait3A_334 = arith.constant 0 : i32
      %dma_wait3A_335 = arith.constant 0 : i32
      %dma_wait3A_336 = tpu.memref_slice %arg9[%dma_wait3A_334, %dma_wait3A_335] : memref<40x144xf32, #tpu.memory_space<vmem>> -> memref<30x144xf32, #tpu.memory_space<vmem>>
      %dma_wait3A_337 = arith.constant 0 : i32
      %dma_wait3A_338 = tpu.memref_slice %arg12[%add3A_24, %dma_wait3A_337] : memref<10080x144xf32, #tpu.memory_space<vmem_shared>> -> memref<30x144xf32, #tpu.memory_space<vmem_shared>>
      %dma_wait3A_339 = arith.constant 0 : i32
      %dma_wait3A_340 = tpu.memref_slice %arg12[%add3A_24, %dma_wait3A_339] : memref<10080x144xf32, #tpu.memory_space<vmem_shared>> -> memref<30x144xf32, #tpu.memory_space<vmem_shared>>
      %dma_wait3A_341 = arith.constant 0 : i32
      %dma_wait3A_342 = arith.constant 0 : i32
      %dma_wait3A_343 = tpu.memref_slice %arg9[%dma_wait3A_341, %dma_wait3A_342] : memref<40x144xf32, #tpu.memory_space<vmem>> -> memref<30x144xf32, #tpu.memory_space<vmem>>
      tpu.wait_dma2 semaphore(%run_scoped3A : memref<!tpu.dma_semaphore, #tpu.memory_space<semaphore_mem>>) src(%dma_wait3A_343 : memref<30x144xf32, #tpu.memory_space<vmem>>) dst(%dma_wait3A_340 : memref<30x144xf32, #tpu.memory_space<vmem_shared>>)
      tpu.yield
    }) : () -> ()
    %add3A_25 = arith.constant 180 : i32
    %add3A_26 = arith.addi %mul3A_12, %add3A_25 : i32
    "tpu.region"() ({
      %run_scoped3A = tpu.sem_alloc : memref<!tpu.dma_semaphore, #tpu.memory_space<semaphore_mem>>
      %dma_start3A_324 = arith.constant 0 : i32
      %dma_start3A_325 = arith.constant 0 : i32
      %dma_start3A_326 = tpu.memref_slice %arg9[%dma_start3A_324, %dma_start3A_325] : memref<40x144xf32, #tpu.memory_space<vmem>> -> memref<30x144xf32, #tpu.memory_space<vmem>>
      %dma_start3A_327 = arith.constant 0 : i32
      %dma_start3A_328 = tpu.memref_slice %arg12[%add3A_26, %dma_start3A_327] : memref<10080x144xf32, #tpu.memory_space<vmem_shared>> -> memref<30x144xf32, #tpu.memory_space<vmem_shared>>
      %dma_start3A_329 = arith.constant 0 : i32
      %dma_start3A_330 = tpu.memref_slice %arg12[%add3A_26, %dma_start3A_329] : memref<10080x144xf32, #tpu.memory_space<vmem_shared>> -> memref<30x144xf32, #tpu.memory_space<vmem_shared>>
      %dma_start3A_331 = arith.constant 0 : i32
      %dma_start3A_332 = arith.constant 0 : i32
      %dma_start3A_333 = tpu.memref_slice %arg9[%dma_start3A_331, %dma_start3A_332] : memref<40x144xf32, #tpu.memory_space<vmem>> -> memref<30x144xf32, #tpu.memory_space<vmem>>
      tpu.enqueue_dma source(%dma_start3A_333 : memref<30x144xf32, #tpu.memory_space<vmem>>) target(%dma_start3A_330 : memref<30x144xf32, #tpu.memory_space<vmem_shared>>) target_semaphore(%run_scoped3A : memref<!tpu.dma_semaphore, #tpu.memory_space<semaphore_mem>>)
      %dma_wait3A_334 = arith.constant 0 : i32
      %dma_wait3A_335 = arith.constant 0 : i32
      %dma_wait3A_336 = tpu.memref_slice %arg9[%dma_wait3A_334, %dma_wait3A_335] : memref<40x144xf32, #tpu.memory_space<vmem>> -> memref<30x144xf32, #tpu.memory_space<vmem>>
      %dma_wait3A_337 = arith.constant 0 : i32
      %dma_wait3A_338 = tpu.memref_slice %arg12[%add3A_26, %dma_wait3A_337] : memref<10080x144xf32, #tpu.memory_space<vmem_shared>> -> memref<30x144xf32, #tpu.memory_space<vmem_shared>>
      %dma_wait3A_339 = arith.constant 0 : i32
      %dma_wait3A_340 = tpu.memref_slice %arg12[%add3A_26, %dma_wait3A_339] : memref<10080x144xf32, #tpu.memory_space<vmem_shared>> -> memref<30x144xf32, #tpu.memory_space<vmem_shared>>
      %dma_wait3A_341 = arith.constant 0 : i32
      %dma_wait3A_342 = arith.constant 0 : i32
      %dma_wait3A_343 = tpu.memref_slice %arg9[%dma_wait3A_341, %dma_wait3A_342] : memref<40x144xf32, #tpu.memory_space<vmem>> -> memref<30x144xf32, #tpu.memory_space<vmem>>
      tpu.wait_dma2 semaphore(%run_scoped3A : memref<!tpu.dma_semaphore, #tpu.memory_space<semaphore_mem>>) src(%dma_wait3A_343 : memref<30x144xf32, #tpu.memory_space<vmem>>) dst(%dma_wait3A_340 : memref<30x144xf32, #tpu.memory_space<vmem_shared>>)
      tpu.yield
    }) : () -> ()
    %add3A_27 = arith.constant 210 : i32
    %add3A_28 = arith.addi %mul3A_12, %add3A_27 : i32
    "tpu.region"() ({
      %run_scoped3A = tpu.sem_alloc : memref<!tpu.dma_semaphore, #tpu.memory_space<semaphore_mem>>
      %dma_start3A_324 = arith.constant 0 : i32
      %dma_start3A_325 = arith.constant 0 : i32
      %dma_start3A_326 = tpu.memref_slice %arg9[%dma_start3A_324, %dma_start3A_325] : memref<40x144xf32, #tpu.memory_space<vmem>> -> memref<30x144xf32, #tpu.memory_space<vmem>>
      %dma_start3A_327 = arith.constant 0 : i32
      %dma_start3A_328 = tpu.memref_slice %arg12[%add3A_28, %dma_start3A_327] : memref<10080x144xf32, #tpu.memory_space<vmem_shared>> -> memref<30x144xf32, #tpu.memory_space<vmem_shared>>
      %dma_start3A_329 = arith.constant 0 : i32
      %dma_start3A_330 = tpu.memref_slice %arg12[%add3A_28, %dma_start3A_329] : memref<10080x144xf32, #tpu.memory_space<vmem_shared>> -> memref<30x144xf32, #tpu.memory_space<vmem_shared>>
      %dma_start3A_331 = arith.constant 0 : i32
      %dma_start3A_332 = arith.constant 0 : i32
      %dma_start3A_333 = tpu.memref_slice %arg9[%dma_start3A_331, %dma_start3A_332] : memref<40x144xf32, #tpu.memory_space<vmem>> -> memref<30x144xf32, #tpu.memory_space<vmem>>
      tpu.enqueue_dma source(%dma_start3A_333 : memref<30x144xf32, #tpu.memory_space<vmem>>) target(%dma_start3A_330 : memref<30x144xf32, #tpu.memory_space<vmem_shared>>) target_semaphore(%run_scoped3A : memref<!tpu.dma_semaphore, #tpu.memory_space<semaphore_mem>>)
      %dma_wait3A_334 = arith.constant 0 : i32
      %dma_wait3A_335 = arith.constant 0 : i32
      %dma_wait3A_336 = tpu.memref_slice %arg9[%dma_wait3A_334, %dma_wait3A_335] : memref<40x144xf32, #tpu.memory_space<vmem>> -> memref<30x144xf32, #tpu.memory_space<vmem>>
      %dma_wait3A_337 = arith.constant 0 : i32
      %dma_wait3A_338 = tpu.memref_slice %arg12[%add3A_28, %dma_wait3A_337] : memref<10080x144xf32, #tpu.memory_space<vmem_shared>> -> memref<30x144xf32, #tpu.memory_space<vmem_shared>>
      %dma_wait3A_339 = arith.constant 0 : i32
      %dma_wait3A_340 = tpu.memref_slice %arg12[%add3A_28, %dma_wait3A_339] : memref<10080x144xf32, #tpu.memory_space<vmem_shared>> -> memref<30x144xf32, #tpu.memory_space<vmem_shared>>
      %dma_wait3A_341 = arith.constant 0 : i32
      %dma_wait3A_342 = arith.constant 0 : i32
      %dma_wait3A_343 = tpu.memref_slice %arg9[%dma_wait3A_341, %dma_wait3A_342] : memref<40x144xf32, #tpu.memory_space<vmem>> -> memref<30x144xf32, #tpu.memory_space<vmem>>
      tpu.wait_dma2 semaphore(%run_scoped3A : memref<!tpu.dma_semaphore, #tpu.memory_space<semaphore_mem>>) src(%dma_wait3A_343 : memref<30x144xf32, #tpu.memory_space<vmem>>) dst(%dma_wait3A_340 : memref<30x144xf32, #tpu.memory_space<vmem_shared>>)
      tpu.yield
    }) : () -> ()
    %add3A_29 = arith.constant 240 : i32
    %add3A_30 = arith.addi %mul3A_12, %add3A_29 : i32
    "tpu.region"() ({
      %run_scoped3A = tpu.sem_alloc : memref<!tpu.dma_semaphore, #tpu.memory_space<semaphore_mem>>
      %dma_start3A_324 = arith.constant 0 : i32
      %dma_start3A_325 = arith.constant 0 : i32
      %dma_start3A_326 = tpu.memref_slice %arg9[%dma_start3A_324, %dma_start3A_325] : memref<40x144xf32, #tpu.memory_space<vmem>> -> memref<30x144xf32, #tpu.memory_space<vmem>>
      %dma_start3A_327 = arith.constant 0 : i32
      %dma_start3A_328 = tpu.memref_slice %arg12[%add3A_30, %dma_start3A_327] : memref<10080x144xf32, #tpu.memory_space<vmem_shared>> -> memref<30x144xf32, #tpu.memory_space<vmem_shared>>
      %dma_start3A_329 = arith.constant 0 : i32
      %dma_start3A_330 = tpu.memref_slice %arg12[%add3A_30, %dma_start3A_329] : memref<10080x144xf32, #tpu.memory_space<vmem_shared>> -> memref<30x144xf32, #tpu.memory_space<vmem_shared>>
      %dma_start3A_331 = arith.constant 0 : i32
      %dma_start3A_332 = arith.constant 0 : i32
      %dma_start3A_333 = tpu.memref_slice %arg9[%dma_start3A_331, %dma_start3A_332] : memref<40x144xf32, #tpu.memory_space<vmem>> -> memref<30x144xf32, #tpu.memory_space<vmem>>
      tpu.enqueue_dma source(%dma_start3A_333 : memref<30x144xf32, #tpu.memory_space<vmem>>) target(%dma_start3A_330 : memref<30x144xf32, #tpu.memory_space<vmem_shared>>) target_semaphore(%run_scoped3A : memref<!tpu.dma_semaphore, #tpu.memory_space<semaphore_mem>>)
      %dma_wait3A_334 = arith.constant 0 : i32
      %dma_wait3A_335 = arith.constant 0 : i32
      %dma_wait3A_336 = tpu.memref_slice %arg9[%dma_wait3A_334, %dma_wait3A_335] : memref<40x144xf32, #tpu.memory_space<vmem>> -> memref<30x144xf32, #tpu.memory_space<vmem>>
      %dma_wait3A_337 = arith.constant 0 : i32
      %dma_wait3A_338 = tpu.memref_slice %arg12[%add3A_30, %dma_wait3A_337] : memref<10080x144xf32, #tpu.memory_space<vmem_shared>> -> memref<30x144xf32, #tpu.memory_space<vmem_shared>>
      %dma_wait3A_339 = arith.constant 0 : i32
      %dma_wait3A_340 = tpu.memref_slice %arg12[%add3A_30, %dma_wait3A_339] : memref<10080x144xf32, #tpu.memory_space<vmem_shared>> -> memref<30x144xf32, #tpu.memory_space<vmem_shared>>
      %dma_wait3A_341 = arith.constant 0 : i32
      %dma_wait3A_342 = arith.constant 0 : i32
      %dma_wait3A_343 = tpu.memref_slice %arg9[%dma_wait3A_341, %dma_wait3A_342] : memref<40x144xf32, #tpu.memory_space<vmem>> -> memref<30x144xf32, #tpu.memory_space<vmem>>
      tpu.wait_dma2 semaphore(%run_scoped3A : memref<!tpu.dma_semaphore, #tpu.memory_space<semaphore_mem>>) src(%dma_wait3A_343 : memref<30x144xf32, #tpu.memory_space<vmem>>) dst(%dma_wait3A_340 : memref<30x144xf32, #tpu.memory_space<vmem_shared>>)
      tpu.yield
    }) : () -> ()
    %add3A_31 = arith.constant 270 : i32
    %add3A_32 = arith.addi %mul3A_12, %add3A_31 : i32
    "tpu.region"() ({
      %run_scoped3A = tpu.sem_alloc : memref<!tpu.dma_semaphore, #tpu.memory_space<semaphore_mem>>
      %dma_start3A_324 = arith.constant 0 : i32
      %dma_start3A_325 = arith.constant 0 : i32
      %dma_start3A_326 = tpu.memref_slice %arg9[%dma_start3A_324, %dma_start3A_325] : memref<40x144xf32, #tpu.memory_space<vmem>> -> memref<30x144xf32, #tpu.memory_space<vmem>>
      %dma_start3A_327 = arith.constant 0 : i32
      %dma_start3A_328 = tpu.memref_slice %arg12[%add3A_32, %dma_start3A_327] : memref<10080x144xf32, #tpu.memory_space<vmem_shared>> -> memref<30x144xf32, #tpu.memory_space<vmem_shared>>
      %dma_start3A_329 = arith.constant 0 : i32
      %dma_start3A_330 = tpu.memref_slice %arg12[%add3A_32, %dma_start3A_329] : memref<10080x144xf32, #tpu.memory_space<vmem_shared>> -> memref<30x144xf32, #tpu.memory_space<vmem_shared>>
      %dma_start3A_331 = arith.constant 0 : i32
      %dma_start3A_332 = arith.constant 0 : i32
      %dma_start3A_333 = tpu.memref_slice %arg9[%dma_start3A_331, %dma_start3A_332] : memref<40x144xf32, #tpu.memory_space<vmem>> -> memref<30x144xf32, #tpu.memory_space<vmem>>
      tpu.enqueue_dma source(%dma_start3A_333 : memref<30x144xf32, #tpu.memory_space<vmem>>) target(%dma_start3A_330 : memref<30x144xf32, #tpu.memory_space<vmem_shared>>) target_semaphore(%run_scoped3A : memref<!tpu.dma_semaphore, #tpu.memory_space<semaphore_mem>>)
      %dma_wait3A_334 = arith.constant 0 : i32
      %dma_wait3A_335 = arith.constant 0 : i32
      %dma_wait3A_336 = tpu.memref_slice %arg9[%dma_wait3A_334, %dma_wait3A_335] : memref<40x144xf32, #tpu.memory_space<vmem>> -> memref<30x144xf32, #tpu.memory_space<vmem>>
      %dma_wait3A_337 = arith.constant 0 : i32
      %dma_wait3A_338 = tpu.memref_slice %arg12[%add3A_32, %dma_wait3A_337] : memref<10080x144xf32, #tpu.memory_space<vmem_shared>> -> memref<30x144xf32, #tpu.memory_space<vmem_shared>>
      %dma_wait3A_339 = arith.constant 0 : i32
      %dma_wait3A_340 = tpu.memref_slice %arg12[%add3A_32, %dma_wait3A_339] : memref<10080x144xf32, #tpu.memory_space<vmem_shared>> -> memref<30x144xf32, #tpu.memory_space<vmem_shared>>
      %dma_wait3A_341 = arith.constant 0 : i32
      %dma_wait3A_342 = arith.constant 0 : i32
      %dma_wait3A_343 = tpu.memref_slice %arg9[%dma_wait3A_341, %dma_wait3A_342] : memref<40x144xf32, #tpu.memory_space<vmem>> -> memref<30x144xf32, #tpu.memory_space<vmem>>
      tpu.wait_dma2 semaphore(%run_scoped3A : memref<!tpu.dma_semaphore, #tpu.memory_space<semaphore_mem>>) src(%dma_wait3A_343 : memref<30x144xf32, #tpu.memory_space<vmem>>) dst(%dma_wait3A_340 : memref<30x144xf32, #tpu.memory_space<vmem_shared>>)
      tpu.yield
    }) : () -> ()
    %add3A_33 = arith.constant 300 : i32
    %add3A_34 = arith.addi %mul3A_12, %add3A_33 : i32
    "tpu.region"() ({
      %run_scoped3A = tpu.sem_alloc : memref<!tpu.dma_semaphore, #tpu.memory_space<semaphore_mem>>
      %dma_start3A_324 = arith.constant 0 : i32
      %dma_start3A_325 = arith.constant 0 : i32
      %dma_start3A_326 = tpu.memref_slice %arg9[%dma_start3A_324, %dma_start3A_325] : memref<40x144xf32, #tpu.memory_space<vmem>> -> memref<30x144xf32, #tpu.memory_space<vmem>>
      %dma_start3A_327 = arith.constant 0 : i32
      %dma_start3A_328 = tpu.memref_slice %arg12[%add3A_34, %dma_start3A_327] : memref<10080x144xf32, #tpu.memory_space<vmem_shared>> -> memref<30x144xf32, #tpu.memory_space<vmem_shared>>
      %dma_start3A_329 = arith.constant 0 : i32
      %dma_start3A_330 = tpu.memref_slice %arg12[%add3A_34, %dma_start3A_329] : memref<10080x144xf32, #tpu.memory_space<vmem_shared>> -> memref<30x144xf32, #tpu.memory_space<vmem_shared>>
      %dma_start3A_331 = arith.constant 0 : i32
      %dma_start3A_332 = arith.constant 0 : i32
      %dma_start3A_333 = tpu.memref_slice %arg9[%dma_start3A_331, %dma_start3A_332] : memref<40x144xf32, #tpu.memory_space<vmem>> -> memref<30x144xf32, #tpu.memory_space<vmem>>
      tpu.enqueue_dma source(%dma_start3A_333 : memref<30x144xf32, #tpu.memory_space<vmem>>) target(%dma_start3A_330 : memref<30x144xf32, #tpu.memory_space<vmem_shared>>) target_semaphore(%run_scoped3A : memref<!tpu.dma_semaphore, #tpu.memory_space<semaphore_mem>>)
      %dma_wait3A_334 = arith.constant 0 : i32
      %dma_wait3A_335 = arith.constant 0 : i32
      %dma_wait3A_336 = tpu.memref_slice %arg9[%dma_wait3A_334, %dma_wait3A_335] : memref<40x144xf32, #tpu.memory_space<vmem>> -> memref<30x144xf32, #tpu.memory_space<vmem>>
      %dma_wait3A_337 = arith.constant 0 : i32
      %dma_wait3A_338 = tpu.memref_slice %arg12[%add3A_34, %dma_wait3A_337] : memref<10080x144xf32, #tpu.memory_space<vmem_shared>> -> memref<30x144xf32, #tpu.memory_space<vmem_shared>>
      %dma_wait3A_339 = arith.constant 0 : i32
      %dma_wait3A_340 = tpu.memref_slice %arg12[%add3A_34, %dma_wait3A_339] : memref<10080x144xf32, #tpu.memory_space<vmem_shared>> -> memref<30x144xf32, #tpu.memory_space<vmem_shared>>
      %dma_wait3A_341 = arith.constant 0 : i32
      %dma_wait3A_342 = arith.constant 0 : i32
      %dma_wait3A_343 = tpu.memref_slice %arg9[%dma_wait3A_341, %dma_wait3A_342] : memref<40x144xf32, #tpu.memory_space<vmem>> -> memref<30x144xf32, #tpu.memory_space<vmem>>
      tpu.wait_dma2 semaphore(%run_scoped3A : memref<!tpu.dma_semaphore, #tpu.memory_space<semaphore_mem>>) src(%dma_wait3A_343 : memref<30x144xf32, #tpu.memory_space<vmem>>) dst(%dma_wait3A_340 : memref<30x144xf32, #tpu.memory_space<vmem_shared>>)
      tpu.yield
    }) : () -> ()
    %add3A_35 = arith.constant 330 : i32
    %add3A_36 = arith.addi %mul3A_12, %add3A_35 : i32
    "tpu.region"() ({
      %run_scoped3A = tpu.sem_alloc : memref<!tpu.dma_semaphore, #tpu.memory_space<semaphore_mem>>
      %dma_start3A_324 = arith.constant 0 : i32
      %dma_start3A_325 = arith.constant 0 : i32
      %dma_start3A_326 = tpu.memref_slice %arg9[%dma_start3A_324, %dma_start3A_325] : memref<40x144xf32, #tpu.memory_space<vmem>> -> memref<30x144xf32, #tpu.memory_space<vmem>>
      %dma_start3A_327 = arith.constant 0 : i32
      %dma_start3A_328 = tpu.memref_slice %arg12[%add3A_36, %dma_start3A_327] : memref<10080x144xf32, #tpu.memory_space<vmem_shared>> -> memref<30x144xf32, #tpu.memory_space<vmem_shared>>
      %dma_start3A_329 = arith.constant 0 : i32
      %dma_start3A_330 = tpu.memref_slice %arg12[%add3A_36, %dma_start3A_329] : memref<10080x144xf32, #tpu.memory_space<vmem_shared>> -> memref<30x144xf32, #tpu.memory_space<vmem_shared>>
      %dma_start3A_331 = arith.constant 0 : i32
      %dma_start3A_332 = arith.constant 0 : i32
      %dma_start3A_333 = tpu.memref_slice %arg9[%dma_start3A_331, %dma_start3A_332] : memref<40x144xf32, #tpu.memory_space<vmem>> -> memref<30x144xf32, #tpu.memory_space<vmem>>
      tpu.enqueue_dma source(%dma_start3A_333 : memref<30x144xf32, #tpu.memory_space<vmem>>) target(%dma_start3A_330 : memref<30x144xf32, #tpu.memory_space<vmem_shared>>) target_semaphore(%run_scoped3A : memref<!tpu.dma_semaphore, #tpu.memory_space<semaphore_mem>>)
      %dma_wait3A_334 = arith.constant 0 : i32
      %dma_wait3A_335 = arith.constant 0 : i32
      %dma_wait3A_336 = tpu.memref_slice %arg9[%dma_wait3A_334, %dma_wait3A_335] : memref<40x144xf32, #tpu.memory_space<vmem>> -> memref<30x144xf32, #tpu.memory_space<vmem>>
      %dma_wait3A_337 = arith.constant 0 : i32
      %dma_wait3A_338 = tpu.memref_slice %arg12[%add3A_36, %dma_wait3A_337] : memref<10080x144xf32, #tpu.memory_space<vmem_shared>> -> memref<30x144xf32, #tpu.memory_space<vmem_shared>>
      %dma_wait3A_339 = arith.constant 0 : i32
      %dma_wait3A_340 = tpu.memref_slice %arg12[%add3A_36, %dma_wait3A_339] : memref<10080x144xf32, #tpu.memory_space<vmem_shared>> -> memref<30x144xf32, #tpu.memory_space<vmem_shared>>
      %dma_wait3A_341 = arith.constant 0 : i32
      %dma_wait3A_342 = arith.constant 0 : i32
      %dma_wait3A_343 = tpu.memref_slice %arg9[%dma_wait3A_341, %dma_wait3A_342] : memref<40x144xf32, #tpu.memory_space<vmem>> -> memref<30x144xf32, #tpu.memory_space<vmem>>
      tpu.wait_dma2 semaphore(%run_scoped3A : memref<!tpu.dma_semaphore, #tpu.memory_space<semaphore_mem>>) src(%dma_wait3A_343 : memref<30x144xf32, #tpu.memory_space<vmem>>) dst(%dma_wait3A_340 : memref<30x144xf32, #tpu.memory_space<vmem_shared>>)
      tpu.yield
    }) : () -> ()
    %add3A_37 = arith.constant 360 : i32
    %add3A_38 = arith.addi %mul3A_12, %add3A_37 : i32
    "tpu.region"() ({
      %run_scoped3A = tpu.sem_alloc : memref<!tpu.dma_semaphore, #tpu.memory_space<semaphore_mem>>
      %dma_start3A_324 = arith.constant 0 : i32
      %dma_start3A_325 = arith.constant 0 : i32
      %dma_start3A_326 = tpu.memref_slice %arg9[%dma_start3A_324, %dma_start3A_325] : memref<40x144xf32, #tpu.memory_space<vmem>> -> memref<30x144xf32, #tpu.memory_space<vmem>>
      %dma_start3A_327 = arith.constant 0 : i32
      %dma_start3A_328 = tpu.memref_slice %arg12[%add3A_38, %dma_start3A_327] : memref<10080x144xf32, #tpu.memory_space<vmem_shared>> -> memref<30x144xf32, #tpu.memory_space<vmem_shared>>
      %dma_start3A_329 = arith.constant 0 : i32
      %dma_start3A_330 = tpu.memref_slice %arg12[%add3A_38, %dma_start3A_329] : memref<10080x144xf32, #tpu.memory_space<vmem_shared>> -> memref<30x144xf32, #tpu.memory_space<vmem_shared>>
      %dma_start3A_331 = arith.constant 0 : i32
      %dma_start3A_332 = arith.constant 0 : i32
      %dma_start3A_333 = tpu.memref_slice %arg9[%dma_start3A_331, %dma_start3A_332] : memref<40x144xf32, #tpu.memory_space<vmem>> -> memref<30x144xf32, #tpu.memory_space<vmem>>
      tpu.enqueue_dma source(%dma_start3A_333 : memref<30x144xf32, #tpu.memory_space<vmem>>) target(%dma_start3A_330 : memref<30x144xf32, #tpu.memory_space<vmem_shared>>) target_semaphore(%run_scoped3A : memref<!tpu.dma_semaphore, #tpu.memory_space<semaphore_mem>>)
      %dma_wait3A_334 = arith.constant 0 : i32
      %dma_wait3A_335 = arith.constant 0 : i32
      %dma_wait3A_336 = tpu.memref_slice %arg9[%dma_wait3A_334, %dma_wait3A_335] : memref<40x144xf32, #tpu.memory_space<vmem>> -> memref<30x144xf32, #tpu.memory_space<vmem>>
      %dma_wait3A_337 = arith.constant 0 : i32
      %dma_wait3A_338 = tpu.memref_slice %arg12[%add3A_38, %dma_wait3A_337] : memref<10080x144xf32, #tpu.memory_space<vmem_shared>> -> memref<30x144xf32, #tpu.memory_space<vmem_shared>>
      %dma_wait3A_339 = arith.constant 0 : i32
      %dma_wait3A_340 = tpu.memref_slice %arg12[%add3A_38, %dma_wait3A_339] : memref<10080x144xf32, #tpu.memory_space<vmem_shared>> -> memref<30x144xf32, #tpu.memory_space<vmem_shared>>
      %dma_wait3A_341 = arith.constant 0 : i32
      %dma_wait3A_342 = arith.constant 0 : i32
      %dma_wait3A_343 = tpu.memref_slice %arg9[%dma_wait3A_341, %dma_wait3A_342] : memref<40x144xf32, #tpu.memory_space<vmem>> -> memref<30x144xf32, #tpu.memory_space<vmem>>
      tpu.wait_dma2 semaphore(%run_scoped3A : memref<!tpu.dma_semaphore, #tpu.memory_space<semaphore_mem>>) src(%dma_wait3A_343 : memref<30x144xf32, #tpu.memory_space<vmem>>) dst(%dma_wait3A_340 : memref<30x144xf32, #tpu.memory_space<vmem_shared>>)
      tpu.yield
    }) : () -> ()
    %add3A_39 = arith.constant 390 : i32
    %add3A_40 = arith.addi %mul3A_12, %add3A_39 : i32
    "tpu.region"() ({
      %run_scoped3A = tpu.sem_alloc : memref<!tpu.dma_semaphore, #tpu.memory_space<semaphore_mem>>
      %dma_start3A_324 = arith.constant 0 : i32
      %dma_start3A_325 = arith.constant 0 : i32
      %dma_start3A_326 = tpu.memref_slice %arg9[%dma_start3A_324, %dma_start3A_325] : memref<40x144xf32, #tpu.memory_space<vmem>> -> memref<30x144xf32, #tpu.memory_space<vmem>>
      %dma_start3A_327 = arith.constant 0 : i32
      %dma_start3A_328 = tpu.memref_slice %arg12[%add3A_40, %dma_start3A_327] : memref<10080x144xf32, #tpu.memory_space<vmem_shared>> -> memref<30x144xf32, #tpu.memory_space<vmem_shared>>
      %dma_start3A_329 = arith.constant 0 : i32
      %dma_start3A_330 = tpu.memref_slice %arg12[%add3A_40, %dma_start3A_329] : memref<10080x144xf32, #tpu.memory_space<vmem_shared>> -> memref<30x144xf32, #tpu.memory_space<vmem_shared>>
      %dma_start3A_331 = arith.constant 0 : i32
      %dma_start3A_332 = arith.constant 0 : i32
      %dma_start3A_333 = tpu.memref_slice %arg9[%dma_start3A_331, %dma_start3A_332] : memref<40x144xf32, #tpu.memory_space<vmem>> -> memref<30x144xf32, #tpu.memory_space<vmem>>
      tpu.enqueue_dma source(%dma_start3A_333 : memref<30x144xf32, #tpu.memory_space<vmem>>) target(%dma_start3A_330 : memref<30x144xf32, #tpu.memory_space<vmem_shared>>) target_semaphore(%run_scoped3A : memref<!tpu.dma_semaphore, #tpu.memory_space<semaphore_mem>>)
      %dma_wait3A_334 = arith.constant 0 : i32
      %dma_wait3A_335 = arith.constant 0 : i32
      %dma_wait3A_336 = tpu.memref_slice %arg9[%dma_wait3A_334, %dma_wait3A_335] : memref<40x144xf32, #tpu.memory_space<vmem>> -> memref<30x144xf32, #tpu.memory_space<vmem>>
      %dma_wait3A_337 = arith.constant 0 : i32
      %dma_wait3A_338 = tpu.memref_slice %arg12[%add3A_40, %dma_wait3A_337] : memref<10080x144xf32, #tpu.memory_space<vmem_shared>> -> memref<30x144xf32, #tpu.memory_space<vmem_shared>>
      %dma_wait3A_339 = arith.constant 0 : i32
      %dma_wait3A_340 = tpu.memref_slice %arg12[%add3A_40, %dma_wait3A_339] : memref<10080x144xf32, #tpu.memory_space<vmem_shared>> -> memref<30x144xf32, #tpu.memory_space<vmem_shared>>
      %dma_wait3A_341 = arith.constant 0 : i32
      %dma_wait3A_342 = arith.constant 0 : i32
      %dma_wait3A_343 = tpu.memref_slice %arg9[%dma_wait3A_341, %dma_wait3A_342] : memref<40x144xf32, #tpu.memory_space<vmem>> -> memref<30x144xf32, #tpu.memory_space<vmem>>
      tpu.wait_dma2 semaphore(%run_scoped3A : memref<!tpu.dma_semaphore, #tpu.memory_space<semaphore_mem>>) src(%dma_wait3A_343 : memref<30x144xf32, #tpu.memory_space<vmem>>) dst(%dma_wait3A_340 : memref<30x144xf32, #tpu.memory_space<vmem_shared>>)
      tpu.yield
    }) : () -> ()
    %add3A_41 = arith.constant 420 : i32
    %add3A_42 = arith.addi %mul3A_12, %add3A_41 : i32
    "tpu.region"() ({
      %run_scoped3A = tpu.sem_alloc : memref<!tpu.dma_semaphore, #tpu.memory_space<semaphore_mem>>
      %dma_start3A_324 = arith.constant 0 : i32
      %dma_start3A_325 = arith.constant 0 : i32
      %dma_start3A_326 = tpu.memref_slice %arg9[%dma_start3A_324, %dma_start3A_325] : memref<40x144xf32, #tpu.memory_space<vmem>> -> memref<30x144xf32, #tpu.memory_space<vmem>>
      %dma_start3A_327 = arith.constant 0 : i32
      %dma_start3A_328 = tpu.memref_slice %arg12[%add3A_42, %dma_start3A_327] : memref<10080x144xf32, #tpu.memory_space<vmem_shared>> -> memref<30x144xf32, #tpu.memory_space<vmem_shared>>
      %dma_start3A_329 = arith.constant 0 : i32
      %dma_start3A_330 = tpu.memref_slice %arg12[%add3A_42, %dma_start3A_329] : memref<10080x144xf32, #tpu.memory_space<vmem_shared>> -> memref<30x144xf32, #tpu.memory_space<vmem_shared>>
      %dma_start3A_331 = arith.constant 0 : i32
      %dma_start3A_332 = arith.constant 0 : i32
      %dma_start3A_333 = tpu.memref_slice %arg9[%dma_start3A_331, %dma_start3A_332] : memref<40x144xf32, #tpu.memory_space<vmem>> -> memref<30x144xf32, #tpu.memory_space<vmem>>
      tpu.enqueue_dma source(%dma_start3A_333 : memref<30x144xf32, #tpu.memory_space<vmem>>) target(%dma_start3A_330 : memref<30x144xf32, #tpu.memory_space<vmem_shared>>) target_semaphore(%run_scoped3A : memref<!tpu.dma_semaphore, #tpu.memory_space<semaphore_mem>>)
      %dma_wait3A_334 = arith.constant 0 : i32
      %dma_wait3A_335 = arith.constant 0 : i32
      %dma_wait3A_336 = tpu.memref_slice %arg9[%dma_wait3A_334, %dma_wait3A_335] : memref<40x144xf32, #tpu.memory_space<vmem>> -> memref<30x144xf32, #tpu.memory_space<vmem>>
      %dma_wait3A_337 = arith.constant 0 : i32
      %dma_wait3A_338 = tpu.memref_slice %arg12[%add3A_42, %dma_wait3A_337] : memref<10080x144xf32, #tpu.memory_space<vmem_shared>> -> memref<30x144xf32, #tpu.memory_space<vmem_shared>>
      %dma_wait3A_339 = arith.constant 0 : i32
      %dma_wait3A_340 = tpu.memref_slice %arg12[%add3A_42, %dma_wait3A_339] : memref<10080x144xf32, #tpu.memory_space<vmem_shared>> -> memref<30x144xf32, #tpu.memory_space<vmem_shared>>
      %dma_wait3A_341 = arith.constant 0 : i32
      %dma_wait3A_342 = arith.constant 0 : i32
      %dma_wait3A_343 = tpu.memref_slice %arg9[%dma_wait3A_341, %dma_wait3A_342] : memref<40x144xf32, #tpu.memory_space<vmem>> -> memref<30x144xf32, #tpu.memory_space<vmem>>
      tpu.wait_dma2 semaphore(%run_scoped3A : memref<!tpu.dma_semaphore, #tpu.memory_space<semaphore_mem>>) src(%dma_wait3A_343 : memref<30x144xf32, #tpu.memory_space<vmem>>) dst(%dma_wait3A_340 : memref<30x144xf32, #tpu.memory_space<vmem_shared>>)
      tpu.yield
    }) : () -> ()
    %add3A_43 = arith.constant 450 : i32
    %add3A_44 = arith.addi %mul3A_12, %add3A_43 : i32
    "tpu.region"() ({
      %run_scoped3A = tpu.sem_alloc : memref<!tpu.dma_semaphore, #tpu.memory_space<semaphore_mem>>
      %dma_start3A_324 = arith.constant 0 : i32
      %dma_start3A_325 = arith.constant 0 : i32
      %dma_start3A_326 = tpu.memref_slice %arg9[%dma_start3A_324, %dma_start3A_325] : memref<40x144xf32, #tpu.memory_space<vmem>> -> memref<30x144xf32, #tpu.memory_space<vmem>>
      %dma_start3A_327 = arith.constant 0 : i32
      %dma_start3A_328 = tpu.memref_slice %arg12[%add3A_44, %dma_start3A_327] : memref<10080x144xf32, #tpu.memory_space<vmem_shared>> -> memref<30x144xf32, #tpu.memory_space<vmem_shared>>
      %dma_start3A_329 = arith.constant 0 : i32
      %dma_start3A_330 = tpu.memref_slice %arg12[%add3A_44, %dma_start3A_329] : memref<10080x144xf32, #tpu.memory_space<vmem_shared>> -> memref<30x144xf32, #tpu.memory_space<vmem_shared>>
      %dma_start3A_331 = arith.constant 0 : i32
      %dma_start3A_332 = arith.constant 0 : i32
      %dma_start3A_333 = tpu.memref_slice %arg9[%dma_start3A_331, %dma_start3A_332] : memref<40x144xf32, #tpu.memory_space<vmem>> -> memref<30x144xf32, #tpu.memory_space<vmem>>
      tpu.enqueue_dma source(%dma_start3A_333 : memref<30x144xf32, #tpu.memory_space<vmem>>) target(%dma_start3A_330 : memref<30x144xf32, #tpu.memory_space<vmem_shared>>) target_semaphore(%run_scoped3A : memref<!tpu.dma_semaphore, #tpu.memory_space<semaphore_mem>>)
      %dma_wait3A_334 = arith.constant 0 : i32
      %dma_wait3A_335 = arith.constant 0 : i32
      %dma_wait3A_336 = tpu.memref_slice %arg9[%dma_wait3A_334, %dma_wait3A_335] : memref<40x144xf32, #tpu.memory_space<vmem>> -> memref<30x144xf32, #tpu.memory_space<vmem>>
      %dma_wait3A_337 = arith.constant 0 : i32
      %dma_wait3A_338 = tpu.memref_slice %arg12[%add3A_44, %dma_wait3A_337] : memref<10080x144xf32, #tpu.memory_space<vmem_shared>> -> memref<30x144xf32, #tpu.memory_space<vmem_shared>>
      %dma_wait3A_339 = arith.constant 0 : i32
      %dma_wait3A_340 = tpu.memref_slice %arg12[%add3A_44, %dma_wait3A_339] : memref<10080x144xf32, #tpu.memory_space<vmem_shared>> -> memref<30x144xf32, #tpu.memory_space<vmem_shared>>
      %dma_wait3A_341 = arith.constant 0 : i32
      %dma_wait3A_342 = arith.constant 0 : i32
      %dma_wait3A_343 = tpu.memref_slice %arg9[%dma_wait3A_341, %dma_wait3A_342] : memref<40x144xf32, #tpu.memory_space<vmem>> -> memref<30x144xf32, #tpu.memory_space<vmem>>
      tpu.wait_dma2 semaphore(%run_scoped3A : memref<!tpu.dma_semaphore, #tpu.memory_space<semaphore_mem>>) src(%dma_wait3A_343 : memref<30x144xf32, #tpu.memory_space<vmem>>) dst(%dma_wait3A_340 : memref<30x144xf32, #tpu.memory_space<vmem_shared>>)
      tpu.yield
    }) : () -> ()
    %add3A_45 = arith.constant 480 : i32
    %add3A_46 = arith.addi %mul3A_12, %add3A_45 : i32
    "tpu.region"() ({
      %run_scoped3A = tpu.sem_alloc : memref<!tpu.dma_semaphore, #tpu.memory_space<semaphore_mem>>
      %dma_start3A_324 = arith.constant 0 : i32
      %dma_start3A_325 = arith.constant 0 : i32
      %dma_start3A_326 = tpu.memref_slice %arg9[%dma_start3A_324, %dma_start3A_325] : memref<40x144xf32, #tpu.memory_space<vmem>> -> memref<30x144xf32, #tpu.memory_space<vmem>>
      %dma_start3A_327 = arith.constant 0 : i32
      %dma_start3A_328 = tpu.memref_slice %arg12[%add3A_46, %dma_start3A_327] : memref<10080x144xf32, #tpu.memory_space<vmem_shared>> -> memref<30x144xf32, #tpu.memory_space<vmem_shared>>
      %dma_start3A_329 = arith.constant 0 : i32
      %dma_start3A_330 = tpu.memref_slice %arg12[%add3A_46, %dma_start3A_329] : memref<10080x144xf32, #tpu.memory_space<vmem_shared>> -> memref<30x144xf32, #tpu.memory_space<vmem_shared>>
      %dma_start3A_331 = arith.constant 0 : i32
      %dma_start3A_332 = arith.constant 0 : i32
      %dma_start3A_333 = tpu.memref_slice %arg9[%dma_start3A_331, %dma_start3A_332] : memref<40x144xf32, #tpu.memory_space<vmem>> -> memref<30x144xf32, #tpu.memory_space<vmem>>
      tpu.enqueue_dma source(%dma_start3A_333 : memref<30x144xf32, #tpu.memory_space<vmem>>) target(%dma_start3A_330 : memref<30x144xf32, #tpu.memory_space<vmem_shared>>) target_semaphore(%run_scoped3A : memref<!tpu.dma_semaphore, #tpu.memory_space<semaphore_mem>>)
      %dma_wait3A_334 = arith.constant 0 : i32
      %dma_wait3A_335 = arith.constant 0 : i32
      %dma_wait3A_336 = tpu.memref_slice %arg9[%dma_wait3A_334, %dma_wait3A_335] : memref<40x144xf32, #tpu.memory_space<vmem>> -> memref<30x144xf32, #tpu.memory_space<vmem>>
      %dma_wait3A_337 = arith.constant 0 : i32
      %dma_wait3A_338 = tpu.memref_slice %arg12[%add3A_46, %dma_wait3A_337] : memref<10080x144xf32, #tpu.memory_space<vmem_shared>> -> memref<30x144xf32, #tpu.memory_space<vmem_shared>>
      %dma_wait3A_339 = arith.constant 0 : i32
      %dma_wait3A_340 = tpu.memref_slice %arg12[%add3A_46, %dma_wait3A_339] : memref<10080x144xf32, #tpu.memory_space<vmem_shared>> -> memref<30x144xf32, #tpu.memory_space<vmem_shared>>
      %dma_wait3A_341 = arith.constant 0 : i32
      %dma_wait3A_342 = arith.constant 0 : i32
      %dma_wait3A_343 = tpu.memref_slice %arg9[%dma_wait3A_341, %dma_wait3A_342] : memref<40x144xf32, #tpu.memory_space<vmem>> -> memref<30x144xf32, #tpu.memory_space<vmem>>
      tpu.wait_dma2 semaphore(%run_scoped3A : memref<!tpu.dma_semaphore, #tpu.memory_space<semaphore_mem>>) src(%dma_wait3A_343 : memref<30x144xf32, #tpu.memory_space<vmem>>) dst(%dma_wait3A_340 : memref<30x144xf32, #tpu.memory_space<vmem_shared>>)
      tpu.yield
    }) : () -> ()
    %add3A_47 = arith.constant 510 : i32
    %add3A_48 = arith.addi %mul3A_12, %add3A_47 : i32
    "tpu.region"() ({
      %run_scoped3A = tpu.sem_alloc : memref<!tpu.dma_semaphore, #tpu.memory_space<semaphore_mem>>
      %dma_start3A_324 = arith.constant 0 : i32
      %dma_start3A_325 = arith.constant 0 : i32
      %dma_start3A_326 = tpu.memref_slice %arg9[%dma_start3A_324, %dma_start3A_325] : memref<40x144xf32, #tpu.memory_space<vmem>> -> memref<30x144xf32, #tpu.memory_space<vmem>>
      %dma_start3A_327 = arith.constant 0 : i32
      %dma_start3A_328 = tpu.memref_slice %arg12[%add3A_48, %dma_start3A_327] : memref<10080x144xf32, #tpu.memory_space<vmem_shared>> -> memref<30x144xf32, #tpu.memory_space<vmem_shared>>
      %dma_start3A_329 = arith.constant 0 : i32
      %dma_start3A_330 = tpu.memref_slice %arg12[%add3A_48, %dma_start3A_329] : memref<10080x144xf32, #tpu.memory_space<vmem_shared>> -> memref<30x144xf32, #tpu.memory_space<vmem_shared>>
      %dma_start3A_331 = arith.constant 0 : i32
      %dma_start3A_332 = arith.constant 0 : i32
      %dma_start3A_333 = tpu.memref_slice %arg9[%dma_start3A_331, %dma_start3A_332] : memref<40x144xf32, #tpu.memory_space<vmem>> -> memref<30x144xf32, #tpu.memory_space<vmem>>
      tpu.enqueue_dma source(%dma_start3A_333 : memref<30x144xf32, #tpu.memory_space<vmem>>) target(%dma_start3A_330 : memref<30x144xf32, #tpu.memory_space<vmem_shared>>) target_semaphore(%run_scoped3A : memref<!tpu.dma_semaphore, #tpu.memory_space<semaphore_mem>>)
      %dma_wait3A_334 = arith.constant 0 : i32
      %dma_wait3A_335 = arith.constant 0 : i32
      %dma_wait3A_336 = tpu.memref_slice %arg9[%dma_wait3A_334, %dma_wait3A_335] : memref<40x144xf32, #tpu.memory_space<vmem>> -> memref<30x144xf32, #tpu.memory_space<vmem>>
      %dma_wait3A_337 = arith.constant 0 : i32
      %dma_wait3A_338 = tpu.memref_slice %arg12[%add3A_48, %dma_wait3A_337] : memref<10080x144xf32, #tpu.memory_space<vmem_shared>> -> memref<30x144xf32, #tpu.memory_space<vmem_shared>>
      %dma_wait3A_339 = arith.constant 0 : i32
      %dma_wait3A_340 = tpu.memref_slice %arg12[%add3A_48, %dma_wait3A_339] : memref<10080x144xf32, #tpu.memory_space<vmem_shared>> -> memref<30x144xf32, #tpu.memory_space<vmem_shared>>
      %dma_wait3A_341 = arith.constant 0 : i32
      %dma_wait3A_342 = arith.constant 0 : i32
      %dma_wait3A_343 = tpu.memref_slice %arg9[%dma_wait3A_341, %dma_wait3A_342] : memref<40x144xf32, #tpu.memory_space<vmem>> -> memref<30x144xf32, #tpu.memory_space<vmem>>
      tpu.wait_dma2 semaphore(%run_scoped3A : memref<!tpu.dma_semaphore, #tpu.memory_space<semaphore_mem>>) src(%dma_wait3A_343 : memref<30x144xf32, #tpu.memory_space<vmem>>) dst(%dma_wait3A_340 : memref<30x144xf32, #tpu.memory_space<vmem_shared>>)
      tpu.yield
    }) : () -> ()
    %add3A_49 = arith.constant 540 : i32
    %add3A_50 = arith.addi %mul3A_12, %add3A_49 : i32
    "tpu.region"() ({
      %run_scoped3A = tpu.sem_alloc : memref<!tpu.dma_semaphore, #tpu.memory_space<semaphore_mem>>
      %dma_start3A_324 = arith.constant 0 : i32
      %dma_start3A_325 = arith.constant 0 : i32
      %dma_start3A_326 = tpu.memref_slice %arg9[%dma_start3A_324, %dma_start3A_325] : memref<40x144xf32, #tpu.memory_space<vmem>> -> memref<30x144xf32, #tpu.memory_space<vmem>>
      %dma_start3A_327 = arith.constant 0 : i32
      %dma_start3A_328 = tpu.memref_slice %arg12[%add3A_50, %dma_start3A_327] : memref<10080x144xf32, #tpu.memory_space<vmem_shared>> -> memref<30x144xf32, #tpu.memory_space<vmem_shared>>
      %dma_start3A_329 = arith.constant 0 : i32
      %dma_start3A_330 = tpu.memref_slice %arg12[%add3A_50, %dma_start3A_329] : memref<10080x144xf32, #tpu.memory_space<vmem_shared>> -> memref<30x144xf32, #tpu.memory_space<vmem_shared>>
      %dma_start3A_331 = arith.constant 0 : i32
      %dma_start3A_332 = arith.constant 0 : i32
      %dma_start3A_333 = tpu.memref_slice %arg9[%dma_start3A_331, %dma_start3A_332] : memref<40x144xf32, #tpu.memory_space<vmem>> -> memref<30x144xf32, #tpu.memory_space<vmem>>
      tpu.enqueue_dma source(%dma_start3A_333 : memref<30x144xf32, #tpu.memory_space<vmem>>) target(%dma_start3A_330 : memref<30x144xf32, #tpu.memory_space<vmem_shared>>) target_semaphore(%run_scoped3A : memref<!tpu.dma_semaphore, #tpu.memory_space<semaphore_mem>>)
      %dma_wait3A_334 = arith.constant 0 : i32
      %dma_wait3A_335 = arith.constant 0 : i32
      %dma_wait3A_336 = tpu.memref_slice %arg9[%dma_wait3A_334, %dma_wait3A_335] : memref<40x144xf32, #tpu.memory_space<vmem>> -> memref<30x144xf32, #tpu.memory_space<vmem>>
      %dma_wait3A_337 = arith.constant 0 : i32
      %dma_wait3A_338 = tpu.memref_slice %arg12[%add3A_50, %dma_wait3A_337] : memref<10080x144xf32, #tpu.memory_space<vmem_shared>> -> memref<30x144xf32, #tpu.memory_space<vmem_shared>>
      %dma_wait3A_339 = arith.constant 0 : i32
      %dma_wait3A_340 = tpu.memref_slice %arg12[%add3A_50, %dma_wait3A_339] : memref<10080x144xf32, #tpu.memory_space<vmem_shared>> -> memref<30x144xf32, #tpu.memory_space<vmem_shared>>
      %dma_wait3A_341 = arith.constant 0 : i32
      %dma_wait3A_342 = arith.constant 0 : i32
      %dma_wait3A_343 = tpu.memref_slice %arg9[%dma_wait3A_341, %dma_wait3A_342] : memref<40x144xf32, #tpu.memory_space<vmem>> -> memref<30x144xf32, #tpu.memory_space<vmem>>
      tpu.wait_dma2 semaphore(%run_scoped3A : memref<!tpu.dma_semaphore, #tpu.memory_space<semaphore_mem>>) src(%dma_wait3A_343 : memref<30x144xf32, #tpu.memory_space<vmem>>) dst(%dma_wait3A_340 : memref<30x144xf32, #tpu.memory_space<vmem_shared>>)
      tpu.yield
    }) : () -> ()
    %add3A_51 = arith.constant 570 : i32
    %add3A_52 = arith.addi %mul3A_12, %add3A_51 : i32
    "tpu.region"() ({
      %run_scoped3A = tpu.sem_alloc : memref<!tpu.dma_semaphore, #tpu.memory_space<semaphore_mem>>
      %dma_start3A_324 = arith.constant 0 : i32
      %dma_start3A_325 = arith.constant 0 : i32
      %dma_start3A_326 = tpu.memref_slice %arg9[%dma_start3A_324, %dma_start3A_325] : memref<40x144xf32, #tpu.memory_space<vmem>> -> memref<30x144xf32, #tpu.memory_space<vmem>>
      %dma_start3A_327 = arith.constant 0 : i32
      %dma_start3A_328 = tpu.memref_slice %arg12[%add3A_52, %dma_start3A_327] : memref<10080x144xf32, #tpu.memory_space<vmem_shared>> -> memref<30x144xf32, #tpu.memory_space<vmem_shared>>
      %dma_start3A_329 = arith.constant 0 : i32
      %dma_start3A_330 = tpu.memref_slice %arg12[%add3A_52, %dma_start3A_329] : memref<10080x144xf32, #tpu.memory_space<vmem_shared>> -> memref<30x144xf32, #tpu.memory_space<vmem_shared>>
      %dma_start3A_331 = arith.constant 0 : i32
      %dma_start3A_332 = arith.constant 0 : i32
      %dma_start3A_333 = tpu.memref_slice %arg9[%dma_start3A_331, %dma_start3A_332] : memref<40x144xf32, #tpu.memory_space<vmem>> -> memref<30x144xf32, #tpu.memory_space<vmem>>
      tpu.enqueue_dma source(%dma_start3A_333 : memref<30x144xf32, #tpu.memory_space<vmem>>) target(%dma_start3A_330 : memref<30x144xf32, #tpu.memory_space<vmem_shared>>) target_semaphore(%run_scoped3A : memref<!tpu.dma_semaphore, #tpu.memory_space<semaphore_mem>>)
      %dma_wait3A_334 = arith.constant 0 : i32
      %dma_wait3A_335 = arith.constant 0 : i32
      %dma_wait3A_336 = tpu.memref_slice %arg9[%dma_wait3A_334, %dma_wait3A_335] : memref<40x144xf32, #tpu.memory_space<vmem>> -> memref<30x144xf32, #tpu.memory_space<vmem>>
      %dma_wait3A_337 = arith.constant 0 : i32
      %dma_wait3A_338 = tpu.memref_slice %arg12[%add3A_52, %dma_wait3A_337] : memref<10080x144xf32, #tpu.memory_space<vmem_shared>> -> memref<30x144xf32, #tpu.memory_space<vmem_shared>>
      %dma_wait3A_339 = arith.constant 0 : i32
      %dma_wait3A_340 = tpu.memref_slice %arg12[%add3A_52, %dma_wait3A_339] : memref<10080x144xf32, #tpu.memory_space<vmem_shared>> -> memref<30x144xf32, #tpu.memory_space<vmem_shared>>
      %dma_wait3A_341 = arith.constant 0 : i32
      %dma_wait3A_342 = arith.constant 0 : i32
      %dma_wait3A_343 = tpu.memref_slice %arg9[%dma_wait3A_341, %dma_wait3A_342] : memref<40x144xf32, #tpu.memory_space<vmem>> -> memref<30x144xf32, #tpu.memory_space<vmem>>
      tpu.wait_dma2 semaphore(%run_scoped3A : memref<!tpu.dma_semaphore, #tpu.memory_space<semaphore_mem>>) src(%dma_wait3A_343 : memref<30x144xf32, #tpu.memory_space<vmem>>) dst(%dma_wait3A_340 : memref<30x144xf32, #tpu.memory_space<vmem_shared>>)
      tpu.yield
    }) : () -> ()
    %add3A_53 = arith.constant 600 : i32
    %add3A_54 = arith.addi %mul3A_12, %add3A_53 : i32
    "tpu.region"() ({
      %run_scoped3A = tpu.sem_alloc : memref<!tpu.dma_semaphore, #tpu.memory_space<semaphore_mem>>
      %dma_start3A_324 = arith.constant 0 : i32
      %dma_start3A_325 = arith.constant 0 : i32
      %dma_start3A_326 = tpu.memref_slice %arg9[%dma_start3A_324, %dma_start3A_325] : memref<40x144xf32, #tpu.memory_space<vmem>> -> memref<30x144xf32, #tpu.memory_space<vmem>>
      %dma_start3A_327 = arith.constant 0 : i32
      %dma_start3A_328 = tpu.memref_slice %arg12[%add3A_54, %dma_start3A_327] : memref<10080x144xf32, #tpu.memory_space<vmem_shared>> -> memref<30x144xf32, #tpu.memory_space<vmem_shared>>
      %dma_start3A_329 = arith.constant 0 : i32
      %dma_start3A_330 = tpu.memref_slice %arg12[%add3A_54, %dma_start3A_329] : memref<10080x144xf32, #tpu.memory_space<vmem_shared>> -> memref<30x144xf32, #tpu.memory_space<vmem_shared>>
      %dma_start3A_331 = arith.constant 0 : i32
      %dma_start3A_332 = arith.constant 0 : i32
      %dma_start3A_333 = tpu.memref_slice %arg9[%dma_start3A_331, %dma_start3A_332] : memref<40x144xf32, #tpu.memory_space<vmem>> -> memref<30x144xf32, #tpu.memory_space<vmem>>
      tpu.enqueue_dma source(%dma_start3A_333 : memref<30x144xf32, #tpu.memory_space<vmem>>) target(%dma_start3A_330 : memref<30x144xf32, #tpu.memory_space<vmem_shared>>) target_semaphore(%run_scoped3A : memref<!tpu.dma_semaphore, #tpu.memory_space<semaphore_mem>>)
      %dma_wait3A_334 = arith.constant 0 : i32
      %dma_wait3A_335 = arith.constant 0 : i32
      %dma_wait3A_336 = tpu.memref_slice %arg9[%dma_wait3A_334, %dma_wait3A_335] : memref<40x144xf32, #tpu.memory_space<vmem>> -> memref<30x144xf32, #tpu.memory_space<vmem>>
      %dma_wait3A_337 = arith.constant 0 : i32
      %dma_wait3A_338 = tpu.memref_slice %arg12[%add3A_54, %dma_wait3A_337] : memref<10080x144xf32, #tpu.memory_space<vmem_shared>> -> memref<30x144xf32, #tpu.memory_space<vmem_shared>>
      %dma_wait3A_339 = arith.constant 0 : i32
      %dma_wait3A_340 = tpu.memref_slice %arg12[%add3A_54, %dma_wait3A_339] : memref<10080x144xf32, #tpu.memory_space<vmem_shared>> -> memref<30x144xf32, #tpu.memory_space<vmem_shared>>
      %dma_wait3A_341 = arith.constant 0 : i32
      %dma_wait3A_342 = arith.constant 0 : i32
      %dma_wait3A_343 = tpu.memref_slice %arg9[%dma_wait3A_341, %dma_wait3A_342] : memref<40x144xf32, #tpu.memory_space<vmem>> -> memref<30x144xf32, #tpu.memory_space<vmem>>
      tpu.wait_dma2 semaphore(%run_scoped3A : memref<!tpu.dma_semaphore, #tpu.memory_space<semaphore_mem>>) src(%dma_wait3A_343 : memref<30x144xf32, #tpu.memory_space<vmem>>) dst(%dma_wait3A_340 : memref<30x144xf32, #tpu.memory_space<vmem_shared>>)
      tpu.yield
    }) : () -> ()
    %barrier3A = arith.constant 0 : index
    tpu.barrier barrier_id(%barrier3A)
    %iota3A = tpu.iota {dimensions = array<i32: 0>} : vector<16xi32>
    %xor3A = arith.constant 8 : i32
    %xor3A_55 = vector.broadcast %xor3A : i32 to vector<16xi32>
    %xor3A_56 = arith.xori %iota3A, %xor3A_55 : vector<16xi32>
    %xor3A_57 = arith.constant 4 : i32
    %xor3A_58 = vector.broadcast %xor3A_57 : i32 to vector<16xi32>
    %xor3A_59 = arith.xori %iota3A, %xor3A_58 : vector<16xi32>
    %xor3A_60 = arith.constant 2 : i32
    %xor3A_61 = vector.broadcast %xor3A_60 : i32 to vector<16xi32>
    %xor3A_62 = arith.xori %iota3A, %xor3A_61 : vector<16xi32>
    %xor3A_63 = arith.constant 1 : i32
    %xor3A_64 = vector.broadcast %xor3A_63 : i32 to vector<16xi32>
    %xor3A_65 = arith.xori %iota3A, %xor3A_64 : vector<16xi32>
    %and3A = arith.constant 8 : i32
    %and3A_66 = vector.broadcast %and3A : i32 to vector<16xi32>
    %and3A_67 = arith.andi %iota3A, %and3A_66 : vector<16xi32>
    %eq3A_68 = arith.constant 0 : i32
    %eq3A_69 = vector.broadcast %eq3A_68 : i32 to vector<16xi32>
    %eq3A_70 = arith.cmpi eq, %and3A_67, %eq3A_69 : vector<16xi32>
    %and3A_71 = arith.constant 4 : i32
    %and3A_72 = vector.broadcast %and3A_71 : i32 to vector<16xi32>
    %and3A_73 = arith.andi %iota3A, %and3A_72 : vector<16xi32>
    %eq3A_74 = arith.constant 0 : i32
    %eq3A_75 = vector.broadcast %eq3A_74 : i32 to vector<16xi32>
    %eq3A_76 = arith.cmpi eq, %and3A_73, %eq3A_75 : vector<16xi32>
    %and3A_77 = arith.constant 2 : i32
    %and3A_78 = vector.broadcast %and3A_77 : i32 to vector<16xi32>
    %and3A_79 = arith.andi %iota3A, %and3A_78 : vector<16xi32>
    %eq3A_80 = arith.constant 0 : i32
    %eq3A_81 = vector.broadcast %eq3A_80 : i32 to vector<16xi32>
    %eq3A_82 = arith.cmpi eq, %and3A_79, %eq3A_81 : vector<16xi32>
    %broadcast_in_dim3A = arith.constant 0 : i32
    %broadcast_in_dim3A_83 = vector.broadcast %broadcast_in_dim3A : i32 to vector<16xi32>
    %broadcast_in_dim3A_84 = arith.constant 8 : i32
    %broadcast_in_dim3A_85 = vector.broadcast %broadcast_in_dim3A_84 : i32 to vector<16xi32>
    %broadcast_in_dim3A_86 = arith.constant 4 : i32
    %broadcast_in_dim3A_87 = vector.broadcast %broadcast_in_dim3A_86 : i32 to vector<16xi32>
    %broadcast_in_dim3A_88 = arith.constant 12 : i32
    %broadcast_in_dim3A_89 = vector.broadcast %broadcast_in_dim3A_88 : i32 to vector<16xi32>
    %broadcast_in_dim3A_90 = arith.constant 2 : i32
    %broadcast_in_dim3A_91 = vector.broadcast %broadcast_in_dim3A_90 : i32 to vector<16xi32>
    %broadcast_in_dim3A_92 = arith.constant 10 : i32
    %broadcast_in_dim3A_93 = vector.broadcast %broadcast_in_dim3A_92 : i32 to vector<16xi32>
    %broadcast_in_dim3A_94 = arith.constant 6 : i32
    %broadcast_in_dim3A_95 = vector.broadcast %broadcast_in_dim3A_94 : i32 to vector<16xi32>
    %broadcast_in_dim3A_96 = arith.constant 14 : i32
    %broadcast_in_dim3A_97 = vector.broadcast %broadcast_in_dim3A_96 : i32 to vector<16xi32>
    %add3A_98 = arith.constant 0 : i32
    %add3A_99 = arith.addi %mul3A_2, %add3A_98 : i32
    %dma_start3A = arith.constant 0 : i32
    %dma_start3A_100 = arith.constant 0 : i32
    %dma_start3A_101 = arith.constant 0 : i32
    %dma_start3A_102 = arith.constant 2 : i32
    %dma_start3A_103 = arith.constant 0 : i32
    %dma_start3A_104 = tpu.memref_slice %arg8[%dma_start3A_100, %dma_start3A_101, %dma_start3A_103] : memref<2x3x40xi32, #tpu.memory_space<vmem>> -> memref<1x1x40xi32, #tpu.memory_space<vmem>>
    %dma_start3A_105 = tpu.memref_squeeze %dma_start3A_104 : memref<1x1x40xi32, #tpu.memory_space<vmem>> -> memref<40xi32, #tpu.memory_space<vmem>>
    %dma_start3A_106 = tpu.memref_slice %arg5[%dma_start3A, %add3A_99] : memref<2x320000xi32, #tpu.memory_space<hbm>> -> memref<1x40xi32, #tpu.memory_space<hbm>>
    %dma_start3A_107 = tpu.memref_squeeze %dma_start3A_106 : memref<1x40xi32, #tpu.memory_space<hbm>> -> memref<40xi32, #tpu.memory_space<hbm>>
    %dma_start3A_108 = tpu.memref_slice %arg14[%dma_start3A_102] : memref<4x!tpu.dma_semaphore, #tpu.memory_space<semaphore_mem>> -> memref<1x!tpu.dma_semaphore, #tpu.memory_space<semaphore_mem>>
    %dma_start3A_109 = tpu.memref_squeeze %dma_start3A_108 : memref<1x!tpu.dma_semaphore, #tpu.memory_space<semaphore_mem>> -> memref<!tpu.dma_semaphore, #tpu.memory_space<semaphore_mem>>
    %dma_start3A_110 = arith.constant 0 : i32
    %dma_start3A_111 = tpu.memref_slice %arg8[%dma_start3A_100, %dma_start3A_101, %dma_start3A_110] : memref<2x3x40xi32, #tpu.memory_space<vmem>> -> memref<1x1x40xi32, #tpu.memory_space<vmem>>
    %dma_start3A_112 = tpu.memref_squeeze %dma_start3A_111 : memref<1x1x40xi32, #tpu.memory_space<vmem>> -> memref<40xi32, #tpu.memory_space<vmem>>
    %dma_start3A_113 = tpu.memref_slice %arg5[%dma_start3A, %add3A_99] : memref<2x320000xi32, #tpu.memory_space<hbm>> -> memref<1x40xi32, #tpu.memory_space<hbm>>
    %dma_start3A_114 = tpu.memref_squeeze %dma_start3A_113 : memref<1x40xi32, #tpu.memory_space<hbm>> -> memref<40xi32, #tpu.memory_space<hbm>>
    tpu.enqueue_dma source(%dma_start3A_114 : memref<40xi32, #tpu.memory_space<hbm>>) target(%dma_start3A_112 : memref<40xi32, #tpu.memory_space<vmem>>) target_semaphore(%dma_start3A_109 : memref<!tpu.dma_semaphore, #tpu.memory_space<semaphore_mem>>)
    %dma_start3A_115 = arith.constant 1 : i32
    %dma_start3A_116 = arith.constant 0 : i32
    %dma_start3A_117 = arith.constant 1 : i32
    %dma_start3A_118 = arith.constant 2 : i32
    %dma_start3A_119 = arith.constant 0 : i32
    %dma_start3A_120 = tpu.memref_slice %arg8[%dma_start3A_116, %dma_start3A_117, %dma_start3A_119] : memref<2x3x40xi32, #tpu.memory_space<vmem>> -> memref<1x1x40xi32, #tpu.memory_space<vmem>>
    %dma_start3A_121 = tpu.memref_squeeze %dma_start3A_120 : memref<1x1x40xi32, #tpu.memory_space<vmem>> -> memref<40xi32, #tpu.memory_space<vmem>>
    %dma_start3A_122 = tpu.memref_slice %arg5[%dma_start3A_115, %add3A_99] : memref<2x320000xi32, #tpu.memory_space<hbm>> -> memref<1x40xi32, #tpu.memory_space<hbm>>
    %dma_start3A_123 = tpu.memref_squeeze %dma_start3A_122 : memref<1x40xi32, #tpu.memory_space<hbm>> -> memref<40xi32, #tpu.memory_space<hbm>>
    %dma_start3A_124 = tpu.memref_slice %arg14[%dma_start3A_118] : memref<4x!tpu.dma_semaphore, #tpu.memory_space<semaphore_mem>> -> memref<1x!tpu.dma_semaphore, #tpu.memory_space<semaphore_mem>>
    %dma_start3A_125 = tpu.memref_squeeze %dma_start3A_124 : memref<1x!tpu.dma_semaphore, #tpu.memory_space<semaphore_mem>> -> memref<!tpu.dma_semaphore, #tpu.memory_space<semaphore_mem>>
    %dma_start3A_126 = arith.constant 0 : i32
    %dma_start3A_127 = tpu.memref_slice %arg8[%dma_start3A_116, %dma_start3A_117, %dma_start3A_126] : memref<2x3x40xi32, #tpu.memory_space<vmem>> -> memref<1x1x40xi32, #tpu.memory_space<vmem>>
    %dma_start3A_128 = tpu.memref_squeeze %dma_start3A_127 : memref<1x1x40xi32, #tpu.memory_space<vmem>> -> memref<40xi32, #tpu.memory_space<vmem>>
    %dma_start3A_129 = tpu.memref_slice %arg5[%dma_start3A_115, %add3A_99] : memref<2x320000xi32, #tpu.memory_space<hbm>> -> memref<1x40xi32, #tpu.memory_space<hbm>>
    %dma_start3A_130 = tpu.memref_squeeze %dma_start3A_129 : memref<1x40xi32, #tpu.memory_space<hbm>> -> memref<40xi32, #tpu.memory_space<hbm>>
    tpu.enqueue_dma source(%dma_start3A_130 : memref<40xi32, #tpu.memory_space<hbm>>) target(%dma_start3A_128 : memref<40xi32, #tpu.memory_space<vmem>>) target_semaphore(%dma_start3A_125 : memref<!tpu.dma_semaphore, #tpu.memory_space<semaphore_mem>>)
    %dma_start3A_131 = arith.constant 0 : i32
    %dma_start3A_132 = arith.constant 2 : i32
    %dma_start3A_133 = arith.constant 2 : i32
    %dma_start3A_134 = arith.constant 0 : i32
    %dma_start3A_135 = tpu.memref_slice %arg8[%dma_start3A_131, %dma_start3A_132, %dma_start3A_134] : memref<2x3x40xi32, #tpu.memory_space<vmem>> -> memref<1x1x40xi32, #tpu.memory_space<vmem>>
    %dma_start3A_136 = tpu.memref_squeeze %dma_start3A_135 : memref<1x1x40xi32, #tpu.memory_space<vmem>> -> memref<40xi32, #tpu.memory_space<vmem>>
    %dma_start3A_137 = tpu.memref_slice %arg6[%add3A_99] : memref<320000xi32, #tpu.memory_space<hbm>> -> memref<40xi32, #tpu.memory_space<hbm>>
    %dma_start3A_138 = tpu.memref_slice %arg14[%dma_start3A_133] : memref<4x!tpu.dma_semaphore, #tpu.memory_space<semaphore_mem>> -> memref<1x!tpu.dma_semaphore, #tpu.memory_space<semaphore_mem>>
    %dma_start3A_139 = tpu.memref_squeeze %dma_start3A_138 : memref<1x!tpu.dma_semaphore, #tpu.memory_space<semaphore_mem>> -> memref<!tpu.dma_semaphore, #tpu.memory_space<semaphore_mem>>
    %dma_start3A_140 = arith.constant 0 : i32
    %dma_start3A_141 = tpu.memref_slice %arg8[%dma_start3A_131, %dma_start3A_132, %dma_start3A_140] : memref<2x3x40xi32, #tpu.memory_space<vmem>> -> memref<1x1x40xi32, #tpu.memory_space<vmem>>
    %dma_start3A_142 = tpu.memref_squeeze %dma_start3A_141 : memref<1x1x40xi32, #tpu.memory_space<vmem>> -> memref<40xi32, #tpu.memory_space<vmem>>
    %dma_start3A_143 = tpu.memref_slice %arg6[%add3A_99] : memref<320000xi32, #tpu.memory_space<hbm>> -> memref<40xi32, #tpu.memory_space<hbm>>
    tpu.enqueue_dma source(%dma_start3A_143 : memref<40xi32, #tpu.memory_space<hbm>>) target(%dma_start3A_142 : memref<40xi32, #tpu.memory_space<vmem>>) target_semaphore(%dma_start3A_139 : memref<!tpu.dma_semaphore, #tpu.memory_space<semaphore_mem>>)
    %dma_wait3A = arith.constant 0 : i32
    %dma_wait3A_144 = arith.constant 0 : i32
    %dma_wait3A_145 = arith.constant 0 : i32
    %dma_wait3A_146 = arith.constant 2 : i32
    %dma_wait3A_147 = arith.constant 0 : i32
    %dma_wait3A_148 = tpu.memref_slice %arg8[%dma_wait3A_144, %dma_wait3A_145, %dma_wait3A_147] : memref<2x3x40xi32, #tpu.memory_space<vmem>> -> memref<1x1x40xi32, #tpu.memory_space<vmem>>
    %dma_wait3A_149 = tpu.memref_squeeze %dma_wait3A_148 : memref<1x1x40xi32, #tpu.memory_space<vmem>> -> memref<40xi32, #tpu.memory_space<vmem>>
    %dma_wait3A_150 = tpu.memref_slice %arg5[%dma_wait3A, %add3A_99] : memref<2x320000xi32, #tpu.memory_space<hbm>> -> memref<1x40xi32, #tpu.memory_space<hbm>>
    %dma_wait3A_151 = tpu.memref_squeeze %dma_wait3A_150 : memref<1x40xi32, #tpu.memory_space<hbm>> -> memref<40xi32, #tpu.memory_space<hbm>>
    %dma_wait3A_152 = tpu.memref_slice %arg14[%dma_wait3A_146] : memref<4x!tpu.dma_semaphore, #tpu.memory_space<semaphore_mem>> -> memref<1x!tpu.dma_semaphore, #tpu.memory_space<semaphore_mem>>
    %dma_wait3A_153 = tpu.memref_squeeze %dma_wait3A_152 : memref<1x!tpu.dma_semaphore, #tpu.memory_space<semaphore_mem>> -> memref<!tpu.dma_semaphore, #tpu.memory_space<semaphore_mem>>
    %dma_wait3A_154 = arith.constant 0 : i32
    %dma_wait3A_155 = tpu.memref_slice %arg8[%dma_wait3A_144, %dma_wait3A_145, %dma_wait3A_154] : memref<2x3x40xi32, #tpu.memory_space<vmem>> -> memref<1x1x40xi32, #tpu.memory_space<vmem>>
    %dma_wait3A_156 = tpu.memref_squeeze %dma_wait3A_155 : memref<1x1x40xi32, #tpu.memory_space<vmem>> -> memref<40xi32, #tpu.memory_space<vmem>>
    %dma_wait3A_157 = tpu.memref_slice %arg5[%dma_wait3A, %add3A_99] : memref<2x320000xi32, #tpu.memory_space<hbm>> -> memref<1x40xi32, #tpu.memory_space<hbm>>
    %dma_wait3A_158 = tpu.memref_squeeze %dma_wait3A_157 : memref<1x40xi32, #tpu.memory_space<hbm>> -> memref<40xi32, #tpu.memory_space<hbm>>
    tpu.wait_dma2 semaphore(%dma_wait3A_153 : memref<!tpu.dma_semaphore, #tpu.memory_space<semaphore_mem>>) src(%dma_wait3A_158 : memref<40xi32, #tpu.memory_space<hbm>>) dst(%dma_wait3A_156 : memref<40xi32, #tpu.memory_space<vmem>>)
    %dma_wait3A_159 = arith.constant 1 : i32
    %dma_wait3A_160 = arith.constant 0 : i32
    %dma_wait3A_161 = arith.constant 1 : i32
    %dma_wait3A_162 = arith.constant 2 : i32
    %dma_wait3A_163 = arith.constant 0 : i32
    %dma_wait3A_164 = tpu.memref_slice %arg8[%dma_wait3A_160, %dma_wait3A_161, %dma_wait3A_163] : memref<2x3x40xi32, #tpu.memory_space<vmem>> -> memref<1x1x40xi32, #tpu.memory_space<vmem>>
    %dma_wait3A_165 = tpu.memref_squeeze %dma_wait3A_164 : memref<1x1x40xi32, #tpu.memory_space<vmem>> -> memref<40xi32, #tpu.memory_space<vmem>>
    %dma_wait3A_166 = tpu.memref_slice %arg5[%dma_wait3A_159, %add3A_99] : memref<2x320000xi32, #tpu.memory_space<hbm>> -> memref<1x40xi32, #tpu.memory_space<hbm>>
    %dma_wait3A_167 = tpu.memref_squeeze %dma_wait3A_166 : memref<1x40xi32, #tpu.memory_space<hbm>> -> memref<40xi32, #tpu.memory_space<hbm>>
    %dma_wait3A_168 = tpu.memref_slice %arg14[%dma_wait3A_162] : memref<4x!tpu.dma_semaphore, #tpu.memory_space<semaphore_mem>> -> memref<1x!tpu.dma_semaphore, #tpu.memory_space<semaphore_mem>>
    %dma_wait3A_169 = tpu.memref_squeeze %dma_wait3A_168 : memref<1x!tpu.dma_semaphore, #tpu.memory_space<semaphore_mem>> -> memref<!tpu.dma_semaphore, #tpu.memory_space<semaphore_mem>>
    %dma_wait3A_170 = arith.constant 0 : i32
    %dma_wait3A_171 = tpu.memref_slice %arg8[%dma_wait3A_160, %dma_wait3A_161, %dma_wait3A_170] : memref<2x3x40xi32, #tpu.memory_space<vmem>> -> memref<1x1x40xi32, #tpu.memory_space<vmem>>
    %dma_wait3A_172 = tpu.memref_squeeze %dma_wait3A_171 : memref<1x1x40xi32, #tpu.memory_space<vmem>> -> memref<40xi32, #tpu.memory_space<vmem>>
    %dma_wait3A_173 = tpu.memref_slice %arg5[%dma_wait3A_159, %add3A_99] : memref<2x320000xi32, #tpu.memory_space<hbm>> -> memref<1x40xi32, #tpu.memory_space<hbm>>
    %dma_wait3A_174 = tpu.memref_squeeze %dma_wait3A_173 : memref<1x40xi32, #tpu.memory_space<hbm>> -> memref<40xi32, #tpu.memory_space<hbm>>
    tpu.wait_dma2 semaphore(%dma_wait3A_169 : memref<!tpu.dma_semaphore, #tpu.memory_space<semaphore_mem>>) src(%dma_wait3A_174 : memref<40xi32, #tpu.memory_space<hbm>>) dst(%dma_wait3A_172 : memref<40xi32, #tpu.memory_space<vmem>>)
    %dma_wait3A_175 = arith.constant 0 : i32
    %dma_wait3A_176 = arith.constant 2 : i32
    %dma_wait3A_177 = arith.constant 2 : i32
    %dma_wait3A_178 = arith.constant 0 : i32
    %dma_wait3A_179 = tpu.memref_slice %arg8[%dma_wait3A_175, %dma_wait3A_176, %dma_wait3A_178] : memref<2x3x40xi32, #tpu.memory_space<vmem>> -> memref<1x1x40xi32, #tpu.memory_space<vmem>>
    %dma_wait3A_180 = tpu.memref_squeeze %dma_wait3A_179 : memref<1x1x40xi32, #tpu.memory_space<vmem>> -> memref<40xi32, #tpu.memory_space<vmem>>
    %dma_wait3A_181 = tpu.memref_slice %arg6[%add3A_99] : memref<320000xi32, #tpu.memory_space<hbm>> -> memref<40xi32, #tpu.memory_space<hbm>>
    %dma_wait3A_182 = tpu.memref_slice %arg14[%dma_wait3A_177] : memref<4x!tpu.dma_semaphore, #tpu.memory_space<semaphore_mem>> -> memref<1x!tpu.dma_semaphore, #tpu.memory_space<semaphore_mem>>
    %dma_wait3A_183 = tpu.memref_squeeze %dma_wait3A_182 : memref<1x!tpu.dma_semaphore, #tpu.memory_space<semaphore_mem>> -> memref<!tpu.dma_semaphore, #tpu.memory_space<semaphore_mem>>
    %dma_wait3A_184 = arith.constant 0 : i32
    %dma_wait3A_185 = tpu.memref_slice %arg8[%dma_wait3A_175, %dma_wait3A_176, %dma_wait3A_184] : memref<2x3x40xi32, #tpu.memory_space<vmem>> -> memref<1x1x40xi32, #tpu.memory_space<vmem>>
    %dma_wait3A_186 = tpu.memref_squeeze %dma_wait3A_185 : memref<1x1x40xi32, #tpu.memory_space<vmem>> -> memref<40xi32, #tpu.memory_space<vmem>>
    %dma_wait3A_187 = tpu.memref_slice %arg6[%add3A_99] : memref<320000xi32, #tpu.memory_space<hbm>> -> memref<40xi32, #tpu.memory_space<hbm>>
    tpu.wait_dma2 semaphore(%dma_wait3A_183 : memref<!tpu.dma_semaphore, #tpu.memory_space<semaphore_mem>>) src(%dma_wait3A_187 : memref<40xi32, #tpu.memory_space<hbm>>) dst(%dma_wait3A_186 : memref<40xi32, #tpu.memory_space<vmem>>)
    %dma_start3A_188 = arith.constant 0 : i32
    %dma_start3A_189 = arith.constant 1 : i32
    %dma_start3A_190 = arith.constant 0 : i32
    %dma_start3A_191 = arith.constant 0 : i32
    %dma_start3A_192 = arith.constant 0 : i32
    %dma_start3A_193 = arith.constant 0 : i32
    %dma_start3A_194 = tpu.memref_slice %arg10[%dma_start3A_190, %dma_start3A_192, %dma_start3A_193] : memref<2x40x128xf32, #tpu.memory_space<vmem>> -> memref<1x40x128xf32, #tpu.memory_space<vmem>>
    %dma_start3A_195 = tpu.memref_squeeze %dma_start3A_194 : memref<1x40x128xf32, #tpu.memory_space<vmem>> -> memref<40x128xf32, #tpu.memory_space<vmem>>
    %dma_start3A_196 = arith.constant 0 : i32
    %dma_start3A_197 = tpu.memref_slice %arg8[%dma_start3A_188, %dma_start3A_189, %dma_start3A_196] : memref<2x3x40xi32, #tpu.memory_space<vmem>> -> memref<1x1x40xi32, #tpu.memory_space<vmem>>
    %dma_start3A_198 = tpu.memref_squeeze %dma_start3A_197 : memref<1x1x40xi32, #tpu.memory_space<vmem>> -> memref<40xi32, #tpu.memory_space<vmem>>
    %dma_start3A_199 = arith.constant 0 : i32
    %dma_start3A_200 = arith.constant 0 : i32
    %dma_start3A_201 = tpu.memref_slice %arg2[%dma_start3A_199, %dma_start3A_200] : memref<10000x128xf32, #tpu.memory_space<hbm>> -> memref<10000x128xf32, #tpu.memory_space<hbm>>
    %dma_start3A_202 = tpu.memref_slice %arg14[%dma_start3A_191] : memref<4x!tpu.dma_semaphore, #tpu.memory_space<semaphore_mem>> -> memref<1x!tpu.dma_semaphore, #tpu.memory_space<semaphore_mem>>
    %dma_start3A_203 = tpu.memref_squeeze %dma_start3A_202 : memref<1x!tpu.dma_semaphore, #tpu.memory_space<semaphore_mem>> -> memref<!tpu.dma_semaphore, #tpu.memory_space<semaphore_mem>>
    tpu.enqueue_indirect_dma source(%dma_start3A_201 : memref<10000x128xf32, #tpu.memory_space<hbm>>) target(%dma_start3A_195 : memref<40x128xf32, #tpu.memory_space<vmem>>) offsets(%dma_start3A_198 : memref<40xi32, #tpu.memory_space<vmem>>) semaphore(%dma_start3A_203 : memref<!tpu.dma_semaphore, #tpu.memory_space<semaphore_mem>>)
    %dma_start3A_204 = arith.constant 0 : i32
    %dma_start3A_205 = arith.constant 0 : i32
    %dma_start3A_206 = arith.constant 0 : i32
    %dma_start3A_207 = arith.constant 0 : i32
    %dma_start3A_208 = arith.constant 0 : i32
    %dma_start3A_209 = arith.constant 0 : i32
    %dma_start3A_210 = tpu.memref_slice %arg11[%dma_start3A_206, %dma_start3A_208, %dma_start3A_209] : memref<2x40x256xf32, #tpu.memory_space<vmem>> -> memref<1x40x256xf32, #tpu.memory_space<vmem>>
    %dma_start3A_211 = tpu.memref_squeeze %dma_start3A_210 : memref<1x40x256xf32, #tpu.memory_space<vmem>> -> memref<40x256xf32, #tpu.memory_space<vmem>>
    %dma_start3A_212 = arith.constant 0 : i32
    %dma_start3A_213 = tpu.memref_slice %arg8[%dma_start3A_204, %dma_start3A_205, %dma_start3A_212] : memref<2x3x40xi32, #tpu.memory_space<vmem>> -> memref<1x1x40xi32, #tpu.memory_space<vmem>>
    %dma_start3A_214 = tpu.memref_squeeze %dma_start3A_213 : memref<1x1x40xi32, #tpu.memory_space<vmem>> -> memref<40xi32, #tpu.memory_space<vmem>>
    %dma_start3A_215 = arith.constant 0 : i32
    %dma_start3A_216 = arith.constant 0 : i32
    %dma_start3A_217 = tpu.memref_slice %arg3[%dma_start3A_215, %dma_start3A_216] : memref<10000x256xf32, #tpu.memory_space<hbm>> -> memref<10000x256xf32, #tpu.memory_space<hbm>>
    %dma_start3A_218 = tpu.memref_slice %arg14[%dma_start3A_207] : memref<4x!tpu.dma_semaphore, #tpu.memory_space<semaphore_mem>> -> memref<1x!tpu.dma_semaphore, #tpu.memory_space<semaphore_mem>>
    %dma_start3A_219 = tpu.memref_squeeze %dma_start3A_218 : memref<1x!tpu.dma_semaphore, #tpu.memory_space<semaphore_mem>> -> memref<!tpu.dma_semaphore, #tpu.memory_space<semaphore_mem>>
    tpu.enqueue_indirect_dma source(%dma_start3A_217 : memref<10000x256xf32, #tpu.memory_space<hbm>>) target(%dma_start3A_211 : memref<40x256xf32, #tpu.memory_space<vmem>>) offsets(%dma_start3A_214 : memref<40xi32, #tpu.memory_space<vmem>>) semaphore(%dma_start3A_219 : memref<!tpu.dma_semaphore, #tpu.memory_space<semaphore_mem>>)
    %dma_start3A_220 = arith.constant 0 : i32
    %dma_start3A_221 = arith.constant 1 : i32
    %dma_start3A_222 = arith.constant 3 : i32
    %dma_start3A_223 = arith.constant 0 : i32
    %dma_start3A_224 = tpu.memref_slice %arg8[%dma_start3A_220, %dma_start3A_221, %dma_start3A_223] : memref<2x3x40xi32, #tpu.memory_space<vmem>> -> memref<1x1x40xi32, #tpu.memory_space<vmem>>
    %dma_start3A_225 = tpu.memref_squeeze %dma_start3A_224 : memref<1x1x40xi32, #tpu.memory_space<vmem>> -> memref<40xi32, #tpu.memory_space<vmem>>
    %dma_start3A_226 = arith.constant 0 : i32
    %dma_start3A_227 = arith.constant 0 : i32
    %dma_start3A_228 = tpu.memref_slice %arg12[%dma_start3A_226, %dma_start3A_227] : memref<10080x144xf32, #tpu.memory_space<vmem_shared>> -> memref<10080x144xf32, #tpu.memory_space<vmem_shared>>
    %dma_start3A_229 = tpu.memref_slice %arg14[%dma_start3A_222] : memref<4x!tpu.dma_semaphore, #tpu.memory_space<semaphore_mem>> -> memref<1x!tpu.dma_semaphore, #tpu.memory_space<semaphore_mem>>
    %dma_start3A_230 = tpu.memref_squeeze %dma_start3A_229 : memref<1x!tpu.dma_semaphore, #tpu.memory_space<semaphore_mem>> -> memref<!tpu.dma_semaphore, #tpu.memory_space<semaphore_mem>>
    tpu.enqueue_indirect_dma source(%arg9 : memref<40x144xf32, #tpu.memory_space<vmem>>) target(%dma_start3A_228 : memref<10080x144xf32, #tpu.memory_space<vmem_shared>>) offsets(%dma_start3A_225 : memref<40xi32, #tpu.memory_space<vmem>>) semaphore(%dma_start3A_230 : memref<!tpu.dma_semaphore, #tpu.memory_space<semaphore_mem>>) {add = true}
    %scan3A_231 = arith.constant 0 : i32
    %scan3A_232 = arith.constant 0 : i32
    %scan3A_233 = arith.constant 125 : i32
    %scan3A_234 = arith.addi %scan3A_232, %scan3A_233 : i32
    %scan3A_235 = arith.constant 1 : i32
    %scan3A_236 = scf.for %scan3A_324 = %scan3A_232 to %scan3A_234 step %scan3A_235 iter_args(%scan3A_325 = %scan3A_231) -> (i32)  : i32 {
      %mul3A_326 = arith.constant 2 : i32
      %mul3A_327 = arith.muli %mul3A_326, %scan3A_324 : i32
      %dma_wait3A_328 = arith.constant 0 : i32
      %dma_wait3A_329 = arith.constant 1 : i32
      %dma_wait3A_330 = arith.constant 0 : i32
      %dma_wait3A_331 = arith.constant 0 : i32
      %dma_wait3A_332 = arith.constant 0 : i32
      %dma_wait3A_333 = arith.constant 0 : i32
      %dma_wait3A_334 = tpu.memref_slice %arg10[%dma_wait3A_330, %dma_wait3A_332, %dma_wait3A_333] : memref<2x40x128xf32, #tpu.memory_space<vmem>> -> memref<1x40x128xf32, #tpu.memory_space<vmem>>
      %dma_wait3A_335 = tpu.memref_squeeze %dma_wait3A_334 : memref<1x40x128xf32, #tpu.memory_space<vmem>> -> memref<40x128xf32, #tpu.memory_space<vmem>>
      %dma_wait3A_336 = arith.constant 0 : i32
      %dma_wait3A_337 = tpu.memref_slice %arg8[%dma_wait3A_328, %dma_wait3A_329, %dma_wait3A_336] : memref<2x3x40xi32, #tpu.memory_space<vmem>> -> memref<1x1x40xi32, #tpu.memory_space<vmem>>
      %dma_wait3A_338 = tpu.memref_squeeze %dma_wait3A_337 : memref<1x1x40xi32, #tpu.memory_space<vmem>> -> memref<40xi32, #tpu.memory_space<vmem>>
      %dma_wait3A_339 = arith.constant 0 : i32
      %dma_wait3A_340 = arith.constant 0 : i32
      %dma_wait3A_341 = tpu.memref_slice %arg2[%dma_wait3A_339, %dma_wait3A_340] : memref<10000x128xf32, #tpu.memory_space<hbm>> -> memref<10000x128xf32, #tpu.memory_space<hbm>>
      %dma_wait3A_342 = tpu.memref_slice %arg14[%dma_wait3A_331] : memref<4x!tpu.dma_semaphore, #tpu.memory_space<semaphore_mem>> -> memref<1x!tpu.dma_semaphore, #tpu.memory_space<semaphore_mem>>
      %dma_wait3A_343 = tpu.memref_squeeze %dma_wait3A_342 : memref<1x!tpu.dma_semaphore, #tpu.memory_space<semaphore_mem>> -> memref<!tpu.dma_semaphore, #tpu.memory_space<semaphore_mem>>
      tpu.wait_indirect_dma semaphore(%dma_wait3A_343 : memref<!tpu.dma_semaphore, #tpu.memory_space<semaphore_mem>>) src(%dma_wait3A_341 : memref<10000x128xf32, #tpu.memory_space<hbm>>) dst(%dma_wait3A_335 : memref<40x128xf32, #tpu.memory_space<vmem>>)
      %dma_wait3A_344 = arith.constant 0 : i32
      %dma_wait3A_345 = arith.constant 0 : i32
      %dma_wait3A_346 = arith.constant 0 : i32
      %dma_wait3A_347 = arith.constant 0 : i32
      %dma_wait3A_348 = arith.constant 0 : i32
      %dma_wait3A_349 = arith.constant 0 : i32
      %dma_wait3A_350 = tpu.memref_slice %arg11[%dma_wait3A_346, %dma_wait3A_348, %dma_wait3A_349] : memref<2x40x256xf32, #tpu.memory_space<vmem>> -> memref<1x40x256xf32, #tpu.memory_space<vmem>>
      %dma_wait3A_351 = tpu.memref_squeeze %dma_wait3A_350 : memref<1x40x256xf32, #tpu.memory_space<vmem>> -> memref<40x256xf32, #tpu.memory_space<vmem>>
      %dma_wait3A_352 = arith.constant 0 : i32
      %dma_wait3A_353 = tpu.memref_slice %arg8[%dma_wait3A_344, %dma_wait3A_345, %dma_wait3A_352] : memref<2x3x40xi32, #tpu.memory_space<vmem>> -> memref<1x1x40xi32, #tpu.memory_space<vmem>>
      %dma_wait3A_354 = tpu.memref_squeeze %dma_wait3A_353 : memref<1x1x40xi32, #tpu.memory_space<vmem>> -> memref<40xi32, #tpu.memory_space<vmem>>
      %dma_wait3A_355 = arith.constant 0 : i32
      %dma_wait3A_356 = arith.constant 0 : i32
      %dma_wait3A_357 = tpu.memref_slice %arg3[%dma_wait3A_355, %dma_wait3A_356] : memref<10000x256xf32, #tpu.memory_space<hbm>> -> memref<10000x256xf32, #tpu.memory_space<hbm>>
      %dma_wait3A_358 = tpu.memref_slice %arg14[%dma_wait3A_347] : memref<4x!tpu.dma_semaphore, #tpu.memory_space<semaphore_mem>> -> memref<1x!tpu.dma_semaphore, #tpu.memory_space<semaphore_mem>>
      %dma_wait3A_359 = tpu.memref_squeeze %dma_wait3A_358 : memref<1x!tpu.dma_semaphore, #tpu.memory_space<semaphore_mem>> -> memref<!tpu.dma_semaphore, #tpu.memory_space<semaphore_mem>>
      tpu.wait_indirect_dma semaphore(%dma_wait3A_359 : memref<!tpu.dma_semaphore, #tpu.memory_space<semaphore_mem>>) src(%dma_wait3A_357 : memref<10000x256xf32, #tpu.memory_space<hbm>>) dst(%dma_wait3A_351 : memref<40x256xf32, #tpu.memory_space<vmem>>)
      %dma_start3A_360 = arith.constant 0 : i32
      %dma_start3A_361 = arith.constant 2 : i32
      %dma_start3A_362 = arith.constant 0 : i32
      %dma_start3A_363 = arith.constant 0 : i32
      %dma_start3A_364 = arith.constant 0 : i32
      %dma_start3A_365 = arith.constant 0 : i32
      %dma_start3A_366 = tpu.memref_slice %arg11[%dma_start3A_362, %dma_start3A_364, %dma_start3A_365] : memref<2x40x256xf32, #tpu.memory_space<vmem>> -> memref<1x40x256xf32, #tpu.memory_space<vmem>>
      %dma_start3A_367 = tpu.memref_squeeze %dma_start3A_366 : memref<1x40x256xf32, #tpu.memory_space<vmem>> -> memref<40x256xf32, #tpu.memory_space<vmem>>
      %dma_start3A_368 = arith.constant 0 : i32
      %dma_start3A_369 = tpu.memref_slice %arg8[%dma_start3A_360, %dma_start3A_361, %dma_start3A_368] : memref<2x3x40xi32, #tpu.memory_space<vmem>> -> memref<1x1x40xi32, #tpu.memory_space<vmem>>
      %dma_start3A_370 = tpu.memref_squeeze %dma_start3A_369 : memref<1x1x40xi32, #tpu.memory_space<vmem>> -> memref<40xi32, #tpu.memory_space<vmem>>
      %dma_start3A_371 = arith.constant 0 : i32
      %dma_start3A_372 = arith.constant 0 : i32
      %dma_start3A_373 = tpu.memref_slice %arg13[%dma_start3A_371, %dma_start3A_372] : memref<200x256xf32, #tpu.memory_space<vmem_shared>> -> memref<200x256xf32, #tpu.memory_space<vmem_shared>>
      %dma_start3A_374 = tpu.memref_slice %arg14[%dma_start3A_363] : memref<4x!tpu.dma_semaphore, #tpu.memory_space<semaphore_mem>> -> memref<1x!tpu.dma_semaphore, #tpu.memory_space<semaphore_mem>>
      %dma_start3A_375 = tpu.memref_squeeze %dma_start3A_374 : memref<1x!tpu.dma_semaphore, #tpu.memory_space<semaphore_mem>> -> memref<!tpu.dma_semaphore, #tpu.memory_space<semaphore_mem>>
      tpu.enqueue_indirect_dma source(%dma_start3A_373 : memref<200x256xf32, #tpu.memory_space<vmem_shared>>) target(%dma_start3A_367 : memref<40x256xf32, #tpu.memory_space<vmem>>) offsets(%dma_start3A_370 : memref<40xi32, #tpu.memory_space<vmem>>) semaphore(%dma_start3A_375 : memref<!tpu.dma_semaphore, #tpu.memory_space<semaphore_mem>>) {add = true}
      %dma_wait3A_376 = arith.constant 0 : i32
      %dma_wait3A_377 = arith.constant 1 : i32
      %dma_wait3A_378 = arith.constant 3 : i32
      %dma_wait3A_379 = arith.constant 0 : i32
      %dma_wait3A_380 = tpu.memref_slice %arg8[%dma_wait3A_376, %dma_wait3A_377, %dma_wait3A_379] : memref<2x3x40xi32, #tpu.memory_space<vmem>> -> memref<1x1x40xi32, #tpu.memory_space<vmem>>
      %dma_wait3A_381 = tpu.memref_squeeze %dma_wait3A_380 : memref<1x1x40xi32, #tpu.memory_space<vmem>> -> memref<40xi32, #tpu.memory_space<vmem>>
      %dma_wait3A_382 = arith.constant 0 : i32
      %dma_wait3A_383 = arith.constant 0 : i32
      %dma_wait3A_384 = tpu.memref_slice %arg12[%dma_wait3A_382, %dma_wait3A_383] : memref<10080x144xf32, #tpu.memory_space<vmem_shared>> -> memref<10080x144xf32, #tpu.memory_space<vmem_shared>>
      %dma_wait3A_385 = tpu.memref_slice %arg14[%dma_wait3A_378] : memref<4x!tpu.dma_semaphore, #tpu.memory_space<semaphore_mem>> -> memref<1x!tpu.dma_semaphore, #tpu.memory_space<semaphore_mem>>
      %dma_wait3A_386 = tpu.memref_squeeze %dma_wait3A_385 : memref<1x!tpu.dma_semaphore, #tpu.memory_space<semaphore_mem>> -> memref<!tpu.dma_semaphore, #tpu.memory_space<semaphore_mem>>
      tpu.wait_indirect_dma semaphore(%dma_wait3A_386 : memref<!tpu.dma_semaphore, #tpu.memory_space<semaphore_mem>>) src(%arg9 : memref<40x144xf32, #tpu.memory_space<vmem>>) dst(%dma_wait3A_384 : memref<10080x144xf32, #tpu.memory_space<vmem_shared>>)
      %add3A_387 = arith.constant 1 : i32
      %add3A_388 = arith.addi %mul3A_327, %add3A_387 : i32
      %mul3A_389 = arith.constant 40 : i32
      %mul3A_390 = arith.muli %add3A_388, %mul3A_389 : i32
      %add3A_391 = arith.addi %mul3A_2, %mul3A_390 : i32
      %dma_start3A_392 = arith.constant 0 : i32
      %dma_start3A_393 = arith.constant 1 : i32
      %dma_start3A_394 = arith.constant 0 : i32
      %dma_start3A_395 = arith.constant 2 : i32
      %dma_start3A_396 = arith.constant 0 : i32
      %dma_start3A_397 = tpu.memref_slice %arg8[%dma_start3A_393, %dma_start3A_394, %dma_start3A_396] : memref<2x3x40xi32, #tpu.memory_space<vmem>> -> memref<1x1x40xi32, #tpu.memory_space<vmem>>
      %dma_start3A_398 = tpu.memref_squeeze %dma_start3A_397 : memref<1x1x40xi32, #tpu.memory_space<vmem>> -> memref<40xi32, #tpu.memory_space<vmem>>
      %dma_start3A_399 = tpu.memref_slice %arg5[%dma_start3A_392, %add3A_391] : memref<2x320000xi32, #tpu.memory_space<hbm>> -> memref<1x40xi32, #tpu.memory_space<hbm>>
      %dma_start3A_400 = tpu.memref_squeeze %dma_start3A_399 : memref<1x40xi32, #tpu.memory_space<hbm>> -> memref<40xi32, #tpu.memory_space<hbm>>
      %dma_start3A_401 = tpu.memref_slice %arg14[%dma_start3A_395] : memref<4x!tpu.dma_semaphore, #tpu.memory_space<semaphore_mem>> -> memref<1x!tpu.dma_semaphore, #tpu.memory_space<semaphore_mem>>
      %dma_start3A_402 = tpu.memref_squeeze %dma_start3A_401 : memref<1x!tpu.dma_semaphore, #tpu.memory_space<semaphore_mem>> -> memref<!tpu.dma_semaphore, #tpu.memory_space<semaphore_mem>>
      %dma_start3A_403 = arith.constant 0 : i32
      %dma_start3A_404 = tpu.memref_slice %arg8[%dma_start3A_393, %dma_start3A_394, %dma_start3A_403] : memref<2x3x40xi32, #tpu.memory_space<vmem>> -> memref<1x1x40xi32, #tpu.memory_space<vmem>>
      %dma_start3A_405 = tpu.memref_squeeze %dma_start3A_404 : memref<1x1x40xi32, #tpu.memory_space<vmem>> -> memref<40xi32, #tpu.memory_space<vmem>>
      %dma_start3A_406 = tpu.memref_slice %arg5[%dma_start3A_392, %add3A_391] : memref<2x320000xi32, #tpu.memory_space<hbm>> -> memref<1x40xi32, #tpu.memory_space<hbm>>
      %dma_start3A_407 = tpu.memref_squeeze %dma_start3A_406 : memref<1x40xi32, #tpu.memory_space<hbm>> -> memref<40xi32, #tpu.memory_space<hbm>>
      tpu.enqueue_dma source(%dma_start3A_407 : memref<40xi32, #tpu.memory_space<hbm>>) target(%dma_start3A_405 : memref<40xi32, #tpu.memory_space<vmem>>) target_semaphore(%dma_start3A_402 : memref<!tpu.dma_semaphore, #tpu.memory_space<semaphore_mem>>)
      %dma_start3A_408 = arith.constant 1 : i32
      %dma_start3A_409 = arith.constant 1 : i32
      %dma_start3A_410 = arith.constant 1 : i32
      %dma_start3A_411 = arith.constant 2 : i32
      %dma_start3A_412 = arith.constant 0 : i32
      %dma_start3A_413 = tpu.memref_slice %arg8[%dma_start3A_409, %dma_start3A_410, %dma_start3A_412] : memref<2x3x40xi32, #tpu.memory_space<vmem>> -> memref<1x1x40xi32, #tpu.memory_space<vmem>>
      %dma_start3A_414 = tpu.memref_squeeze %dma_start3A_413 : memref<1x1x40xi32, #tpu.memory_space<vmem>> -> memref<40xi32, #tpu.memory_space<vmem>>
      %dma_start3A_415 = tpu.memref_slice %arg5[%dma_start3A_408, %add3A_391] : memref<2x320000xi32, #tpu.memory_space<hbm>> -> memref<1x40xi32, #tpu.memory_space<hbm>>
      %dma_start3A_416 = tpu.memref_squeeze %dma_start3A_415 : memref<1x40xi32, #tpu.memory_space<hbm>> -> memref<40xi32, #tpu.memory_space<hbm>>
      %dma_start3A_417 = tpu.memref_slice %arg14[%dma_start3A_411] : memref<4x!tpu.dma_semaphore, #tpu.memory_space<semaphore_mem>> -> memref<1x!tpu.dma_semaphore, #tpu.memory_space<semaphore_mem>>
      %dma_start3A_418 = tpu.memref_squeeze %dma_start3A_417 : memref<1x!tpu.dma_semaphore, #tpu.memory_space<semaphore_mem>> -> memref<!tpu.dma_semaphore, #tpu.memory_space<semaphore_mem>>
      %dma_start3A_419 = arith.constant 0 : i32
      %dma_start3A_420 = tpu.memref_slice %arg8[%dma_start3A_409, %dma_start3A_410, %dma_start3A_419] : memref<2x3x40xi32, #tpu.memory_space<vmem>> -> memref<1x1x40xi32, #tpu.memory_space<vmem>>
      %dma_start3A_421 = tpu.memref_squeeze %dma_start3A_420 : memref<1x1x40xi32, #tpu.memory_space<vmem>> -> memref<40xi32, #tpu.memory_space<vmem>>
      %dma_start3A_422 = tpu.memref_slice %arg5[%dma_start3A_408, %add3A_391] : memref<2x320000xi32, #tpu.memory_space<hbm>> -> memref<1x40xi32, #tpu.memory_space<hbm>>
      %dma_start3A_423 = tpu.memref_squeeze %dma_start3A_422 : memref<1x40xi32, #tpu.memory_space<hbm>> -> memref<40xi32, #tpu.memory_space<hbm>>
      tpu.enqueue_dma source(%dma_start3A_423 : memref<40xi32, #tpu.memory_space<hbm>>) target(%dma_start3A_421 : memref<40xi32, #tpu.memory_space<vmem>>) target_semaphore(%dma_start3A_418 : memref<!tpu.dma_semaphore, #tpu.memory_space<semaphore_mem>>)
      %dma_start3A_424 = arith.constant 1 : i32
      %dma_start3A_425 = arith.constant 2 : i32
      %dma_start3A_426 = arith.constant 2 : i32
      %dma_start3A_427 = arith.constant 0 : i32
      %dma_start3A_428 = tpu.memref_slice %arg8[%dma_start3A_424, %dma_start3A_425, %dma_start3A_427] : memref<2x3x40xi32, #tpu.memory_space<vmem>> -> memref<1x1x40xi32, #tpu.memory_space<vmem>>
      %dma_start3A_429 = tpu.memref_squeeze %dma_start3A_428 : memref<1x1x40xi32, #tpu.memory_space<vmem>> -> memref<40xi32, #tpu.memory_space<vmem>>
      %dma_start3A_430 = tpu.memref_slice %arg6[%add3A_391] : memref<320000xi32, #tpu.memory_space<hbm>> -> memref<40xi32, #tpu.memory_space<hbm>>
      %dma_start3A_431 = tpu.memref_slice %arg14[%dma_start3A_426] : memref<4x!tpu.dma_semaphore, #tpu.memory_space<semaphore_mem>> -> memref<1x!tpu.dma_semaphore, #tpu.memory_space<semaphore_mem>>
      %dma_start3A_432 = tpu.memref_squeeze %dma_start3A_431 : memref<1x!tpu.dma_semaphore, #tpu.memory_space<semaphore_mem>> -> memref<!tpu.dma_semaphore, #tpu.memory_space<semaphore_mem>>
      %dma_start3A_433 = arith.constant 0 : i32
      %dma_start3A_434 = tpu.memref_slice %arg8[%dma_start3A_424, %dma_start3A_425, %dma_start3A_433] : memref<2x3x40xi32, #tpu.memory_space<vmem>> -> memref<1x1x40xi32, #tpu.memory_space<vmem>>
      %dma_start3A_435 = tpu.memref_squeeze %dma_start3A_434 : memref<1x1x40xi32, #tpu.memory_space<vmem>> -> memref<40xi32, #tpu.memory_space<vmem>>
      %dma_start3A_436 = tpu.memref_slice %arg6[%add3A_391] : memref<320000xi32, #tpu.memory_space<hbm>> -> memref<40xi32, #tpu.memory_space<hbm>>
      tpu.enqueue_dma source(%dma_start3A_436 : memref<40xi32, #tpu.memory_space<hbm>>) target(%dma_start3A_435 : memref<40xi32, #tpu.memory_space<vmem>>) target_semaphore(%dma_start3A_432 : memref<!tpu.dma_semaphore, #tpu.memory_space<semaphore_mem>>)
      %dma_wait3A_437 = arith.constant 0 : i32
      %dma_wait3A_438 = arith.constant 1 : i32
      %dma_wait3A_439 = arith.constant 0 : i32
      %dma_wait3A_440 = arith.constant 2 : i32
      %dma_wait3A_441 = arith.constant 0 : i32
      %dma_wait3A_442 = tpu.memref_slice %arg8[%dma_wait3A_438, %dma_wait3A_439, %dma_wait3A_441] : memref<2x3x40xi32, #tpu.memory_space<vmem>> -> memref<1x1x40xi32, #tpu.memory_space<vmem>>
      %dma_wait3A_443 = tpu.memref_squeeze %dma_wait3A_442 : memref<1x1x40xi32, #tpu.memory_space<vmem>> -> memref<40xi32, #tpu.memory_space<vmem>>
      %dma_wait3A_444 = tpu.memref_slice %arg5[%dma_wait3A_437, %add3A_391] : memref<2x320000xi32, #tpu.memory_space<hbm>> -> memref<1x40xi32, #tpu.memory_space<hbm>>
      %dma_wait3A_445 = tpu.memref_squeeze %dma_wait3A_444 : memref<1x40xi32, #tpu.memory_space<hbm>> -> memref<40xi32, #tpu.memory_space<hbm>>
      %dma_wait3A_446 = tpu.memref_slice %arg14[%dma_wait3A_440] : memref<4x!tpu.dma_semaphore, #tpu.memory_space<semaphore_mem>> -> memref<1x!tpu.dma_semaphore, #tpu.memory_space<semaphore_mem>>
      %dma_wait3A_447 = tpu.memref_squeeze %dma_wait3A_446 : memref<1x!tpu.dma_semaphore, #tpu.memory_space<semaphore_mem>> -> memref<!tpu.dma_semaphore, #tpu.memory_space<semaphore_mem>>
      %dma_wait3A_448 = arith.constant 0 : i32
      %dma_wait3A_449 = tpu.memref_slice %arg8[%dma_wait3A_438, %dma_wait3A_439, %dma_wait3A_448] : memref<2x3x40xi32, #tpu.memory_space<vmem>> -> memref<1x1x40xi32, #tpu.memory_space<vmem>>
      %dma_wait3A_450 = tpu.memref_squeeze %dma_wait3A_449 : memref<1x1x40xi32, #tpu.memory_space<vmem>> -> memref<40xi32, #tpu.memory_space<vmem>>
      %dma_wait3A_451 = tpu.memref_slice %arg5[%dma_wait3A_437, %add3A_391] : memref<2x320000xi32, #tpu.memory_space<hbm>> -> memref<1x40xi32, #tpu.memory_space<hbm>>
      %dma_wait3A_452 = tpu.memref_squeeze %dma_wait3A_451 : memref<1x40xi32, #tpu.memory_space<hbm>> -> memref<40xi32, #tpu.memory_space<hbm>>
      tpu.wait_dma2 semaphore(%dma_wait3A_447 : memref<!tpu.dma_semaphore, #tpu.memory_space<semaphore_mem>>) src(%dma_wait3A_452 : memref<40xi32, #tpu.memory_space<hbm>>) dst(%dma_wait3A_450 : memref<40xi32, #tpu.memory_space<vmem>>)
      %dma_wait3A_453 = arith.constant 1 : i32
      %dma_wait3A_454 = arith.constant 1 : i32
      %dma_wait3A_455 = arith.constant 1 : i32
      %dma_wait3A_456 = arith.constant 2 : i32
      %dma_wait3A_457 = arith.constant 0 : i32
      %dma_wait3A_458 = tpu.memref_slice %arg8[%dma_wait3A_454, %dma_wait3A_455, %dma_wait3A_457] : memref<2x3x40xi32, #tpu.memory_space<vmem>> -> memref<1x1x40xi32, #tpu.memory_space<vmem>>
      %dma_wait3A_459 = tpu.memref_squeeze %dma_wait3A_458 : memref<1x1x40xi32, #tpu.memory_space<vmem>> -> memref<40xi32, #tpu.memory_space<vmem>>
      %dma_wait3A_460 = tpu.memref_slice %arg5[%dma_wait3A_453, %add3A_391] : memref<2x320000xi32, #tpu.memory_space<hbm>> -> memref<1x40xi32, #tpu.memory_space<hbm>>
      %dma_wait3A_461 = tpu.memref_squeeze %dma_wait3A_460 : memref<1x40xi32, #tpu.memory_space<hbm>> -> memref<40xi32, #tpu.memory_space<hbm>>
      %dma_wait3A_462 = tpu.memref_slice %arg14[%dma_wait3A_456] : memref<4x!tpu.dma_semaphore, #tpu.memory_space<semaphore_mem>> -> memref<1x!tpu.dma_semaphore, #tpu.memory_space<semaphore_mem>>
      %dma_wait3A_463 = tpu.memref_squeeze %dma_wait3A_462 : memref<1x!tpu.dma_semaphore, #tpu.memory_space<semaphore_mem>> -> memref<!tpu.dma_semaphore, #tpu.memory_space<semaphore_mem>>
      %dma_wait3A_464 = arith.constant 0 : i32
      %dma_wait3A_465 = tpu.memref_slice %arg8[%dma_wait3A_454, %dma_wait3A_455, %dma_wait3A_464] : memref<2x3x40xi32, #tpu.memory_space<vmem>> -> memref<1x1x40xi32, #tpu.memory_space<vmem>>
      %dma_wait3A_466 = tpu.memref_squeeze %dma_wait3A_465 : memref<1x1x40xi32, #tpu.memory_space<vmem>> -> memref<40xi32, #tpu.memory_space<vmem>>
      %dma_wait3A_467 = tpu.memref_slice %arg5[%dma_wait3A_453, %add3A_391] : memref<2x320000xi32, #tpu.memory_space<hbm>> -> memref<1x40xi32, #tpu.memory_space<hbm>>
      %dma_wait3A_468 = tpu.memref_squeeze %dma_wait3A_467 : memref<1x40xi32, #tpu.memory_space<hbm>> -> memref<40xi32, #tpu.memory_space<hbm>>
      tpu.wait_dma2 semaphore(%dma_wait3A_463 : memref<!tpu.dma_semaphore, #tpu.memory_space<semaphore_mem>>) src(%dma_wait3A_468 : memref<40xi32, #tpu.memory_space<hbm>>) dst(%dma_wait3A_466 : memref<40xi32, #tpu.memory_space<vmem>>)
      %dma_wait3A_469 = arith.constant 1 : i32
      %dma_wait3A_470 = arith.constant 2 : i32
      %dma_wait3A_471 = arith.constant 2 : i32
      %dma_wait3A_472 = arith.constant 0 : i32
      %dma_wait3A_473 = tpu.memref_slice %arg8[%dma_wait3A_469, %dma_wait3A_470, %dma_wait3A_472] : memref<2x3x40xi32, #tpu.memory_space<vmem>> -> memref<1x1x40xi32, #tpu.memory_space<vmem>>
      %dma_wait3A_474 = tpu.memref_squeeze %dma_wait3A_473 : memref<1x1x40xi32, #tpu.memory_space<vmem>> -> memref<40xi32, #tpu.memory_space<vmem>>
      %dma_wait3A_475 = tpu.memref_slice %arg6[%add3A_391] : memref<320000xi32, #tpu.memory_space<hbm>> -> memref<40xi32, #tpu.memory_space<hbm>>
      %dma_wait3A_476 = tpu.memref_slice %arg14[%dma_wait3A_471] : memref<4x!tpu.dma_semaphore, #tpu.memory_space<semaphore_mem>> -> memref<1x!tpu.dma_semaphore, #tpu.memory_space<semaphore_mem>>
      %dma_wait3A_477 = tpu.memref_squeeze %dma_wait3A_476 : memref<1x!tpu.dma_semaphore, #tpu.memory_space<semaphore_mem>> -> memref<!tpu.dma_semaphore, #tpu.memory_space<semaphore_mem>>
      %dma_wait3A_478 = arith.constant 0 : i32
      %dma_wait3A_479 = tpu.memref_slice %arg8[%dma_wait3A_469, %dma_wait3A_470, %dma_wait3A_478] : memref<2x3x40xi32, #tpu.memory_space<vmem>> -> memref<1x1x40xi32, #tpu.memory_space<vmem>>
      %dma_wait3A_480 = tpu.memref_squeeze %dma_wait3A_479 : memref<1x1x40xi32, #tpu.memory_space<vmem>> -> memref<40xi32, #tpu.memory_space<vmem>>
      %dma_wait3A_481 = tpu.memref_slice %arg6[%add3A_391] : memref<320000xi32, #tpu.memory_space<hbm>> -> memref<40xi32, #tpu.memory_space<hbm>>
      tpu.wait_dma2 semaphore(%dma_wait3A_477 : memref<!tpu.dma_semaphore, #tpu.memory_space<semaphore_mem>>) src(%dma_wait3A_481 : memref<40xi32, #tpu.memory_space<hbm>>) dst(%dma_wait3A_480 : memref<40xi32, #tpu.memory_space<vmem>>)
      %dma_start3A_482 = arith.constant 1 : i32
      %dma_start3A_483 = arith.constant 1 : i32
      %dma_start3A_484 = arith.constant 1 : i32
      %dma_start3A_485 = arith.constant 1 : i32
      %dma_start3A_486 = arith.constant 0 : i32
      %dma_start3A_487 = arith.constant 0 : i32
      %dma_start3A_488 = tpu.memref_slice %arg10[%dma_start3A_484, %dma_start3A_486, %dma_start3A_487] : memref<2x40x128xf32, #tpu.memory_space<vmem>> -> memref<1x40x128xf32, #tpu.memory_space<vmem>>
      %dma_start3A_489 = tpu.memref_squeeze %dma_start3A_488 : memref<1x40x128xf32, #tpu.memory_space<vmem>> -> memref<40x128xf32, #tpu.memory_space<vmem>>
      %dma_start3A_490 = arith.constant 0 : i32
      %dma_start3A_491 = tpu.memref_slice %arg8[%dma_start3A_482, %dma_start3A_483, %dma_start3A_490] : memref<2x3x40xi32, #tpu.memory_space<vmem>> -> memref<1x1x40xi32, #tpu.memory_space<vmem>>
      %dma_start3A_492 = tpu.memref_squeeze %dma_start3A_491 : memref<1x1x40xi32, #tpu.memory_space<vmem>> -> memref<40xi32, #tpu.memory_space<vmem>>
      %dma_start3A_493 = arith.constant 0 : i32
      %dma_start3A_494 = arith.constant 0 : i32
      %dma_start3A_495 = tpu.memref_slice %arg2[%dma_start3A_493, %dma_start3A_494] : memref<10000x128xf32, #tpu.memory_space<hbm>> -> memref<10000x128xf32, #tpu.memory_space<hbm>>
      %dma_start3A_496 = tpu.memref_slice %arg14[%dma_start3A_485] : memref<4x!tpu.dma_semaphore, #tpu.memory_space<semaphore_mem>> -> memref<1x!tpu.dma_semaphore, #tpu.memory_space<semaphore_mem>>
      %dma_start3A_497 = tpu.memref_squeeze %dma_start3A_496 : memref<1x!tpu.dma_semaphore, #tpu.memory_space<semaphore_mem>> -> memref<!tpu.dma_semaphore, #tpu.memory_space<semaphore_mem>>
      tpu.enqueue_indirect_dma source(%dma_start3A_495 : memref<10000x128xf32, #tpu.memory_space<hbm>>) target(%dma_start3A_489 : memref<40x128xf32, #tpu.memory_space<vmem>>) offsets(%dma_start3A_492 : memref<40xi32, #tpu.memory_space<vmem>>) semaphore(%dma_start3A_497 : memref<!tpu.dma_semaphore, #tpu.memory_space<semaphore_mem>>)
      %dma_start3A_498 = arith.constant 1 : i32
      %dma_start3A_499 = arith.constant 0 : i32
      %dma_start3A_500 = arith.constant 1 : i32
      %dma_start3A_501 = arith.constant 1 : i32
      %dma_start3A_502 = arith.constant 0 : i32
      %dma_start3A_503 = arith.constant 0 : i32
      %dma_start3A_504 = tpu.memref_slice %arg11[%dma_start3A_500, %dma_start3A_502, %dma_start3A_503] : memref<2x40x256xf32, #tpu.memory_space<vmem>> -> memref<1x40x256xf32, #tpu.memory_space<vmem>>
      %dma_start3A_505 = tpu.memref_squeeze %dma_start3A_504 : memref<1x40x256xf32, #tpu.memory_space<vmem>> -> memref<40x256xf32, #tpu.memory_space<vmem>>
      %dma_start3A_506 = arith.constant 0 : i32
      %dma_start3A_507 = tpu.memref_slice %arg8[%dma_start3A_498, %dma_start3A_499, %dma_start3A_506] : memref<2x3x40xi32, #tpu.memory_space<vmem>> -> memref<1x1x40xi32, #tpu.memory_space<vmem>>
      %dma_start3A_508 = tpu.memref_squeeze %dma_start3A_507 : memref<1x1x40xi32, #tpu.memory_space<vmem>> -> memref<40xi32, #tpu.memory_space<vmem>>
      %dma_start3A_509 = arith.constant 0 : i32
      %dma_start3A_510 = arith.constant 0 : i32
      %dma_start3A_511 = tpu.memref_slice %arg3[%dma_start3A_509, %dma_start3A_510] : memref<10000x256xf32, #tpu.memory_space<hbm>> -> memref<10000x256xf32, #tpu.memory_space<hbm>>
      %dma_start3A_512 = tpu.memref_slice %arg14[%dma_start3A_501] : memref<4x!tpu.dma_semaphore, #tpu.memory_space<semaphore_mem>> -> memref<1x!tpu.dma_semaphore, #tpu.memory_space<semaphore_mem>>
      %dma_start3A_513 = tpu.memref_squeeze %dma_start3A_512 : memref<1x!tpu.dma_semaphore, #tpu.memory_space<semaphore_mem>> -> memref<!tpu.dma_semaphore, #tpu.memory_space<semaphore_mem>>
      tpu.enqueue_indirect_dma source(%dma_start3A_511 : memref<10000x256xf32, #tpu.memory_space<hbm>>) target(%dma_start3A_505 : memref<40x256xf32, #tpu.memory_space<vmem>>) offsets(%dma_start3A_508 : memref<40xi32, #tpu.memory_space<vmem>>) semaphore(%dma_start3A_513 : memref<!tpu.dma_semaphore, #tpu.memory_space<semaphore_mem>>)
      %dma_wait3A_514 = arith.constant 0 : i32
      %dma_wait3A_515 = arith.constant 2 : i32
      %dma_wait3A_516 = arith.constant 0 : i32
      %dma_wait3A_517 = arith.constant 0 : i32
      %dma_wait3A_518 = arith.constant 0 : i32
      %dma_wait3A_519 = arith.constant 0 : i32
      %dma_wait3A_520 = tpu.memref_slice %arg11[%dma_wait3A_516, %dma_wait3A_518, %dma_wait3A_519] : memref<2x40x256xf32, #tpu.memory_space<vmem>> -> memref<1x40x256xf32, #tpu.memory_space<vmem>>
      %dma_wait3A_521 = tpu.memref_squeeze %dma_wait3A_520 : memref<1x40x256xf32, #tpu.memory_space<vmem>> -> memref<40x256xf32, #tpu.memory_space<vmem>>
      %dma_wait3A_522 = arith.constant 0 : i32
      %dma_wait3A_523 = tpu.memref_slice %arg8[%dma_wait3A_514, %dma_wait3A_515, %dma_wait3A_522] : memref<2x3x40xi32, #tpu.memory_space<vmem>> -> memref<1x1x40xi32, #tpu.memory_space<vmem>>
      %dma_wait3A_524 = tpu.memref_squeeze %dma_wait3A_523 : memref<1x1x40xi32, #tpu.memory_space<vmem>> -> memref<40xi32, #tpu.memory_space<vmem>>
      %dma_wait3A_525 = arith.constant 0 : i32
      %dma_wait3A_526 = arith.constant 0 : i32
      %dma_wait3A_527 = tpu.memref_slice %arg13[%dma_wait3A_525, %dma_wait3A_526] : memref<200x256xf32, #tpu.memory_space<vmem_shared>> -> memref<200x256xf32, #tpu.memory_space<vmem_shared>>
      %dma_wait3A_528 = tpu.memref_slice %arg14[%dma_wait3A_517] : memref<4x!tpu.dma_semaphore, #tpu.memory_space<semaphore_mem>> -> memref<1x!tpu.dma_semaphore, #tpu.memory_space<semaphore_mem>>
      %dma_wait3A_529 = tpu.memref_squeeze %dma_wait3A_528 : memref<1x!tpu.dma_semaphore, #tpu.memory_space<semaphore_mem>> -> memref<!tpu.dma_semaphore, #tpu.memory_space<semaphore_mem>>
      tpu.wait_indirect_dma semaphore(%dma_wait3A_529 : memref<!tpu.dma_semaphore, #tpu.memory_space<semaphore_mem>>) src(%dma_wait3A_527 : memref<200x256xf32, #tpu.memory_space<vmem_shared>>) dst(%dma_wait3A_521 : memref<40x256xf32, #tpu.memory_space<vmem>>)
      %parallel_loop3A = arith.constant 0 : i32
      %parallel_loop3A_530 = arith.constant 40 : i32
      %parallel_loop3A_531 = arith.constant 1 : i32
      scf.for %parallel_loop3A_761 = %parallel_loop3A to %parallel_loop3A_530 step %parallel_loop3A_531  : i32 {
        %parallel_loop3A_762 = arith.constant 0 : i32
        %parallel_loop3A_763 = arith.index_cast %parallel_loop3A_762 : i32 to index
        %parallel_loop3A_764 = arith.index_cast %parallel_loop3A_761 : i32 to index
        %parallel_loop3A_765 = arith.constant 0 : index
        %parallel_loop3A_766 = tpu.vector_load %arg10[%parallel_loop3A_763, %parallel_loop3A_764, %parallel_loop3A_765] {strides = array<i32>} : memref<2x40x128xf32, #tpu.memory_space<vmem>>, vector<16xf32>,
        %parallel_loop3A_767 = arith.constant 0 : i32
        %parallel_loop3A_768 = arith.index_cast %parallel_loop3A_767 : i32 to index
        %parallel_loop3A_769 = arith.index_cast %parallel_loop3A_761 : i32 to index
        %parallel_loop3A_770 = arith.constant 0 : index
        %parallel_loop3A_771 = tpu.vector_load %arg11[%parallel_loop3A_768, %parallel_loop3A_769, %parallel_loop3A_770] {strides = array<i32>} : memref<2x40x256xf32, #tpu.memory_space<vmem>>, vector<16xf32>,
        %parallel_loop3A_772 = arith.mulf %parallel_loop3A_766, %parallel_loop3A_771 : vector<16xf32>
        %parallel_loop3A_773 = arith.constant 0 : i32
        %parallel_loop3A_774 = arith.index_cast %parallel_loop3A_773 : i32 to index
        %parallel_loop3A_775 = arith.index_cast %parallel_loop3A_761 : i32 to index
        %parallel_loop3A_776 = arith.constant 16 : index
        %parallel_loop3A_777 = tpu.vector_load %arg10[%parallel_loop3A_774, %parallel_loop3A_775, %parallel_loop3A_776] {strides = array<i32>} : memref<2x40x128xf32, #tpu.memory_space<vmem>>, vector<16xf32>,
        %parallel_loop3A_778 = arith.constant 0 : i32
        %parallel_loop3A_779 = arith.index_cast %parallel_loop3A_778 : i32 to index
        %parallel_loop3A_780 = arith.index_cast %parallel_loop3A_761 : i32 to index
        %parallel_loop3A_781 = arith.constant 16 : index
        %parallel_loop3A_782 = tpu.vector_load %arg11[%parallel_loop3A_779, %parallel_loop3A_780, %parallel_loop3A_781] {strides = array<i32>} : memref<2x40x256xf32, #tpu.memory_space<vmem>>, vector<16xf32>,
        %parallel_loop3A_783 = arith.mulf %parallel_loop3A_777, %parallel_loop3A_782 : vector<16xf32>
        %parallel_loop3A_784 = arith.constant 0 : i32
        %parallel_loop3A_785 = arith.index_cast %parallel_loop3A_784 : i32 to index
        %parallel_loop3A_786 = arith.index_cast %parallel_loop3A_761 : i32 to index
        %parallel_loop3A_787 = arith.constant 32 : index
        %parallel_loop3A_788 = tpu.vector_load %arg10[%parallel_loop3A_785, %parallel_loop3A_786, %parallel_loop3A_787] {strides = array<i32>} : memref<2x40x128xf32, #tpu.memory_space<vmem>>, vector<16xf32>,
        %parallel_loop3A_789 = arith.constant 0 : i32
        %parallel_loop3A_790 = arith.index_cast %parallel_loop3A_789 : i32 to index
        %parallel_loop3A_791 = arith.index_cast %parallel_loop3A_761 : i32 to index
        %parallel_loop3A_792 = arith.constant 32 : index
        %parallel_loop3A_793 = tpu.vector_load %arg11[%parallel_loop3A_790, %parallel_loop3A_791, %parallel_loop3A_792] {strides = array<i32>} : memref<2x40x256xf32, #tpu.memory_space<vmem>>, vector<16xf32>,
        %parallel_loop3A_794 = arith.mulf %parallel_loop3A_788, %parallel_loop3A_793 : vector<16xf32>
        %parallel_loop3A_795 = arith.constant 0 : i32
        %parallel_loop3A_796 = arith.index_cast %parallel_loop3A_795 : i32 to index
        %parallel_loop3A_797 = arith.index_cast %parallel_loop3A_761 : i32 to index
        %parallel_loop3A_798 = arith.constant 48 : index
        %parallel_loop3A_799 = tpu.vector_load %arg10[%parallel_loop3A_796, %parallel_loop3A_797, %parallel_loop3A_798] {strides = array<i32>} : memref<2x40x128xf32, #tpu.memory_space<vmem>>, vector<16xf32>,
        %parallel_loop3A_800 = arith.constant 0 : i32
        %parallel_loop3A_801 = arith.index_cast %parallel_loop3A_800 : i32 to index
        %parallel_loop3A_802 = arith.index_cast %parallel_loop3A_761 : i32 to index
        %parallel_loop3A_803 = arith.constant 48 : index
        %parallel_loop3A_804 = tpu.vector_load %arg11[%parallel_loop3A_801, %parallel_loop3A_802, %parallel_loop3A_803] {strides = array<i32>} : memref<2x40x256xf32, #tpu.memory_space<vmem>>, vector<16xf32>,
        %parallel_loop3A_805 = arith.mulf %parallel_loop3A_799, %parallel_loop3A_804 : vector<16xf32>
        %parallel_loop3A_806 = arith.constant 0 : i32
        %parallel_loop3A_807 = arith.index_cast %parallel_loop3A_806 : i32 to index
        %parallel_loop3A_808 = arith.index_cast %parallel_loop3A_761 : i32 to index
        %parallel_loop3A_809 = arith.constant 64 : index
        %parallel_loop3A_810 = tpu.vector_load %arg10[%parallel_loop3A_807, %parallel_loop3A_808, %parallel_loop3A_809] {strides = array<i32>} : memref<2x40x128xf32, #tpu.memory_space<vmem>>, vector<16xf32>,
        %parallel_loop3A_811 = arith.constant 0 : i32
        %parallel_loop3A_812 = arith.index_cast %parallel_loop3A_811 : i32 to index
        %parallel_loop3A_813 = arith.index_cast %parallel_loop3A_761 : i32 to index
        %parallel_loop3A_814 = arith.constant 64 : index
        %parallel_loop3A_815 = tpu.vector_load %arg11[%parallel_loop3A_812, %parallel_loop3A_813, %parallel_loop3A_814] {strides = array<i32>} : memref<2x40x256xf32, #tpu.memory_space<vmem>>, vector<16xf32>,
        %parallel_loop3A_816 = arith.mulf %parallel_loop3A_810, %parallel_loop3A_815 : vector<16xf32>
        %parallel_loop3A_817 = arith.constant 0 : i32
        %parallel_loop3A_818 = arith.index_cast %parallel_loop3A_817 : i32 to index
        %parallel_loop3A_819 = arith.index_cast %parallel_loop3A_761 : i32 to index
        %parallel_loop3A_820 = arith.constant 80 : index
        %parallel_loop3A_821 = tpu.vector_load %arg10[%parallel_loop3A_818, %parallel_loop3A_819, %parallel_loop3A_820] {strides = array<i32>} : memref<2x40x128xf32, #tpu.memory_space<vmem>>, vector<16xf32>,
        %parallel_loop3A_822 = arith.constant 0 : i32
        %parallel_loop3A_823 = arith.index_cast %parallel_loop3A_822 : i32 to index
        %parallel_loop3A_824 = arith.index_cast %parallel_loop3A_761 : i32 to index
        %parallel_loop3A_825 = arith.constant 80 : index
        %parallel_loop3A_826 = tpu.vector_load %arg11[%parallel_loop3A_823, %parallel_loop3A_824, %parallel_loop3A_825] {strides = array<i32>} : memref<2x40x256xf32, #tpu.memory_space<vmem>>, vector<16xf32>,
        %parallel_loop3A_827 = arith.mulf %parallel_loop3A_821, %parallel_loop3A_826 : vector<16xf32>
        %parallel_loop3A_828 = arith.constant 0 : i32
        %parallel_loop3A_829 = arith.index_cast %parallel_loop3A_828 : i32 to index
        %parallel_loop3A_830 = arith.index_cast %parallel_loop3A_761 : i32 to index
        %parallel_loop3A_831 = arith.constant 96 : index
        %parallel_loop3A_832 = tpu.vector_load %arg10[%parallel_loop3A_829, %parallel_loop3A_830, %parallel_loop3A_831] {strides = array<i32>} : memref<2x40x128xf32, #tpu.memory_space<vmem>>, vector<16xf32>,
        %parallel_loop3A_833 = arith.constant 0 : i32
        %parallel_loop3A_834 = arith.index_cast %parallel_loop3A_833 : i32 to index
        %parallel_loop3A_835 = arith.index_cast %parallel_loop3A_761 : i32 to index
        %parallel_loop3A_836 = arith.constant 96 : index
        %parallel_loop3A_837 = tpu.vector_load %arg11[%parallel_loop3A_834, %parallel_loop3A_835, %parallel_loop3A_836] {strides = array<i32>} : memref<2x40x256xf32, #tpu.memory_space<vmem>>, vector<16xf32>,
        %parallel_loop3A_838 = arith.mulf %parallel_loop3A_832, %parallel_loop3A_837 : vector<16xf32>
        %parallel_loop3A_839 = arith.constant 0 : i32
        %parallel_loop3A_840 = arith.index_cast %parallel_loop3A_839 : i32 to index
        %parallel_loop3A_841 = arith.index_cast %parallel_loop3A_761 : i32 to index
        %parallel_loop3A_842 = arith.constant 112 : index
        %parallel_loop3A_843 = tpu.vector_load %arg10[%parallel_loop3A_840, %parallel_loop3A_841, %parallel_loop3A_842] {strides = array<i32>} : memref<2x40x128xf32, #tpu.memory_space<vmem>>, vector<16xf32>,
        %parallel_loop3A_844 = arith.constant 0 : i32
        %parallel_loop3A_845 = arith.index_cast %parallel_loop3A_844 : i32 to index
        %parallel_loop3A_846 = arith.index_cast %parallel_loop3A_761 : i32 to index
        %parallel_loop3A_847 = arith.constant 112 : index
        %parallel_loop3A_848 = tpu.vector_load %arg11[%parallel_loop3A_845, %parallel_loop3A_846, %parallel_loop3A_847] {strides = array<i32>} : memref<2x40x256xf32, #tpu.memory_space<vmem>>, vector<16xf32>,
        %parallel_loop3A_849 = arith.mulf %parallel_loop3A_843, %parallel_loop3A_848 : vector<16xf32>
        %parallel_loop3A_850 = vector.shape_cast %xor3A_56 : vector<16xi32> to vector<16x1xi32>
        %parallel_loop3A_851 = vector.shape_cast %parallel_loop3A_850 : vector<16x1xi32> to vector<16xi32>
        %parallel_loop3A_852 = tpu.dynamic_gather %parallel_loop3A_772[%parallel_loop3A_851] in [0] : vector<16xf32>, vector<16xi32> -> vector<16xf32>
        %parallel_loop3A_853 = arith.addf %parallel_loop3A_772, %parallel_loop3A_852 : vector<16xf32>
        %parallel_loop3A_854 = vector.shape_cast %xor3A_56 : vector<16xi32> to vector<16x1xi32>
        %parallel_loop3A_855 = vector.shape_cast %parallel_loop3A_854 : vector<16x1xi32> to vector<16xi32>
        %parallel_loop3A_856 = tpu.dynamic_gather %parallel_loop3A_783[%parallel_loop3A_855] in [0] : vector<16xf32>, vector<16xi32> -> vector<16xf32>
        %parallel_loop3A_857 = arith.addf %parallel_loop3A_783, %parallel_loop3A_856 : vector<16xf32>
        %parallel_loop3A_858 = vector.shape_cast %xor3A_56 : vector<16xi32> to vector<16x1xi32>
        %parallel_loop3A_859 = vector.shape_cast %parallel_loop3A_858 : vector<16x1xi32> to vector<16xi32>
        %parallel_loop3A_860 = tpu.dynamic_gather %parallel_loop3A_857[%parallel_loop3A_859] in [0] : vector<16xf32>, vector<16xi32> -> vector<16xf32>
        %parallel_loop3A_861 = arith.select %eq3A_70, %parallel_loop3A_853, %parallel_loop3A_860 : vector<16xi1>, vector<16xf32>
        %parallel_loop3A_862 = vector.shape_cast %xor3A_56 : vector<16xi32> to vector<16x1xi32>
        %parallel_loop3A_863 = vector.shape_cast %parallel_loop3A_862 : vector<16x1xi32> to vector<16xi32>
        %parallel_loop3A_864 = tpu.dynamic_gather %parallel_loop3A_794[%parallel_loop3A_863] in [0] : vector<16xf32>, vector<16xi32> -> vector<16xf32>
        %parallel_loop3A_865 = arith.addf %parallel_loop3A_794, %parallel_loop3A_864 : vector<16xf32>
        %parallel_loop3A_866 = vector.shape_cast %xor3A_56 : vector<16xi32> to vector<16x1xi32>
        %parallel_loop3A_867 = vector.shape_cast %parallel_loop3A_866 : vector<16x1xi32> to vector<16xi32>
        %parallel_loop3A_868 = tpu.dynamic_gather %parallel_loop3A_805[%parallel_loop3A_867] in [0] : vector<16xf32>, vector<16xi32> -> vector<16xf32>
        %parallel_loop3A_869 = arith.addf %parallel_loop3A_805, %parallel_loop3A_868 : vector<16xf32>
        %parallel_loop3A_870 = vector.shape_cast %xor3A_56 : vector<16xi32> to vector<16x1xi32>
        %parallel_loop3A_871 = vector.shape_cast %parallel_loop3A_870 : vector<16x1xi32> to vector<16xi32>
        %parallel_loop3A_872 = tpu.dynamic_gather %parallel_loop3A_869[%parallel_loop3A_871] in [0] : vector<16xf32>, vector<16xi32> -> vector<16xf32>
        %parallel_loop3A_873 = arith.select %eq3A_70, %parallel_loop3A_865, %parallel_loop3A_872 : vector<16xi1>, vector<16xf32>
        %parallel_loop3A_874 = vector.shape_cast %xor3A_56 : vector<16xi32> to vector<16x1xi32>
        %parallel_loop3A_875 = vector.shape_cast %parallel_loop3A_874 : vector<16x1xi32> to vector<16xi32>
        %parallel_loop3A_876 = tpu.dynamic_gather %parallel_loop3A_816[%parallel_loop3A_875] in [0] : vector<16xf32>, vector<16xi32> -> vector<16xf32>
        %parallel_loop3A_877 = arith.addf %parallel_loop3A_816, %parallel_loop3A_876 : vector<16xf32>
        %parallel_loop3A_878 = vector.shape_cast %xor3A_56 : vector<16xi32> to vector<16x1xi32>
        %parallel_loop3A_879 = vector.shape_cast %parallel_loop3A_878 : vector<16x1xi32> to vector<16xi32>
        %parallel_loop3A_880 = tpu.dynamic_gather %parallel_loop3A_827[%parallel_loop3A_879] in [0] : vector<16xf32>, vector<16xi32> -> vector<16xf32>
        %parallel_loop3A_881 = arith.addf %parallel_loop3A_827, %parallel_loop3A_880 : vector<16xf32>
        %parallel_loop3A_882 = vector.shape_cast %xor3A_56 : vector<16xi32> to vector<16x1xi32>
        %parallel_loop3A_883 = vector.shape_cast %parallel_loop3A_882 : vector<16x1xi32> to vector<16xi32>
        %parallel_loop3A_884 = tpu.dynamic_gather %parallel_loop3A_881[%parallel_loop3A_883] in [0] : vector<16xf32>, vector<16xi32> -> vector<16xf32>
        %parallel_loop3A_885 = arith.select %eq3A_70, %parallel_loop3A_877, %parallel_loop3A_884 : vector<16xi1>, vector<16xf32>
        %parallel_loop3A_886 = vector.shape_cast %xor3A_56 : vector<16xi32> to vector<16x1xi32>
        %parallel_loop3A_887 = vector.shape_cast %parallel_loop3A_886 : vector<16x1xi32> to vector<16xi32>
        %parallel_loop3A_888 = tpu.dynamic_gather %parallel_loop3A_838[%parallel_loop3A_887] in [0] : vector<16xf32>, vector<16xi32> -> vector<16xf32>
        %parallel_loop3A_889 = arith.addf %parallel_loop3A_838, %parallel_loop3A_888 : vector<16xf32>
        %parallel_loop3A_890 = vector.shape_cast %xor3A_56 : vector<16xi32> to vector<16x1xi32>
        %parallel_loop3A_891 = vector.shape_cast %parallel_loop3A_890 : vector<16x1xi32> to vector<16xi32>
        %parallel_loop3A_892 = tpu.dynamic_gather %parallel_loop3A_849[%parallel_loop3A_891] in [0] : vector<16xf32>, vector<16xi32> -> vector<16xf32>
        %parallel_loop3A_893 = arith.addf %parallel_loop3A_849, %parallel_loop3A_892 : vector<16xf32>
        %parallel_loop3A_894 = vector.shape_cast %xor3A_56 : vector<16xi32> to vector<16x1xi32>
        %parallel_loop3A_895 = vector.shape_cast %parallel_loop3A_894 : vector<16x1xi32> to vector<16xi32>
        %parallel_loop3A_896 = tpu.dynamic_gather %parallel_loop3A_893[%parallel_loop3A_895] in [0] : vector<16xf32>, vector<16xi32> -> vector<16xf32>
        %parallel_loop3A_897 = arith.select %eq3A_70, %parallel_loop3A_889, %parallel_loop3A_896 : vector<16xi1>, vector<16xf32>
        %parallel_loop3A_898 = vector.shape_cast %xor3A_59 : vector<16xi32> to vector<16x1xi32>
        %parallel_loop3A_899 = vector.shape_cast %parallel_loop3A_898 : vector<16x1xi32> to vector<16xi32>
        %parallel_loop3A_900 = tpu.dynamic_gather %parallel_loop3A_861[%parallel_loop3A_899] in [0] : vector<16xf32>, vector<16xi32> -> vector<16xf32>
        %parallel_loop3A_901 = arith.addf %parallel_loop3A_861, %parallel_loop3A_900 : vector<16xf32>
        %parallel_loop3A_902 = vector.shape_cast %xor3A_59 : vector<16xi32> to vector<16x1xi32>
        %parallel_loop3A_903 = vector.shape_cast %parallel_loop3A_902 : vector<16x1xi32> to vector<16xi32>
        %parallel_loop3A_904 = tpu.dynamic_gather %parallel_loop3A_873[%parallel_loop3A_903] in [0] : vector<16xf32>, vector<16xi32> -> vector<16xf32>
        %parallel_loop3A_905 = arith.addf %parallel_loop3A_873, %parallel_loop3A_904 : vector<16xf32>
        %parallel_loop3A_906 = vector.shape_cast %xor3A_59 : vector<16xi32> to vector<16x1xi32>
        %parallel_loop3A_907 = vector.shape_cast %parallel_loop3A_906 : vector<16x1xi32> to vector<16xi32>
        %parallel_loop3A_908 = tpu.dynamic_gather %parallel_loop3A_905[%parallel_loop3A_907] in [0] : vector<16xf32>, vector<16xi32> -> vector<16xf32>
        %parallel_loop3A_909 = arith.select %eq3A_76, %parallel_loop3A_901, %parallel_loop3A_908 : vector<16xi1>, vector<16xf32>
        %parallel_loop3A_910 = vector.shape_cast %xor3A_59 : vector<16xi32> to vector<16x1xi32>
        %parallel_loop3A_911 = vector.shape_cast %parallel_loop3A_910 : vector<16x1xi32> to vector<16xi32>
        %parallel_loop3A_912 = tpu.dynamic_gather %parallel_loop3A_885[%parallel_loop3A_911] in [0] : vector<16xf32>, vector<16xi32> -> vector<16xf32>
        %parallel_loop3A_913 = arith.addf %parallel_loop3A_885, %parallel_loop3A_912 : vector<16xf32>
        %parallel_loop3A_914 = vector.shape_cast %xor3A_59 : vector<16xi32> to vector<16x1xi32>
        %parallel_loop3A_915 = vector.shape_cast %parallel_loop3A_914 : vector<16x1xi32> to vector<16xi32>
        %parallel_loop3A_916 = tpu.dynamic_gather %parallel_loop3A_897[%parallel_loop3A_915] in [0] : vector<16xf32>, vector<16xi32> -> vector<16xf32>
        %parallel_loop3A_917 = arith.addf %parallel_loop3A_897, %parallel_loop3A_916 : vector<16xf32>
        %parallel_loop3A_918 = vector.shape_cast %xor3A_59 : vector<16xi32> to vector<16x1xi32>
        %parallel_loop3A_919 = vector.shape_cast %parallel_loop3A_918 : vector<16x1xi32> to vector<16xi32>
        %parallel_loop3A_920 = tpu.dynamic_gather %parallel_loop3A_917[%parallel_loop3A_919] in [0] : vector<16xf32>, vector<16xi32> -> vector<16xf32>
        %parallel_loop3A_921 = arith.select %eq3A_76, %parallel_loop3A_913, %parallel_loop3A_920 : vector<16xi1>, vector<16xf32>
        %parallel_loop3A_922 = vector.shape_cast %xor3A_62 : vector<16xi32> to vector<16x1xi32>
        %parallel_loop3A_923 = vector.shape_cast %parallel_loop3A_922 : vector<16x1xi32> to vector<16xi32>
        %parallel_loop3A_924 = tpu.dynamic_gather %parallel_loop3A_909[%parallel_loop3A_923] in [0] : vector<16xf32>, vector<16xi32> -> vector<16xf32>
        %parallel_loop3A_925 = arith.addf %parallel_loop3A_909, %parallel_loop3A_924 : vector<16xf32>
        %parallel_loop3A_926 = vector.shape_cast %xor3A_62 : vector<16xi32> to vector<16x1xi32>
        %parallel_loop3A_927 = vector.shape_cast %parallel_loop3A_926 : vector<16x1xi32> to vector<16xi32>
        %parallel_loop3A_928 = tpu.dynamic_gather %parallel_loop3A_921[%parallel_loop3A_927] in [0] : vector<16xf32>, vector<16xi32> -> vector<16xf32>
        %parallel_loop3A_929 = arith.addf %parallel_loop3A_921, %parallel_loop3A_928 : vector<16xf32>
        %parallel_loop3A_930 = vector.shape_cast %xor3A_62 : vector<16xi32> to vector<16x1xi32>
        %parallel_loop3A_931 = vector.shape_cast %parallel_loop3A_930 : vector<16x1xi32> to vector<16xi32>
        %parallel_loop3A_932 = tpu.dynamic_gather %parallel_loop3A_929[%parallel_loop3A_931] in [0] : vector<16xf32>, vector<16xi32> -> vector<16xf32>
        %parallel_loop3A_933 = arith.select %eq3A_82, %parallel_loop3A_925, %parallel_loop3A_932 : vector<16xi1>, vector<16xf32>
        %parallel_loop3A_934 = vector.shape_cast %xor3A_65 : vector<16xi32> to vector<16x1xi32>
        %parallel_loop3A_935 = vector.shape_cast %parallel_loop3A_934 : vector<16x1xi32> to vector<16xi32>
        %parallel_loop3A_936 = tpu.dynamic_gather %parallel_loop3A_933[%parallel_loop3A_935] in [0] : vector<16xf32>, vector<16xi32> -> vector<16xf32>
        %parallel_loop3A_937 = arith.addf %parallel_loop3A_933, %parallel_loop3A_936 : vector<16xf32>
        %parallel_loop3A_938 = math.exp %parallel_loop3A_937 : vector<16xf32>
        %parallel_loop3A_939 = vector.shape_cast %broadcast_in_dim3A_83 : vector<16xi32> to vector<16x1xi32>
        %parallel_loop3A_940 = vector.shape_cast %parallel_loop3A_939 : vector<16x1xi32> to vector<16xi32>
        %parallel_loop3A_941 = tpu.dynamic_gather %parallel_loop3A_938[%parallel_loop3A_940] in [0] : vector<16xf32>, vector<16xi32> -> vector<16xf32>
        %parallel_loop3A_942 = arith.constant 0 : i32
        %parallel_loop3A_943 = arith.index_cast %parallel_loop3A_942 : i32 to index
        %parallel_loop3A_944 = arith.index_cast %parallel_loop3A_761 : i32 to index
        %parallel_loop3A_945 = arith.constant 128 : index
        %parallel_loop3A_946 = tpu.vector_load %arg11[%parallel_loop3A_943, %parallel_loop3A_944, %parallel_loop3A_945] {strides = array<i32>} : memref<2x40x256xf32, #tpu.memory_space<vmem>>, vector<16xf32>,
        %parallel_loop3A_947 = arith.mulf %parallel_loop3A_941, %parallel_loop3A_946 : vector<16xf32>
        %parallel_loop3A_948 = arith.index_cast %parallel_loop3A_761 : i32 to index
        %parallel_loop3A_949 = arith.constant 0 : index
        %parallel_loop3A_950 = tpu.vector_load %arg9[%parallel_loop3A_948, %parallel_loop3A_949] {strides = array<i32>} : memref<40x144xf32, #tpu.memory_space<vmem>>, vector<16xf32>,
        tpu.vector_store %arg9[%parallel_loop3A_948, %parallel_loop3A_949], %parallel_loop3A_947 {strides = array<i32>} : memref<40x144xf32, #tpu.memory_space<vmem>>, vector<16xf32>,
        %parallel_loop3A_951 = vector.shape_cast %broadcast_in_dim3A_85 : vector<16xi32> to vector<16x1xi32>
        %parallel_loop3A_952 = vector.shape_cast %parallel_loop3A_951 : vector<16x1xi32> to vector<16xi32>
        %parallel_loop3A_953 = tpu.dynamic_gather %parallel_loop3A_938[%parallel_loop3A_952] in [0] : vector<16xf32>, vector<16xi32> -> vector<16xf32>
        %parallel_loop3A_954 = arith.constant 0 : i32
        %parallel_loop3A_955 = arith.index_cast %parallel_loop3A_954 : i32 to index
        %parallel_loop3A_956 = arith.index_cast %parallel_loop3A_761 : i32 to index
        %parallel_loop3A_957 = arith.constant 144 : index
        %parallel_loop3A_958 = tpu.vector_load %arg11[%parallel_loop3A_955, %parallel_loop3A_956, %parallel_loop3A_957] {strides = array<i32>} : memref<2x40x256xf32, #tpu.memory_space<vmem>>, vector<16xf32>,
        %parallel_loop3A_959 = arith.mulf %parallel_loop3A_953, %parallel_loop3A_958 : vector<16xf32>
        %parallel_loop3A_960 = arith.index_cast %parallel_loop3A_761 : i32 to index
        %parallel_loop3A_961 = arith.constant 16 : index
        %parallel_loop3A_962 = tpu.vector_load %arg9[%parallel_loop3A_960, %parallel_loop3A_961] {strides = array<i32>} : memref<40x144xf32, #tpu.memory_space<vmem>>, vector<16xf32>,
        tpu.vector_store %arg9[%parallel_loop3A_960, %parallel_loop3A_961], %parallel_loop3A_959 {strides = array<i32>} : memref<40x144xf32, #tpu.memory_space<vmem>>, vector<16xf32>,
        %parallel_loop3A_963 = vector.shape_cast %broadcast_in_dim3A_87 : vector<16xi32> to vector<16x1xi32>
        %parallel_loop3A_964 = vector.shape_cast %parallel_loop3A_963 : vector<16x1xi32> to vector<16xi32>
        %parallel_loop3A_965 = tpu.dynamic_gather %parallel_loop3A_938[%parallel_loop3A_964] in [0] : vector<16xf32>, vector<16xi32> -> vector<16xf32>
        %parallel_loop3A_966 = arith.constant 0 : i32
        %parallel_loop3A_967 = arith.index_cast %parallel_loop3A_966 : i32 to index
        %parallel_loop3A_968 = arith.index_cast %parallel_loop3A_761 : i32 to index
        %parallel_loop3A_969 = arith.constant 160 : index
        %parallel_loop3A_970 = tpu.vector_load %arg11[%parallel_loop3A_967, %parallel_loop3A_968, %parallel_loop3A_969] {strides = array<i32>} : memref<2x40x256xf32, #tpu.memory_space<vmem>>, vector<16xf32>,
        %parallel_loop3A_971 = arith.mulf %parallel_loop3A_965, %parallel_loop3A_970 : vector<16xf32>
        %parallel_loop3A_972 = arith.index_cast %parallel_loop3A_761 : i32 to index
        %parallel_loop3A_973 = arith.constant 32 : index
        %parallel_loop3A_974 = tpu.vector_load %arg9[%parallel_loop3A_972, %parallel_loop3A_973] {strides = array<i32>} : memref<40x144xf32, #tpu.memory_space<vmem>>, vector<16xf32>,
        tpu.vector_store %arg9[%parallel_loop3A_972, %parallel_loop3A_973], %parallel_loop3A_971 {strides = array<i32>} : memref<40x144xf32, #tpu.memory_space<vmem>>, vector<16xf32>,
        %parallel_loop3A_975 = vector.shape_cast %broadcast_in_dim3A_89 : vector<16xi32> to vector<16x1xi32>
        %parallel_loop3A_976 = vector.shape_cast %parallel_loop3A_975 : vector<16x1xi32> to vector<16xi32>
        %parallel_loop3A_977 = tpu.dynamic_gather %parallel_loop3A_938[%parallel_loop3A_976] in [0] : vector<16xf32>, vector<16xi32> -> vector<16xf32>
        %parallel_loop3A_978 = arith.constant 0 : i32
        %parallel_loop3A_979 = arith.index_cast %parallel_loop3A_978 : i32 to index
        %parallel_loop3A_980 = arith.index_cast %parallel_loop3A_761 : i32 to index
        %parallel_loop3A_981 = arith.constant 176 : index
        %parallel_loop3A_982 = tpu.vector_load %arg11[%parallel_loop3A_979, %parallel_loop3A_980, %parallel_loop3A_981] {strides = array<i32>} : memref<2x40x256xf32, #tpu.memory_space<vmem>>, vector<16xf32>,
        %parallel_loop3A_983 = arith.mulf %parallel_loop3A_977, %parallel_loop3A_982 : vector<16xf32>
        %parallel_loop3A_984 = arith.index_cast %parallel_loop3A_761 : i32 to index
        %parallel_loop3A_985 = arith.constant 48 : index
        %parallel_loop3A_986 = tpu.vector_load %arg9[%parallel_loop3A_984, %parallel_loop3A_985] {strides = array<i32>} : memref<40x144xf32, #tpu.memory_space<vmem>>, vector<16xf32>,
        tpu.vector_store %arg9[%parallel_loop3A_984, %parallel_loop3A_985], %parallel_loop3A_983 {strides = array<i32>} : memref<40x144xf32, #tpu.memory_space<vmem>>, vector<16xf32>,
        %parallel_loop3A_987 = vector.shape_cast %broadcast_in_dim3A_91 : vector<16xi32> to vector<16x1xi32>
        %parallel_loop3A_988 = vector.shape_cast %parallel_loop3A_987 : vector<16x1xi32> to vector<16xi32>
        %parallel_loop3A_989 = tpu.dynamic_gather %parallel_loop3A_938[%parallel_loop3A_988] in [0] : vector<16xf32>, vector<16xi32> -> vector<16xf32>
        %parallel_loop3A_990 = arith.constant 0 : i32
        %parallel_loop3A_991 = arith.index_cast %parallel_loop3A_990 : i32 to index
        %parallel_loop3A_992 = arith.index_cast %parallel_loop3A_761 : i32 to index
        %parallel_loop3A_993 = arith.constant 192 : index
        %parallel_loop3A_994 = tpu.vector_load %arg11[%parallel_loop3A_991, %parallel_loop3A_992, %parallel_loop3A_993] {strides = array<i32>} : memref<2x40x256xf32, #tpu.memory_space<vmem>>, vector<16xf32>,
        %parallel_loop3A_995 = arith.mulf %parallel_loop3A_989, %parallel_loop3A_994 : vector<16xf32>
        %parallel_loop3A_996 = arith.index_cast %parallel_loop3A_761 : i32 to index
        %parallel_loop3A_997 = arith.constant 64 : index
        %parallel_loop3A_998 = tpu.vector_load %arg9[%parallel_loop3A_996, %parallel_loop3A_997] {strides = array<i32>} : memref<40x144xf32, #tpu.memory_space<vmem>>, vector<16xf32>,
        tpu.vector_store %arg9[%parallel_loop3A_996, %parallel_loop3A_997], %parallel_loop3A_995 {strides = array<i32>} : memref<40x144xf32, #tpu.memory_space<vmem>>, vector<16xf32>,
        %parallel_loop3A_999 = vector.shape_cast %broadcast_in_dim3A_93 : vector<16xi32> to vector<16x1xi32>
        %parallel_loop3A_1000 = vector.shape_cast %parallel_loop3A_999 : vector<16x1xi32> to vector<16xi32>
        %parallel_loop3A_1001 = tpu.dynamic_gather %parallel_loop3A_938[%parallel_loop3A_1000] in [0] : vector<16xf32>, vector<16xi32> -> vector<16xf32>
        %parallel_loop3A_1002 = arith.constant 0 : i32
        %parallel_loop3A_1003 = arith.index_cast %parallel_loop3A_1002 : i32 to index
        %parallel_loop3A_1004 = arith.index_cast %parallel_loop3A_761 : i32 to index
        %parallel_loop3A_1005 = arith.constant 208 : index
        %parallel_loop3A_1006 = tpu.vector_load %arg11[%parallel_loop3A_1003, %parallel_loop3A_1004, %parallel_loop3A_1005] {strides = array<i32>} : memref<2x40x256xf32, #tpu.memory_space<vmem>>, vector<16xf32>,
        %parallel_loop3A_1007 = arith.mulf %parallel_loop3A_1001, %parallel_loop3A_1006 : vector<16xf32>
        %parallel_loop3A_1008 = arith.index_cast %parallel_loop3A_761 : i32 to index
        %parallel_loop3A_1009 = arith.constant 80 : index
        %parallel_loop3A_1010 = tpu.vector_load %arg9[%parallel_loop3A_1008, %parallel_loop3A_1009] {strides = array<i32>} : memref<40x144xf32, #tpu.memory_space<vmem>>, vector<16xf32>,
        tpu.vector_store %arg9[%parallel_loop3A_1008, %parallel_loop3A_1009], %parallel_loop3A_1007 {strides = array<i32>} : memref<40x144xf32, #tpu.memory_space<vmem>>, vector<16xf32>,
        %parallel_loop3A_1011 = vector.shape_cast %broadcast_in_dim3A_95 : vector<16xi32> to vector<16x1xi32>
        %parallel_loop3A_1012 = vector.shape_cast %parallel_loop3A_1011 : vector<16x1xi32> to vector<16xi32>
        %parallel_loop3A_1013 = tpu.dynamic_gather %parallel_loop3A_938[%parallel_loop3A_1012] in [0] : vector<16xf32>, vector<16xi32> -> vector<16xf32>
        %parallel_loop3A_1014 = arith.constant 0 : i32
        %parallel_loop3A_1015 = arith.index_cast %parallel_loop3A_1014 : i32 to index
        %parallel_loop3A_1016 = arith.index_cast %parallel_loop3A_761 : i32 to index
        %parallel_loop3A_1017 = arith.constant 224 : index
        %parallel_loop3A_1018 = tpu.vector_load %arg11[%parallel_loop3A_1015, %parallel_loop3A_1016, %parallel_loop3A_1017] {strides = array<i32>} : memref<2x40x256xf32, #tpu.memory_space<vmem>>, vector<16xf32>,
        %parallel_loop3A_1019 = arith.mulf %parallel_loop3A_1013, %parallel_loop3A_1018 : vector<16xf32>
        %parallel_loop3A_1020 = arith.index_cast %parallel_loop3A_761 : i32 to index
        %parallel_loop3A_1021 = arith.constant 96 : index
        %parallel_loop3A_1022 = tpu.vector_load %arg9[%parallel_loop3A_1020, %parallel_loop3A_1021] {strides = array<i32>} : memref<40x144xf32, #tpu.memory_space<vmem>>, vector<16xf32>,
        tpu.vector_store %arg9[%parallel_loop3A_1020, %parallel_loop3A_1021], %parallel_loop3A_1019 {strides = array<i32>} : memref<40x144xf32, #tpu.memory_space<vmem>>, vector<16xf32>,
        %parallel_loop3A_1023 = vector.shape_cast %broadcast_in_dim3A_97 : vector<16xi32> to vector<16x1xi32>
        %parallel_loop3A_1024 = vector.shape_cast %parallel_loop3A_1023 : vector<16x1xi32> to vector<16xi32>
        %parallel_loop3A_1025 = tpu.dynamic_gather %parallel_loop3A_938[%parallel_loop3A_1024] in [0] : vector<16xf32>, vector<16xi32> -> vector<16xf32>
        %parallel_loop3A_1026 = arith.constant 0 : i32
        %parallel_loop3A_1027 = arith.index_cast %parallel_loop3A_1026 : i32 to index
        %parallel_loop3A_1028 = arith.index_cast %parallel_loop3A_761 : i32 to index
        %parallel_loop3A_1029 = arith.constant 240 : index
        %parallel_loop3A_1030 = tpu.vector_load %arg11[%parallel_loop3A_1027, %parallel_loop3A_1028, %parallel_loop3A_1029] {strides = array<i32>} : memref<2x40x256xf32, #tpu.memory_space<vmem>>, vector<16xf32>,
        %parallel_loop3A_1031 = arith.mulf %parallel_loop3A_1025, %parallel_loop3A_1030 : vector<16xf32>
        %parallel_loop3A_1032 = arith.index_cast %parallel_loop3A_761 : i32 to index
        %parallel_loop3A_1033 = arith.constant 112 : index
        %parallel_loop3A_1034 = tpu.vector_load %arg9[%parallel_loop3A_1032, %parallel_loop3A_1033] {strides = array<i32>} : memref<40x144xf32, #tpu.memory_space<vmem>>, vector<16xf32>,
        tpu.vector_store %arg9[%parallel_loop3A_1032, %parallel_loop3A_1033], %parallel_loop3A_1031 {strides = array<i32>} : memref<40x144xf32, #tpu.memory_space<vmem>>, vector<16xf32>,
        %parallel_loop3A_1035 = arith.index_cast %parallel_loop3A_761 : i32 to index
        %parallel_loop3A_1036 = arith.constant 128 : index
        %parallel_loop3A_1037 = tpu.vector_load %arg9[%parallel_loop3A_1035, %parallel_loop3A_1036] {strides = array<i32>} : memref<40x144xf32, #tpu.memory_space<vmem>>, vector<16xf32>,
        tpu.vector_store %arg9[%parallel_loop3A_1035, %parallel_loop3A_1036], %parallel_loop3A_938 {strides = array<i32>} : memref<40x144xf32, #tpu.memory_space<vmem>>, vector<16xf32>,
      } {sc.loop_unroll_factor = 2 : i64, sc.parallel_access}
      %dma_start3A_532 = arith.constant 0 : i32
      %dma_start3A_533 = arith.constant 1 : i32
      %dma_start3A_534 = arith.constant 3 : i32
      %dma_start3A_535 = arith.constant 0 : i32
      %dma_start3A_536 = tpu.memref_slice %arg8[%dma_start3A_532, %dma_start3A_533, %dma_start3A_535] : memref<2x3x40xi32, #tpu.memory_space<vmem>> -> memref<1x1x40xi32, #tpu.memory_space<vmem>>
      %dma_start3A_537 = tpu.memref_squeeze %dma_start3A_536 : memref<1x1x40xi32, #tpu.memory_space<vmem>> -> memref<40xi32, #tpu.memory_space<vmem>>
      %dma_start3A_538 = arith.constant 0 : i32
      %dma_start3A_539 = arith.constant 0 : i32
      %dma_start3A_540 = tpu.memref_slice %arg12[%dma_start3A_538, %dma_start3A_539] : memref<10080x144xf32, #tpu.memory_space<vmem_shared>> -> memref<10080x144xf32, #tpu.memory_space<vmem_shared>>
      %dma_start3A_541 = tpu.memref_slice %arg14[%dma_start3A_534] : memref<4x!tpu.dma_semaphore, #tpu.memory_space<semaphore_mem>> -> memref<1x!tpu.dma_semaphore, #tpu.memory_space<semaphore_mem>>
      %dma_start3A_542 = tpu.memref_squeeze %dma_start3A_541 : memref<1x!tpu.dma_semaphore, #tpu.memory_space<semaphore_mem>> -> memref<!tpu.dma_semaphore, #tpu.memory_space<semaphore_mem>>
      tpu.enqueue_indirect_dma source(%arg9 : memref<40x144xf32, #tpu.memory_space<vmem>>) target(%dma_start3A_540 : memref<10080x144xf32, #tpu.memory_space<vmem_shared>>) offsets(%dma_start3A_537 : memref<40xi32, #tpu.memory_space<vmem>>) semaphore(%dma_start3A_542 : memref<!tpu.dma_semaphore, #tpu.memory_space<semaphore_mem>>) {add = true}
      %dma_wait3A_543 = arith.constant 1 : i32
      %dma_wait3A_544 = arith.constant 1 : i32
      %dma_wait3A_545 = arith.constant 1 : i32
      %dma_wait3A_546 = arith.constant 1 : i32
      %dma_wait3A_547 = arith.constant 0 : i32
      %dma_wait3A_548 = arith.constant 0 : i32
      %dma_wait3A_549 = tpu.memref_slice %arg10[%dma_wait3A_545, %dma_wait3A_547, %dma_wait3A_548] : memref<2x40x128xf32, #tpu.memory_space<vmem>> -> memref<1x40x128xf32, #tpu.memory_space<vmem>>
      %dma_wait3A_550 = tpu.memref_squeeze %dma_wait3A_549 : memref<1x40x128xf32, #tpu.memory_space<vmem>> -> memref<40x128xf32, #tpu.memory_space<vmem>>
      %dma_wait3A_551 = arith.constant 0 : i32
      %dma_wait3A_552 = tpu.memref_slice %arg8[%dma_wait3A_543, %dma_wait3A_544, %dma_wait3A_551] : memref<2x3x40xi32, #tpu.memory_space<vmem>> -> memref<1x1x40xi32, #tpu.memory_space<vmem>>
      %dma_wait3A_553 = tpu.memref_squeeze %dma_wait3A_552 : memref<1x1x40xi32, #tpu.memory_space<vmem>> -> memref<40xi32, #tpu.memory_space<vmem>>
      %dma_wait3A_554 = arith.constant 0 : i32
      %dma_wait3A_555 = arith.constant 0 : i32
      %dma_wait3A_556 = tpu.memref_slice %arg2[%dma_wait3A_554, %dma_wait3A_555] : memref<10000x128xf32, #tpu.memory_space<hbm>> -> memref<10000x128xf32, #tpu.memory_space<hbm>>
      %dma_wait3A_557 = tpu.memref_slice %arg14[%dma_wait3A_546] : memref<4x!tpu.dma_semaphore, #tpu.memory_space<semaphore_mem>> -> memref<1x!tpu.dma_semaphore, #tpu.memory_space<semaphore_mem>>
      %dma_wait3A_558 = tpu.memref_squeeze %dma_wait3A_557 : memref<1x!tpu.dma_semaphore, #tpu.memory_space<semaphore_mem>> -> memref<!tpu.dma_semaphore, #tpu.memory_space<semaphore_mem>>
      tpu.wait_indirect_dma semaphore(%dma_wait3A_558 : memref<!tpu.dma_semaphore, #tpu.memory_space<semaphore_mem>>) src(%dma_wait3A_556 : memref<10000x128xf32, #tpu.memory_space<hbm>>) dst(%dma_wait3A_550 : memref<40x128xf32, #tpu.memory_space<vmem>>)
      %dma_wait3A_559 = arith.constant 1 : i32
      %dma_wait3A_560 = arith.constant 0 : i32
      %dma_wait3A_561 = arith.constant 1 : i32
      %dma_wait3A_562 = arith.constant 1 : i32
      %dma_wait3A_563 = arith.constant 0 : i32
      %dma_wait3A_564 = arith.constant 0 : i32
      %dma_wait3A_565 = tpu.memref_slice %arg11[%dma_wait3A_561, %dma_wait3A_563, %dma_wait3A_564] : memref<2x40x256xf32, #tpu.memory_space<vmem>> -> memref<1x40x256xf32, #tpu.memory_space<vmem>>
      %dma_wait3A_566 = tpu.memref_squeeze %dma_wait3A_565 : memref<1x40x256xf32, #tpu.memory_space<vmem>> -> memref<40x256xf32, #tpu.memory_space<vmem>>
      %dma_wait3A_567 = arith.constant 0 : i32
      %dma_wait3A_568 = tpu.memref_slice %arg8[%dma_wait3A_559, %dma_wait3A_560, %dma_wait3A_567] : memref<2x3x40xi32, #tpu.memory_space<vmem>> -> memref<1x1x40xi32, #tpu.memory_space<vmem>>
      %dma_wait3A_569 = tpu.memref_squeeze %dma_wait3A_568 : memref<1x1x40xi32, #tpu.memory_space<vmem>> -> memref<40xi32, #tpu.memory_space<vmem>>
      %dma_wait3A_570 = arith.constant 0 : i32
      %dma_wait3A_571 = arith.constant 0 : i32
      %dma_wait3A_572 = tpu.memref_slice %arg3[%dma_wait3A_570, %dma_wait3A_571] : memref<10000x256xf32, #tpu.memory_space<hbm>> -> memref<10000x256xf32, #tpu.memory_space<hbm>>
      %dma_wait3A_573 = tpu.memref_slice %arg14[%dma_wait3A_562] : memref<4x!tpu.dma_semaphore, #tpu.memory_space<semaphore_mem>> -> memref<1x!tpu.dma_semaphore, #tpu.memory_space<semaphore_mem>>
      %dma_wait3A_574 = tpu.memref_squeeze %dma_wait3A_573 : memref<1x!tpu.dma_semaphore, #tpu.memory_space<semaphore_mem>> -> memref<!tpu.dma_semaphore, #tpu.memory_space<semaphore_mem>>
      tpu.wait_indirect_dma semaphore(%dma_wait3A_574 : memref<!tpu.dma_semaphore, #tpu.memory_space<semaphore_mem>>) src(%dma_wait3A_572 : memref<10000x256xf32, #tpu.memory_space<hbm>>) dst(%dma_wait3A_566 : memref<40x256xf32, #tpu.memory_space<vmem>>)
      %dma_start3A_575 = arith.constant 1 : i32
      %dma_start3A_576 = arith.constant 2 : i32
      %dma_start3A_577 = arith.constant 1 : i32
      %dma_start3A_578 = arith.constant 1 : i32
      %dma_start3A_579 = arith.constant 0 : i32
      %dma_start3A_580 = arith.constant 0 : i32
      %dma_start3A_581 = tpu.memref_slice %arg11[%dma_start3A_577, %dma_start3A_579, %dma_start3A_580] : memref<2x40x256xf32, #tpu.memory_space<vmem>> -> memref<1x40x256xf32, #tpu.memory_space<vmem>>
      %dma_start3A_582 = tpu.memref_squeeze %dma_start3A_581 : memref<1x40x256xf32, #tpu.memory_space<vmem>> -> memref<40x256xf32, #tpu.memory_space<vmem>>
      %dma_start3A_583 = arith.constant 0 : i32
      %dma_start3A_584 = tpu.memref_slice %arg8[%dma_start3A_575, %dma_start3A_576, %dma_start3A_583] : memref<2x3x40xi32, #tpu.memory_space<vmem>> -> memref<1x1x40xi32, #tpu.memory_space<vmem>>
      %dma_start3A_585 = tpu.memref_squeeze %dma_start3A_584 : memref<1x1x40xi32, #tpu.memory_space<vmem>> -> memref<40xi32, #tpu.memory_space<vmem>>
      %dma_start3A_586 = arith.constant 0 : i32
      %dma_start3A_587 = arith.constant 0 : i32
      %dma_start3A_588 = tpu.memref_slice %arg13[%dma_start3A_586, %dma_start3A_587] : memref<200x256xf32, #tpu.memory_space<vmem_shared>> -> memref<200x256xf32, #tpu.memory_space<vmem_shared>>
      %dma_start3A_589 = tpu.memref_slice %arg14[%dma_start3A_578] : memref<4x!tpu.dma_semaphore, #tpu.memory_space<semaphore_mem>> -> memref<1x!tpu.dma_semaphore, #tpu.memory_space<semaphore_mem>>
      %dma_start3A_590 = tpu.memref_squeeze %dma_start3A_589 : memref<1x!tpu.dma_semaphore, #tpu.memory_space<semaphore_mem>> -> memref<!tpu.dma_semaphore, #tpu.memory_space<semaphore_mem>>
      tpu.enqueue_indirect_dma source(%dma_start3A_588 : memref<200x256xf32, #tpu.memory_space<vmem_shared>>) target(%dma_start3A_582 : memref<40x256xf32, #tpu.memory_space<vmem>>) offsets(%dma_start3A_585 : memref<40xi32, #tpu.memory_space<vmem>>) semaphore(%dma_start3A_590 : memref<!tpu.dma_semaphore, #tpu.memory_space<semaphore_mem>>) {add = true}
      %dma_wait3A_591 = arith.constant 0 : i32
      %dma_wait3A_592 = arith.constant 1 : i32
      %dma_wait3A_593 = arith.constant 3 : i32
      %dma_wait3A_594 = arith.constant 0 : i32
      %dma_wait3A_595 = tpu.memref_slice %arg8[%dma_wait3A_591, %dma_wait3A_592, %dma_wait3A_594] : memref<2x3x40xi32, #tpu.memory_space<vmem>> -> memref<1x1x40xi32, #tpu.memory_space<vmem>>
      %dma_wait3A_596 = tpu.memref_squeeze %dma_wait3A_595 : memref<1x1x40xi32, #tpu.memory_space<vmem>> -> memref<40xi32, #tpu.memory_space<vmem>>
      %dma_wait3A_597 = arith.constant 0 : i32
      %dma_wait3A_598 = arith.constant 0 : i32
      %dma_wait3A_599 = tpu.memref_slice %arg12[%dma_wait3A_597, %dma_wait3A_598] : memref<10080x144xf32, #tpu.memory_space<vmem_shared>> -> memref<10080x144xf32, #tpu.memory_space<vmem_shared>>
      %dma_wait3A_600 = tpu.memref_slice %arg14[%dma_wait3A_593] : memref<4x!tpu.dma_semaphore, #tpu.memory_space<semaphore_mem>> -> memref<1x!tpu.dma_semaphore, #tpu.memory_space<semaphore_mem>>
      %dma_wait3A_601 = tpu.memref_squeeze %dma_wait3A_600 : memref<1x!tpu.dma_semaphore, #tpu.memory_space<semaphore_mem>> -> memref<!tpu.dma_semaphore, #tpu.memory_space<semaphore_mem>>
      tpu.wait_indirect_dma semaphore(%dma_wait3A_601 : memref<!tpu.dma_semaphore, #tpu.memory_space<semaphore_mem>>) src(%arg9 : memref<40x144xf32, #tpu.memory_space<vmem>>) dst(%dma_wait3A_599 : memref<10080x144xf32, #tpu.memory_space<vmem_shared>>)
      %add3A_602 = arith.constant 2 : i32
      %add3A_603 = arith.addi %mul3A_327, %add3A_602 : i32
      %min3A = arith.constant 249 : i32
      %min3A_604 = arith.minsi %add3A_603, %min3A : i32
      %mul3A_605 = arith.constant 40 : i32
      %mul3A_606 = arith.muli %min3A_604, %mul3A_605 : i32
      %add3A_607 = arith.addi %mul3A_2, %mul3A_606 : i32
      %dma_start3A_608 = arith.constant 0 : i32
      %dma_start3A_609 = arith.constant 0 : i32
      %dma_start3A_610 = arith.constant 0 : i32
      %dma_start3A_611 = arith.constant 2 : i32
      %dma_start3A_612 = arith.constant 0 : i32
      %dma_start3A_613 = tpu.memref_slice %arg8[%dma_start3A_609, %dma_start3A_610, %dma_start3A_612] : memref<2x3x40xi32, #tpu.memory_space<vmem>> -> memref<1x1x40xi32, #tpu.memory_space<vmem>>
      %dma_start3A_614 = tpu.memref_squeeze %dma_start3A_613 : memref<1x1x40xi32, #tpu.memory_space<vmem>> -> memref<40xi32, #tpu.memory_space<vmem>>
      %dma_start3A_615 = tpu.memref_slice %arg5[%dma_start3A_608, %add3A_607] : memref<2x320000xi32, #tpu.memory_space<hbm>> -> memref<1x40xi32, #tpu.memory_space<hbm>>
      %dma_start3A_616 = tpu.memref_squeeze %dma_start3A_615 : memref<1x40xi32, #tpu.memory_space<hbm>> -> memref<40xi32, #tpu.memory_space<hbm>>
      %dma_start3A_617 = tpu.memref_slice %arg14[%dma_start3A_611] : memref<4x!tpu.dma_semaphore, #tpu.memory_space<semaphore_mem>> -> memref<1x!tpu.dma_semaphore, #tpu.memory_space<semaphore_mem>>
      %dma_start3A_618 = tpu.memref_squeeze %dma_start3A_617 : memref<1x!tpu.dma_semaphore, #tpu.memory_space<semaphore_mem>> -> memref<!tpu.dma_semaphore, #tpu.memory_space<semaphore_mem>>
      %dma_start3A_619 = arith.constant 0 : i32
      %dma_start3A_620 = tpu.memref_slice %arg8[%dma_start3A_609, %dma_start3A_610, %dma_start3A_619] : memref<2x3x40xi32, #tpu.memory_space<vmem>> -> memref<1x1x40xi32, #tpu.memory_space<vmem>>
      %dma_start3A_621 = tpu.memref_squeeze %dma_start3A_620 : memref<1x1x40xi32, #tpu.memory_space<vmem>> -> memref<40xi32, #tpu.memory_space<vmem>>
      %dma_start3A_622 = tpu.memref_slice %arg5[%dma_start3A_608, %add3A_607] : memref<2x320000xi32, #tpu.memory_space<hbm>> -> memref<1x40xi32, #tpu.memory_space<hbm>>
      %dma_start3A_623 = tpu.memref_squeeze %dma_start3A_622 : memref<1x40xi32, #tpu.memory_space<hbm>> -> memref<40xi32, #tpu.memory_space<hbm>>
      tpu.enqueue_dma source(%dma_start3A_623 : memref<40xi32, #tpu.memory_space<hbm>>) target(%dma_start3A_621 : memref<40xi32, #tpu.memory_space<vmem>>) target_semaphore(%dma_start3A_618 : memref<!tpu.dma_semaphore, #tpu.memory_space<semaphore_mem>>)
      %dma_start3A_624 = arith.constant 1 : i32
      %dma_start3A_625 = arith.constant 0 : i32
      %dma_start3A_626 = arith.constant 1 : i32
      %dma_start3A_627 = arith.constant 2 : i32
      %dma_start3A_628 = arith.constant 0 : i32
      %dma_start3A_629 = tpu.memref_slice %arg8[%dma_start3A_625, %dma_start3A_626, %dma_start3A_628] : memref<2x3x40xi32, #tpu.memory_space<vmem>> -> memref<1x1x40xi32, #tpu.memory_space<vmem>>
      %dma_start3A_630 = tpu.memref_squeeze %dma_start3A_629 : memref<1x1x40xi32, #tpu.memory_space<vmem>> -> memref<40xi32, #tpu.memory_space<vmem>>
      %dma_start3A_631 = tpu.memref_slice %arg5[%dma_start3A_624, %add3A_607] : memref<2x320000xi32, #tpu.memory_space<hbm>> -> memref<1x40xi32, #tpu.memory_space<hbm>>
      %dma_start3A_632 = tpu.memref_squeeze %dma_start3A_631 : memref<1x40xi32, #tpu.memory_space<hbm>> -> memref<40xi32, #tpu.memory_space<hbm>>
      %dma_start3A_633 = tpu.memref_slice %arg14[%dma_start3A_627] : memref<4x!tpu.dma_semaphore, #tpu.memory_space<semaphore_mem>> -> memref<1x!tpu.dma_semaphore, #tpu.memory_space<semaphore_mem>>
      %dma_start3A_634 = tpu.memref_squeeze %dma_start3A_633 : memref<1x!tpu.dma_semaphore, #tpu.memory_space<semaphore_mem>> -> memref<!tpu.dma_semaphore, #tpu.memory_space<semaphore_mem>>
      %dma_start3A_635 = arith.constant 0 : i32
      %dma_start3A_636 = tpu.memref_slice %arg8[%dma_start3A_625, %dma_start3A_626, %dma_start3A_635] : memref<2x3x40xi32, #tpu.memory_space<vmem>> -> memref<1x1x40xi32, #tpu.memory_space<vmem>>
      %dma_start3A_637 = tpu.memref_squeeze %dma_start3A_636 : memref<1x1x40xi32, #tpu.memory_space<vmem>> -> memref<40xi32, #tpu.memory_space<vmem>>
      %dma_start3A_638 = tpu.memref_slice %arg5[%dma_start3A_624, %add3A_607] : memref<2x320000xi32, #tpu.memory_space<hbm>> -> memref<1x40xi32, #tpu.memory_space<hbm>>
      %dma_start3A_639 = tpu.memref_squeeze %dma_start3A_638 : memref<1x40xi32, #tpu.memory_space<hbm>> -> memref<40xi32, #tpu.memory_space<hbm>>
      tpu.enqueue_dma source(%dma_start3A_639 : memref<40xi32, #tpu.memory_space<hbm>>) target(%dma_start3A_637 : memref<40xi32, #tpu.memory_space<vmem>>) target_semaphore(%dma_start3A_634 : memref<!tpu.dma_semaphore, #tpu.memory_space<semaphore_mem>>)
      %dma_start3A_640 = arith.constant 0 : i32
      %dma_start3A_641 = arith.constant 2 : i32
      %dma_start3A_642 = arith.constant 2 : i32
      %dma_start3A_643 = arith.constant 0 : i32
      %dma_start3A_644 = tpu.memref_slice %arg8[%dma_start3A_640, %dma_start3A_641, %dma_start3A_643] : memref<2x3x40xi32, #tpu.memory_space<vmem>> -> memref<1x1x40xi32, #tpu.memory_space<vmem>>
      %dma_start3A_645 = tpu.memref_squeeze %dma_start3A_644 : memref<1x1x40xi32, #tpu.memory_space<vmem>> -> memref<40xi32, #tpu.memory_space<vmem>>
      %dma_start3A_646 = tpu.memref_slice %arg6[%add3A_607] : memref<320000xi32, #tpu.memory_space<hbm>> -> memref<40xi32, #tpu.memory_space<hbm>>
      %dma_start3A_647 = tpu.memref_slice %arg14[%dma_start3A_642] : memref<4x!tpu.dma_semaphore, #tpu.memory_space<semaphore_mem>> -> memref<1x!tpu.dma_semaphore, #tpu.memory_space<semaphore_mem>>
      %dma_start3A_648 = tpu.memref_squeeze %dma_start3A_647 : memref<1x!tpu.dma_semaphore, #tpu.memory_space<semaphore_mem>> -> memref<!tpu.dma_semaphore, #tpu.memory_space<semaphore_mem>>
      %dma_start3A_649 = arith.constant 0 : i32
      %dma_start3A_650 = tpu.memref_slice %arg8[%dma_start3A_640, %dma_start3A_641, %dma_start3A_649] : memref<2x3x40xi32, #tpu.memory_space<vmem>> -> memref<1x1x40xi32, #tpu.memory_space<vmem>>
      %dma_start3A_651 = tpu.memref_squeeze %dma_start3A_650 : memref<1x1x40xi32, #tpu.memory_space<vmem>> -> memref<40xi32, #tpu.memory_space<vmem>>
      %dma_start3A_652 = tpu.memref_slice %arg6[%add3A_607] : memref<320000xi32, #tpu.memory_space<hbm>> -> memref<40xi32, #tpu.memory_space<hbm>>
      tpu.enqueue_dma source(%dma_start3A_652 : memref<40xi32, #tpu.memory_space<hbm>>) target(%dma_start3A_651 : memref<40xi32, #tpu.memory_space<vmem>>) target_semaphore(%dma_start3A_648 : memref<!tpu.dma_semaphore, #tpu.memory_space<semaphore_mem>>)
      %dma_wait3A_653 = arith.constant 0 : i32
      %dma_wait3A_654 = arith.constant 0 : i32
      %dma_wait3A_655 = arith.constant 0 : i32
      %dma_wait3A_656 = arith.constant 2 : i32
      %dma_wait3A_657 = arith.constant 0 : i32
      %dma_wait3A_658 = tpu.memref_slice %arg8[%dma_wait3A_654, %dma_wait3A_655, %dma_wait3A_657] : memref<2x3x40xi32, #tpu.memory_space<vmem>> -> memref<1x1x40xi32, #tpu.memory_space<vmem>>
      %dma_wait3A_659 = tpu.memref_squeeze %dma_wait3A_658 : memref<1x1x40xi32, #tpu.memory_space<vmem>> -> memref<40xi32, #tpu.memory_space<vmem>>
      %dma_wait3A_660 = tpu.memref_slice %arg5[%dma_wait3A_653, %add3A_607] : memref<2x320000xi32, #tpu.memory_space<hbm>> -> memref<1x40xi32, #tpu.memory_space<hbm>>
      %dma_wait3A_661 = tpu.memref_squeeze %dma_wait3A_660 : memref<1x40xi32, #tpu.memory_space<hbm>> -> memref<40xi32, #tpu.memory_space<hbm>>
      %dma_wait3A_662 = tpu.memref_slice %arg14[%dma_wait3A_656] : memref<4x!tpu.dma_semaphore, #tpu.memory_space<semaphore_mem>> -> memref<1x!tpu.dma_semaphore, #tpu.memory_space<semaphore_mem>>
      %dma_wait3A_663 = tpu.memref_squeeze %dma_wait3A_662 : memref<1x!tpu.dma_semaphore, #tpu.memory_space<semaphore_mem>> -> memref<!tpu.dma_semaphore, #tpu.memory_space<semaphore_mem>>
      %dma_wait3A_664 = arith.constant 0 : i32
      %dma_wait3A_665 = tpu.memref_slice %arg8[%dma_wait3A_654, %dma_wait3A_655, %dma_wait3A_664] : memref<2x3x40xi32, #tpu.memory_space<vmem>> -> memref<1x1x40xi32, #tpu.memory_space<vmem>>
      %dma_wait3A_666 = tpu.memref_squeeze %dma_wait3A_665 : memref<1x1x40xi32, #tpu.memory_space<vmem>> -> memref<40xi32, #tpu.memory_space<vmem>>
      %dma_wait3A_667 = tpu.memref_slice %arg5[%dma_wait3A_653, %add3A_607] : memref<2x320000xi32, #tpu.memory_space<hbm>> -> memref<1x40xi32, #tpu.memory_space<hbm>>
      %dma_wait3A_668 = tpu.memref_squeeze %dma_wait3A_667 : memref<1x40xi32, #tpu.memory_space<hbm>> -> memref<40xi32, #tpu.memory_space<hbm>>
      tpu.wait_dma2 semaphore(%dma_wait3A_663 : memref<!tpu.dma_semaphore, #tpu.memory_space<semaphore_mem>>) src(%dma_wait3A_668 : memref<40xi32, #tpu.memory_space<hbm>>) dst(%dma_wait3A_666 : memref<40xi32, #tpu.memory_space<vmem>>)
      %dma_wait3A_669 = arith.constant 1 : i32
      %dma_wait3A_670 = arith.constant 0 : i32
      %dma_wait3A_671 = arith.constant 1 : i32
      %dma_wait3A_672 = arith.constant 2 : i32
      %dma_wait3A_673 = arith.constant 0 : i32
      %dma_wait3A_674 = tpu.memref_slice %arg8[%dma_wait3A_670, %dma_wait3A_671, %dma_wait3A_673] : memref<2x3x40xi32, #tpu.memory_space<vmem>> -> memref<1x1x40xi32, #tpu.memory_space<vmem>>
      %dma_wait3A_675 = tpu.memref_squeeze %dma_wait3A_674 : memref<1x1x40xi32, #tpu.memory_space<vmem>> -> memref<40xi32, #tpu.memory_space<vmem>>
      %dma_wait3A_676 = tpu.memref_slice %arg5[%dma_wait3A_669, %add3A_607] : memref<2x320000xi32, #tpu.memory_space<hbm>> -> memref<1x40xi32, #tpu.memory_space<hbm>>
      %dma_wait3A_677 = tpu.memref_squeeze %dma_wait3A_676 : memref<1x40xi32, #tpu.memory_space<hbm>> -> memref<40xi32, #tpu.memory_space<hbm>>
      %dma_wait3A_678 = tpu.memref_slice %arg14[%dma_wait3A_672] : memref<4x!tpu.dma_semaphore, #tpu.memory_space<semaphore_mem>> -> memref<1x!tpu.dma_semaphore, #tpu.memory_space<semaphore_mem>>
      %dma_wait3A_679 = tpu.memref_squeeze %dma_wait3A_678 : memref<1x!tpu.dma_semaphore, #tpu.memory_space<semaphore_mem>> -> memref<!tpu.dma_semaphore, #tpu.memory_space<semaphore_mem>>
      %dma_wait3A_680 = arith.constant 0 : i32
      %dma_wait3A_681 = tpu.memref_slice %arg8[%dma_wait3A_670, %dma_wait3A_671, %dma_wait3A_680] : memref<2x3x40xi32, #tpu.memory_space<vmem>> -> memref<1x1x40xi32, #tpu.memory_space<vmem>>
      %dma_wait3A_682 = tpu.memref_squeeze %dma_wait3A_681 : memref<1x1x40xi32, #tpu.memory_space<vmem>> -> memref<40xi32, #tpu.memory_space<vmem>>
      %dma_wait3A_683 = tpu.memref_slice %arg5[%dma_wait3A_669, %add3A_607] : memref<2x320000xi32, #tpu.memory_space<hbm>> -> memref<1x40xi32, #tpu.memory_space<hbm>>
      %dma_wait3A_684 = tpu.memref_squeeze %dma_wait3A_683 : memref<1x40xi32, #tpu.memory_space<hbm>> -> memref<40xi32, #tpu.memory_space<hbm>>
      tpu.wait_dma2 semaphore(%dma_wait3A_679 : memref<!tpu.dma_semaphore, #tpu.memory_space<semaphore_mem>>) src(%dma_wait3A_684 : memref<40xi32, #tpu.memory_space<hbm>>) dst(%dma_wait3A_682 : memref<40xi32, #tpu.memory_space<vmem>>)
      %dma_wait3A_685 = arith.constant 0 : i32
      %dma_wait3A_686 = arith.constant 2 : i32
      %dma_wait3A_687 = arith.constant 2 : i32
      %dma_wait3A_688 = arith.constant 0 : i32
      %dma_wait3A_689 = tpu.memref_slice %arg8[%dma_wait3A_685, %dma_wait3A_686, %dma_wait3A_688] : memref<2x3x40xi32, #tpu.memory_space<vmem>> -> memref<1x1x40xi32, #tpu.memory_space<vmem>>
      %dma_wait3A_690 = tpu.memref_squeeze %dma_wait3A_689 : memref<1x1x40xi32, #tpu.memory_space<vmem>> -> memref<40xi32, #tpu.memory_space<vmem>>
      %dma_wait3A_691 = tpu.memref_slice %arg6[%add3A_607] : memref<320000xi32, #tpu.memory_space<hbm>> -> memref<40xi32, #tpu.memory_space<hbm>>
      %dma_wait3A_692 = tpu.memref_slice %arg14[%dma_wait3A_687] : memref<4x!tpu.dma_semaphore, #tpu.memory_space<semaphore_mem>> -> memref<1x!tpu.dma_semaphore, #tpu.memory_space<semaphore_mem>>
      %dma_wait3A_693 = tpu.memref_squeeze %dma_wait3A_692 : memref<1x!tpu.dma_semaphore, #tpu.memory_space<semaphore_mem>> -> memref<!tpu.dma_semaphore, #tpu.memory_space<semaphore_mem>>
      %dma_wait3A_694 = arith.constant 0 : i32
      %dma_wait3A_695 = tpu.memref_slice %arg8[%dma_wait3A_685, %dma_wait3A_686, %dma_wait3A_694] : memref<2x3x40xi32, #tpu.memory_space<vmem>> -> memref<1x1x40xi32, #tpu.memory_space<vmem>>
      %dma_wait3A_696 = tpu.memref_squeeze %dma_wait3A_695 : memref<1x1x40xi32, #tpu.memory_space<vmem>> -> memref<40xi32, #tpu.memory_space<vmem>>
      %dma_wait3A_697 = tpu.memref_slice %arg6[%add3A_607] : memref<320000xi32, #tpu.memory_space<hbm>> -> memref<40xi32, #tpu.memory_space<hbm>>
      tpu.wait_dma2 semaphore(%dma_wait3A_693 : memref<!tpu.dma_semaphore, #tpu.memory_space<semaphore_mem>>) src(%dma_wait3A_697 : memref<40xi32, #tpu.memory_space<hbm>>) dst(%dma_wait3A_696 : memref<40xi32, #tpu.memory_space<vmem>>)
      %dma_start3A_698 = arith.constant 0 : i32
      %dma_start3A_699 = arith.constant 1 : i32
      %dma_start3A_700 = arith.constant 0 : i32
      %dma_start3A_701 = arith.constant 0 : i32
      %dma_start3A_702 = arith.constant 0 : i32
      %dma_start3A_703 = arith.constant 0 : i32
      %dma_start3A_704 = tpu.memref_slice %arg10[%dma_start3A_700, %dma_start3A_702, %dma_start3A_703] : memref<2x40x128xf32, #tpu.memory_space<vmem>> -> memref<1x40x128xf32, #tpu.memory_space<vmem>>
      %dma_start3A_705 = tpu.memref_squeeze %dma_start3A_704 : memref<1x40x128xf32, #tpu.memory_space<vmem>> -> memref<40x128xf32, #tpu.memory_space<vmem>>
      %dma_start3A_706 = arith.constant 0 : i32
      %dma_start3A_707 = tpu.memref_slice %arg8[%dma_start3A_698, %dma_start3A_699, %dma_start3A_706] : memref<2x3x40xi32, #tpu.memory_space<vmem>> -> memref<1x1x40xi32, #tpu.memory_space<vmem>>
      %dma_start3A_708 = tpu.memref_squeeze %dma_start3A_707 : memref<1x1x40xi32, #tpu.memory_space<vmem>> -> memref<40xi32, #tpu.memory_space<vmem>>
      %dma_start3A_709 = arith.constant 0 : i32
      %dma_start3A_710 = arith.constant 0 : i32
      %dma_start3A_711 = tpu.memref_slice %arg2[%dma_start3A_709, %dma_start3A_710] : memref<10000x128xf32, #tpu.memory_space<hbm>> -> memref<10000x128xf32, #tpu.memory_space<hbm>>
      %dma_start3A_712 = tpu.memref_slice %arg14[%dma_start3A_701] : memref<4x!tpu.dma_semaphore, #tpu.memory_space<semaphore_mem>> -> memref<1x!tpu.dma_semaphore, #tpu.memory_space<semaphore_mem>>
      %dma_start3A_713 = tpu.memref_squeeze %dma_start3A_712 : memref<1x!tpu.dma_semaphore, #tpu.memory_space<semaphore_mem>> -> memref<!tpu.dma_semaphore, #tpu.memory_space<semaphore_mem>>
      tpu.enqueue_indirect_dma source(%dma_start3A_711 : memref<10000x128xf32, #tpu.memory_space<hbm>>) target(%dma_start3A_705 : memref<40x128xf32, #tpu.memory_space<vmem>>) offsets(%dma_start3A_708 : memref<40xi32, #tpu.memory_space<vmem>>) semaphore(%dma_start3A_713 : memref<!tpu.dma_semaphore, #tpu.memory_space<semaphore_mem>>)
      %dma_start3A_714 = arith.constant 0 : i32
      %dma_start3A_715 = arith.constant 0 : i32
      %dma_start3A_716 = arith.constant 0 : i32
      %dma_start3A_717 = arith.constant 0 : i32
      %dma_start3A_718 = arith.constant 0 : i32
      %dma_start3A_719 = arith.constant 0 : i32
      %dma_start3A_720 = tpu.memref_slice %arg11[%dma_start3A_716, %dma_start3A_718, %dma_start3A_719] : memref<2x40x256xf32, #tpu.memory_space<vmem>> -> memref<1x40x256xf32, #tpu.memory_space<vmem>>
      %dma_start3A_721 = tpu.memref_squeeze %dma_start3A_720 : memref<1x40x256xf32, #tpu.memory_space<vmem>> -> memref<40x256xf32, #tpu.memory_space<vmem>>
      %dma_start3A_722 = arith.constant 0 : i32
      %dma_start3A_723 = tpu.memref_slice %arg8[%dma_start3A_714, %dma_start3A_715, %dma_start3A_722] : memref<2x3x40xi32, #tpu.memory_space<vmem>> -> memref<1x1x40xi32, #tpu.memory_space<vmem>>
      %dma_start3A_724 = tpu.memref_squeeze %dma_start3A_723 : memref<1x1x40xi32, #tpu.memory_space<vmem>> -> memref<40xi32, #tpu.memory_space<vmem>>
      %dma_start3A_725 = arith.constant 0 : i32
      %dma_start3A_726 = arith.constant 0 : i32
      %dma_start3A_727 = tpu.memref_slice %arg3[%dma_start3A_725, %dma_start3A_726] : memref<10000x256xf32, #tpu.memory_space<hbm>> -> memref<10000x256xf32, #tpu.memory_space<hbm>>
      %dma_start3A_728 = tpu.memref_slice %arg14[%dma_start3A_717] : memref<4x!tpu.dma_semaphore, #tpu.memory_space<semaphore_mem>> -> memref<1x!tpu.dma_semaphore, #tpu.memory_space<semaphore_mem>>
      %dma_start3A_729 = tpu.memref_squeeze %dma_start3A_728 : memref<1x!tpu.dma_semaphore, #tpu.memory_space<semaphore_mem>> -> memref<!tpu.dma_semaphore, #tpu.memory_space<semaphore_mem>>
      tpu.enqueue_indirect_dma source(%dma_start3A_727 : memref<10000x256xf32, #tpu.memory_space<hbm>>) target(%dma_start3A_721 : memref<40x256xf32, #tpu.memory_space<vmem>>) offsets(%dma_start3A_724 : memref<40xi32, #tpu.memory_space<vmem>>) semaphore(%dma_start3A_729 : memref<!tpu.dma_semaphore, #tpu.memory_space<semaphore_mem>>)
      %dma_wait3A_730 = arith.constant 1 : i32
      %dma_wait3A_731 = arith.constant 2 : i32
      %dma_wait3A_732 = arith.constant 1 : i32
      %dma_wait3A_733 = arith.constant 1 : i32
      %dma_wait3A_734 = arith.constant 0 : i32
      %dma_wait3A_735 = arith.constant 0 : i32
      %dma_wait3A_736 = tpu.memref_slice %arg11[%dma_wait3A_732, %dma_wait3A_734, %dma_wait3A_735] : memref<2x40x256xf32, #tpu.memory_space<vmem>> -> memref<1x40x256xf32, #tpu.memory_space<vmem>>
      %dma_wait3A_737 = tpu.memref_squeeze %dma_wait3A_736 : memref<1x40x256xf32, #tpu.memory_space<vmem>> -> memref<40x256xf32, #tpu.memory_space<vmem>>
      %dma_wait3A_738 = arith.constant 0 : i32
      %dma_wait3A_739 = tpu.memref_slice %arg8[%dma_wait3A_730, %dma_wait3A_731, %dma_wait3A_738] : memref<2x3x40xi32, #tpu.memory_space<vmem>> -> memref<1x1x40xi32, #tpu.memory_space<vmem>>
      %dma_wait3A_740 = tpu.memref_squeeze %dma_wait3A_739 : memref<1x1x40xi32, #tpu.memory_space<vmem>> -> memref<40xi32, #tpu.memory_space<vmem>>
      %dma_wait3A_741 = arith.constant 0 : i32
      %dma_wait3A_742 = arith.constant 0 : i32
      %dma_wait3A_743 = tpu.memref_slice %arg13[%dma_wait3A_741, %dma_wait3A_742] : memref<200x256xf32, #tpu.memory_space<vmem_shared>> -> memref<200x256xf32, #tpu.memory_space<vmem_shared>>
      %dma_wait3A_744 = tpu.memref_slice %arg14[%dma_wait3A_733] : memref<4x!tpu.dma_semaphore, #tpu.memory_space<semaphore_mem>> -> memref<1x!tpu.dma_semaphore, #tpu.memory_space<semaphore_mem>>
      %dma_wait3A_745 = tpu.memref_squeeze %dma_wait3A_744 : memref<1x!tpu.dma_semaphore, #tpu.memory_space<semaphore_mem>> -> memref<!tpu.dma_semaphore, #tpu.memory_space<semaphore_mem>>
      tpu.wait_indirect_dma semaphore(%dma_wait3A_745 : memref<!tpu.dma_semaphore, #tpu.memory_space<semaphore_mem>>) src(%dma_wait3A_743 : memref<200x256xf32, #tpu.memory_space<vmem_shared>>) dst(%dma_wait3A_737 : memref<40x256xf32, #tpu.memory_space<vmem>>)
      %parallel_loop3A_746 = arith.constant 0 : i32
      %parallel_loop3A_747 = arith.constant 40 : i32
      %parallel_loop3A_748 = arith.constant 1 : i32
      scf.for %parallel_loop3A_761 = %parallel_loop3A_746 to %parallel_loop3A_747 step %parallel_loop3A_748  : i32 {
        %parallel_loop3A_762 = arith.constant 1 : i32
        %parallel_loop3A_763 = arith.index_cast %parallel_loop3A_762 : i32 to index
        %parallel_loop3A_764 = arith.index_cast %parallel_loop3A_761 : i32 to index
        %parallel_loop3A_765 = arith.constant 0 : index
        %parallel_loop3A_766 = tpu.vector_load %arg10[%parallel_loop3A_763, %parallel_loop3A_764, %parallel_loop3A_765] {strides = array<i32>} : memref<2x40x128xf32, #tpu.memory_space<vmem>>, vector<16xf32>,
        %parallel_loop3A_767 = arith.constant 1 : i32
        %parallel_loop3A_768 = arith.index_cast %parallel_loop3A_767 : i32 to index
        %parallel_loop3A_769 = arith.index_cast %parallel_loop3A_761 : i32 to index
        %parallel_loop3A_770 = arith.constant 0 : index
        %parallel_loop3A_771 = tpu.vector_load %arg11[%parallel_loop3A_768, %parallel_loop3A_769, %parallel_loop3A_770] {strides = array<i32>} : memref<2x40x256xf32, #tpu.memory_space<vmem>>, vector<16xf32>,
        %parallel_loop3A_772 = arith.mulf %parallel_loop3A_766, %parallel_loop3A_771 : vector<16xf32>
        %parallel_loop3A_773 = arith.constant 1 : i32
        %parallel_loop3A_774 = arith.index_cast %parallel_loop3A_773 : i32 to index
        %parallel_loop3A_775 = arith.index_cast %parallel_loop3A_761 : i32 to index
        %parallel_loop3A_776 = arith.constant 16 : index
        %parallel_loop3A_777 = tpu.vector_load %arg10[%parallel_loop3A_774, %parallel_loop3A_775, %parallel_loop3A_776] {strides = array<i32>} : memref<2x40x128xf32, #tpu.memory_space<vmem>>, vector<16xf32>,
        %parallel_loop3A_778 = arith.constant 1 : i32
        %parallel_loop3A_779 = arith.index_cast %parallel_loop3A_778 : i32 to index
        %parallel_loop3A_780 = arith.index_cast %parallel_loop3A_761 : i32 to index
        %parallel_loop3A_781 = arith.constant 16 : index
        %parallel_loop3A_782 = tpu.vector_load %arg11[%parallel_loop3A_779, %parallel_loop3A_780, %parallel_loop3A_781] {strides = array<i32>} : memref<2x40x256xf32, #tpu.memory_space<vmem>>, vector<16xf32>,
        %parallel_loop3A_783 = arith.mulf %parallel_loop3A_777, %parallel_loop3A_782 : vector<16xf32>
        %parallel_loop3A_784 = arith.constant 1 : i32
        %parallel_loop3A_785 = arith.index_cast %parallel_loop3A_784 : i32 to index
        %parallel_loop3A_786 = arith.index_cast %parallel_loop3A_761 : i32 to index
        %parallel_loop3A_787 = arith.constant 32 : index
        %parallel_loop3A_788 = tpu.vector_load %arg10[%parallel_loop3A_785, %parallel_loop3A_786, %parallel_loop3A_787] {strides = array<i32>} : memref<2x40x128xf32, #tpu.memory_space<vmem>>, vector<16xf32>,
        %parallel_loop3A_789 = arith.constant 1 : i32
        %parallel_loop3A_790 = arith.index_cast %parallel_loop3A_789 : i32 to index
        %parallel_loop3A_791 = arith.index_cast %parallel_loop3A_761 : i32 to index
        %parallel_loop3A_792 = arith.constant 32 : index
        %parallel_loop3A_793 = tpu.vector_load %arg11[%parallel_loop3A_790, %parallel_loop3A_791, %parallel_loop3A_792] {strides = array<i32>} : memref<2x40x256xf32, #tpu.memory_space<vmem>>, vector<16xf32>,
        %parallel_loop3A_794 = arith.mulf %parallel_loop3A_788, %parallel_loop3A_793 : vector<16xf32>
        %parallel_loop3A_795 = arith.constant 1 : i32
        %parallel_loop3A_796 = arith.index_cast %parallel_loop3A_795 : i32 to index
        %parallel_loop3A_797 = arith.index_cast %parallel_loop3A_761 : i32 to index
        %parallel_loop3A_798 = arith.constant 48 : index
        %parallel_loop3A_799 = tpu.vector_load %arg10[%parallel_loop3A_796, %parallel_loop3A_797, %parallel_loop3A_798] {strides = array<i32>} : memref<2x40x128xf32, #tpu.memory_space<vmem>>, vector<16xf32>,
        %parallel_loop3A_800 = arith.constant 1 : i32
        %parallel_loop3A_801 = arith.index_cast %parallel_loop3A_800 : i32 to index
        %parallel_loop3A_802 = arith.index_cast %parallel_loop3A_761 : i32 to index
        %parallel_loop3A_803 = arith.constant 48 : index
        %parallel_loop3A_804 = tpu.vector_load %arg11[%parallel_loop3A_801, %parallel_loop3A_802, %parallel_loop3A_803] {strides = array<i32>} : memref<2x40x256xf32, #tpu.memory_space<vmem>>, vector<16xf32>,
        %parallel_loop3A_805 = arith.mulf %parallel_loop3A_799, %parallel_loop3A_804 : vector<16xf32>
        %parallel_loop3A_806 = arith.constant 1 : i32
        %parallel_loop3A_807 = arith.index_cast %parallel_loop3A_806 : i32 to index
        %parallel_loop3A_808 = arith.index_cast %parallel_loop3A_761 : i32 to index
        %parallel_loop3A_809 = arith.constant 64 : index
        %parallel_loop3A_810 = tpu.vector_load %arg10[%parallel_loop3A_807, %parallel_loop3A_808, %parallel_loop3A_809] {strides = array<i32>} : memref<2x40x128xf32, #tpu.memory_space<vmem>>, vector<16xf32>,
        %parallel_loop3A_811 = arith.constant 1 : i32
        %parallel_loop3A_812 = arith.index_cast %parallel_loop3A_811 : i32 to index
        %parallel_loop3A_813 = arith.index_cast %parallel_loop3A_761 : i32 to index
        %parallel_loop3A_814 = arith.constant 64 : index
        %parallel_loop3A_815 = tpu.vector_load %arg11[%parallel_loop3A_812, %parallel_loop3A_813, %parallel_loop3A_814] {strides = array<i32>} : memref<2x40x256xf32, #tpu.memory_space<vmem>>, vector<16xf32>,
        %parallel_loop3A_816 = arith.mulf %parallel_loop3A_810, %parallel_loop3A_815 : vector<16xf32>
        %parallel_loop3A_817 = arith.constant 1 : i32
        %parallel_loop3A_818 = arith.index_cast %parallel_loop3A_817 : i32 to index
        %parallel_loop3A_819 = arith.index_cast %parallel_loop3A_761 : i32 to index
        %parallel_loop3A_820 = arith.constant 80 : index
        %parallel_loop3A_821 = tpu.vector_load %arg10[%parallel_loop3A_818, %parallel_loop3A_819, %parallel_loop3A_820] {strides = array<i32>} : memref<2x40x128xf32, #tpu.memory_space<vmem>>, vector<16xf32>,
        %parallel_loop3A_822 = arith.constant 1 : i32
        %parallel_loop3A_823 = arith.index_cast %parallel_loop3A_822 : i32 to index
        %parallel_loop3A_824 = arith.index_cast %parallel_loop3A_761 : i32 to index
        %parallel_loop3A_825 = arith.constant 80 : index
        %parallel_loop3A_826 = tpu.vector_load %arg11[%parallel_loop3A_823, %parallel_loop3A_824, %parallel_loop3A_825] {strides = array<i32>} : memref<2x40x256xf32, #tpu.memory_space<vmem>>, vector<16xf32>,
        %parallel_loop3A_827 = arith.mulf %parallel_loop3A_821, %parallel_loop3A_826 : vector<16xf32>
        %parallel_loop3A_828 = arith.constant 1 : i32
        %parallel_loop3A_829 = arith.index_cast %parallel_loop3A_828 : i32 to index
        %parallel_loop3A_830 = arith.index_cast %parallel_loop3A_761 : i32 to index
        %parallel_loop3A_831 = arith.constant 96 : index
        %parallel_loop3A_832 = tpu.vector_load %arg10[%parallel_loop3A_829, %parallel_loop3A_830, %parallel_loop3A_831] {strides = array<i32>} : memref<2x40x128xf32, #tpu.memory_space<vmem>>, vector<16xf32>,
        %parallel_loop3A_833 = arith.constant 1 : i32
        %parallel_loop3A_834 = arith.index_cast %parallel_loop3A_833 : i32 to index
        %parallel_loop3A_835 = arith.index_cast %parallel_loop3A_761 : i32 to index
        %parallel_loop3A_836 = arith.constant 96 : index
        %parallel_loop3A_837 = tpu.vector_load %arg11[%parallel_loop3A_834, %parallel_loop3A_835, %parallel_loop3A_836] {strides = array<i32>} : memref<2x40x256xf32, #tpu.memory_space<vmem>>, vector<16xf32>,
        %parallel_loop3A_838 = arith.mulf %parallel_loop3A_832, %parallel_loop3A_837 : vector<16xf32>
        %parallel_loop3A_839 = arith.constant 1 : i32
        %parallel_loop3A_840 = arith.index_cast %parallel_loop3A_839 : i32 to index
        %parallel_loop3A_841 = arith.index_cast %parallel_loop3A_761 : i32 to index
        %parallel_loop3A_842 = arith.constant 112 : index
        %parallel_loop3A_843 = tpu.vector_load %arg10[%parallel_loop3A_840, %parallel_loop3A_841, %parallel_loop3A_842] {strides = array<i32>} : memref<2x40x128xf32, #tpu.memory_space<vmem>>, vector<16xf32>,
        %parallel_loop3A_844 = arith.constant 1 : i32
        %parallel_loop3A_845 = arith.index_cast %parallel_loop3A_844 : i32 to index
        %parallel_loop3A_846 = arith.index_cast %parallel_loop3A_761 : i32 to index
        %parallel_loop3A_847 = arith.constant 112 : index
        %parallel_loop3A_848 = tpu.vector_load %arg11[%parallel_loop3A_845, %parallel_loop3A_846, %parallel_loop3A_847] {strides = array<i32>} : memref<2x40x256xf32, #tpu.memory_space<vmem>>, vector<16xf32>,
        %parallel_loop3A_849 = arith.mulf %parallel_loop3A_843, %parallel_loop3A_848 : vector<16xf32>
        %parallel_loop3A_850 = vector.shape_cast %xor3A_56 : vector<16xi32> to vector<16x1xi32>
        %parallel_loop3A_851 = vector.shape_cast %parallel_loop3A_850 : vector<16x1xi32> to vector<16xi32>
        %parallel_loop3A_852 = tpu.dynamic_gather %parallel_loop3A_772[%parallel_loop3A_851] in [0] : vector<16xf32>, vector<16xi32> -> vector<16xf32>
        %parallel_loop3A_853 = arith.addf %parallel_loop3A_772, %parallel_loop3A_852 : vector<16xf32>
        %parallel_loop3A_854 = vector.shape_cast %xor3A_56 : vector<16xi32> to vector<16x1xi32>
        %parallel_loop3A_855 = vector.shape_cast %parallel_loop3A_854 : vector<16x1xi32> to vector<16xi32>
        %parallel_loop3A_856 = tpu.dynamic_gather %parallel_loop3A_783[%parallel_loop3A_855] in [0] : vector<16xf32>, vector<16xi32> -> vector<16xf32>
        %parallel_loop3A_857 = arith.addf %parallel_loop3A_783, %parallel_loop3A_856 : vector<16xf32>
        %parallel_loop3A_858 = vector.shape_cast %xor3A_56 : vector<16xi32> to vector<16x1xi32>
        %parallel_loop3A_859 = vector.shape_cast %parallel_loop3A_858 : vector<16x1xi32> to vector<16xi32>
        %parallel_loop3A_860 = tpu.dynamic_gather %parallel_loop3A_857[%parallel_loop3A_859] in [0] : vector<16xf32>, vector<16xi32> -> vector<16xf32>
        %parallel_loop3A_861 = arith.select %eq3A_70, %parallel_loop3A_853, %parallel_loop3A_860 : vector<16xi1>, vector<16xf32>
        %parallel_loop3A_862 = vector.shape_cast %xor3A_56 : vector<16xi32> to vector<16x1xi32>
        %parallel_loop3A_863 = vector.shape_cast %parallel_loop3A_862 : vector<16x1xi32> to vector<16xi32>
        %parallel_loop3A_864 = tpu.dynamic_gather %parallel_loop3A_794[%parallel_loop3A_863] in [0] : vector<16xf32>, vector<16xi32> -> vector<16xf32>
        %parallel_loop3A_865 = arith.addf %parallel_loop3A_794, %parallel_loop3A_864 : vector<16xf32>
        %parallel_loop3A_866 = vector.shape_cast %xor3A_56 : vector<16xi32> to vector<16x1xi32>
        %parallel_loop3A_867 = vector.shape_cast %parallel_loop3A_866 : vector<16x1xi32> to vector<16xi32>
        %parallel_loop3A_868 = tpu.dynamic_gather %parallel_loop3A_805[%parallel_loop3A_867] in [0] : vector<16xf32>, vector<16xi32> -> vector<16xf32>
        %parallel_loop3A_869 = arith.addf %parallel_loop3A_805, %parallel_loop3A_868 : vector<16xf32>
        %parallel_loop3A_870 = vector.shape_cast %xor3A_56 : vector<16xi32> to vector<16x1xi32>
        %parallel_loop3A_871 = vector.shape_cast %parallel_loop3A_870 : vector<16x1xi32> to vector<16xi32>
        %parallel_loop3A_872 = tpu.dynamic_gather %parallel_loop3A_869[%parallel_loop3A_871] in [0] : vector<16xf32>, vector<16xi32> -> vector<16xf32>
        %parallel_loop3A_873 = arith.select %eq3A_70, %parallel_loop3A_865, %parallel_loop3A_872 : vector<16xi1>, vector<16xf32>
        %parallel_loop3A_874 = vector.shape_cast %xor3A_56 : vector<16xi32> to vector<16x1xi32>
        %parallel_loop3A_875 = vector.shape_cast %parallel_loop3A_874 : vector<16x1xi32> to vector<16xi32>
        %parallel_loop3A_876 = tpu.dynamic_gather %parallel_loop3A_816[%parallel_loop3A_875] in [0] : vector<16xf32>, vector<16xi32> -> vector<16xf32>
        %parallel_loop3A_877 = arith.addf %parallel_loop3A_816, %parallel_loop3A_876 : vector<16xf32>
        %parallel_loop3A_878 = vector.shape_cast %xor3A_56 : vector<16xi32> to vector<16x1xi32>
        %parallel_loop3A_879 = vector.shape_cast %parallel_loop3A_878 : vector<16x1xi32> to vector<16xi32>
        %parallel_loop3A_880 = tpu.dynamic_gather %parallel_loop3A_827[%parallel_loop3A_879] in [0] : vector<16xf32>, vector<16xi32> -> vector<16xf32>
        %parallel_loop3A_881 = arith.addf %parallel_loop3A_827, %parallel_loop3A_880 : vector<16xf32>
        %parallel_loop3A_882 = vector.shape_cast %xor3A_56 : vector<16xi32> to vector<16x1xi32>
        %parallel_loop3A_883 = vector.shape_cast %parallel_loop3A_882 : vector<16x1xi32> to vector<16xi32>
        %parallel_loop3A_884 = tpu.dynamic_gather %parallel_loop3A_881[%parallel_loop3A_883] in [0] : vector<16xf32>, vector<16xi32> -> vector<16xf32>
        %parallel_loop3A_885 = arith.select %eq3A_70, %parallel_loop3A_877, %parallel_loop3A_884 : vector<16xi1>, vector<16xf32>
        %parallel_loop3A_886 = vector.shape_cast %xor3A_56 : vector<16xi32> to vector<16x1xi32>
        %parallel_loop3A_887 = vector.shape_cast %parallel_loop3A_886 : vector<16x1xi32> to vector<16xi32>
        %parallel_loop3A_888 = tpu.dynamic_gather %parallel_loop3A_838[%parallel_loop3A_887] in [0] : vector<16xf32>, vector<16xi32> -> vector<16xf32>
        %parallel_loop3A_889 = arith.addf %parallel_loop3A_838, %parallel_loop3A_888 : vector<16xf32>
        %parallel_loop3A_890 = vector.shape_cast %xor3A_56 : vector<16xi32> to vector<16x1xi32>
        %parallel_loop3A_891 = vector.shape_cast %parallel_loop3A_890 : vector<16x1xi32> to vector<16xi32>
        %parallel_loop3A_892 = tpu.dynamic_gather %parallel_loop3A_849[%parallel_loop3A_891] in [0] : vector<16xf32>, vector<16xi32> -> vector<16xf32>
        %parallel_loop3A_893 = arith.addf %parallel_loop3A_849, %parallel_loop3A_892 : vector<16xf32>
        %parallel_loop3A_894 = vector.shape_cast %xor3A_56 : vector<16xi32> to vector<16x1xi32>
        %parallel_loop3A_895 = vector.shape_cast %parallel_loop3A_894 : vector<16x1xi32> to vector<16xi32>
        %parallel_loop3A_896 = tpu.dynamic_gather %parallel_loop3A_893[%parallel_loop3A_895] in [0] : vector<16xf32>, vector<16xi32> -> vector<16xf32>
        %parallel_loop3A_897 = arith.select %eq3A_70, %parallel_loop3A_889, %parallel_loop3A_896 : vector<16xi1>, vector<16xf32>
        %parallel_loop3A_898 = vector.shape_cast %xor3A_59 : vector<16xi32> to vector<16x1xi32>
        %parallel_loop3A_899 = vector.shape_cast %parallel_loop3A_898 : vector<16x1xi32> to vector<16xi32>
        %parallel_loop3A_900 = tpu.dynamic_gather %parallel_loop3A_861[%parallel_loop3A_899] in [0] : vector<16xf32>, vector<16xi32> -> vector<16xf32>
        %parallel_loop3A_901 = arith.addf %parallel_loop3A_861, %parallel_loop3A_900 : vector<16xf32>
        %parallel_loop3A_902 = vector.shape_cast %xor3A_59 : vector<16xi32> to vector<16x1xi32>
        %parallel_loop3A_903 = vector.shape_cast %parallel_loop3A_902 : vector<16x1xi32> to vector<16xi32>
        %parallel_loop3A_904 = tpu.dynamic_gather %parallel_loop3A_873[%parallel_loop3A_903] in [0] : vector<16xf32>, vector<16xi32> -> vector<16xf32>
        %parallel_loop3A_905 = arith.addf %parallel_loop3A_873, %parallel_loop3A_904 : vector<16xf32>
        %parallel_loop3A_906 = vector.shape_cast %xor3A_59 : vector<16xi32> to vector<16x1xi32>
        %parallel_loop3A_907 = vector.shape_cast %parallel_loop3A_906 : vector<16x1xi32> to vector<16xi32>
        %parallel_loop3A_908 = tpu.dynamic_gather %parallel_loop3A_905[%parallel_loop3A_907] in [0] : vector<16xf32>, vector<16xi32> -> vector<16xf32>
        %parallel_loop3A_909 = arith.select %eq3A_76, %parallel_loop3A_901, %parallel_loop3A_908 : vector<16xi1>, vector<16xf32>
        %parallel_loop3A_910 = vector.shape_cast %xor3A_59 : vector<16xi32> to vector<16x1xi32>
        %parallel_loop3A_911 = vector.shape_cast %parallel_loop3A_910 : vector<16x1xi32> to vector<16xi32>
        %parallel_loop3A_912 = tpu.dynamic_gather %parallel_loop3A_885[%parallel_loop3A_911] in [0] : vector<16xf32>, vector<16xi32> -> vector<16xf32>
        %parallel_loop3A_913 = arith.addf %parallel_loop3A_885, %parallel_loop3A_912 : vector<16xf32>
        %parallel_loop3A_914 = vector.shape_cast %xor3A_59 : vector<16xi32> to vector<16x1xi32>
        %parallel_loop3A_915 = vector.shape_cast %parallel_loop3A_914 : vector<16x1xi32> to vector<16xi32>
        %parallel_loop3A_916 = tpu.dynamic_gather %parallel_loop3A_897[%parallel_loop3A_915] in [0] : vector<16xf32>, vector<16xi32> -> vector<16xf32>
        %parallel_loop3A_917 = arith.addf %parallel_loop3A_897, %parallel_loop3A_916 : vector<16xf32>
        %parallel_loop3A_918 = vector.shape_cast %xor3A_59 : vector<16xi32> to vector<16x1xi32>
        %parallel_loop3A_919 = vector.shape_cast %parallel_loop3A_918 : vector<16x1xi32> to vector<16xi32>
        %parallel_loop3A_920 = tpu.dynamic_gather %parallel_loop3A_917[%parallel_loop3A_919] in [0] : vector<16xf32>, vector<16xi32> -> vector<16xf32>
        %parallel_loop3A_921 = arith.select %eq3A_76, %parallel_loop3A_913, %parallel_loop3A_920 : vector<16xi1>, vector<16xf32>
        %parallel_loop3A_922 = vector.shape_cast %xor3A_62 : vector<16xi32> to vector<16x1xi32>
        %parallel_loop3A_923 = vector.shape_cast %parallel_loop3A_922 : vector<16x1xi32> to vector<16xi32>
        %parallel_loop3A_924 = tpu.dynamic_gather %parallel_loop3A_909[%parallel_loop3A_923] in [0] : vector<16xf32>, vector<16xi32> -> vector<16xf32>
        %parallel_loop3A_925 = arith.addf %parallel_loop3A_909, %parallel_loop3A_924 : vector<16xf32>
        %parallel_loop3A_926 = vector.shape_cast %xor3A_62 : vector<16xi32> to vector<16x1xi32>
        %parallel_loop3A_927 = vector.shape_cast %parallel_loop3A_926 : vector<16x1xi32> to vector<16xi32>
        %parallel_loop3A_928 = tpu.dynamic_gather %parallel_loop3A_921[%parallel_loop3A_927] in [0] : vector<16xf32>, vector<16xi32> -> vector<16xf32>
        %parallel_loop3A_929 = arith.addf %parallel_loop3A_921, %parallel_loop3A_928 : vector<16xf32>
        %parallel_loop3A_930 = vector.shape_cast %xor3A_62 : vector<16xi32> to vector<16x1xi32>
        %parallel_loop3A_931 = vector.shape_cast %parallel_loop3A_930 : vector<16x1xi32> to vector<16xi32>
        %parallel_loop3A_932 = tpu.dynamic_gather %parallel_loop3A_929[%parallel_loop3A_931] in [0] : vector<16xf32>, vector<16xi32> -> vector<16xf32>
        %parallel_loop3A_933 = arith.select %eq3A_82, %parallel_loop3A_925, %parallel_loop3A_932 : vector<16xi1>, vector<16xf32>
        %parallel_loop3A_934 = vector.shape_cast %xor3A_65 : vector<16xi32> to vector<16x1xi32>
        %parallel_loop3A_935 = vector.shape_cast %parallel_loop3A_934 : vector<16x1xi32> to vector<16xi32>
        %parallel_loop3A_936 = tpu.dynamic_gather %parallel_loop3A_933[%parallel_loop3A_935] in [0] : vector<16xf32>, vector<16xi32> -> vector<16xf32>
        %parallel_loop3A_937 = arith.addf %parallel_loop3A_933, %parallel_loop3A_936 : vector<16xf32>
        %parallel_loop3A_938 = math.exp %parallel_loop3A_937 : vector<16xf32>
        %parallel_loop3A_939 = vector.shape_cast %broadcast_in_dim3A_83 : vector<16xi32> to vector<16x1xi32>
        %parallel_loop3A_940 = vector.shape_cast %parallel_loop3A_939 : vector<16x1xi32> to vector<16xi32>
        %parallel_loop3A_941 = tpu.dynamic_gather %parallel_loop3A_938[%parallel_loop3A_940] in [0] : vector<16xf32>, vector<16xi32> -> vector<16xf32>
        %parallel_loop3A_942 = arith.constant 1 : i32
        %parallel_loop3A_943 = arith.index_cast %parallel_loop3A_942 : i32 to index
        %parallel_loop3A_944 = arith.index_cast %parallel_loop3A_761 : i32 to index
        %parallel_loop3A_945 = arith.constant 128 : index
        %parallel_loop3A_946 = tpu.vector_load %arg11[%parallel_loop3A_943, %parallel_loop3A_944, %parallel_loop3A_945] {strides = array<i32>} : memref<2x40x256xf32, #tpu.memory_space<vmem>>, vector<16xf32>,
        %parallel_loop3A_947 = arith.mulf %parallel_loop3A_941, %parallel_loop3A_946 : vector<16xf32>
        %parallel_loop3A_948 = arith.index_cast %parallel_loop3A_761 : i32 to index
        %parallel_loop3A_949 = arith.constant 0 : index
        %parallel_loop3A_950 = tpu.vector_load %arg9[%parallel_loop3A_948, %parallel_loop3A_949] {strides = array<i32>} : memref<40x144xf32, #tpu.memory_space<vmem>>, vector<16xf32>,
        tpu.vector_store %arg9[%parallel_loop3A_948, %parallel_loop3A_949], %parallel_loop3A_947 {strides = array<i32>} : memref<40x144xf32, #tpu.memory_space<vmem>>, vector<16xf32>,
        %parallel_loop3A_951 = vector.shape_cast %broadcast_in_dim3A_85 : vector<16xi32> to vector<16x1xi32>
        %parallel_loop3A_952 = vector.shape_cast %parallel_loop3A_951 : vector<16x1xi32> to vector<16xi32>
        %parallel_loop3A_953 = tpu.dynamic_gather %parallel_loop3A_938[%parallel_loop3A_952] in [0] : vector<16xf32>, vector<16xi32> -> vector<16xf32>
        %parallel_loop3A_954 = arith.constant 1 : i32
        %parallel_loop3A_955 = arith.index_cast %parallel_loop3A_954 : i32 to index
        %parallel_loop3A_956 = arith.index_cast %parallel_loop3A_761 : i32 to index
        %parallel_loop3A_957 = arith.constant 144 : index
        %parallel_loop3A_958 = tpu.vector_load %arg11[%parallel_loop3A_955, %parallel_loop3A_956, %parallel_loop3A_957] {strides = array<i32>} : memref<2x40x256xf32, #tpu.memory_space<vmem>>, vector<16xf32>,
        %parallel_loop3A_959 = arith.mulf %parallel_loop3A_953, %parallel_loop3A_958 : vector<16xf32>
        %parallel_loop3A_960 = arith.index_cast %parallel_loop3A_761 : i32 to index
        %parallel_loop3A_961 = arith.constant 16 : index
        %parallel_loop3A_962 = tpu.vector_load %arg9[%parallel_loop3A_960, %parallel_loop3A_961] {strides = array<i32>} : memref<40x144xf32, #tpu.memory_space<vmem>>, vector<16xf32>,
        tpu.vector_store %arg9[%parallel_loop3A_960, %parallel_loop3A_961], %parallel_loop3A_959 {strides = array<i32>} : memref<40x144xf32, #tpu.memory_space<vmem>>, vector<16xf32>,
        %parallel_loop3A_963 = vector.shape_cast %broadcast_in_dim3A_87 : vector<16xi32> to vector<16x1xi32>
        %parallel_loop3A_964 = vector.shape_cast %parallel_loop3A_963 : vector<16x1xi32> to vector<16xi32>
        %parallel_loop3A_965 = tpu.dynamic_gather %parallel_loop3A_938[%parallel_loop3A_964] in [0] : vector<16xf32>, vector<16xi32> -> vector<16xf32>
        %parallel_loop3A_966 = arith.constant 1 : i32
        %parallel_loop3A_967 = arith.index_cast %parallel_loop3A_966 : i32 to index
        %parallel_loop3A_968 = arith.index_cast %parallel_loop3A_761 : i32 to index
        %parallel_loop3A_969 = arith.constant 160 : index
        %parallel_loop3A_970 = tpu.vector_load %arg11[%parallel_loop3A_967, %parallel_loop3A_968, %parallel_loop3A_969] {strides = array<i32>} : memref<2x40x256xf32, #tpu.memory_space<vmem>>, vector<16xf32>,
        %parallel_loop3A_971 = arith.mulf %parallel_loop3A_965, %parallel_loop3A_970 : vector<16xf32>
        %parallel_loop3A_972 = arith.index_cast %parallel_loop3A_761 : i32 to index
        %parallel_loop3A_973 = arith.constant 32 : index
        %parallel_loop3A_974 = tpu.vector_load %arg9[%parallel_loop3A_972, %parallel_loop3A_973] {strides = array<i32>} : memref<40x144xf32, #tpu.memory_space<vmem>>, vector<16xf32>,
        tpu.vector_store %arg9[%parallel_loop3A_972, %parallel_loop3A_973], %parallel_loop3A_971 {strides = array<i32>} : memref<40x144xf32, #tpu.memory_space<vmem>>, vector<16xf32>,
        %parallel_loop3A_975 = vector.shape_cast %broadcast_in_dim3A_89 : vector<16xi32> to vector<16x1xi32>
        %parallel_loop3A_976 = vector.shape_cast %parallel_loop3A_975 : vector<16x1xi32> to vector<16xi32>
        %parallel_loop3A_977 = tpu.dynamic_gather %parallel_loop3A_938[%parallel_loop3A_976] in [0] : vector<16xf32>, vector<16xi32> -> vector<16xf32>
        %parallel_loop3A_978 = arith.constant 1 : i32
        %parallel_loop3A_979 = arith.index_cast %parallel_loop3A_978 : i32 to index
        %parallel_loop3A_980 = arith.index_cast %parallel_loop3A_761 : i32 to index
        %parallel_loop3A_981 = arith.constant 176 : index
        %parallel_loop3A_982 = tpu.vector_load %arg11[%parallel_loop3A_979, %parallel_loop3A_980, %parallel_loop3A_981] {strides = array<i32>} : memref<2x40x256xf32, #tpu.memory_space<vmem>>, vector<16xf32>,
        %parallel_loop3A_983 = arith.mulf %parallel_loop3A_977, %parallel_loop3A_982 : vector<16xf32>
        %parallel_loop3A_984 = arith.index_cast %parallel_loop3A_761 : i32 to index
        %parallel_loop3A_985 = arith.constant 48 : index
        %parallel_loop3A_986 = tpu.vector_load %arg9[%parallel_loop3A_984, %parallel_loop3A_985] {strides = array<i32>} : memref<40x144xf32, #tpu.memory_space<vmem>>, vector<16xf32>,
        tpu.vector_store %arg9[%parallel_loop3A_984, %parallel_loop3A_985], %parallel_loop3A_983 {strides = array<i32>} : memref<40x144xf32, #tpu.memory_space<vmem>>, vector<16xf32>,
        %parallel_loop3A_987 = vector.shape_cast %broadcast_in_dim3A_91 : vector<16xi32> to vector<16x1xi32>
        %parallel_loop3A_988 = vector.shape_cast %parallel_loop3A_987 : vector<16x1xi32> to vector<16xi32>
        %parallel_loop3A_989 = tpu.dynamic_gather %parallel_loop3A_938[%parallel_loop3A_988] in [0] : vector<16xf32>, vector<16xi32> -> vector<16xf32>
        %parallel_loop3A_990 = arith.constant 1 : i32
        %parallel_loop3A_991 = arith.index_cast %parallel_loop3A_990 : i32 to index
        %parallel_loop3A_992 = arith.index_cast %parallel_loop3A_761 : i32 to index
        %parallel_loop3A_993 = arith.constant 192 : index
        %parallel_loop3A_994 = tpu.vector_load %arg11[%parallel_loop3A_991, %parallel_loop3A_992, %parallel_loop3A_993] {strides = array<i32>} : memref<2x40x256xf32, #tpu.memory_space<vmem>>, vector<16xf32>,
        %parallel_loop3A_995 = arith.mulf %parallel_loop3A_989, %parallel_loop3A_994 : vector<16xf32>
        %parallel_loop3A_996 = arith.index_cast %parallel_loop3A_761 : i32 to index
        %parallel_loop3A_997 = arith.constant 64 : index
        %parallel_loop3A_998 = tpu.vector_load %arg9[%parallel_loop3A_996, %parallel_loop3A_997] {strides = array<i32>} : memref<40x144xf32, #tpu.memory_space<vmem>>, vector<16xf32>,
        tpu.vector_store %arg9[%parallel_loop3A_996, %parallel_loop3A_997], %parallel_loop3A_995 {strides = array<i32>} : memref<40x144xf32, #tpu.memory_space<vmem>>, vector<16xf32>,
        %parallel_loop3A_999 = vector.shape_cast %broadcast_in_dim3A_93 : vector<16xi32> to vector<16x1xi32>
        %parallel_loop3A_1000 = vector.shape_cast %parallel_loop3A_999 : vector<16x1xi32> to vector<16xi32>
        %parallel_loop3A_1001 = tpu.dynamic_gather %parallel_loop3A_938[%parallel_loop3A_1000] in [0] : vector<16xf32>, vector<16xi32> -> vector<16xf32>
        %parallel_loop3A_1002 = arith.constant 1 : i32
        %parallel_loop3A_1003 = arith.index_cast %parallel_loop3A_1002 : i32 to index
        %parallel_loop3A_1004 = arith.index_cast %parallel_loop3A_761 : i32 to index
        %parallel_loop3A_1005 = arith.constant 208 : index
        %parallel_loop3A_1006 = tpu.vector_load %arg11[%parallel_loop3A_1003, %parallel_loop3A_1004, %parallel_loop3A_1005] {strides = array<i32>} : memref<2x40x256xf32, #tpu.memory_space<vmem>>, vector<16xf32>,
        %parallel_loop3A_1007 = arith.mulf %parallel_loop3A_1001, %parallel_loop3A_1006 : vector<16xf32>
        %parallel_loop3A_1008 = arith.index_cast %parallel_loop3A_761 : i32 to index
        %parallel_loop3A_1009 = arith.constant 80 : index
        %parallel_loop3A_1010 = tpu.vector_load %arg9[%parallel_loop3A_1008, %parallel_loop3A_1009] {strides = array<i32>} : memref<40x144xf32, #tpu.memory_space<vmem>>, vector<16xf32>,
        tpu.vector_store %arg9[%parallel_loop3A_1008, %parallel_loop3A_1009], %parallel_loop3A_1007 {strides = array<i32>} : memref<40x144xf32, #tpu.memory_space<vmem>>, vector<16xf32>,
        %parallel_loop3A_1011 = vector.shape_cast %broadcast_in_dim3A_95 : vector<16xi32> to vector<16x1xi32>
        %parallel_loop3A_1012 = vector.shape_cast %parallel_loop3A_1011 : vector<16x1xi32> to vector<16xi32>
        %parallel_loop3A_1013 = tpu.dynamic_gather %parallel_loop3A_938[%parallel_loop3A_1012] in [0] : vector<16xf32>, vector<16xi32> -> vector<16xf32>
        %parallel_loop3A_1014 = arith.constant 1 : i32
        %parallel_loop3A_1015 = arith.index_cast %parallel_loop3A_1014 : i32 to index
        %parallel_loop3A_1016 = arith.index_cast %parallel_loop3A_761 : i32 to index
        %parallel_loop3A_1017 = arith.constant 224 : index
        %parallel_loop3A_1018 = tpu.vector_load %arg11[%parallel_loop3A_1015, %parallel_loop3A_1016, %parallel_loop3A_1017] {strides = array<i32>} : memref<2x40x256xf32, #tpu.memory_space<vmem>>, vector<16xf32>,
        %parallel_loop3A_1019 = arith.mulf %parallel_loop3A_1013, %parallel_loop3A_1018 : vector<16xf32>
        %parallel_loop3A_1020 = arith.index_cast %parallel_loop3A_761 : i32 to index
        %parallel_loop3A_1021 = arith.constant 96 : index
        %parallel_loop3A_1022 = tpu.vector_load %arg9[%parallel_loop3A_1020, %parallel_loop3A_1021] {strides = array<i32>} : memref<40x144xf32, #tpu.memory_space<vmem>>, vector<16xf32>,
        tpu.vector_store %arg9[%parallel_loop3A_1020, %parallel_loop3A_1021], %parallel_loop3A_1019 {strides = array<i32>} : memref<40x144xf32, #tpu.memory_space<vmem>>, vector<16xf32>,
        %parallel_loop3A_1023 = vector.shape_cast %broadcast_in_dim3A_97 : vector<16xi32> to vector<16x1xi32>
        %parallel_loop3A_1024 = vector.shape_cast %parallel_loop3A_1023 : vector<16x1xi32> to vector<16xi32>
        %parallel_loop3A_1025 = tpu.dynamic_gather %parallel_loop3A_938[%parallel_loop3A_1024] in [0] : vector<16xf32>, vector<16xi32> -> vector<16xf32>
        %parallel_loop3A_1026 = arith.constant 1 : i32
        %parallel_loop3A_1027 = arith.index_cast %parallel_loop3A_1026 : i32 to index
        %parallel_loop3A_1028 = arith.index_cast %parallel_loop3A_761 : i32 to index
        %parallel_loop3A_1029 = arith.constant 240 : index
        %parallel_loop3A_1030 = tpu.vector_load %arg11[%parallel_loop3A_1027, %parallel_loop3A_1028, %parallel_loop3A_1029] {strides = array<i32>} : memref<2x40x256xf32, #tpu.memory_space<vmem>>, vector<16xf32>,
        %parallel_loop3A_1031 = arith.mulf %parallel_loop3A_1025, %parallel_loop3A_1030 : vector<16xf32>
        %parallel_loop3A_1032 = arith.index_cast %parallel_loop3A_761 : i32 to index
        %parallel_loop3A_1033 = arith.constant 112 : index
        %parallel_loop3A_1034 = tpu.vector_load %arg9[%parallel_loop3A_1032, %parallel_loop3A_1033] {strides = array<i32>} : memref<40x144xf32, #tpu.memory_space<vmem>>, vector<16xf32>,
        tpu.vector_store %arg9[%parallel_loop3A_1032, %parallel_loop3A_1033], %parallel_loop3A_1031 {strides = array<i32>} : memref<40x144xf32, #tpu.memory_space<vmem>>, vector<16xf32>,
        %parallel_loop3A_1035 = arith.index_cast %parallel_loop3A_761 : i32 to index
        %parallel_loop3A_1036 = arith.constant 128 : index
        %parallel_loop3A_1037 = tpu.vector_load %arg9[%parallel_loop3A_1035, %parallel_loop3A_1036] {strides = array<i32>} : memref<40x144xf32, #tpu.memory_space<vmem>>, vector<16xf32>,
        tpu.vector_store %arg9[%parallel_loop3A_1035, %parallel_loop3A_1036], %parallel_loop3A_938 {strides = array<i32>} : memref<40x144xf32, #tpu.memory_space<vmem>>, vector<16xf32>,
      } {sc.loop_unroll_factor = 2 : i64, sc.parallel_access}
      %dma_start3A_749 = arith.constant 1 : i32
      %dma_start3A_750 = arith.constant 1 : i32
      %dma_start3A_751 = arith.constant 3 : i32
      %dma_start3A_752 = arith.constant 0 : i32
      %dma_start3A_753 = tpu.memref_slice %arg8[%dma_start3A_749, %dma_start3A_750, %dma_start3A_752] : memref<2x3x40xi32, #tpu.memory_space<vmem>> -> memref<1x1x40xi32, #tpu.memory_space<vmem>>
      %dma_start3A_754 = tpu.memref_squeeze %dma_start3A_753 : memref<1x1x40xi32, #tpu.memory_space<vmem>> -> memref<40xi32, #tpu.memory_space<vmem>>
      %dma_start3A_755 = arith.constant 0 : i32
      %dma_start3A_756 = arith.constant 0 : i32
      %dma_start3A_757 = tpu.memref_slice %arg12[%dma_start3A_755, %dma_start3A_756] : memref<10080x144xf32, #tpu.memory_space<vmem_shared>> -> memref<10080x144xf32, #tpu.memory_space<vmem_shared>>
      %dma_start3A_758 = tpu.memref_slice %arg14[%dma_start3A_751] : memref<4x!tpu.dma_semaphore, #tpu.memory_space<semaphore_mem>> -> memref<1x!tpu.dma_semaphore, #tpu.memory_space<semaphore_mem>>
      %dma_start3A_759 = tpu.memref_squeeze %dma_start3A_758 : memref<1x!tpu.dma_semaphore, #tpu.memory_space<semaphore_mem>> -> memref<!tpu.dma_semaphore, #tpu.memory_space<semaphore_mem>>
      tpu.enqueue_indirect_dma source(%arg9 : memref<40x144xf32, #tpu.memory_space<vmem>>) target(%dma_start3A_757 : memref<10080x144xf32, #tpu.memory_space<vmem_shared>>) offsets(%dma_start3A_754 : memref<40xi32, #tpu.memory_space<vmem>>) semaphore(%dma_start3A_759 : memref<!tpu.dma_semaphore, #tpu.memory_space<semaphore_mem>>) {add = true}
      %scan3A_760 = arith.constant 0 : i32
      scf.yield %scan3A_760 : i32
    }
    %scan3A_237 = arith.constant 125 : i32
    %dma_wait3A_238 = arith.constant 0 : i32
    %dma_wait3A_239 = arith.constant 1 : i32
    %dma_wait3A_240 = arith.constant 0 : i32
    %dma_wait3A_241 = arith.constant 0 : i32
    %dma_wait3A_242 = arith.constant 0 : i32
    %dma_wait3A_243 = arith.constant 0 : i32
    %dma_wait3A_244 = tpu.memref_slice %arg10[%dma_wait3A_240, %dma_wait3A_242, %dma_wait3A_243] : memref<2x40x128xf32, #tpu.memory_space<vmem>> -> memref<1x40x128xf32, #tpu.memory_space<vmem>>
    %dma_wait3A_245 = tpu.memref_squeeze %dma_wait3A_244 : memref<1x40x128xf32, #tpu.memory_space<vmem>> -> memref<40x128xf32, #tpu.memory_space<vmem>>
    %dma_wait3A_246 = arith.constant 0 : i32
    %dma_wait3A_247 = tpu.memref_slice %arg8[%dma_wait3A_238, %dma_wait3A_239, %dma_wait3A_246] : memref<2x3x40xi32, #tpu.memory_space<vmem>> -> memref<1x1x40xi32, #tpu.memory_space<vmem>>
    %dma_wait3A_248 = tpu.memref_squeeze %dma_wait3A_247 : memref<1x1x40xi32, #tpu.memory_space<vmem>> -> memref<40xi32, #tpu.memory_space<vmem>>
    %dma_wait3A_249 = arith.constant 0 : i32
    %dma_wait3A_250 = arith.constant 0 : i32
    %dma_wait3A_251 = tpu.memref_slice %arg2[%dma_wait3A_249, %dma_wait3A_250] : memref<10000x128xf32, #tpu.memory_space<hbm>> -> memref<10000x128xf32, #tpu.memory_space<hbm>>
    %dma_wait3A_252 = tpu.memref_slice %arg14[%dma_wait3A_241] : memref<4x!tpu.dma_semaphore, #tpu.memory_space<semaphore_mem>> -> memref<1x!tpu.dma_semaphore, #tpu.memory_space<semaphore_mem>>
    %dma_wait3A_253 = tpu.memref_squeeze %dma_wait3A_252 : memref<1x!tpu.dma_semaphore, #tpu.memory_space<semaphore_mem>> -> memref<!tpu.dma_semaphore, #tpu.memory_space<semaphore_mem>>
    tpu.wait_indirect_dma semaphore(%dma_wait3A_253 : memref<!tpu.dma_semaphore, #tpu.memory_space<semaphore_mem>>) src(%dma_wait3A_251 : memref<10000x128xf32, #tpu.memory_space<hbm>>) dst(%dma_wait3A_245 : memref<40x128xf32, #tpu.memory_space<vmem>>)
    %dma_wait3A_254 = arith.constant 0 : i32
    %dma_wait3A_255 = arith.constant 0 : i32
    %dma_wait3A_256 = arith.constant 0 : i32
    %dma_wait3A_257 = arith.constant 0 : i32
    %dma_wait3A_258 = arith.constant 0 : i32
    %dma_wait3A_259 = arith.constant 0 : i32
    %dma_wait3A_260 = tpu.memref_slice %arg11[%dma_wait3A_256, %dma_wait3A_258, %dma_wait3A_259] : memref<2x40x256xf32, #tpu.memory_space<vmem>> -> memref<1x40x256xf32, #tpu.memory_space<vmem>>
    %dma_wait3A_261 = tpu.memref_squeeze %dma_wait3A_260 : memref<1x40x256xf32, #tpu.memory_space<vmem>> -> memref<40x256xf32, #tpu.memory_space<vmem>>
    %dma_wait3A_262 = arith.constant 0 : i32
    %dma_wait3A_263 = tpu.memref_slice %arg8[%dma_wait3A_254, %dma_wait3A_255, %dma_wait3A_262] : memref<2x3x40xi32, #tpu.memory_space<vmem>> -> memref<1x1x40xi32, #tpu.memory_space<vmem>>
    %dma_wait3A_264 = tpu.memref_squeeze %dma_wait3A_263 : memref<1x1x40xi32, #tpu.memory_space<vmem>> -> memref<40xi32, #tpu.memory_space<vmem>>
    %dma_wait3A_265 = arith.constant 0 : i32
    %dma_wait3A_266 = arith.constant 0 : i32
    %dma_wait3A_267 = tpu.memref_slice %arg3[%dma_wait3A_265, %dma_wait3A_266] : memref<10000x256xf32, #tpu.memory_space<hbm>> -> memref<10000x256xf32, #tpu.memory_space<hbm>>
    %dma_wait3A_268 = tpu.memref_slice %arg14[%dma_wait3A_257] : memref<4x!tpu.dma_semaphore, #tpu.memory_space<semaphore_mem>> -> memref<1x!tpu.dma_semaphore, #tpu.memory_space<semaphore_mem>>
    %dma_wait3A_269 = tpu.memref_squeeze %dma_wait3A_268 : memref<1x!tpu.dma_semaphore, #tpu.memory_space<semaphore_mem>> -> memref<!tpu.dma_semaphore, #tpu.memory_space<semaphore_mem>>
    tpu.wait_indirect_dma semaphore(%dma_wait3A_269 : memref<!tpu.dma_semaphore, #tpu.memory_space<semaphore_mem>>) src(%dma_wait3A_267 : memref<10000x256xf32, #tpu.memory_space<hbm>>) dst(%dma_wait3A_261 : memref<40x256xf32, #tpu.memory_space<vmem>>)
    %dma_wait3A_270 = arith.constant 0 : i32
    %dma_wait3A_271 = arith.constant 1 : i32
    %dma_wait3A_272 = arith.constant 3 : i32
    %dma_wait3A_273 = arith.constant 0 : i32
    %dma_wait3A_274 = tpu.memref_slice %arg8[%dma_wait3A_270, %dma_wait3A_271, %dma_wait3A_273] : memref<2x3x40xi32, #tpu.memory_space<vmem>> -> memref<1x1x40xi32, #tpu.memory_space<vmem>>
    %dma_wait3A_275 = tpu.memref_squeeze %dma_wait3A_274 : memref<1x1x40xi32, #tpu.memory_space<vmem>> -> memref<40xi32, #tpu.memory_space<vmem>>
    %dma_wait3A_276 = arith.constant 0 : i32
    %dma_wait3A_277 = arith.constant 0 : i32
    %dma_wait3A_278 = tpu.memref_slice %arg12[%dma_wait3A_276, %dma_wait3A_277] : memref<10080x144xf32, #tpu.memory_space<vmem_shared>> -> memref<10080x144xf32, #tpu.memory_space<vmem_shared>>
    %dma_wait3A_279 = tpu.memref_slice %arg14[%dma_wait3A_272] : memref<4x!tpu.dma_semaphore, #tpu.memory_space<semaphore_mem>> -> memref<1x!tpu.dma_semaphore, #tpu.memory_space<semaphore_mem>>
    %dma_wait3A_280 = tpu.memref_squeeze %dma_wait3A_279 : memref<1x!tpu.dma_semaphore, #tpu.memory_space<semaphore_mem>> -> memref<!tpu.dma_semaphore, #tpu.memory_space<semaphore_mem>>
    tpu.wait_indirect_dma semaphore(%dma_wait3A_280 : memref<!tpu.dma_semaphore, #tpu.memory_space<semaphore_mem>>) src(%arg9 : memref<40x144xf32, #tpu.memory_space<vmem>>) dst(%dma_wait3A_278 : memref<10080x144xf32, #tpu.memory_space<vmem_shared>>)
    %barrier3A_281 = arith.constant 0 : index
    tpu.barrier barrier_id(%barrier3A_281)
    %add3A_282 = arith.constant 0 : i32
    %add3A_283 = arith.addi %mul3A_12, %add3A_282 : i32
    "tpu.region"() ({
      %run_scoped3A = tpu.sem_alloc : memref<!tpu.dma_semaphore, #tpu.memory_space<semaphore_mem>>
      %dma_start3A_324 = arith.constant 0 : i32
      %dma_start3A_325 = arith.constant 0 : i32
      %dma_start3A_326 = tpu.memref_slice %arg9[%dma_start3A_324, %dma_start3A_325] : memref<40x144xf32, #tpu.memory_space<vmem>> -> memref<30x144xf32, #tpu.memory_space<vmem>>
      %dma_start3A_327 = arith.constant 0 : i32
      %dma_start3A_328 = tpu.memref_slice %arg12[%add3A_283, %dma_start3A_327] : memref<10080x144xf32, #tpu.memory_space<vmem_shared>> -> memref<30x144xf32, #tpu.memory_space<vmem_shared>>
      %dma_start3A_329 = arith.constant 0 : i32
      %dma_start3A_330 = arith.constant 0 : i32
      %dma_start3A_331 = tpu.memref_slice %arg9[%dma_start3A_329, %dma_start3A_330] : memref<40x144xf32, #tpu.memory_space<vmem>> -> memref<30x144xf32, #tpu.memory_space<vmem>>
      %dma_start3A_332 = arith.constant 0 : i32
      %dma_start3A_333 = tpu.memref_slice %arg12[%add3A_283, %dma_start3A_332] : memref<10080x144xf32, #tpu.memory_space<vmem_shared>> -> memref<30x144xf32, #tpu.memory_space<vmem_shared>>
      tpu.enqueue_dma source(%dma_start3A_333 : memref<30x144xf32, #tpu.memory_space<vmem_shared>>) target(%dma_start3A_331 : memref<30x144xf32, #tpu.memory_space<vmem>>) target_semaphore(%run_scoped3A : memref<!tpu.dma_semaphore, #tpu.memory_space<semaphore_mem>>)
      %dma_wait3A_334 = arith.constant 0 : i32
      %dma_wait3A_335 = arith.constant 0 : i32
      %dma_wait3A_336 = tpu.memref_slice %arg9[%dma_wait3A_334, %dma_wait3A_335] : memref<40x144xf32, #tpu.memory_space<vmem>> -> memref<30x144xf32, #tpu.memory_space<vmem>>
      %dma_wait3A_337 = arith.constant 0 : i32
      %dma_wait3A_338 = tpu.memref_slice %arg12[%add3A_283, %dma_wait3A_337] : memref<10080x144xf32, #tpu.memory_space<vmem_shared>> -> memref<30x144xf32, #tpu.memory_space<vmem_shared>>
      %dma_wait3A_339 = arith.constant 0 : i32
      %dma_wait3A_340 = arith.constant 0 : i32
      %dma_wait3A_341 = tpu.memref_slice %arg9[%dma_wait3A_339, %dma_wait3A_340] : memref<40x144xf32, #tpu.memory_space<vmem>> -> memref<30x144xf32, #tpu.memory_space<vmem>>
      %dma_wait3A_342 = arith.constant 0 : i32
      %dma_wait3A_343 = tpu.memref_slice %arg12[%add3A_283, %dma_wait3A_342] : memref<10080x144xf32, #tpu.memory_space<vmem_shared>> -> memref<30x144xf32, #tpu.memory_space<vmem_shared>>
      tpu.wait_dma2 semaphore(%run_scoped3A : memref<!tpu.dma_semaphore, #tpu.memory_space<semaphore_mem>>) src(%dma_wait3A_343 : memref<30x144xf32, #tpu.memory_space<vmem_shared>>) dst(%dma_wait3A_341 : memref<30x144xf32, #tpu.memory_space<vmem>>)
      tpu.yield
    }) : () -> ()
    "tpu.region"() ({
      %run_scoped3A = tpu.sem_alloc : memref<!tpu.dma_semaphore, #tpu.memory_space<semaphore_mem>>
      %dma_start3A_324 = arith.constant 0 : i32
      %dma_start3A_325 = arith.constant 0 : i32
      %dma_start3A_326 = tpu.memref_slice %arg9[%dma_start3A_324, %dma_start3A_325] : memref<40x144xf32, #tpu.memory_space<vmem>> -> memref<30x144xf32, #tpu.memory_space<vmem>>
      %dma_start3A_327 = arith.constant 0 : i32
      %dma_start3A_328 = tpu.memref_slice %arg7[%arg0, %add3A_283, %dma_start3A_327] : memref<2x10080x144xf32, #tpu.memory_space<hbm>> -> memref<1x30x144xf32, #tpu.memory_space<hbm>>
      %dma_start3A_329 = tpu.memref_squeeze %dma_start3A_328 : memref<1x30x144xf32, #tpu.memory_space<hbm>> -> memref<30x144xf32, #tpu.memory_space<hbm>>
      %dma_start3A_330 = arith.constant 0 : i32
      %dma_start3A_331 = tpu.memref_slice %arg7[%arg0, %add3A_283, %dma_start3A_330] : memref<2x10080x144xf32, #tpu.memory_space<hbm>> -> memref<1x30x144xf32, #tpu.memory_space<hbm>>
      %dma_start3A_332 = tpu.memref_squeeze %dma_start3A_331 : memref<1x30x144xf32, #tpu.memory_space<hbm>> -> memref<30x144xf32, #tpu.memory_space<hbm>>
      %dma_start3A_333 = arith.constant 0 : i32
      %dma_start3A_334 = arith.constant 0 : i32
      %dma_start3A_335 = tpu.memref_slice %arg9[%dma_start3A_333, %dma_start3A_334] : memref<40x144xf32, #tpu.memory_space<vmem>> -> memref<30x144xf32, #tpu.memory_space<vmem>>
      tpu.enqueue_dma source(%dma_start3A_335 : memref<30x144xf32, #tpu.memory_space<vmem>>) target(%dma_start3A_332 : memref<30x144xf32, #tpu.memory_space<hbm>>) target_semaphore(%run_scoped3A : memref<!tpu.dma_semaphore, #tpu.memory_space<semaphore_mem>>)
      %dma_wait3A_336 = arith.constant 0 : i32
      %dma_wait3A_337 = arith.constant 0 : i32
      %dma_wait3A_338 = tpu.memref_slice %arg9[%dma_wait3A_336, %dma_wait3A_337] : memref<40x144xf32, #tpu.memory_space<vmem>> -> memref<30x144xf32, #tpu.memory_space<vmem>>
      %dma_wait3A_339 = arith.constant 0 : i32
      %dma_wait3A_340 = tpu.memref_slice %arg7[%arg0, %add3A_283, %dma_wait3A_339] : memref<2x10080x144xf32, #tpu.memory_space<hbm>> -> memref<1x30x144xf32, #tpu.memory_space<hbm>>
      %dma_wait3A_341 = tpu.memref_squeeze %dma_wait3A_340 : memref<1x30x144xf32, #tpu.memory_space<hbm>> -> memref<30x144xf32, #tpu.memory_space<hbm>>
      %dma_wait3A_342 = arith.constant 0 : i32
      %dma_wait3A_343 = tpu.memref_slice %arg7[%arg0, %add3A_283, %dma_wait3A_342] : memref<2x10080x144xf32, #tpu.memory_space<hbm>> -> memref<1x30x144xf32, #tpu.memory_space<hbm>>
      %dma_wait3A_344 = tpu.memref_squeeze %dma_wait3A_343 : memref<1x30x144xf32, #tpu.memory_space<hbm>> -> memref<30x144xf32, #tpu.memory_space<hbm>>
      %dma_wait3A_345 = arith.constant 0 : i32
      %dma_wait3A_346 = arith.constant 0 : i32
      %dma_wait3A_347 = tpu.memref_slice %arg9[%dma_wait3A_345, %dma_wait3A_346] : memref<40x144xf32, #tpu.memory_space<vmem>> -> memref<30x144xf32, #tpu.memory_space<vmem>>
      tpu.wait_dma2 semaphore(%run_scoped3A : memref<!tpu.dma_semaphore, #tpu.memory_space<semaphore_mem>>) src(%dma_wait3A_347 : memref<30x144xf32, #tpu.memory_space<vmem>>) dst(%dma_wait3A_344 : memref<30x144xf32, #tpu.memory_space<hbm>>)
      tpu.yield
    }) : () -> ()
    %add3A_284 = arith.constant 30 : i32
    %add3A_285 = arith.addi %mul3A_12, %add3A_284 : i32
    "tpu.region"() ({
      %run_scoped3A = tpu.sem_alloc : memref<!tpu.dma_semaphore, #tpu.memory_space<semaphore_mem>>
      %dma_start3A_324 = arith.constant 0 : i32
      %dma_start3A_325 = arith.constant 0 : i32
      %dma_start3A_326 = tpu.memref_slice %arg9[%dma_start3A_324, %dma_start3A_325] : memref<40x144xf32, #tpu.memory_space<vmem>> -> memref<30x144xf32, #tpu.memory_space<vmem>>
      %dma_start3A_327 = arith.constant 0 : i32
      %dma_start3A_328 = tpu.memref_slice %arg12[%add3A_285, %dma_start3A_327] : memref<10080x144xf32, #tpu.memory_space<vmem_shared>> -> memref<30x144xf32, #tpu.memory_space<vmem_shared>>
      %dma_start3A_329 = arith.constant 0 : i32
      %dma_start3A_330 = arith.constant 0 : i32
      %dma_start3A_331 = tpu.memref_slice %arg9[%dma_start3A_329, %dma_start3A_330] : memref<40x144xf32, #tpu.memory_space<vmem>> -> memref<30x144xf32, #tpu.memory_space<vmem>>
      %dma_start3A_332 = arith.constant 0 : i32
      %dma_start3A_333 = tpu.memref_slice %arg12[%add3A_285, %dma_start3A_332] : memref<10080x144xf32, #tpu.memory_space<vmem_shared>> -> memref<30x144xf32, #tpu.memory_space<vmem_shared>>
      tpu.enqueue_dma source(%dma_start3A_333 : memref<30x144xf32, #tpu.memory_space<vmem_shared>>) target(%dma_start3A_331 : memref<30x144xf32, #tpu.memory_space<vmem>>) target_semaphore(%run_scoped3A : memref<!tpu.dma_semaphore, #tpu.memory_space<semaphore_mem>>)
      %dma_wait3A_334 = arith.constant 0 : i32
      %dma_wait3A_335 = arith.constant 0 : i32
      %dma_wait3A_336 = tpu.memref_slice %arg9[%dma_wait3A_334, %dma_wait3A_335] : memref<40x144xf32, #tpu.memory_space<vmem>> -> memref<30x144xf32, #tpu.memory_space<vmem>>
      %dma_wait3A_337 = arith.constant 0 : i32
      %dma_wait3A_338 = tpu.memref_slice %arg12[%add3A_285, %dma_wait3A_337] : memref<10080x144xf32, #tpu.memory_space<vmem_shared>> -> memref<30x144xf32, #tpu.memory_space<vmem_shared>>
      %dma_wait3A_339 = arith.constant 0 : i32
      %dma_wait3A_340 = arith.constant 0 : i32
      %dma_wait3A_341 = tpu.memref_slice %arg9[%dma_wait3A_339, %dma_wait3A_340] : memref<40x144xf32, #tpu.memory_space<vmem>> -> memref<30x144xf32, #tpu.memory_space<vmem>>
      %dma_wait3A_342 = arith.constant 0 : i32
      %dma_wait3A_343 = tpu.memref_slice %arg12[%add3A_285, %dma_wait3A_342] : memref<10080x144xf32, #tpu.memory_space<vmem_shared>> -> memref<30x144xf32, #tpu.memory_space<vmem_shared>>
      tpu.wait_dma2 semaphore(%run_scoped3A : memref<!tpu.dma_semaphore, #tpu.memory_space<semaphore_mem>>) src(%dma_wait3A_343 : memref<30x144xf32, #tpu.memory_space<vmem_shared>>) dst(%dma_wait3A_341 : memref<30x144xf32, #tpu.memory_space<vmem>>)
      tpu.yield
    }) : () -> ()
    "tpu.region"() ({
      %run_scoped3A = tpu.sem_alloc : memref<!tpu.dma_semaphore, #tpu.memory_space<semaphore_mem>>
      %dma_start3A_324 = arith.constant 0 : i32
      %dma_start3A_325 = arith.constant 0 : i32
      %dma_start3A_326 = tpu.memref_slice %arg9[%dma_start3A_324, %dma_start3A_325] : memref<40x144xf32, #tpu.memory_space<vmem>> -> memref<30x144xf32, #tpu.memory_space<vmem>>
      %dma_start3A_327 = arith.constant 0 : i32
      %dma_start3A_328 = tpu.memref_slice %arg7[%arg0, %add3A_285, %dma_start3A_327] : memref<2x10080x144xf32, #tpu.memory_space<hbm>> -> memref<1x30x144xf32, #tpu.memory_space<hbm>>
      %dma_start3A_329 = tpu.memref_squeeze %dma_start3A_328 : memref<1x30x144xf32, #tpu.memory_space<hbm>> -> memref<30x144xf32, #tpu.memory_space<hbm>>
      %dma_start3A_330 = arith.constant 0 : i32
      %dma_start3A_331 = tpu.memref_slice %arg7[%arg0, %add3A_285, %dma_start3A_330] : memref<2x10080x144xf32, #tpu.memory_space<hbm>> -> memref<1x30x144xf32, #tpu.memory_space<hbm>>
      %dma_start3A_332 = tpu.memref_squeeze %dma_start3A_331 : memref<1x30x144xf32, #tpu.memory_space<hbm>> -> memref<30x144xf32, #tpu.memory_space<hbm>>
      %dma_start3A_333 = arith.constant 0 : i32
      %dma_start3A_334 = arith.constant 0 : i32
      %dma_start3A_335 = tpu.memref_slice %arg9[%dma_start3A_333, %dma_start3A_334] : memref<40x144xf32, #tpu.memory_space<vmem>> -> memref<30x144xf32, #tpu.memory_space<vmem>>
      tpu.enqueue_dma source(%dma_start3A_335 : memref<30x144xf32, #tpu.memory_space<vmem>>) target(%dma_start3A_332 : memref<30x144xf32, #tpu.memory_space<hbm>>) target_semaphore(%run_scoped3A : memref<!tpu.dma_semaphore, #tpu.memory_space<semaphore_mem>>)
      %dma_wait3A_336 = arith.constant 0 : i32
      %dma_wait3A_337 = arith.constant 0 : i32
      %dma_wait3A_338 = tpu.memref_slice %arg9[%dma_wait3A_336, %dma_wait3A_337] : memref<40x144xf32, #tpu.memory_space<vmem>> -> memref<30x144xf32, #tpu.memory_space<vmem>>
      %dma_wait3A_339 = arith.constant 0 : i32
      %dma_wait3A_340 = tpu.memref_slice %arg7[%arg0, %add3A_285, %dma_wait3A_339] : memref<2x10080x144xf32, #tpu.memory_space<hbm>> -> memref<1x30x144xf32, #tpu.memory_space<hbm>>
      %dma_wait3A_341 = tpu.memref_squeeze %dma_wait3A_340 : memref<1x30x144xf32, #tpu.memory_space<hbm>> -> memref<30x144xf32, #tpu.memory_space<hbm>>
      %dma_wait3A_342 = arith.constant 0 : i32
      %dma_wait3A_343 = tpu.memref_slice %arg7[%arg0, %add3A_285, %dma_wait3A_342] : memref<2x10080x144xf32, #tpu.memory_space<hbm>> -> memref<1x30x144xf32, #tpu.memory_space<hbm>>
      %dma_wait3A_344 = tpu.memref_squeeze %dma_wait3A_343 : memref<1x30x144xf32, #tpu.memory_space<hbm>> -> memref<30x144xf32, #tpu.memory_space<hbm>>
      %dma_wait3A_345 = arith.constant 0 : i32
      %dma_wait3A_346 = arith.constant 0 : i32
      %dma_wait3A_347 = tpu.memref_slice %arg9[%dma_wait3A_345, %dma_wait3A_346] : memref<40x144xf32, #tpu.memory_space<vmem>> -> memref<30x144xf32, #tpu.memory_space<vmem>>
      tpu.wait_dma2 semaphore(%run_scoped3A : memref<!tpu.dma_semaphore, #tpu.memory_space<semaphore_mem>>) src(%dma_wait3A_347 : memref<30x144xf32, #tpu.memory_space<vmem>>) dst(%dma_wait3A_344 : memref<30x144xf32, #tpu.memory_space<hbm>>)
      tpu.yield
    }) : () -> ()
    %add3A_286 = arith.constant 60 : i32
    %add3A_287 = arith.addi %mul3A_12, %add3A_286 : i32
    "tpu.region"() ({
      %run_scoped3A = tpu.sem_alloc : memref<!tpu.dma_semaphore, #tpu.memory_space<semaphore_mem>>
      %dma_start3A_324 = arith.constant 0 : i32
      %dma_start3A_325 = arith.constant 0 : i32
      %dma_start3A_326 = tpu.memref_slice %arg9[%dma_start3A_324, %dma_start3A_325] : memref<40x144xf32, #tpu.memory_space<vmem>> -> memref<30x144xf32, #tpu.memory_space<vmem>>
      %dma_start3A_327 = arith.constant 0 : i32
      %dma_start3A_328 = tpu.memref_slice %arg12[%add3A_287, %dma_start3A_327] : memref<10080x144xf32, #tpu.memory_space<vmem_shared>> -> memref<30x144xf32, #tpu.memory_space<vmem_shared>>
      %dma_start3A_329 = arith.constant 0 : i32
      %dma_start3A_330 = arith.constant 0 : i32
      %dma_start3A_331 = tpu.memref_slice %arg9[%dma_start3A_329, %dma_start3A_330] : memref<40x144xf32, #tpu.memory_space<vmem>> -> memref<30x144xf32, #tpu.memory_space<vmem>>
      %dma_start3A_332 = arith.constant 0 : i32
      %dma_start3A_333 = tpu.memref_slice %arg12[%add3A_287, %dma_start3A_332] : memref<10080x144xf32, #tpu.memory_space<vmem_shared>> -> memref<30x144xf32, #tpu.memory_space<vmem_shared>>
      tpu.enqueue_dma source(%dma_start3A_333 : memref<30x144xf32, #tpu.memory_space<vmem_shared>>) target(%dma_start3A_331 : memref<30x144xf32, #tpu.memory_space<vmem>>) target_semaphore(%run_scoped3A : memref<!tpu.dma_semaphore, #tpu.memory_space<semaphore_mem>>)
      %dma_wait3A_334 = arith.constant 0 : i32
      %dma_wait3A_335 = arith.constant 0 : i32
      %dma_wait3A_336 = tpu.memref_slice %arg9[%dma_wait3A_334, %dma_wait3A_335] : memref<40x144xf32, #tpu.memory_space<vmem>> -> memref<30x144xf32, #tpu.memory_space<vmem>>
      %dma_wait3A_337 = arith.constant 0 : i32
      %dma_wait3A_338 = tpu.memref_slice %arg12[%add3A_287, %dma_wait3A_337] : memref<10080x144xf32, #tpu.memory_space<vmem_shared>> -> memref<30x144xf32, #tpu.memory_space<vmem_shared>>
      %dma_wait3A_339 = arith.constant 0 : i32
      %dma_wait3A_340 = arith.constant 0 : i32
      %dma_wait3A_341 = tpu.memref_slice %arg9[%dma_wait3A_339, %dma_wait3A_340] : memref<40x144xf32, #tpu.memory_space<vmem>> -> memref<30x144xf32, #tpu.memory_space<vmem>>
      %dma_wait3A_342 = arith.constant 0 : i32
      %dma_wait3A_343 = tpu.memref_slice %arg12[%add3A_287, %dma_wait3A_342] : memref<10080x144xf32, #tpu.memory_space<vmem_shared>> -> memref<30x144xf32, #tpu.memory_space<vmem_shared>>
      tpu.wait_dma2 semaphore(%run_scoped3A : memref<!tpu.dma_semaphore, #tpu.memory_space<semaphore_mem>>) src(%dma_wait3A_343 : memref<30x144xf32, #tpu.memory_space<vmem_shared>>) dst(%dma_wait3A_341 : memref<30x144xf32, #tpu.memory_space<vmem>>)
      tpu.yield
    }) : () -> ()
    "tpu.region"() ({
      %run_scoped3A = tpu.sem_alloc : memref<!tpu.dma_semaphore, #tpu.memory_space<semaphore_mem>>
      %dma_start3A_324 = arith.constant 0 : i32
      %dma_start3A_325 = arith.constant 0 : i32
      %dma_start3A_326 = tpu.memref_slice %arg9[%dma_start3A_324, %dma_start3A_325] : memref<40x144xf32, #tpu.memory_space<vmem>> -> memref<30x144xf32, #tpu.memory_space<vmem>>
      %dma_start3A_327 = arith.constant 0 : i32
      %dma_start3A_328 = tpu.memref_slice %arg7[%arg0, %add3A_287, %dma_start3A_327] : memref<2x10080x144xf32, #tpu.memory_space<hbm>> -> memref<1x30x144xf32, #tpu.memory_space<hbm>>
      %dma_start3A_329 = tpu.memref_squeeze %dma_start3A_328 : memref<1x30x144xf32, #tpu.memory_space<hbm>> -> memref<30x144xf32, #tpu.memory_space<hbm>>
      %dma_start3A_330 = arith.constant 0 : i32
      %dma_start3A_331 = tpu.memref_slice %arg7[%arg0, %add3A_287, %dma_start3A_330] : memref<2x10080x144xf32, #tpu.memory_space<hbm>> -> memref<1x30x144xf32, #tpu.memory_space<hbm>>
      %dma_start3A_332 = tpu.memref_squeeze %dma_start3A_331 : memref<1x30x144xf32, #tpu.memory_space<hbm>> -> memref<30x144xf32, #tpu.memory_space<hbm>>
      %dma_start3A_333 = arith.constant 0 : i32
      %dma_start3A_334 = arith.constant 0 : i32
      %dma_start3A_335 = tpu.memref_slice %arg9[%dma_start3A_333, %dma_start3A_334] : memref<40x144xf32, #tpu.memory_space<vmem>> -> memref<30x144xf32, #tpu.memory_space<vmem>>
      tpu.enqueue_dma source(%dma_start3A_335 : memref<30x144xf32, #tpu.memory_space<vmem>>) target(%dma_start3A_332 : memref<30x144xf32, #tpu.memory_space<hbm>>) target_semaphore(%run_scoped3A : memref<!tpu.dma_semaphore, #tpu.memory_space<semaphore_mem>>)
      %dma_wait3A_336 = arith.constant 0 : i32
      %dma_wait3A_337 = arith.constant 0 : i32
      %dma_wait3A_338 = tpu.memref_slice %arg9[%dma_wait3A_336, %dma_wait3A_337] : memref<40x144xf32, #tpu.memory_space<vmem>> -> memref<30x144xf32, #tpu.memory_space<vmem>>
      %dma_wait3A_339 = arith.constant 0 : i32
      %dma_wait3A_340 = tpu.memref_slice %arg7[%arg0, %add3A_287, %dma_wait3A_339] : memref<2x10080x144xf32, #tpu.memory_space<hbm>> -> memref<1x30x144xf32, #tpu.memory_space<hbm>>
      %dma_wait3A_341 = tpu.memref_squeeze %dma_wait3A_340 : memref<1x30x144xf32, #tpu.memory_space<hbm>> -> memref<30x144xf32, #tpu.memory_space<hbm>>
      %dma_wait3A_342 = arith.constant 0 : i32
      %dma_wait3A_343 = tpu.memref_slice %arg7[%arg0, %add3A_287, %dma_wait3A_342] : memref<2x10080x144xf32, #tpu.memory_space<hbm>> -> memref<1x30x144xf32, #tpu.memory_space<hbm>>
      %dma_wait3A_344 = tpu.memref_squeeze %dma_wait3A_343 : memref<1x30x144xf32, #tpu.memory_space<hbm>> -> memref<30x144xf32, #tpu.memory_space<hbm>>
      %dma_wait3A_345 = arith.constant 0 : i32
      %dma_wait3A_346 = arith.constant 0 : i32
      %dma_wait3A_347 = tpu.memref_slice %arg9[%dma_wait3A_345, %dma_wait3A_346] : memref<40x144xf32, #tpu.memory_space<vmem>> -> memref<30x144xf32, #tpu.memory_space<vmem>>
      tpu.wait_dma2 semaphore(%run_scoped3A : memref<!tpu.dma_semaphore, #tpu.memory_space<semaphore_mem>>) src(%dma_wait3A_347 : memref<30x144xf32, #tpu.memory_space<vmem>>) dst(%dma_wait3A_344 : memref<30x144xf32, #tpu.memory_space<hbm>>)
      tpu.yield
    }) : () -> ()
    %add3A_288 = arith.constant 90 : i32
    %add3A_289 = arith.addi %mul3A_12, %add3A_288 : i32
    "tpu.region"() ({
      %run_scoped3A = tpu.sem_alloc : memref<!tpu.dma_semaphore, #tpu.memory_space<semaphore_mem>>
      %dma_start3A_324 = arith.constant 0 : i32
      %dma_start3A_325 = arith.constant 0 : i32
      %dma_start3A_326 = tpu.memref_slice %arg9[%dma_start3A_324, %dma_start3A_325] : memref<40x144xf32, #tpu.memory_space<vmem>> -> memref<30x144xf32, #tpu.memory_space<vmem>>
      %dma_start3A_327 = arith.constant 0 : i32
      %dma_start3A_328 = tpu.memref_slice %arg12[%add3A_289, %dma_start3A_327] : memref<10080x144xf32, #tpu.memory_space<vmem_shared>> -> memref<30x144xf32, #tpu.memory_space<vmem_shared>>
      %dma_start3A_329 = arith.constant 0 : i32
      %dma_start3A_330 = arith.constant 0 : i32
      %dma_start3A_331 = tpu.memref_slice %arg9[%dma_start3A_329, %dma_start3A_330] : memref<40x144xf32, #tpu.memory_space<vmem>> -> memref<30x144xf32, #tpu.memory_space<vmem>>
      %dma_start3A_332 = arith.constant 0 : i32
      %dma_start3A_333 = tpu.memref_slice %arg12[%add3A_289, %dma_start3A_332] : memref<10080x144xf32, #tpu.memory_space<vmem_shared>> -> memref<30x144xf32, #tpu.memory_space<vmem_shared>>
      tpu.enqueue_dma source(%dma_start3A_333 : memref<30x144xf32, #tpu.memory_space<vmem_shared>>) target(%dma_start3A_331 : memref<30x144xf32, #tpu.memory_space<vmem>>) target_semaphore(%run_scoped3A : memref<!tpu.dma_semaphore, #tpu.memory_space<semaphore_mem>>)
      %dma_wait3A_334 = arith.constant 0 : i32
      %dma_wait3A_335 = arith.constant 0 : i32
      %dma_wait3A_336 = tpu.memref_slice %arg9[%dma_wait3A_334, %dma_wait3A_335] : memref<40x144xf32, #tpu.memory_space<vmem>> -> memref<30x144xf32, #tpu.memory_space<vmem>>
      %dma_wait3A_337 = arith.constant 0 : i32
      %dma_wait3A_338 = tpu.memref_slice %arg12[%add3A_289, %dma_wait3A_337] : memref<10080x144xf32, #tpu.memory_space<vmem_shared>> -> memref<30x144xf32, #tpu.memory_space<vmem_shared>>
      %dma_wait3A_339 = arith.constant 0 : i32
      %dma_wait3A_340 = arith.constant 0 : i32
      %dma_wait3A_341 = tpu.memref_slice %arg9[%dma_wait3A_339, %dma_wait3A_340] : memref<40x144xf32, #tpu.memory_space<vmem>> -> memref<30x144xf32, #tpu.memory_space<vmem>>
      %dma_wait3A_342 = arith.constant 0 : i32
      %dma_wait3A_343 = tpu.memref_slice %arg12[%add3A_289, %dma_wait3A_342] : memref<10080x144xf32, #tpu.memory_space<vmem_shared>> -> memref<30x144xf32, #tpu.memory_space<vmem_shared>>
      tpu.wait_dma2 semaphore(%run_scoped3A : memref<!tpu.dma_semaphore, #tpu.memory_space<semaphore_mem>>) src(%dma_wait3A_343 : memref<30x144xf32, #tpu.memory_space<vmem_shared>>) dst(%dma_wait3A_341 : memref<30x144xf32, #tpu.memory_space<vmem>>)
      tpu.yield
    }) : () -> ()
    "tpu.region"() ({
      %run_scoped3A = tpu.sem_alloc : memref<!tpu.dma_semaphore, #tpu.memory_space<semaphore_mem>>
      %dma_start3A_324 = arith.constant 0 : i32
      %dma_start3A_325 = arith.constant 0 : i32
      %dma_start3A_326 = tpu.memref_slice %arg9[%dma_start3A_324, %dma_start3A_325] : memref<40x144xf32, #tpu.memory_space<vmem>> -> memref<30x144xf32, #tpu.memory_space<vmem>>
      %dma_start3A_327 = arith.constant 0 : i32
      %dma_start3A_328 = tpu.memref_slice %arg7[%arg0, %add3A_289, %dma_start3A_327] : memref<2x10080x144xf32, #tpu.memory_space<hbm>> -> memref<1x30x144xf32, #tpu.memory_space<hbm>>
      %dma_start3A_329 = tpu.memref_squeeze %dma_start3A_328 : memref<1x30x144xf32, #tpu.memory_space<hbm>> -> memref<30x144xf32, #tpu.memory_space<hbm>>
      %dma_start3A_330 = arith.constant 0 : i32
      %dma_start3A_331 = tpu.memref_slice %arg7[%arg0, %add3A_289, %dma_start3A_330] : memref<2x10080x144xf32, #tpu.memory_space<hbm>> -> memref<1x30x144xf32, #tpu.memory_space<hbm>>
      %dma_start3A_332 = tpu.memref_squeeze %dma_start3A_331 : memref<1x30x144xf32, #tpu.memory_space<hbm>> -> memref<30x144xf32, #tpu.memory_space<hbm>>
      %dma_start3A_333 = arith.constant 0 : i32
      %dma_start3A_334 = arith.constant 0 : i32
      %dma_start3A_335 = tpu.memref_slice %arg9[%dma_start3A_333, %dma_start3A_334] : memref<40x144xf32, #tpu.memory_space<vmem>> -> memref<30x144xf32, #tpu.memory_space<vmem>>
      tpu.enqueue_dma source(%dma_start3A_335 : memref<30x144xf32, #tpu.memory_space<vmem>>) target(%dma_start3A_332 : memref<30x144xf32, #tpu.memory_space<hbm>>) target_semaphore(%run_scoped3A : memref<!tpu.dma_semaphore, #tpu.memory_space<semaphore_mem>>)
      %dma_wait3A_336 = arith.constant 0 : i32
      %dma_wait3A_337 = arith.constant 0 : i32
      %dma_wait3A_338 = tpu.memref_slice %arg9[%dma_wait3A_336, %dma_wait3A_337] : memref<40x144xf32, #tpu.memory_space<vmem>> -> memref<30x144xf32, #tpu.memory_space<vmem>>
      %dma_wait3A_339 = arith.constant 0 : i32
      %dma_wait3A_340 = tpu.memref_slice %arg7[%arg0, %add3A_289, %dma_wait3A_339] : memref<2x10080x144xf32, #tpu.memory_space<hbm>> -> memref<1x30x144xf32, #tpu.memory_space<hbm>>
      %dma_wait3A_341 = tpu.memref_squeeze %dma_wait3A_340 : memref<1x30x144xf32, #tpu.memory_space<hbm>> -> memref<30x144xf32, #tpu.memory_space<hbm>>
      %dma_wait3A_342 = arith.constant 0 : i32
      %dma_wait3A_343 = tpu.memref_slice %arg7[%arg0, %add3A_289, %dma_wait3A_342] : memref<2x10080x144xf32, #tpu.memory_space<hbm>> -> memref<1x30x144xf32, #tpu.memory_space<hbm>>
      %dma_wait3A_344 = tpu.memref_squeeze %dma_wait3A_343 : memref<1x30x144xf32, #tpu.memory_space<hbm>> -> memref<30x144xf32, #tpu.memory_space<hbm>>
      %dma_wait3A_345 = arith.constant 0 : i32
      %dma_wait3A_346 = arith.constant 0 : i32
      %dma_wait3A_347 = tpu.memref_slice %arg9[%dma_wait3A_345, %dma_wait3A_346] : memref<40x144xf32, #tpu.memory_space<vmem>> -> memref<30x144xf32, #tpu.memory_space<vmem>>
      tpu.wait_dma2 semaphore(%run_scoped3A : memref<!tpu.dma_semaphore, #tpu.memory_space<semaphore_mem>>) src(%dma_wait3A_347 : memref<30x144xf32, #tpu.memory_space<vmem>>) dst(%dma_wait3A_344 : memref<30x144xf32, #tpu.memory_space<hbm>>)
      tpu.yield
    }) : () -> ()
    %add3A_290 = arith.constant 120 : i32
    %add3A_291 = arith.addi %mul3A_12, %add3A_290 : i32
    "tpu.region"() ({
      %run_scoped3A = tpu.sem_alloc : memref<!tpu.dma_semaphore, #tpu.memory_space<semaphore_mem>>
      %dma_start3A_324 = arith.constant 0 : i32
      %dma_start3A_325 = arith.constant 0 : i32
      %dma_start3A_326 = tpu.memref_slice %arg9[%dma_start3A_324, %dma_start3A_325] : memref<40x144xf32, #tpu.memory_space<vmem>> -> memref<30x144xf32, #tpu.memory_space<vmem>>
      %dma_start3A_327 = arith.constant 0 : i32
      %dma_start3A_328 = tpu.memref_slice %arg12[%add3A_291, %dma_start3A_327] : memref<10080x144xf32, #tpu.memory_space<vmem_shared>> -> memref<30x144xf32, #tpu.memory_space<vmem_shared>>
      %dma_start3A_329 = arith.constant 0 : i32
      %dma_start3A_330 = arith.constant 0 : i32
      %dma_start3A_331 = tpu.memref_slice %arg9[%dma_start3A_329, %dma_start3A_330] : memref<40x144xf32, #tpu.memory_space<vmem>> -> memref<30x144xf32, #tpu.memory_space<vmem>>
      %dma_start3A_332 = arith.constant 0 : i32
      %dma_start3A_333 = tpu.memref_slice %arg12[%add3A_291, %dma_start3A_332] : memref<10080x144xf32, #tpu.memory_space<vmem_shared>> -> memref<30x144xf32, #tpu.memory_space<vmem_shared>>
      tpu.enqueue_dma source(%dma_start3A_333 : memref<30x144xf32, #tpu.memory_space<vmem_shared>>) target(%dma_start3A_331 : memref<30x144xf32, #tpu.memory_space<vmem>>) target_semaphore(%run_scoped3A : memref<!tpu.dma_semaphore, #tpu.memory_space<semaphore_mem>>)
      %dma_wait3A_334 = arith.constant 0 : i32
      %dma_wait3A_335 = arith.constant 0 : i32
      %dma_wait3A_336 = tpu.memref_slice %arg9[%dma_wait3A_334, %dma_wait3A_335] : memref<40x144xf32, #tpu.memory_space<vmem>> -> memref<30x144xf32, #tpu.memory_space<vmem>>
      %dma_wait3A_337 = arith.constant 0 : i32
      %dma_wait3A_338 = tpu.memref_slice %arg12[%add3A_291, %dma_wait3A_337] : memref<10080x144xf32, #tpu.memory_space<vmem_shared>> -> memref<30x144xf32, #tpu.memory_space<vmem_shared>>
      %dma_wait3A_339 = arith.constant 0 : i32
      %dma_wait3A_340 = arith.constant 0 : i32
      %dma_wait3A_341 = tpu.memref_slice %arg9[%dma_wait3A_339, %dma_wait3A_340] : memref<40x144xf32, #tpu.memory_space<vmem>> -> memref<30x144xf32, #tpu.memory_space<vmem>>
      %dma_wait3A_342 = arith.constant 0 : i32
      %dma_wait3A_343 = tpu.memref_slice %arg12[%add3A_291, %dma_wait3A_342] : memref<10080x144xf32, #tpu.memory_space<vmem_shared>> -> memref<30x144xf32, #tpu.memory_space<vmem_shared>>
      tpu.wait_dma2 semaphore(%run_scoped3A : memref<!tpu.dma_semaphore, #tpu.memory_space<semaphore_mem>>) src(%dma_wait3A_343 : memref<30x144xf32, #tpu.memory_space<vmem_shared>>) dst(%dma_wait3A_341 : memref<30x144xf32, #tpu.memory_space<vmem>>)
      tpu.yield
    }) : () -> ()
    "tpu.region"() ({
      %run_scoped3A = tpu.sem_alloc : memref<!tpu.dma_semaphore, #tpu.memory_space<semaphore_mem>>
      %dma_start3A_324 = arith.constant 0 : i32
      %dma_start3A_325 = arith.constant 0 : i32
      %dma_start3A_326 = tpu.memref_slice %arg9[%dma_start3A_324, %dma_start3A_325] : memref<40x144xf32, #tpu.memory_space<vmem>> -> memref<30x144xf32, #tpu.memory_space<vmem>>
      %dma_start3A_327 = arith.constant 0 : i32
      %dma_start3A_328 = tpu.memref_slice %arg7[%arg0, %add3A_291, %dma_start3A_327] : memref<2x10080x144xf32, #tpu.memory_space<hbm>> -> memref<1x30x144xf32, #tpu.memory_space<hbm>>
      %dma_start3A_329 = tpu.memref_squeeze %dma_start3A_328 : memref<1x30x144xf32, #tpu.memory_space<hbm>> -> memref<30x144xf32, #tpu.memory_space<hbm>>
      %dma_start3A_330 = arith.constant 0 : i32
      %dma_start3A_331 = tpu.memref_slice %arg7[%arg0, %add3A_291, %dma_start3A_330] : memref<2x10080x144xf32, #tpu.memory_space<hbm>> -> memref<1x30x144xf32, #tpu.memory_space<hbm>>
      %dma_start3A_332 = tpu.memref_squeeze %dma_start3A_331 : memref<1x30x144xf32, #tpu.memory_space<hbm>> -> memref<30x144xf32, #tpu.memory_space<hbm>>
      %dma_start3A_333 = arith.constant 0 : i32
      %dma_start3A_334 = arith.constant 0 : i32
      %dma_start3A_335 = tpu.memref_slice %arg9[%dma_start3A_333, %dma_start3A_334] : memref<40x144xf32, #tpu.memory_space<vmem>> -> memref<30x144xf32, #tpu.memory_space<vmem>>
      tpu.enqueue_dma source(%dma_start3A_335 : memref<30x144xf32, #tpu.memory_space<vmem>>) target(%dma_start3A_332 : memref<30x144xf32, #tpu.memory_space<hbm>>) target_semaphore(%run_scoped3A : memref<!tpu.dma_semaphore, #tpu.memory_space<semaphore_mem>>)
      %dma_wait3A_336 = arith.constant 0 : i32
      %dma_wait3A_337 = arith.constant 0 : i32
      %dma_wait3A_338 = tpu.memref_slice %arg9[%dma_wait3A_336, %dma_wait3A_337] : memref<40x144xf32, #tpu.memory_space<vmem>> -> memref<30x144xf32, #tpu.memory_space<vmem>>
      %dma_wait3A_339 = arith.constant 0 : i32
      %dma_wait3A_340 = tpu.memref_slice %arg7[%arg0, %add3A_291, %dma_wait3A_339] : memref<2x10080x144xf32, #tpu.memory_space<hbm>> -> memref<1x30x144xf32, #tpu.memory_space<hbm>>
      %dma_wait3A_341 = tpu.memref_squeeze %dma_wait3A_340 : memref<1x30x144xf32, #tpu.memory_space<hbm>> -> memref<30x144xf32, #tpu.memory_space<hbm>>
      %dma_wait3A_342 = arith.constant 0 : i32
      %dma_wait3A_343 = tpu.memref_slice %arg7[%arg0, %add3A_291, %dma_wait3A_342] : memref<2x10080x144xf32, #tpu.memory_space<hbm>> -> memref<1x30x144xf32, #tpu.memory_space<hbm>>
      %dma_wait3A_344 = tpu.memref_squeeze %dma_wait3A_343 : memref<1x30x144xf32, #tpu.memory_space<hbm>> -> memref<30x144xf32, #tpu.memory_space<hbm>>
      %dma_wait3A_345 = arith.constant 0 : i32
      %dma_wait3A_346 = arith.constant 0 : i32
      %dma_wait3A_347 = tpu.memref_slice %arg9[%dma_wait3A_345, %dma_wait3A_346] : memref<40x144xf32, #tpu.memory_space<vmem>> -> memref<30x144xf32, #tpu.memory_space<vmem>>
      tpu.wait_dma2 semaphore(%run_scoped3A : memref<!tpu.dma_semaphore, #tpu.memory_space<semaphore_mem>>) src(%dma_wait3A_347 : memref<30x144xf32, #tpu.memory_space<vmem>>) dst(%dma_wait3A_344 : memref<30x144xf32, #tpu.memory_space<hbm>>)
      tpu.yield
    }) : () -> ()
    %add3A_292 = arith.constant 150 : i32
    %add3A_293 = arith.addi %mul3A_12, %add3A_292 : i32
    "tpu.region"() ({
      %run_scoped3A = tpu.sem_alloc : memref<!tpu.dma_semaphore, #tpu.memory_space<semaphore_mem>>
      %dma_start3A_324 = arith.constant 0 : i32
      %dma_start3A_325 = arith.constant 0 : i32
      %dma_start3A_326 = tpu.memref_slice %arg9[%dma_start3A_324, %dma_start3A_325] : memref<40x144xf32, #tpu.memory_space<vmem>> -> memref<30x144xf32, #tpu.memory_space<vmem>>
      %dma_start3A_327 = arith.constant 0 : i32
      %dma_start3A_328 = tpu.memref_slice %arg12[%add3A_293, %dma_start3A_327] : memref<10080x144xf32, #tpu.memory_space<vmem_shared>> -> memref<30x144xf32, #tpu.memory_space<vmem_shared>>
      %dma_start3A_329 = arith.constant 0 : i32
      %dma_start3A_330 = arith.constant 0 : i32
      %dma_start3A_331 = tpu.memref_slice %arg9[%dma_start3A_329, %dma_start3A_330] : memref<40x144xf32, #tpu.memory_space<vmem>> -> memref<30x144xf32, #tpu.memory_space<vmem>>
      %dma_start3A_332 = arith.constant 0 : i32
      %dma_start3A_333 = tpu.memref_slice %arg12[%add3A_293, %dma_start3A_332] : memref<10080x144xf32, #tpu.memory_space<vmem_shared>> -> memref<30x144xf32, #tpu.memory_space<vmem_shared>>
      tpu.enqueue_dma source(%dma_start3A_333 : memref<30x144xf32, #tpu.memory_space<vmem_shared>>) target(%dma_start3A_331 : memref<30x144xf32, #tpu.memory_space<vmem>>) target_semaphore(%run_scoped3A : memref<!tpu.dma_semaphore, #tpu.memory_space<semaphore_mem>>)
      %dma_wait3A_334 = arith.constant 0 : i32
      %dma_wait3A_335 = arith.constant 0 : i32
      %dma_wait3A_336 = tpu.memref_slice %arg9[%dma_wait3A_334, %dma_wait3A_335] : memref<40x144xf32, #tpu.memory_space<vmem>> -> memref<30x144xf32, #tpu.memory_space<vmem>>
      %dma_wait3A_337 = arith.constant 0 : i32
      %dma_wait3A_338 = tpu.memref_slice %arg12[%add3A_293, %dma_wait3A_337] : memref<10080x144xf32, #tpu.memory_space<vmem_shared>> -> memref<30x144xf32, #tpu.memory_space<vmem_shared>>
      %dma_wait3A_339 = arith.constant 0 : i32
      %dma_wait3A_340 = arith.constant 0 : i32
      %dma_wait3A_341 = tpu.memref_slice %arg9[%dma_wait3A_339, %dma_wait3A_340] : memref<40x144xf32, #tpu.memory_space<vmem>> -> memref<30x144xf32, #tpu.memory_space<vmem>>
      %dma_wait3A_342 = arith.constant 0 : i32
      %dma_wait3A_343 = tpu.memref_slice %arg12[%add3A_293, %dma_wait3A_342] : memref<10080x144xf32, #tpu.memory_space<vmem_shared>> -> memref<30x144xf32, #tpu.memory_space<vmem_shared>>
      tpu.wait_dma2 semaphore(%run_scoped3A : memref<!tpu.dma_semaphore, #tpu.memory_space<semaphore_mem>>) src(%dma_wait3A_343 : memref<30x144xf32, #tpu.memory_space<vmem_shared>>) dst(%dma_wait3A_341 : memref<30x144xf32, #tpu.memory_space<vmem>>)
      tpu.yield
    }) : () -> ()
    "tpu.region"() ({
      %run_scoped3A = tpu.sem_alloc : memref<!tpu.dma_semaphore, #tpu.memory_space<semaphore_mem>>
      %dma_start3A_324 = arith.constant 0 : i32
      %dma_start3A_325 = arith.constant 0 : i32
      %dma_start3A_326 = tpu.memref_slice %arg9[%dma_start3A_324, %dma_start3A_325] : memref<40x144xf32, #tpu.memory_space<vmem>> -> memref<30x144xf32, #tpu.memory_space<vmem>>
      %dma_start3A_327 = arith.constant 0 : i32
      %dma_start3A_328 = tpu.memref_slice %arg7[%arg0, %add3A_293, %dma_start3A_327] : memref<2x10080x144xf32, #tpu.memory_space<hbm>> -> memref<1x30x144xf32, #tpu.memory_space<hbm>>
      %dma_start3A_329 = tpu.memref_squeeze %dma_start3A_328 : memref<1x30x144xf32, #tpu.memory_space<hbm>> -> memref<30x144xf32, #tpu.memory_space<hbm>>
      %dma_start3A_330 = arith.constant 0 : i32
      %dma_start3A_331 = tpu.memref_slice %arg7[%arg0, %add3A_293, %dma_start3A_330] : memref<2x10080x144xf32, #tpu.memory_space<hbm>> -> memref<1x30x144xf32, #tpu.memory_space<hbm>>
      %dma_start3A_332 = tpu.memref_squeeze %dma_start3A_331 : memref<1x30x144xf32, #tpu.memory_space<hbm>> -> memref<30x144xf32, #tpu.memory_space<hbm>>
      %dma_start3A_333 = arith.constant 0 : i32
      %dma_start3A_334 = arith.constant 0 : i32
      %dma_start3A_335 = tpu.memref_slice %arg9[%dma_start3A_333, %dma_start3A_334] : memref<40x144xf32, #tpu.memory_space<vmem>> -> memref<30x144xf32, #tpu.memory_space<vmem>>
      tpu.enqueue_dma source(%dma_start3A_335 : memref<30x144xf32, #tpu.memory_space<vmem>>) target(%dma_start3A_332 : memref<30x144xf32, #tpu.memory_space<hbm>>) target_semaphore(%run_scoped3A : memref<!tpu.dma_semaphore, #tpu.memory_space<semaphore_mem>>)
      %dma_wait3A_336 = arith.constant 0 : i32
      %dma_wait3A_337 = arith.constant 0 : i32
      %dma_wait3A_338 = tpu.memref_slice %arg9[%dma_wait3A_336, %dma_wait3A_337] : memref<40x144xf32, #tpu.memory_space<vmem>> -> memref<30x144xf32, #tpu.memory_space<vmem>>
      %dma_wait3A_339 = arith.constant 0 : i32
      %dma_wait3A_340 = tpu.memref_slice %arg7[%arg0, %add3A_293, %dma_wait3A_339] : memref<2x10080x144xf32, #tpu.memory_space<hbm>> -> memref<1x30x144xf32, #tpu.memory_space<hbm>>
      %dma_wait3A_341 = tpu.memref_squeeze %dma_wait3A_340 : memref<1x30x144xf32, #tpu.memory_space<hbm>> -> memref<30x144xf32, #tpu.memory_space<hbm>>
      %dma_wait3A_342 = arith.constant 0 : i32
      %dma_wait3A_343 = tpu.memref_slice %arg7[%arg0, %add3A_293, %dma_wait3A_342] : memref<2x10080x144xf32, #tpu.memory_space<hbm>> -> memref<1x30x144xf32, #tpu.memory_space<hbm>>
      %dma_wait3A_344 = tpu.memref_squeeze %dma_wait3A_343 : memref<1x30x144xf32, #tpu.memory_space<hbm>> -> memref<30x144xf32, #tpu.memory_space<hbm>>
      %dma_wait3A_345 = arith.constant 0 : i32
      %dma_wait3A_346 = arith.constant 0 : i32
      %dma_wait3A_347 = tpu.memref_slice %arg9[%dma_wait3A_345, %dma_wait3A_346] : memref<40x144xf32, #tpu.memory_space<vmem>> -> memref<30x144xf32, #tpu.memory_space<vmem>>
      tpu.wait_dma2 semaphore(%run_scoped3A : memref<!tpu.dma_semaphore, #tpu.memory_space<semaphore_mem>>) src(%dma_wait3A_347 : memref<30x144xf32, #tpu.memory_space<vmem>>) dst(%dma_wait3A_344 : memref<30x144xf32, #tpu.memory_space<hbm>>)
      tpu.yield
    }) : () -> ()
    %add3A_294 = arith.constant 180 : i32
    %add3A_295 = arith.addi %mul3A_12, %add3A_294 : i32
    "tpu.region"() ({
      %run_scoped3A = tpu.sem_alloc : memref<!tpu.dma_semaphore, #tpu.memory_space<semaphore_mem>>
      %dma_start3A_324 = arith.constant 0 : i32
      %dma_start3A_325 = arith.constant 0 : i32
      %dma_start3A_326 = tpu.memref_slice %arg9[%dma_start3A_324, %dma_start3A_325] : memref<40x144xf32, #tpu.memory_space<vmem>> -> memref<30x144xf32, #tpu.memory_space<vmem>>
      %dma_start3A_327 = arith.constant 0 : i32
      %dma_start3A_328 = tpu.memref_slice %arg12[%add3A_295, %dma_start3A_327] : memref<10080x144xf32, #tpu.memory_space<vmem_shared>> -> memref<30x144xf32, #tpu.memory_space<vmem_shared>>
      %dma_start3A_329 = arith.constant 0 : i32
      %dma_start3A_330 = arith.constant 0 : i32
      %dma_start3A_331 = tpu.memref_slice %arg9[%dma_start3A_329, %dma_start3A_330] : memref<40x144xf32, #tpu.memory_space<vmem>> -> memref<30x144xf32, #tpu.memory_space<vmem>>
      %dma_start3A_332 = arith.constant 0 : i32
      %dma_start3A_333 = tpu.memref_slice %arg12[%add3A_295, %dma_start3A_332] : memref<10080x144xf32, #tpu.memory_space<vmem_shared>> -> memref<30x144xf32, #tpu.memory_space<vmem_shared>>
      tpu.enqueue_dma source(%dma_start3A_333 : memref<30x144xf32, #tpu.memory_space<vmem_shared>>) target(%dma_start3A_331 : memref<30x144xf32, #tpu.memory_space<vmem>>) target_semaphore(%run_scoped3A : memref<!tpu.dma_semaphore, #tpu.memory_space<semaphore_mem>>)
      %dma_wait3A_334 = arith.constant 0 : i32
      %dma_wait3A_335 = arith.constant 0 : i32
      %dma_wait3A_336 = tpu.memref_slice %arg9[%dma_wait3A_334, %dma_wait3A_335] : memref<40x144xf32, #tpu.memory_space<vmem>> -> memref<30x144xf32, #tpu.memory_space<vmem>>
      %dma_wait3A_337 = arith.constant 0 : i32
      %dma_wait3A_338 = tpu.memref_slice %arg12[%add3A_295, %dma_wait3A_337] : memref<10080x144xf32, #tpu.memory_space<vmem_shared>> -> memref<30x144xf32, #tpu.memory_space<vmem_shared>>
      %dma_wait3A_339 = arith.constant 0 : i32
      %dma_wait3A_340 = arith.constant 0 : i32
      %dma_wait3A_341 = tpu.memref_slice %arg9[%dma_wait3A_339, %dma_wait3A_340] : memref<40x144xf32, #tpu.memory_space<vmem>> -> memref<30x144xf32, #tpu.memory_space<vmem>>
      %dma_wait3A_342 = arith.constant 0 : i32
      %dma_wait3A_343 = tpu.memref_slice %arg12[%add3A_295, %dma_wait3A_342] : memref<10080x144xf32, #tpu.memory_space<vmem_shared>> -> memref<30x144xf32, #tpu.memory_space<vmem_shared>>
      tpu.wait_dma2 semaphore(%run_scoped3A : memref<!tpu.dma_semaphore, #tpu.memory_space<semaphore_mem>>) src(%dma_wait3A_343 : memref<30x144xf32, #tpu.memory_space<vmem_shared>>) dst(%dma_wait3A_341 : memref<30x144xf32, #tpu.memory_space<vmem>>)
      tpu.yield
    }) : () -> ()
    "tpu.region"() ({
      %run_scoped3A = tpu.sem_alloc : memref<!tpu.dma_semaphore, #tpu.memory_space<semaphore_mem>>
      %dma_start3A_324 = arith.constant 0 : i32
      %dma_start3A_325 = arith.constant 0 : i32
      %dma_start3A_326 = tpu.memref_slice %arg9[%dma_start3A_324, %dma_start3A_325] : memref<40x144xf32, #tpu.memory_space<vmem>> -> memref<30x144xf32, #tpu.memory_space<vmem>>
      %dma_start3A_327 = arith.constant 0 : i32
      %dma_start3A_328 = tpu.memref_slice %arg7[%arg0, %add3A_295, %dma_start3A_327] : memref<2x10080x144xf32, #tpu.memory_space<hbm>> -> memref<1x30x144xf32, #tpu.memory_space<hbm>>
      %dma_start3A_329 = tpu.memref_squeeze %dma_start3A_328 : memref<1x30x144xf32, #tpu.memory_space<hbm>> -> memref<30x144xf32, #tpu.memory_space<hbm>>
      %dma_start3A_330 = arith.constant 0 : i32
      %dma_start3A_331 = tpu.memref_slice %arg7[%arg0, %add3A_295, %dma_start3A_330] : memref<2x10080x144xf32, #tpu.memory_space<hbm>> -> memref<1x30x144xf32, #tpu.memory_space<hbm>>
      %dma_start3A_332 = tpu.memref_squeeze %dma_start3A_331 : memref<1x30x144xf32, #tpu.memory_space<hbm>> -> memref<30x144xf32, #tpu.memory_space<hbm>>
      %dma_start3A_333 = arith.constant 0 : i32
      %dma_start3A_334 = arith.constant 0 : i32
      %dma_start3A_335 = tpu.memref_slice %arg9[%dma_start3A_333, %dma_start3A_334] : memref<40x144xf32, #tpu.memory_space<vmem>> -> memref<30x144xf32, #tpu.memory_space<vmem>>
      tpu.enqueue_dma source(%dma_start3A_335 : memref<30x144xf32, #tpu.memory_space<vmem>>) target(%dma_start3A_332 : memref<30x144xf32, #tpu.memory_space<hbm>>) target_semaphore(%run_scoped3A : memref<!tpu.dma_semaphore, #tpu.memory_space<semaphore_mem>>)
      %dma_wait3A_336 = arith.constant 0 : i32
      %dma_wait3A_337 = arith.constant 0 : i32
      %dma_wait3A_338 = tpu.memref_slice %arg9[%dma_wait3A_336, %dma_wait3A_337] : memref<40x144xf32, #tpu.memory_space<vmem>> -> memref<30x144xf32, #tpu.memory_space<vmem>>
      %dma_wait3A_339 = arith.constant 0 : i32
      %dma_wait3A_340 = tpu.memref_slice %arg7[%arg0, %add3A_295, %dma_wait3A_339] : memref<2x10080x144xf32, #tpu.memory_space<hbm>> -> memref<1x30x144xf32, #tpu.memory_space<hbm>>
      %dma_wait3A_341 = tpu.memref_squeeze %dma_wait3A_340 : memref<1x30x144xf32, #tpu.memory_space<hbm>> -> memref<30x144xf32, #tpu.memory_space<hbm>>
      %dma_wait3A_342 = arith.constant 0 : i32
      %dma_wait3A_343 = tpu.memref_slice %arg7[%arg0, %add3A_295, %dma_wait3A_342] : memref<2x10080x144xf32, #tpu.memory_space<hbm>> -> memref<1x30x144xf32, #tpu.memory_space<hbm>>
      %dma_wait3A_344 = tpu.memref_squeeze %dma_wait3A_343 : memref<1x30x144xf32, #tpu.memory_space<hbm>> -> memref<30x144xf32, #tpu.memory_space<hbm>>
      %dma_wait3A_345 = arith.constant 0 : i32
      %dma_wait3A_346 = arith.constant 0 : i32
      %dma_wait3A_347 = tpu.memref_slice %arg9[%dma_wait3A_345, %dma_wait3A_346] : memref<40x144xf32, #tpu.memory_space<vmem>> -> memref<30x144xf32, #tpu.memory_space<vmem>>
      tpu.wait_dma2 semaphore(%run_scoped3A : memref<!tpu.dma_semaphore, #tpu.memory_space<semaphore_mem>>) src(%dma_wait3A_347 : memref<30x144xf32, #tpu.memory_space<vmem>>) dst(%dma_wait3A_344 : memref<30x144xf32, #tpu.memory_space<hbm>>)
      tpu.yield
    }) : () -> ()
    %add3A_296 = arith.constant 210 : i32
    %add3A_297 = arith.addi %mul3A_12, %add3A_296 : i32
    "tpu.region"() ({
      %run_scoped3A = tpu.sem_alloc : memref<!tpu.dma_semaphore, #tpu.memory_space<semaphore_mem>>
      %dma_start3A_324 = arith.constant 0 : i32
      %dma_start3A_325 = arith.constant 0 : i32
      %dma_start3A_326 = tpu.memref_slice %arg9[%dma_start3A_324, %dma_start3A_325] : memref<40x144xf32, #tpu.memory_space<vmem>> -> memref<30x144xf32, #tpu.memory_space<vmem>>
      %dma_start3A_327 = arith.constant 0 : i32
      %dma_start3A_328 = tpu.memref_slice %arg12[%add3A_297, %dma_start3A_327] : memref<10080x144xf32, #tpu.memory_space<vmem_shared>> -> memref<30x144xf32, #tpu.memory_space<vmem_shared>>
      %dma_start3A_329 = arith.constant 0 : i32
      %dma_start3A_330 = arith.constant 0 : i32
      %dma_start3A_331 = tpu.memref_slice %arg9[%dma_start3A_329, %dma_start3A_330] : memref<40x144xf32, #tpu.memory_space<vmem>> -> memref<30x144xf32, #tpu.memory_space<vmem>>
      %dma_start3A_332 = arith.constant 0 : i32
      %dma_start3A_333 = tpu.memref_slice %arg12[%add3A_297, %dma_start3A_332] : memref<10080x144xf32, #tpu.memory_space<vmem_shared>> -> memref<30x144xf32, #tpu.memory_space<vmem_shared>>
      tpu.enqueue_dma source(%dma_start3A_333 : memref<30x144xf32, #tpu.memory_space<vmem_shared>>) target(%dma_start3A_331 : memref<30x144xf32, #tpu.memory_space<vmem>>) target_semaphore(%run_scoped3A : memref<!tpu.dma_semaphore, #tpu.memory_space<semaphore_mem>>)
      %dma_wait3A_334 = arith.constant 0 : i32
      %dma_wait3A_335 = arith.constant 0 : i32
      %dma_wait3A_336 = tpu.memref_slice %arg9[%dma_wait3A_334, %dma_wait3A_335] : memref<40x144xf32, #tpu.memory_space<vmem>> -> memref<30x144xf32, #tpu.memory_space<vmem>>
      %dma_wait3A_337 = arith.constant 0 : i32
      %dma_wait3A_338 = tpu.memref_slice %arg12[%add3A_297, %dma_wait3A_337] : memref<10080x144xf32, #tpu.memory_space<vmem_shared>> -> memref<30x144xf32, #tpu.memory_space<vmem_shared>>
      %dma_wait3A_339 = arith.constant 0 : i32
      %dma_wait3A_340 = arith.constant 0 : i32
      %dma_wait3A_341 = tpu.memref_slice %arg9[%dma_wait3A_339, %dma_wait3A_340] : memref<40x144xf32, #tpu.memory_space<vmem>> -> memref<30x144xf32, #tpu.memory_space<vmem>>
      %dma_wait3A_342 = arith.constant 0 : i32
      %dma_wait3A_343 = tpu.memref_slice %arg12[%add3A_297, %dma_wait3A_342] : memref<10080x144xf32, #tpu.memory_space<vmem_shared>> -> memref<30x144xf32, #tpu.memory_space<vmem_shared>>
      tpu.wait_dma2 semaphore(%run_scoped3A : memref<!tpu.dma_semaphore, #tpu.memory_space<semaphore_mem>>) src(%dma_wait3A_343 : memref<30x144xf32, #tpu.memory_space<vmem_shared>>) dst(%dma_wait3A_341 : memref<30x144xf32, #tpu.memory_space<vmem>>)
      tpu.yield
    }) : () -> ()
    "tpu.region"() ({
      %run_scoped3A = tpu.sem_alloc : memref<!tpu.dma_semaphore, #tpu.memory_space<semaphore_mem>>
      %dma_start3A_324 = arith.constant 0 : i32
      %dma_start3A_325 = arith.constant 0 : i32
      %dma_start3A_326 = tpu.memref_slice %arg9[%dma_start3A_324, %dma_start3A_325] : memref<40x144xf32, #tpu.memory_space<vmem>> -> memref<30x144xf32, #tpu.memory_space<vmem>>
      %dma_start3A_327 = arith.constant 0 : i32
      %dma_start3A_328 = tpu.memref_slice %arg7[%arg0, %add3A_297, %dma_start3A_327] : memref<2x10080x144xf32, #tpu.memory_space<hbm>> -> memref<1x30x144xf32, #tpu.memory_space<hbm>>
      %dma_start3A_329 = tpu.memref_squeeze %dma_start3A_328 : memref<1x30x144xf32, #tpu.memory_space<hbm>> -> memref<30x144xf32, #tpu.memory_space<hbm>>
      %dma_start3A_330 = arith.constant 0 : i32
      %dma_start3A_331 = tpu.memref_slice %arg7[%arg0, %add3A_297, %dma_start3A_330] : memref<2x10080x144xf32, #tpu.memory_space<hbm>> -> memref<1x30x144xf32, #tpu.memory_space<hbm>>
      %dma_start3A_332 = tpu.memref_squeeze %dma_start3A_331 : memref<1x30x144xf32, #tpu.memory_space<hbm>> -> memref<30x144xf32, #tpu.memory_space<hbm>>
      %dma_start3A_333 = arith.constant 0 : i32
      %dma_start3A_334 = arith.constant 0 : i32
      %dma_start3A_335 = tpu.memref_slice %arg9[%dma_start3A_333, %dma_start3A_334] : memref<40x144xf32, #tpu.memory_space<vmem>> -> memref<30x144xf32, #tpu.memory_space<vmem>>
      tpu.enqueue_dma source(%dma_start3A_335 : memref<30x144xf32, #tpu.memory_space<vmem>>) target(%dma_start3A_332 : memref<30x144xf32, #tpu.memory_space<hbm>>) target_semaphore(%run_scoped3A : memref<!tpu.dma_semaphore, #tpu.memory_space<semaphore_mem>>)
      %dma_wait3A_336 = arith.constant 0 : i32
      %dma_wait3A_337 = arith.constant 0 : i32
      %dma_wait3A_338 = tpu.memref_slice %arg9[%dma_wait3A_336, %dma_wait3A_337] : memref<40x144xf32, #tpu.memory_space<vmem>> -> memref<30x144xf32, #tpu.memory_space<vmem>>
      %dma_wait3A_339 = arith.constant 0 : i32
      %dma_wait3A_340 = tpu.memref_slice %arg7[%arg0, %add3A_297, %dma_wait3A_339] : memref<2x10080x144xf32, #tpu.memory_space<hbm>> -> memref<1x30x144xf32, #tpu.memory_space<hbm>>
      %dma_wait3A_341 = tpu.memref_squeeze %dma_wait3A_340 : memref<1x30x144xf32, #tpu.memory_space<hbm>> -> memref<30x144xf32, #tpu.memory_space<hbm>>
      %dma_wait3A_342 = arith.constant 0 : i32
      %dma_wait3A_343 = tpu.memref_slice %arg7[%arg0, %add3A_297, %dma_wait3A_342] : memref<2x10080x144xf32, #tpu.memory_space<hbm>> -> memref<1x30x144xf32, #tpu.memory_space<hbm>>
      %dma_wait3A_344 = tpu.memref_squeeze %dma_wait3A_343 : memref<1x30x144xf32, #tpu.memory_space<hbm>> -> memref<30x144xf32, #tpu.memory_space<hbm>>
      %dma_wait3A_345 = arith.constant 0 : i32
      %dma_wait3A_346 = arith.constant 0 : i32
      %dma_wait3A_347 = tpu.memref_slice %arg9[%dma_wait3A_345, %dma_wait3A_346] : memref<40x144xf32, #tpu.memory_space<vmem>> -> memref<30x144xf32, #tpu.memory_space<vmem>>
      tpu.wait_dma2 semaphore(%run_scoped3A : memref<!tpu.dma_semaphore, #tpu.memory_space<semaphore_mem>>) src(%dma_wait3A_347 : memref<30x144xf32, #tpu.memory_space<vmem>>) dst(%dma_wait3A_344 : memref<30x144xf32, #tpu.memory_space<hbm>>)
      tpu.yield
    }) : () -> ()
    %add3A_298 = arith.constant 240 : i32
    %add3A_299 = arith.addi %mul3A_12, %add3A_298 : i32
    "tpu.region"() ({
      %run_scoped3A = tpu.sem_alloc : memref<!tpu.dma_semaphore, #tpu.memory_space<semaphore_mem>>
      %dma_start3A_324 = arith.constant 0 : i32
      %dma_start3A_325 = arith.constant 0 : i32
      %dma_start3A_326 = tpu.memref_slice %arg9[%dma_start3A_324, %dma_start3A_325] : memref<40x144xf32, #tpu.memory_space<vmem>> -> memref<30x144xf32, #tpu.memory_space<vmem>>
      %dma_start3A_327 = arith.constant 0 : i32
      %dma_start3A_328 = tpu.memref_slice %arg12[%add3A_299, %dma_start3A_327] : memref<10080x144xf32, #tpu.memory_space<vmem_shared>> -> memref<30x144xf32, #tpu.memory_space<vmem_shared>>
      %dma_start3A_329 = arith.constant 0 : i32
      %dma_start3A_330 = arith.constant 0 : i32
      %dma_start3A_331 = tpu.memref_slice %arg9[%dma_start3A_329, %dma_start3A_330] : memref<40x144xf32, #tpu.memory_space<vmem>> -> memref<30x144xf32, #tpu.memory_space<vmem>>
      %dma_start3A_332 = arith.constant 0 : i32
      %dma_start3A_333 = tpu.memref_slice %arg12[%add3A_299, %dma_start3A_332] : memref<10080x144xf32, #tpu.memory_space<vmem_shared>> -> memref<30x144xf32, #tpu.memory_space<vmem_shared>>
      tpu.enqueue_dma source(%dma_start3A_333 : memref<30x144xf32, #tpu.memory_space<vmem_shared>>) target(%dma_start3A_331 : memref<30x144xf32, #tpu.memory_space<vmem>>) target_semaphore(%run_scoped3A : memref<!tpu.dma_semaphore, #tpu.memory_space<semaphore_mem>>)
      %dma_wait3A_334 = arith.constant 0 : i32
      %dma_wait3A_335 = arith.constant 0 : i32
      %dma_wait3A_336 = tpu.memref_slice %arg9[%dma_wait3A_334, %dma_wait3A_335] : memref<40x144xf32, #tpu.memory_space<vmem>> -> memref<30x144xf32, #tpu.memory_space<vmem>>
      %dma_wait3A_337 = arith.constant 0 : i32
      %dma_wait3A_338 = tpu.memref_slice %arg12[%add3A_299, %dma_wait3A_337] : memref<10080x144xf32, #tpu.memory_space<vmem_shared>> -> memref<30x144xf32, #tpu.memory_space<vmem_shared>>
      %dma_wait3A_339 = arith.constant 0 : i32
      %dma_wait3A_340 = arith.constant 0 : i32
      %dma_wait3A_341 = tpu.memref_slice %arg9[%dma_wait3A_339, %dma_wait3A_340] : memref<40x144xf32, #tpu.memory_space<vmem>> -> memref<30x144xf32, #tpu.memory_space<vmem>>
      %dma_wait3A_342 = arith.constant 0 : i32
      %dma_wait3A_343 = tpu.memref_slice %arg12[%add3A_299, %dma_wait3A_342] : memref<10080x144xf32, #tpu.memory_space<vmem_shared>> -> memref<30x144xf32, #tpu.memory_space<vmem_shared>>
      tpu.wait_dma2 semaphore(%run_scoped3A : memref<!tpu.dma_semaphore, #tpu.memory_space<semaphore_mem>>) src(%dma_wait3A_343 : memref<30x144xf32, #tpu.memory_space<vmem_shared>>) dst(%dma_wait3A_341 : memref<30x144xf32, #tpu.memory_space<vmem>>)
      tpu.yield
    }) : () -> ()
    "tpu.region"() ({
      %run_scoped3A = tpu.sem_alloc : memref<!tpu.dma_semaphore, #tpu.memory_space<semaphore_mem>>
      %dma_start3A_324 = arith.constant 0 : i32
      %dma_start3A_325 = arith.constant 0 : i32
      %dma_start3A_326 = tpu.memref_slice %arg9[%dma_start3A_324, %dma_start3A_325] : memref<40x144xf32, #tpu.memory_space<vmem>> -> memref<30x144xf32, #tpu.memory_space<vmem>>
      %dma_start3A_327 = arith.constant 0 : i32
      %dma_start3A_328 = tpu.memref_slice %arg7[%arg0, %add3A_299, %dma_start3A_327] : memref<2x10080x144xf32, #tpu.memory_space<hbm>> -> memref<1x30x144xf32, #tpu.memory_space<hbm>>
      %dma_start3A_329 = tpu.memref_squeeze %dma_start3A_328 : memref<1x30x144xf32, #tpu.memory_space<hbm>> -> memref<30x144xf32, #tpu.memory_space<hbm>>
      %dma_start3A_330 = arith.constant 0 : i32
      %dma_start3A_331 = tpu.memref_slice %arg7[%arg0, %add3A_299, %dma_start3A_330] : memref<2x10080x144xf32, #tpu.memory_space<hbm>> -> memref<1x30x144xf32, #tpu.memory_space<hbm>>
      %dma_start3A_332 = tpu.memref_squeeze %dma_start3A_331 : memref<1x30x144xf32, #tpu.memory_space<hbm>> -> memref<30x144xf32, #tpu.memory_space<hbm>>
      %dma_start3A_333 = arith.constant 0 : i32
      %dma_start3A_334 = arith.constant 0 : i32
      %dma_start3A_335 = tpu.memref_slice %arg9[%dma_start3A_333, %dma_start3A_334] : memref<40x144xf32, #tpu.memory_space<vmem>> -> memref<30x144xf32, #tpu.memory_space<vmem>>
      tpu.enqueue_dma source(%dma_start3A_335 : memref<30x144xf32, #tpu.memory_space<vmem>>) target(%dma_start3A_332 : memref<30x144xf32, #tpu.memory_space<hbm>>) target_semaphore(%run_scoped3A : memref<!tpu.dma_semaphore, #tpu.memory_space<semaphore_mem>>)
      %dma_wait3A_336 = arith.constant 0 : i32
      %dma_wait3A_337 = arith.constant 0 : i32
      %dma_wait3A_338 = tpu.memref_slice %arg9[%dma_wait3A_336, %dma_wait3A_337] : memref<40x144xf32, #tpu.memory_space<vmem>> -> memref<30x144xf32, #tpu.memory_space<vmem>>
      %dma_wait3A_339 = arith.constant 0 : i32
      %dma_wait3A_340 = tpu.memref_slice %arg7[%arg0, %add3A_299, %dma_wait3A_339] : memref<2x10080x144xf32, #tpu.memory_space<hbm>> -> memref<1x30x144xf32, #tpu.memory_space<hbm>>
      %dma_wait3A_341 = tpu.memref_squeeze %dma_wait3A_340 : memref<1x30x144xf32, #tpu.memory_space<hbm>> -> memref<30x144xf32, #tpu.memory_space<hbm>>
      %dma_wait3A_342 = arith.constant 0 : i32
      %dma_wait3A_343 = tpu.memref_slice %arg7[%arg0, %add3A_299, %dma_wait3A_342] : memref<2x10080x144xf32, #tpu.memory_space<hbm>> -> memref<1x30x144xf32, #tpu.memory_space<hbm>>
      %dma_wait3A_344 = tpu.memref_squeeze %dma_wait3A_343 : memref<1x30x144xf32, #tpu.memory_space<hbm>> -> memref<30x144xf32, #tpu.memory_space<hbm>>
      %dma_wait3A_345 = arith.constant 0 : i32
      %dma_wait3A_346 = arith.constant 0 : i32
      %dma_wait3A_347 = tpu.memref_slice %arg9[%dma_wait3A_345, %dma_wait3A_346] : memref<40x144xf32, #tpu.memory_space<vmem>> -> memref<30x144xf32, #tpu.memory_space<vmem>>
      tpu.wait_dma2 semaphore(%run_scoped3A : memref<!tpu.dma_semaphore, #tpu.memory_space<semaphore_mem>>) src(%dma_wait3A_347 : memref<30x144xf32, #tpu.memory_space<vmem>>) dst(%dma_wait3A_344 : memref<30x144xf32, #tpu.memory_space<hbm>>)
      tpu.yield
    }) : () -> ()
    %add3A_300 = arith.constant 270 : i32
    %add3A_301 = arith.addi %mul3A_12, %add3A_300 : i32
    "tpu.region"() ({
      %run_scoped3A = tpu.sem_alloc : memref<!tpu.dma_semaphore, #tpu.memory_space<semaphore_mem>>
      %dma_start3A_324 = arith.constant 0 : i32
      %dma_start3A_325 = arith.constant 0 : i32
      %dma_start3A_326 = tpu.memref_slice %arg9[%dma_start3A_324, %dma_start3A_325] : memref<40x144xf32, #tpu.memory_space<vmem>> -> memref<30x144xf32, #tpu.memory_space<vmem>>
      %dma_start3A_327 = arith.constant 0 : i32
      %dma_start3A_328 = tpu.memref_slice %arg12[%add3A_301, %dma_start3A_327] : memref<10080x144xf32, #tpu.memory_space<vmem_shared>> -> memref<30x144xf32, #tpu.memory_space<vmem_shared>>
      %dma_start3A_329 = arith.constant 0 : i32
      %dma_start3A_330 = arith.constant 0 : i32
      %dma_start3A_331 = tpu.memref_slice %arg9[%dma_start3A_329, %dma_start3A_330] : memref<40x144xf32, #tpu.memory_space<vmem>> -> memref<30x144xf32, #tpu.memory_space<vmem>>
      %dma_start3A_332 = arith.constant 0 : i32
      %dma_start3A_333 = tpu.memref_slice %arg12[%add3A_301, %dma_start3A_332] : memref<10080x144xf32, #tpu.memory_space<vmem_shared>> -> memref<30x144xf32, #tpu.memory_space<vmem_shared>>
      tpu.enqueue_dma source(%dma_start3A_333 : memref<30x144xf32, #tpu.memory_space<vmem_shared>>) target(%dma_start3A_331 : memref<30x144xf32, #tpu.memory_space<vmem>>) target_semaphore(%run_scoped3A : memref<!tpu.dma_semaphore, #tpu.memory_space<semaphore_mem>>)
      %dma_wait3A_334 = arith.constant 0 : i32
      %dma_wait3A_335 = arith.constant 0 : i32
      %dma_wait3A_336 = tpu.memref_slice %arg9[%dma_wait3A_334, %dma_wait3A_335] : memref<40x144xf32, #tpu.memory_space<vmem>> -> memref<30x144xf32, #tpu.memory_space<vmem>>
      %dma_wait3A_337 = arith.constant 0 : i32
      %dma_wait3A_338 = tpu.memref_slice %arg12[%add3A_301, %dma_wait3A_337] : memref<10080x144xf32, #tpu.memory_space<vmem_shared>> -> memref<30x144xf32, #tpu.memory_space<vmem_shared>>
      %dma_wait3A_339 = arith.constant 0 : i32
      %dma_wait3A_340 = arith.constant 0 : i32
      %dma_wait3A_341 = tpu.memref_slice %arg9[%dma_wait3A_339, %dma_wait3A_340] : memref<40x144xf32, #tpu.memory_space<vmem>> -> memref<30x144xf32, #tpu.memory_space<vmem>>
      %dma_wait3A_342 = arith.constant 0 : i32
      %dma_wait3A_343 = tpu.memref_slice %arg12[%add3A_301, %dma_wait3A_342] : memref<10080x144xf32, #tpu.memory_space<vmem_shared>> -> memref<30x144xf32, #tpu.memory_space<vmem_shared>>
      tpu.wait_dma2 semaphore(%run_scoped3A : memref<!tpu.dma_semaphore, #tpu.memory_space<semaphore_mem>>) src(%dma_wait3A_343 : memref<30x144xf32, #tpu.memory_space<vmem_shared>>) dst(%dma_wait3A_341 : memref<30x144xf32, #tpu.memory_space<vmem>>)
      tpu.yield
    }) : () -> ()
    "tpu.region"() ({
      %run_scoped3A = tpu.sem_alloc : memref<!tpu.dma_semaphore, #tpu.memory_space<semaphore_mem>>
      %dma_start3A_324 = arith.constant 0 : i32
      %dma_start3A_325 = arith.constant 0 : i32
      %dma_start3A_326 = tpu.memref_slice %arg9[%dma_start3A_324, %dma_start3A_325] : memref<40x144xf32, #tpu.memory_space<vmem>> -> memref<30x144xf32, #tpu.memory_space<vmem>>
      %dma_start3A_327 = arith.constant 0 : i32
      %dma_start3A_328 = tpu.memref_slice %arg7[%arg0, %add3A_301, %dma_start3A_327] : memref<2x10080x144xf32, #tpu.memory_space<hbm>> -> memref<1x30x144xf32, #tpu.memory_space<hbm>>
      %dma_start3A_329 = tpu.memref_squeeze %dma_start3A_328 : memref<1x30x144xf32, #tpu.memory_space<hbm>> -> memref<30x144xf32, #tpu.memory_space<hbm>>
      %dma_start3A_330 = arith.constant 0 : i32
      %dma_start3A_331 = tpu.memref_slice %arg7[%arg0, %add3A_301, %dma_start3A_330] : memref<2x10080x144xf32, #tpu.memory_space<hbm>> -> memref<1x30x144xf32, #tpu.memory_space<hbm>>
      %dma_start3A_332 = tpu.memref_squeeze %dma_start3A_331 : memref<1x30x144xf32, #tpu.memory_space<hbm>> -> memref<30x144xf32, #tpu.memory_space<hbm>>
      %dma_start3A_333 = arith.constant 0 : i32
      %dma_start3A_334 = arith.constant 0 : i32
      %dma_start3A_335 = tpu.memref_slice %arg9[%dma_start3A_333, %dma_start3A_334] : memref<40x144xf32, #tpu.memory_space<vmem>> -> memref<30x144xf32, #tpu.memory_space<vmem>>
      tpu.enqueue_dma source(%dma_start3A_335 : memref<30x144xf32, #tpu.memory_space<vmem>>) target(%dma_start3A_332 : memref<30x144xf32, #tpu.memory_space<hbm>>) target_semaphore(%run_scoped3A : memref<!tpu.dma_semaphore, #tpu.memory_space<semaphore_mem>>)
      %dma_wait3A_336 = arith.constant 0 : i32
      %dma_wait3A_337 = arith.constant 0 : i32
      %dma_wait3A_338 = tpu.memref_slice %arg9[%dma_wait3A_336, %dma_wait3A_337] : memref<40x144xf32, #tpu.memory_space<vmem>> -> memref<30x144xf32, #tpu.memory_space<vmem>>
      %dma_wait3A_339 = arith.constant 0 : i32
      %dma_wait3A_340 = tpu.memref_slice %arg7[%arg0, %add3A_301, %dma_wait3A_339] : memref<2x10080x144xf32, #tpu.memory_space<hbm>> -> memref<1x30x144xf32, #tpu.memory_space<hbm>>
      %dma_wait3A_341 = tpu.memref_squeeze %dma_wait3A_340 : memref<1x30x144xf32, #tpu.memory_space<hbm>> -> memref<30x144xf32, #tpu.memory_space<hbm>>
      %dma_wait3A_342 = arith.constant 0 : i32
      %dma_wait3A_343 = tpu.memref_slice %arg7[%arg0, %add3A_301, %dma_wait3A_342] : memref<2x10080x144xf32, #tpu.memory_space<hbm>> -> memref<1x30x144xf32, #tpu.memory_space<hbm>>
      %dma_wait3A_344 = tpu.memref_squeeze %dma_wait3A_343 : memref<1x30x144xf32, #tpu.memory_space<hbm>> -> memref<30x144xf32, #tpu.memory_space<hbm>>
      %dma_wait3A_345 = arith.constant 0 : i32
      %dma_wait3A_346 = arith.constant 0 : i32
      %dma_wait3A_347 = tpu.memref_slice %arg9[%dma_wait3A_345, %dma_wait3A_346] : memref<40x144xf32, #tpu.memory_space<vmem>> -> memref<30x144xf32, #tpu.memory_space<vmem>>
      tpu.wait_dma2 semaphore(%run_scoped3A : memref<!tpu.dma_semaphore, #tpu.memory_space<semaphore_mem>>) src(%dma_wait3A_347 : memref<30x144xf32, #tpu.memory_space<vmem>>) dst(%dma_wait3A_344 : memref<30x144xf32, #tpu.memory_space<hbm>>)
      tpu.yield
    }) : () -> ()
    %add3A_302 = arith.constant 300 : i32
    %add3A_303 = arith.addi %mul3A_12, %add3A_302 : i32
    "tpu.region"() ({
      %run_scoped3A = tpu.sem_alloc : memref<!tpu.dma_semaphore, #tpu.memory_space<semaphore_mem>>
      %dma_start3A_324 = arith.constant 0 : i32
      %dma_start3A_325 = arith.constant 0 : i32
      %dma_start3A_326 = tpu.memref_slice %arg9[%dma_start3A_324, %dma_start3A_325] : memref<40x144xf32, #tpu.memory_space<vmem>> -> memref<30x144xf32, #tpu.memory_space<vmem>>
      %dma_start3A_327 = arith.constant 0 : i32
      %dma_start3A_328 = tpu.memref_slice %arg12[%add3A_303, %dma_start3A_327] : memref<10080x144xf32, #tpu.memory_space<vmem_shared>> -> memref<30x144xf32, #tpu.memory_space<vmem_shared>>
      %dma_start3A_329 = arith.constant 0 : i32
      %dma_start3A_330 = arith.constant 0 : i32
      %dma_start3A_331 = tpu.memref_slice %arg9[%dma_start3A_329, %dma_start3A_330] : memref<40x144xf32, #tpu.memory_space<vmem>> -> memref<30x144xf32, #tpu.memory_space<vmem>>
      %dma_start3A_332 = arith.constant 0 : i32
      %dma_start3A_333 = tpu.memref_slice %arg12[%add3A_303, %dma_start3A_332] : memref<10080x144xf32, #tpu.memory_space<vmem_shared>> -> memref<30x144xf32, #tpu.memory_space<vmem_shared>>
      tpu.enqueue_dma source(%dma_start3A_333 : memref<30x144xf32, #tpu.memory_space<vmem_shared>>) target(%dma_start3A_331 : memref<30x144xf32, #tpu.memory_space<vmem>>) target_semaphore(%run_scoped3A : memref<!tpu.dma_semaphore, #tpu.memory_space<semaphore_mem>>)
      %dma_wait3A_334 = arith.constant 0 : i32
      %dma_wait3A_335 = arith.constant 0 : i32
      %dma_wait3A_336 = tpu.memref_slice %arg9[%dma_wait3A_334, %dma_wait3A_335] : memref<40x144xf32, #tpu.memory_space<vmem>> -> memref<30x144xf32, #tpu.memory_space<vmem>>
      %dma_wait3A_337 = arith.constant 0 : i32
      %dma_wait3A_338 = tpu.memref_slice %arg12[%add3A_303, %dma_wait3A_337] : memref<10080x144xf32, #tpu.memory_space<vmem_shared>> -> memref<30x144xf32, #tpu.memory_space<vmem_shared>>
      %dma_wait3A_339 = arith.constant 0 : i32
      %dma_wait3A_340 = arith.constant 0 : i32
      %dma_wait3A_341 = tpu.memref_slice %arg9[%dma_wait3A_339, %dma_wait3A_340] : memref<40x144xf32, #tpu.memory_space<vmem>> -> memref<30x144xf32, #tpu.memory_space<vmem>>
      %dma_wait3A_342 = arith.constant 0 : i32
      %dma_wait3A_343 = tpu.memref_slice %arg12[%add3A_303, %dma_wait3A_342] : memref<10080x144xf32, #tpu.memory_space<vmem_shared>> -> memref<30x144xf32, #tpu.memory_space<vmem_shared>>
      tpu.wait_dma2 semaphore(%run_scoped3A : memref<!tpu.dma_semaphore, #tpu.memory_space<semaphore_mem>>) src(%dma_wait3A_343 : memref<30x144xf32, #tpu.memory_space<vmem_shared>>) dst(%dma_wait3A_341 : memref<30x144xf32, #tpu.memory_space<vmem>>)
      tpu.yield
    }) : () -> ()
    "tpu.region"() ({
      %run_scoped3A = tpu.sem_alloc : memref<!tpu.dma_semaphore, #tpu.memory_space<semaphore_mem>>
      %dma_start3A_324 = arith.constant 0 : i32
      %dma_start3A_325 = arith.constant 0 : i32
      %dma_start3A_326 = tpu.memref_slice %arg9[%dma_start3A_324, %dma_start3A_325] : memref<40x144xf32, #tpu.memory_space<vmem>> -> memref<30x144xf32, #tpu.memory_space<vmem>>
      %dma_start3A_327 = arith.constant 0 : i32
      %dma_start3A_328 = tpu.memref_slice %arg7[%arg0, %add3A_303, %dma_start3A_327] : memref<2x10080x144xf32, #tpu.memory_space<hbm>> -> memref<1x30x144xf32, #tpu.memory_space<hbm>>
      %dma_start3A_329 = tpu.memref_squeeze %dma_start3A_328 : memref<1x30x144xf32, #tpu.memory_space<hbm>> -> memref<30x144xf32, #tpu.memory_space<hbm>>
      %dma_start3A_330 = arith.constant 0 : i32
      %dma_start3A_331 = tpu.memref_slice %arg7[%arg0, %add3A_303, %dma_start3A_330] : memref<2x10080x144xf32, #tpu.memory_space<hbm>> -> memref<1x30x144xf32, #tpu.memory_space<hbm>>
      %dma_start3A_332 = tpu.memref_squeeze %dma_start3A_331 : memref<1x30x144xf32, #tpu.memory_space<hbm>> -> memref<30x144xf32, #tpu.memory_space<hbm>>
      %dma_start3A_333 = arith.constant 0 : i32
      %dma_start3A_334 = arith.constant 0 : i32
      %dma_start3A_335 = tpu.memref_slice %arg9[%dma_start3A_333, %dma_start3A_334] : memref<40x144xf32, #tpu.memory_space<vmem>> -> memref<30x144xf32, #tpu.memory_space<vmem>>
      tpu.enqueue_dma source(%dma_start3A_335 : memref<30x144xf32, #tpu.memory_space<vmem>>) target(%dma_start3A_332 : memref<30x144xf32, #tpu.memory_space<hbm>>) target_semaphore(%run_scoped3A : memref<!tpu.dma_semaphore, #tpu.memory_space<semaphore_mem>>)
      %dma_wait3A_336 = arith.constant 0 : i32
      %dma_wait3A_337 = arith.constant 0 : i32
      %dma_wait3A_338 = tpu.memref_slice %arg9[%dma_wait3A_336, %dma_wait3A_337] : memref<40x144xf32, #tpu.memory_space<vmem>> -> memref<30x144xf32, #tpu.memory_space<vmem>>
      %dma_wait3A_339 = arith.constant 0 : i32
      %dma_wait3A_340 = tpu.memref_slice %arg7[%arg0, %add3A_303, %dma_wait3A_339] : memref<2x10080x144xf32, #tpu.memory_space<hbm>> -> memref<1x30x144xf32, #tpu.memory_space<hbm>>
      %dma_wait3A_341 = tpu.memref_squeeze %dma_wait3A_340 : memref<1x30x144xf32, #tpu.memory_space<hbm>> -> memref<30x144xf32, #tpu.memory_space<hbm>>
      %dma_wait3A_342 = arith.constant 0 : i32
      %dma_wait3A_343 = tpu.memref_slice %arg7[%arg0, %add3A_303, %dma_wait3A_342] : memref<2x10080x144xf32, #tpu.memory_space<hbm>> -> memref<1x30x144xf32, #tpu.memory_space<hbm>>
      %dma_wait3A_344 = tpu.memref_squeeze %dma_wait3A_343 : memref<1x30x144xf32, #tpu.memory_space<hbm>> -> memref<30x144xf32, #tpu.memory_space<hbm>>
      %dma_wait3A_345 = arith.constant 0 : i32
      %dma_wait3A_346 = arith.constant 0 : i32
      %dma_wait3A_347 = tpu.memref_slice %arg9[%dma_wait3A_345, %dma_wait3A_346] : memref<40x144xf32, #tpu.memory_space<vmem>> -> memref<30x144xf32, #tpu.memory_space<vmem>>
      tpu.wait_dma2 semaphore(%run_scoped3A : memref<!tpu.dma_semaphore, #tpu.memory_space<semaphore_mem>>) src(%dma_wait3A_347 : memref<30x144xf32, #tpu.memory_space<vmem>>) dst(%dma_wait3A_344 : memref<30x144xf32, #tpu.memory_space<hbm>>)
      tpu.yield
    }) : () -> ()
    %add3A_304 = arith.constant 330 : i32
    %add3A_305 = arith.addi %mul3A_12, %add3A_304 : i32
    "tpu.region"() ({
      %run_scoped3A = tpu.sem_alloc : memref<!tpu.dma_semaphore, #tpu.memory_space<semaphore_mem>>
      %dma_start3A_324 = arith.constant 0 : i32
      %dma_start3A_325 = arith.constant 0 : i32
      %dma_start3A_326 = tpu.memref_slice %arg9[%dma_start3A_324, %dma_start3A_325] : memref<40x144xf32, #tpu.memory_space<vmem>> -> memref<30x144xf32, #tpu.memory_space<vmem>>
      %dma_start3A_327 = arith.constant 0 : i32
      %dma_start3A_328 = tpu.memref_slice %arg12[%add3A_305, %dma_start3A_327] : memref<10080x144xf32, #tpu.memory_space<vmem_shared>> -> memref<30x144xf32, #tpu.memory_space<vmem_shared>>
      %dma_start3A_329 = arith.constant 0 : i32
      %dma_start3A_330 = arith.constant 0 : i32
      %dma_start3A_331 = tpu.memref_slice %arg9[%dma_start3A_329, %dma_start3A_330] : memref<40x144xf32, #tpu.memory_space<vmem>> -> memref<30x144xf32, #tpu.memory_space<vmem>>
      %dma_start3A_332 = arith.constant 0 : i32
      %dma_start3A_333 = tpu.memref_slice %arg12[%add3A_305, %dma_start3A_332] : memref<10080x144xf32, #tpu.memory_space<vmem_shared>> -> memref<30x144xf32, #tpu.memory_space<vmem_shared>>
      tpu.enqueue_dma source(%dma_start3A_333 : memref<30x144xf32, #tpu.memory_space<vmem_shared>>) target(%dma_start3A_331 : memref<30x144xf32, #tpu.memory_space<vmem>>) target_semaphore(%run_scoped3A : memref<!tpu.dma_semaphore, #tpu.memory_space<semaphore_mem>>)
      %dma_wait3A_334 = arith.constant 0 : i32
      %dma_wait3A_335 = arith.constant 0 : i32
      %dma_wait3A_336 = tpu.memref_slice %arg9[%dma_wait3A_334, %dma_wait3A_335] : memref<40x144xf32, #tpu.memory_space<vmem>> -> memref<30x144xf32, #tpu.memory_space<vmem>>
      %dma_wait3A_337 = arith.constant 0 : i32
      %dma_wait3A_338 = tpu.memref_slice %arg12[%add3A_305, %dma_wait3A_337] : memref<10080x144xf32, #tpu.memory_space<vmem_shared>> -> memref<30x144xf32, #tpu.memory_space<vmem_shared>>
      %dma_wait3A_339 = arith.constant 0 : i32
      %dma_wait3A_340 = arith.constant 0 : i32
      %dma_wait3A_341 = tpu.memref_slice %arg9[%dma_wait3A_339, %dma_wait3A_340] : memref<40x144xf32, #tpu.memory_space<vmem>> -> memref<30x144xf32, #tpu.memory_space<vmem>>
      %dma_wait3A_342 = arith.constant 0 : i32
      %dma_wait3A_343 = tpu.memref_slice %arg12[%add3A_305, %dma_wait3A_342] : memref<10080x144xf32, #tpu.memory_space<vmem_shared>> -> memref<30x144xf32, #tpu.memory_space<vmem_shared>>
      tpu.wait_dma2 semaphore(%run_scoped3A : memref<!tpu.dma_semaphore, #tpu.memory_space<semaphore_mem>>) src(%dma_wait3A_343 : memref<30x144xf32, #tpu.memory_space<vmem_shared>>) dst(%dma_wait3A_341 : memref<30x144xf32, #tpu.memory_space<vmem>>)
      tpu.yield
    }) : () -> ()
    "tpu.region"() ({
      %run_scoped3A = tpu.sem_alloc : memref<!tpu.dma_semaphore, #tpu.memory_space<semaphore_mem>>
      %dma_start3A_324 = arith.constant 0 : i32
      %dma_start3A_325 = arith.constant 0 : i32
      %dma_start3A_326 = tpu.memref_slice %arg9[%dma_start3A_324, %dma_start3A_325] : memref<40x144xf32, #tpu.memory_space<vmem>> -> memref<30x144xf32, #tpu.memory_space<vmem>>
      %dma_start3A_327 = arith.constant 0 : i32
      %dma_start3A_328 = tpu.memref_slice %arg7[%arg0, %add3A_305, %dma_start3A_327] : memref<2x10080x144xf32, #tpu.memory_space<hbm>> -> memref<1x30x144xf32, #tpu.memory_space<hbm>>
      %dma_start3A_329 = tpu.memref_squeeze %dma_start3A_328 : memref<1x30x144xf32, #tpu.memory_space<hbm>> -> memref<30x144xf32, #tpu.memory_space<hbm>>
      %dma_start3A_330 = arith.constant 0 : i32
      %dma_start3A_331 = tpu.memref_slice %arg7[%arg0, %add3A_305, %dma_start3A_330] : memref<2x10080x144xf32, #tpu.memory_space<hbm>> -> memref<1x30x144xf32, #tpu.memory_space<hbm>>
      %dma_start3A_332 = tpu.memref_squeeze %dma_start3A_331 : memref<1x30x144xf32, #tpu.memory_space<hbm>> -> memref<30x144xf32, #tpu.memory_space<hbm>>
      %dma_start3A_333 = arith.constant 0 : i32
      %dma_start3A_334 = arith.constant 0 : i32
      %dma_start3A_335 = tpu.memref_slice %arg9[%dma_start3A_333, %dma_start3A_334] : memref<40x144xf32, #tpu.memory_space<vmem>> -> memref<30x144xf32, #tpu.memory_space<vmem>>
      tpu.enqueue_dma source(%dma_start3A_335 : memref<30x144xf32, #tpu.memory_space<vmem>>) target(%dma_start3A_332 : memref<30x144xf32, #tpu.memory_space<hbm>>) target_semaphore(%run_scoped3A : memref<!tpu.dma_semaphore, #tpu.memory_space<semaphore_mem>>)
      %dma_wait3A_336 = arith.constant 0 : i32
      %dma_wait3A_337 = arith.constant 0 : i32
      %dma_wait3A_338 = tpu.memref_slice %arg9[%dma_wait3A_336, %dma_wait3A_337] : memref<40x144xf32, #tpu.memory_space<vmem>> -> memref<30x144xf32, #tpu.memory_space<vmem>>
      %dma_wait3A_339 = arith.constant 0 : i32
      %dma_wait3A_340 = tpu.memref_slice %arg7[%arg0, %add3A_305, %dma_wait3A_339] : memref<2x10080x144xf32, #tpu.memory_space<hbm>> -> memref<1x30x144xf32, #tpu.memory_space<hbm>>
      %dma_wait3A_341 = tpu.memref_squeeze %dma_wait3A_340 : memref<1x30x144xf32, #tpu.memory_space<hbm>> -> memref<30x144xf32, #tpu.memory_space<hbm>>
      %dma_wait3A_342 = arith.constant 0 : i32
      %dma_wait3A_343 = tpu.memref_slice %arg7[%arg0, %add3A_305, %dma_wait3A_342] : memref<2x10080x144xf32, #tpu.memory_space<hbm>> -> memref<1x30x144xf32, #tpu.memory_space<hbm>>
      %dma_wait3A_344 = tpu.memref_squeeze %dma_wait3A_343 : memref<1x30x144xf32, #tpu.memory_space<hbm>> -> memref<30x144xf32, #tpu.memory_space<hbm>>
      %dma_wait3A_345 = arith.constant 0 : i32
      %dma_wait3A_346 = arith.constant 0 : i32
      %dma_wait3A_347 = tpu.memref_slice %arg9[%dma_wait3A_345, %dma_wait3A_346] : memref<40x144xf32, #tpu.memory_space<vmem>> -> memref<30x144xf32, #tpu.memory_space<vmem>>
      tpu.wait_dma2 semaphore(%run_scoped3A : memref<!tpu.dma_semaphore, #tpu.memory_space<semaphore_mem>>) src(%dma_wait3A_347 : memref<30x144xf32, #tpu.memory_space<vmem>>) dst(%dma_wait3A_344 : memref<30x144xf32, #tpu.memory_space<hbm>>)
      tpu.yield
    }) : () -> ()
    %add3A_306 = arith.constant 360 : i32
    %add3A_307 = arith.addi %mul3A_12, %add3A_306 : i32
    "tpu.region"() ({
      %run_scoped3A = tpu.sem_alloc : memref<!tpu.dma_semaphore, #tpu.memory_space<semaphore_mem>>
      %dma_start3A_324 = arith.constant 0 : i32
      %dma_start3A_325 = arith.constant 0 : i32
      %dma_start3A_326 = tpu.memref_slice %arg9[%dma_start3A_324, %dma_start3A_325] : memref<40x144xf32, #tpu.memory_space<vmem>> -> memref<30x144xf32, #tpu.memory_space<vmem>>
      %dma_start3A_327 = arith.constant 0 : i32
      %dma_start3A_328 = tpu.memref_slice %arg12[%add3A_307, %dma_start3A_327] : memref<10080x144xf32, #tpu.memory_space<vmem_shared>> -> memref<30x144xf32, #tpu.memory_space<vmem_shared>>
      %dma_start3A_329 = arith.constant 0 : i32
      %dma_start3A_330 = arith.constant 0 : i32
      %dma_start3A_331 = tpu.memref_slice %arg9[%dma_start3A_329, %dma_start3A_330] : memref<40x144xf32, #tpu.memory_space<vmem>> -> memref<30x144xf32, #tpu.memory_space<vmem>>
      %dma_start3A_332 = arith.constant 0 : i32
      %dma_start3A_333 = tpu.memref_slice %arg12[%add3A_307, %dma_start3A_332] : memref<10080x144xf32, #tpu.memory_space<vmem_shared>> -> memref<30x144xf32, #tpu.memory_space<vmem_shared>>
      tpu.enqueue_dma source(%dma_start3A_333 : memref<30x144xf32, #tpu.memory_space<vmem_shared>>) target(%dma_start3A_331 : memref<30x144xf32, #tpu.memory_space<vmem>>) target_semaphore(%run_scoped3A : memref<!tpu.dma_semaphore, #tpu.memory_space<semaphore_mem>>)
      %dma_wait3A_334 = arith.constant 0 : i32
      %dma_wait3A_335 = arith.constant 0 : i32
      %dma_wait3A_336 = tpu.memref_slice %arg9[%dma_wait3A_334, %dma_wait3A_335] : memref<40x144xf32, #tpu.memory_space<vmem>> -> memref<30x144xf32, #tpu.memory_space<vmem>>
      %dma_wait3A_337 = arith.constant 0 : i32
      %dma_wait3A_338 = tpu.memref_slice %arg12[%add3A_307, %dma_wait3A_337] : memref<10080x144xf32, #tpu.memory_space<vmem_shared>> -> memref<30x144xf32, #tpu.memory_space<vmem_shared>>
      %dma_wait3A_339 = arith.constant 0 : i32
      %dma_wait3A_340 = arith.constant 0 : i32
      %dma_wait3A_341 = tpu.memref_slice %arg9[%dma_wait3A_339, %dma_wait3A_340] : memref<40x144xf32, #tpu.memory_space<vmem>> -> memref<30x144xf32, #tpu.memory_space<vmem>>
      %dma_wait3A_342 = arith.constant 0 : i32
      %dma_wait3A_343 = tpu.memref_slice %arg12[%add3A_307, %dma_wait3A_342] : memref<10080x144xf32, #tpu.memory_space<vmem_shared>> -> memref<30x144xf32, #tpu.memory_space<vmem_shared>>
      tpu.wait_dma2 semaphore(%run_scoped3A : memref<!tpu.dma_semaphore, #tpu.memory_space<semaphore_mem>>) src(%dma_wait3A_343 : memref<30x144xf32, #tpu.memory_space<vmem_shared>>) dst(%dma_wait3A_341 : memref<30x144xf32, #tpu.memory_space<vmem>>)
      tpu.yield
    }) : () -> ()
    "tpu.region"() ({
      %run_scoped3A = tpu.sem_alloc : memref<!tpu.dma_semaphore, #tpu.memory_space<semaphore_mem>>
      %dma_start3A_324 = arith.constant 0 : i32
      %dma_start3A_325 = arith.constant 0 : i32
      %dma_start3A_326 = tpu.memref_slice %arg9[%dma_start3A_324, %dma_start3A_325] : memref<40x144xf32, #tpu.memory_space<vmem>> -> memref<30x144xf32, #tpu.memory_space<vmem>>
      %dma_start3A_327 = arith.constant 0 : i32
      %dma_start3A_328 = tpu.memref_slice %arg7[%arg0, %add3A_307, %dma_start3A_327] : memref<2x10080x144xf32, #tpu.memory_space<hbm>> -> memref<1x30x144xf32, #tpu.memory_space<hbm>>
      %dma_start3A_329 = tpu.memref_squeeze %dma_start3A_328 : memref<1x30x144xf32, #tpu.memory_space<hbm>> -> memref<30x144xf32, #tpu.memory_space<hbm>>
      %dma_start3A_330 = arith.constant 0 : i32
      %dma_start3A_331 = tpu.memref_slice %arg7[%arg0, %add3A_307, %dma_start3A_330] : memref<2x10080x144xf32, #tpu.memory_space<hbm>> -> memref<1x30x144xf32, #tpu.memory_space<hbm>>
      %dma_start3A_332 = tpu.memref_squeeze %dma_start3A_331 : memref<1x30x144xf32, #tpu.memory_space<hbm>> -> memref<30x144xf32, #tpu.memory_space<hbm>>
      %dma_start3A_333 = arith.constant 0 : i32
      %dma_start3A_334 = arith.constant 0 : i32
      %dma_start3A_335 = tpu.memref_slice %arg9[%dma_start3A_333, %dma_start3A_334] : memref<40x144xf32, #tpu.memory_space<vmem>> -> memref<30x144xf32, #tpu.memory_space<vmem>>
      tpu.enqueue_dma source(%dma_start3A_335 : memref<30x144xf32, #tpu.memory_space<vmem>>) target(%dma_start3A_332 : memref<30x144xf32, #tpu.memory_space<hbm>>) target_semaphore(%run_scoped3A : memref<!tpu.dma_semaphore, #tpu.memory_space<semaphore_mem>>)
      %dma_wait3A_336 = arith.constant 0 : i32
      %dma_wait3A_337 = arith.constant 0 : i32
      %dma_wait3A_338 = tpu.memref_slice %arg9[%dma_wait3A_336, %dma_wait3A_337] : memref<40x144xf32, #tpu.memory_space<vmem>> -> memref<30x144xf32, #tpu.memory_space<vmem>>
      %dma_wait3A_339 = arith.constant 0 : i32
      %dma_wait3A_340 = tpu.memref_slice %arg7[%arg0, %add3A_307, %dma_wait3A_339] : memref<2x10080x144xf32, #tpu.memory_space<hbm>> -> memref<1x30x144xf32, #tpu.memory_space<hbm>>
      %dma_wait3A_341 = tpu.memref_squeeze %dma_wait3A_340 : memref<1x30x144xf32, #tpu.memory_space<hbm>> -> memref<30x144xf32, #tpu.memory_space<hbm>>
      %dma_wait3A_342 = arith.constant 0 : i32
      %dma_wait3A_343 = tpu.memref_slice %arg7[%arg0, %add3A_307, %dma_wait3A_342] : memref<2x10080x144xf32, #tpu.memory_space<hbm>> -> memref<1x30x144xf32, #tpu.memory_space<hbm>>
      %dma_wait3A_344 = tpu.memref_squeeze %dma_wait3A_343 : memref<1x30x144xf32, #tpu.memory_space<hbm>> -> memref<30x144xf32, #tpu.memory_space<hbm>>
      %dma_wait3A_345 = arith.constant 0 : i32
      %dma_wait3A_346 = arith.constant 0 : i32
      %dma_wait3A_347 = tpu.memref_slice %arg9[%dma_wait3A_345, %dma_wait3A_346] : memref<40x144xf32, #tpu.memory_space<vmem>> -> memref<30x144xf32, #tpu.memory_space<vmem>>
      tpu.wait_dma2 semaphore(%run_scoped3A : memref<!tpu.dma_semaphore, #tpu.memory_space<semaphore_mem>>) src(%dma_wait3A_347 : memref<30x144xf32, #tpu.memory_space<vmem>>) dst(%dma_wait3A_344 : memref<30x144xf32, #tpu.memory_space<hbm>>)
      tpu.yield
    }) : () -> ()
    %add3A_308 = arith.constant 390 : i32
    %add3A_309 = arith.addi %mul3A_12, %add3A_308 : i32
    "tpu.region"() ({
      %run_scoped3A = tpu.sem_alloc : memref<!tpu.dma_semaphore, #tpu.memory_space<semaphore_mem>>
      %dma_start3A_324 = arith.constant 0 : i32
      %dma_start3A_325 = arith.constant 0 : i32
      %dma_start3A_326 = tpu.memref_slice %arg9[%dma_start3A_324, %dma_start3A_325] : memref<40x144xf32, #tpu.memory_space<vmem>> -> memref<30x144xf32, #tpu.memory_space<vmem>>
      %dma_start3A_327 = arith.constant 0 : i32
      %dma_start3A_328 = tpu.memref_slice %arg12[%add3A_309, %dma_start3A_327] : memref<10080x144xf32, #tpu.memory_space<vmem_shared>> -> memref<30x144xf32, #tpu.memory_space<vmem_shared>>
      %dma_start3A_329 = arith.constant 0 : i32
      %dma_start3A_330 = arith.constant 0 : i32
      %dma_start3A_331 = tpu.memref_slice %arg9[%dma_start3A_329, %dma_start3A_330] : memref<40x144xf32, #tpu.memory_space<vmem>> -> memref<30x144xf32, #tpu.memory_space<vmem>>
      %dma_start3A_332 = arith.constant 0 : i32
      %dma_start3A_333 = tpu.memref_slice %arg12[%add3A_309, %dma_start3A_332] : memref<10080x144xf32, #tpu.memory_space<vmem_shared>> -> memref<30x144xf32, #tpu.memory_space<vmem_shared>>
      tpu.enqueue_dma source(%dma_start3A_333 : memref<30x144xf32, #tpu.memory_space<vmem_shared>>) target(%dma_start3A_331 : memref<30x144xf32, #tpu.memory_space<vmem>>) target_semaphore(%run_scoped3A : memref<!tpu.dma_semaphore, #tpu.memory_space<semaphore_mem>>)
      %dma_wait3A_334 = arith.constant 0 : i32
      %dma_wait3A_335 = arith.constant 0 : i32
      %dma_wait3A_336 = tpu.memref_slice %arg9[%dma_wait3A_334, %dma_wait3A_335] : memref<40x144xf32, #tpu.memory_space<vmem>> -> memref<30x144xf32, #tpu.memory_space<vmem>>
      %dma_wait3A_337 = arith.constant 0 : i32
      %dma_wait3A_338 = tpu.memref_slice %arg12[%add3A_309, %dma_wait3A_337] : memref<10080x144xf32, #tpu.memory_space<vmem_shared>> -> memref<30x144xf32, #tpu.memory_space<vmem_shared>>
      %dma_wait3A_339 = arith.constant 0 : i32
      %dma_wait3A_340 = arith.constant 0 : i32
      %dma_wait3A_341 = tpu.memref_slice %arg9[%dma_wait3A_339, %dma_wait3A_340] : memref<40x144xf32, #tpu.memory_space<vmem>> -> memref<30x144xf32, #tpu.memory_space<vmem>>
      %dma_wait3A_342 = arith.constant 0 : i32
      %dma_wait3A_343 = tpu.memref_slice %arg12[%add3A_309, %dma_wait3A_342] : memref<10080x144xf32, #tpu.memory_space<vmem_shared>> -> memref<30x144xf32, #tpu.memory_space<vmem_shared>>
      tpu.wait_dma2 semaphore(%run_scoped3A : memref<!tpu.dma_semaphore, #tpu.memory_space<semaphore_mem>>) src(%dma_wait3A_343 : memref<30x144xf32, #tpu.memory_space<vmem_shared>>) dst(%dma_wait3A_341 : memref<30x144xf32, #tpu.memory_space<vmem>>)
      tpu.yield
    }) : () -> ()
    "tpu.region"() ({
      %run_scoped3A = tpu.sem_alloc : memref<!tpu.dma_semaphore, #tpu.memory_space<semaphore_mem>>
      %dma_start3A_324 = arith.constant 0 : i32
      %dma_start3A_325 = arith.constant 0 : i32
      %dma_start3A_326 = tpu.memref_slice %arg9[%dma_start3A_324, %dma_start3A_325] : memref<40x144xf32, #tpu.memory_space<vmem>> -> memref<30x144xf32, #tpu.memory_space<vmem>>
      %dma_start3A_327 = arith.constant 0 : i32
      %dma_start3A_328 = tpu.memref_slice %arg7[%arg0, %add3A_309, %dma_start3A_327] : memref<2x10080x144xf32, #tpu.memory_space<hbm>> -> memref<1x30x144xf32, #tpu.memory_space<hbm>>
      %dma_start3A_329 = tpu.memref_squeeze %dma_start3A_328 : memref<1x30x144xf32, #tpu.memory_space<hbm>> -> memref<30x144xf32, #tpu.memory_space<hbm>>
      %dma_start3A_330 = arith.constant 0 : i32
      %dma_start3A_331 = tpu.memref_slice %arg7[%arg0, %add3A_309, %dma_start3A_330] : memref<2x10080x144xf32, #tpu.memory_space<hbm>> -> memref<1x30x144xf32, #tpu.memory_space<hbm>>
      %dma_start3A_332 = tpu.memref_squeeze %dma_start3A_331 : memref<1x30x144xf32, #tpu.memory_space<hbm>> -> memref<30x144xf32, #tpu.memory_space<hbm>>
      %dma_start3A_333 = arith.constant 0 : i32
      %dma_start3A_334 = arith.constant 0 : i32
      %dma_start3A_335 = tpu.memref_slice %arg9[%dma_start3A_333, %dma_start3A_334] : memref<40x144xf32, #tpu.memory_space<vmem>> -> memref<30x144xf32, #tpu.memory_space<vmem>>
      tpu.enqueue_dma source(%dma_start3A_335 : memref<30x144xf32, #tpu.memory_space<vmem>>) target(%dma_start3A_332 : memref<30x144xf32, #tpu.memory_space<hbm>>) target_semaphore(%run_scoped3A : memref<!tpu.dma_semaphore, #tpu.memory_space<semaphore_mem>>)
      %dma_wait3A_336 = arith.constant 0 : i32
      %dma_wait3A_337 = arith.constant 0 : i32
      %dma_wait3A_338 = tpu.memref_slice %arg9[%dma_wait3A_336, %dma_wait3A_337] : memref<40x144xf32, #tpu.memory_space<vmem>> -> memref<30x144xf32, #tpu.memory_space<vmem>>
      %dma_wait3A_339 = arith.constant 0 : i32
      %dma_wait3A_340 = tpu.memref_slice %arg7[%arg0, %add3A_309, %dma_wait3A_339] : memref<2x10080x144xf32, #tpu.memory_space<hbm>> -> memref<1x30x144xf32, #tpu.memory_space<hbm>>
      %dma_wait3A_341 = tpu.memref_squeeze %dma_wait3A_340 : memref<1x30x144xf32, #tpu.memory_space<hbm>> -> memref<30x144xf32, #tpu.memory_space<hbm>>
      %dma_wait3A_342 = arith.constant 0 : i32
      %dma_wait3A_343 = tpu.memref_slice %arg7[%arg0, %add3A_309, %dma_wait3A_342] : memref<2x10080x144xf32, #tpu.memory_space<hbm>> -> memref<1x30x144xf32, #tpu.memory_space<hbm>>
      %dma_wait3A_344 = tpu.memref_squeeze %dma_wait3A_343 : memref<1x30x144xf32, #tpu.memory_space<hbm>> -> memref<30x144xf32, #tpu.memory_space<hbm>>
      %dma_wait3A_345 = arith.constant 0 : i32
      %dma_wait3A_346 = arith.constant 0 : i32
      %dma_wait3A_347 = tpu.memref_slice %arg9[%dma_wait3A_345, %dma_wait3A_346] : memref<40x144xf32, #tpu.memory_space<vmem>> -> memref<30x144xf32, #tpu.memory_space<vmem>>
      tpu.wait_dma2 semaphore(%run_scoped3A : memref<!tpu.dma_semaphore, #tpu.memory_space<semaphore_mem>>) src(%dma_wait3A_347 : memref<30x144xf32, #tpu.memory_space<vmem>>) dst(%dma_wait3A_344 : memref<30x144xf32, #tpu.memory_space<hbm>>)
      tpu.yield
    }) : () -> ()
    %add3A_310 = arith.constant 420 : i32
    %add3A_311 = arith.addi %mul3A_12, %add3A_310 : i32
    "tpu.region"() ({
      %run_scoped3A = tpu.sem_alloc : memref<!tpu.dma_semaphore, #tpu.memory_space<semaphore_mem>>
      %dma_start3A_324 = arith.constant 0 : i32
      %dma_start3A_325 = arith.constant 0 : i32
      %dma_start3A_326 = tpu.memref_slice %arg9[%dma_start3A_324, %dma_start3A_325] : memref<40x144xf32, #tpu.memory_space<vmem>> -> memref<30x144xf32, #tpu.memory_space<vmem>>
      %dma_start3A_327 = arith.constant 0 : i32
      %dma_start3A_328 = tpu.memref_slice %arg12[%add3A_311, %dma_start3A_327] : memref<10080x144xf32, #tpu.memory_space<vmem_shared>> -> memref<30x144xf32, #tpu.memory_space<vmem_shared>>
      %dma_start3A_329 = arith.constant 0 : i32
      %dma_start3A_330 = arith.constant 0 : i32
      %dma_start3A_331 = tpu.memref_slice %arg9[%dma_start3A_329, %dma_start3A_330] : memref<40x144xf32, #tpu.memory_space<vmem>> -> memref<30x144xf32, #tpu.memory_space<vmem>>
      %dma_start3A_332 = arith.constant 0 : i32
      %dma_start3A_333 = tpu.memref_slice %arg12[%add3A_311, %dma_start3A_332] : memref<10080x144xf32, #tpu.memory_space<vmem_shared>> -> memref<30x144xf32, #tpu.memory_space<vmem_shared>>
      tpu.enqueue_dma source(%dma_start3A_333 : memref<30x144xf32, #tpu.memory_space<vmem_shared>>) target(%dma_start3A_331 : memref<30x144xf32, #tpu.memory_space<vmem>>) target_semaphore(%run_scoped3A : memref<!tpu.dma_semaphore, #tpu.memory_space<semaphore_mem>>)
      %dma_wait3A_334 = arith.constant 0 : i32
      %dma_wait3A_335 = arith.constant 0 : i32
      %dma_wait3A_336 = tpu.memref_slice %arg9[%dma_wait3A_334, %dma_wait3A_335] : memref<40x144xf32, #tpu.memory_space<vmem>> -> memref<30x144xf32, #tpu.memory_space<vmem>>
      %dma_wait3A_337 = arith.constant 0 : i32
      %dma_wait3A_338 = tpu.memref_slice %arg12[%add3A_311, %dma_wait3A_337] : memref<10080x144xf32, #tpu.memory_space<vmem_shared>> -> memref<30x144xf32, #tpu.memory_space<vmem_shared>>
      %dma_wait3A_339 = arith.constant 0 : i32
      %dma_wait3A_340 = arith.constant 0 : i32
      %dma_wait3A_341 = tpu.memref_slice %arg9[%dma_wait3A_339, %dma_wait3A_340] : memref<40x144xf32, #tpu.memory_space<vmem>> -> memref<30x144xf32, #tpu.memory_space<vmem>>
      %dma_wait3A_342 = arith.constant 0 : i32
      %dma_wait3A_343 = tpu.memref_slice %arg12[%add3A_311, %dma_wait3A_342] : memref<10080x144xf32, #tpu.memory_space<vmem_shared>> -> memref<30x144xf32, #tpu.memory_space<vmem_shared>>
      tpu.wait_dma2 semaphore(%run_scoped3A : memref<!tpu.dma_semaphore, #tpu.memory_space<semaphore_mem>>) src(%dma_wait3A_343 : memref<30x144xf32, #tpu.memory_space<vmem_shared>>) dst(%dma_wait3A_341 : memref<30x144xf32, #tpu.memory_space<vmem>>)
      tpu.yield
    }) : () -> ()
    "tpu.region"() ({
      %run_scoped3A = tpu.sem_alloc : memref<!tpu.dma_semaphore, #tpu.memory_space<semaphore_mem>>
      %dma_start3A_324 = arith.constant 0 : i32
      %dma_start3A_325 = arith.constant 0 : i32
      %dma_start3A_326 = tpu.memref_slice %arg9[%dma_start3A_324, %dma_start3A_325] : memref<40x144xf32, #tpu.memory_space<vmem>> -> memref<30x144xf32, #tpu.memory_space<vmem>>
      %dma_start3A_327 = arith.constant 0 : i32
      %dma_start3A_328 = tpu.memref_slice %arg7[%arg0, %add3A_311, %dma_start3A_327] : memref<2x10080x144xf32, #tpu.memory_space<hbm>> -> memref<1x30x144xf32, #tpu.memory_space<hbm>>
      %dma_start3A_329 = tpu.memref_squeeze %dma_start3A_328 : memref<1x30x144xf32, #tpu.memory_space<hbm>> -> memref<30x144xf32, #tpu.memory_space<hbm>>
      %dma_start3A_330 = arith.constant 0 : i32
      %dma_start3A_331 = tpu.memref_slice %arg7[%arg0, %add3A_311, %dma_start3A_330] : memref<2x10080x144xf32, #tpu.memory_space<hbm>> -> memref<1x30x144xf32, #tpu.memory_space<hbm>>
      %dma_start3A_332 = tpu.memref_squeeze %dma_start3A_331 : memref<1x30x144xf32, #tpu.memory_space<hbm>> -> memref<30x144xf32, #tpu.memory_space<hbm>>
      %dma_start3A_333 = arith.constant 0 : i32
      %dma_start3A_334 = arith.constant 0 : i32
      %dma_start3A_335 = tpu.memref_slice %arg9[%dma_start3A_333, %dma_start3A_334] : memref<40x144xf32, #tpu.memory_space<vmem>> -> memref<30x144xf32, #tpu.memory_space<vmem>>
      tpu.enqueue_dma source(%dma_start3A_335 : memref<30x144xf32, #tpu.memory_space<vmem>>) target(%dma_start3A_332 : memref<30x144xf32, #tpu.memory_space<hbm>>) target_semaphore(%run_scoped3A : memref<!tpu.dma_semaphore, #tpu.memory_space<semaphore_mem>>)
      %dma_wait3A_336 = arith.constant 0 : i32
      %dma_wait3A_337 = arith.constant 0 : i32
      %dma_wait3A_338 = tpu.memref_slice %arg9[%dma_wait3A_336, %dma_wait3A_337] : memref<40x144xf32, #tpu.memory_space<vmem>> -> memref<30x144xf32, #tpu.memory_space<vmem>>
      %dma_wait3A_339 = arith.constant 0 : i32
      %dma_wait3A_340 = tpu.memref_slice %arg7[%arg0, %add3A_311, %dma_wait3A_339] : memref<2x10080x144xf32, #tpu.memory_space<hbm>> -> memref<1x30x144xf32, #tpu.memory_space<hbm>>
      %dma_wait3A_341 = tpu.memref_squeeze %dma_wait3A_340 : memref<1x30x144xf32, #tpu.memory_space<hbm>> -> memref<30x144xf32, #tpu.memory_space<hbm>>
      %dma_wait3A_342 = arith.constant 0 : i32
      %dma_wait3A_343 = tpu.memref_slice %arg7[%arg0, %add3A_311, %dma_wait3A_342] : memref<2x10080x144xf32, #tpu.memory_space<hbm>> -> memref<1x30x144xf32, #tpu.memory_space<hbm>>
      %dma_wait3A_344 = tpu.memref_squeeze %dma_wait3A_343 : memref<1x30x144xf32, #tpu.memory_space<hbm>> -> memref<30x144xf32, #tpu.memory_space<hbm>>
      %dma_wait3A_345 = arith.constant 0 : i32
      %dma_wait3A_346 = arith.constant 0 : i32
      %dma_wait3A_347 = tpu.memref_slice %arg9[%dma_wait3A_345, %dma_wait3A_346] : memref<40x144xf32, #tpu.memory_space<vmem>> -> memref<30x144xf32, #tpu.memory_space<vmem>>
      tpu.wait_dma2 semaphore(%run_scoped3A : memref<!tpu.dma_semaphore, #tpu.memory_space<semaphore_mem>>) src(%dma_wait3A_347 : memref<30x144xf32, #tpu.memory_space<vmem>>) dst(%dma_wait3A_344 : memref<30x144xf32, #tpu.memory_space<hbm>>)
      tpu.yield
    }) : () -> ()
    %add3A_312 = arith.constant 450 : i32
    %add3A_313 = arith.addi %mul3A_12, %add3A_312 : i32
    "tpu.region"() ({
      %run_scoped3A = tpu.sem_alloc : memref<!tpu.dma_semaphore, #tpu.memory_space<semaphore_mem>>
      %dma_start3A_324 = arith.constant 0 : i32
      %dma_start3A_325 = arith.constant 0 : i32
      %dma_start3A_326 = tpu.memref_slice %arg9[%dma_start3A_324, %dma_start3A_325] : memref<40x144xf32, #tpu.memory_space<vmem>> -> memref<30x144xf32, #tpu.memory_space<vmem>>
      %dma_start3A_327 = arith.constant 0 : i32
      %dma_start3A_328 = tpu.memref_slice %arg12[%add3A_313, %dma_start3A_327] : memref<10080x144xf32, #tpu.memory_space<vmem_shared>> -> memref<30x144xf32, #tpu.memory_space<vmem_shared>>
      %dma_start3A_329 = arith.constant 0 : i32
      %dma_start3A_330 = arith.constant 0 : i32
      %dma_start3A_331 = tpu.memref_slice %arg9[%dma_start3A_329, %dma_start3A_330] : memref<40x144xf32, #tpu.memory_space<vmem>> -> memref<30x144xf32, #tpu.memory_space<vmem>>
      %dma_start3A_332 = arith.constant 0 : i32
      %dma_start3A_333 = tpu.memref_slice %arg12[%add3A_313, %dma_start3A_332] : memref<10080x144xf32, #tpu.memory_space<vmem_shared>> -> memref<30x144xf32, #tpu.memory_space<vmem_shared>>
      tpu.enqueue_dma source(%dma_start3A_333 : memref<30x144xf32, #tpu.memory_space<vmem_shared>>) target(%dma_start3A_331 : memref<30x144xf32, #tpu.memory_space<vmem>>) target_semaphore(%run_scoped3A : memref<!tpu.dma_semaphore, #tpu.memory_space<semaphore_mem>>)
      %dma_wait3A_334 = arith.constant 0 : i32
      %dma_wait3A_335 = arith.constant 0 : i32
      %dma_wait3A_336 = tpu.memref_slice %arg9[%dma_wait3A_334, %dma_wait3A_335] : memref<40x144xf32, #tpu.memory_space<vmem>> -> memref<30x144xf32, #tpu.memory_space<vmem>>
      %dma_wait3A_337 = arith.constant 0 : i32
      %dma_wait3A_338 = tpu.memref_slice %arg12[%add3A_313, %dma_wait3A_337] : memref<10080x144xf32, #tpu.memory_space<vmem_shared>> -> memref<30x144xf32, #tpu.memory_space<vmem_shared>>
      %dma_wait3A_339 = arith.constant 0 : i32
      %dma_wait3A_340 = arith.constant 0 : i32
      %dma_wait3A_341 = tpu.memref_slice %arg9[%dma_wait3A_339, %dma_wait3A_340] : memref<40x144xf32, #tpu.memory_space<vmem>> -> memref<30x144xf32, #tpu.memory_space<vmem>>
      %dma_wait3A_342 = arith.constant 0 : i32
      %dma_wait3A_343 = tpu.memref_slice %arg12[%add3A_313, %dma_wait3A_342] : memref<10080x144xf32, #tpu.memory_space<vmem_shared>> -> memref<30x144xf32, #tpu.memory_space<vmem_shared>>
      tpu.wait_dma2 semaphore(%run_scoped3A : memref<!tpu.dma_semaphore, #tpu.memory_space<semaphore_mem>>) src(%dma_wait3A_343 : memref<30x144xf32, #tpu.memory_space<vmem_shared>>) dst(%dma_wait3A_341 : memref<30x144xf32, #tpu.memory_space<vmem>>)
      tpu.yield
    }) : () -> ()
    "tpu.region"() ({
      %run_scoped3A = tpu.sem_alloc : memref<!tpu.dma_semaphore, #tpu.memory_space<semaphore_mem>>
      %dma_start3A_324 = arith.constant 0 : i32
      %dma_start3A_325 = arith.constant 0 : i32
      %dma_start3A_326 = tpu.memref_slice %arg9[%dma_start3A_324, %dma_start3A_325] : memref<40x144xf32, #tpu.memory_space<vmem>> -> memref<30x144xf32, #tpu.memory_space<vmem>>
      %dma_start3A_327 = arith.constant 0 : i32
      %dma_start3A_328 = tpu.memref_slice %arg7[%arg0, %add3A_313, %dma_start3A_327] : memref<2x10080x144xf32, #tpu.memory_space<hbm>> -> memref<1x30x144xf32, #tpu.memory_space<hbm>>
      %dma_start3A_329 = tpu.memref_squeeze %dma_start3A_328 : memref<1x30x144xf32, #tpu.memory_space<hbm>> -> memref<30x144xf32, #tpu.memory_space<hbm>>
      %dma_start3A_330 = arith.constant 0 : i32
      %dma_start3A_331 = tpu.memref_slice %arg7[%arg0, %add3A_313, %dma_start3A_330] : memref<2x10080x144xf32, #tpu.memory_space<hbm>> -> memref<1x30x144xf32, #tpu.memory_space<hbm>>
      %dma_start3A_332 = tpu.memref_squeeze %dma_start3A_331 : memref<1x30x144xf32, #tpu.memory_space<hbm>> -> memref<30x144xf32, #tpu.memory_space<hbm>>
      %dma_start3A_333 = arith.constant 0 : i32
      %dma_start3A_334 = arith.constant 0 : i32
      %dma_start3A_335 = tpu.memref_slice %arg9[%dma_start3A_333, %dma_start3A_334] : memref<40x144xf32, #tpu.memory_space<vmem>> -> memref<30x144xf32, #tpu.memory_space<vmem>>
      tpu.enqueue_dma source(%dma_start3A_335 : memref<30x144xf32, #tpu.memory_space<vmem>>) target(%dma_start3A_332 : memref<30x144xf32, #tpu.memory_space<hbm>>) target_semaphore(%run_scoped3A : memref<!tpu.dma_semaphore, #tpu.memory_space<semaphore_mem>>)
      %dma_wait3A_336 = arith.constant 0 : i32
      %dma_wait3A_337 = arith.constant 0 : i32
      %dma_wait3A_338 = tpu.memref_slice %arg9[%dma_wait3A_336, %dma_wait3A_337] : memref<40x144xf32, #tpu.memory_space<vmem>> -> memref<30x144xf32, #tpu.memory_space<vmem>>
      %dma_wait3A_339 = arith.constant 0 : i32
      %dma_wait3A_340 = tpu.memref_slice %arg7[%arg0, %add3A_313, %dma_wait3A_339] : memref<2x10080x144xf32, #tpu.memory_space<hbm>> -> memref<1x30x144xf32, #tpu.memory_space<hbm>>
      %dma_wait3A_341 = tpu.memref_squeeze %dma_wait3A_340 : memref<1x30x144xf32, #tpu.memory_space<hbm>> -> memref<30x144xf32, #tpu.memory_space<hbm>>
      %dma_wait3A_342 = arith.constant 0 : i32
      %dma_wait3A_343 = tpu.memref_slice %arg7[%arg0, %add3A_313, %dma_wait3A_342] : memref<2x10080x144xf32, #tpu.memory_space<hbm>> -> memref<1x30x144xf32, #tpu.memory_space<hbm>>
      %dma_wait3A_344 = tpu.memref_squeeze %dma_wait3A_343 : memref<1x30x144xf32, #tpu.memory_space<hbm>> -> memref<30x144xf32, #tpu.memory_space<hbm>>
      %dma_wait3A_345 = arith.constant 0 : i32
      %dma_wait3A_346 = arith.constant 0 : i32
      %dma_wait3A_347 = tpu.memref_slice %arg9[%dma_wait3A_345, %dma_wait3A_346] : memref<40x144xf32, #tpu.memory_space<vmem>> -> memref<30x144xf32, #tpu.memory_space<vmem>>
      tpu.wait_dma2 semaphore(%run_scoped3A : memref<!tpu.dma_semaphore, #tpu.memory_space<semaphore_mem>>) src(%dma_wait3A_347 : memref<30x144xf32, #tpu.memory_space<vmem>>) dst(%dma_wait3A_344 : memref<30x144xf32, #tpu.memory_space<hbm>>)
      tpu.yield
    }) : () -> ()
    %add3A_314 = arith.constant 480 : i32
    %add3A_315 = arith.addi %mul3A_12, %add3A_314 : i32
    "tpu.region"() ({
      %run_scoped3A = tpu.sem_alloc : memref<!tpu.dma_semaphore, #tpu.memory_space<semaphore_mem>>
      %dma_start3A_324 = arith.constant 0 : i32
      %dma_start3A_325 = arith.constant 0 : i32
      %dma_start3A_326 = tpu.memref_slice %arg9[%dma_start3A_324, %dma_start3A_325] : memref<40x144xf32, #tpu.memory_space<vmem>> -> memref<30x144xf32, #tpu.memory_space<vmem>>
      %dma_start3A_327 = arith.constant 0 : i32
      %dma_start3A_328 = tpu.memref_slice %arg12[%add3A_315, %dma_start3A_327] : memref<10080x144xf32, #tpu.memory_space<vmem_shared>> -> memref<30x144xf32, #tpu.memory_space<vmem_shared>>
      %dma_start3A_329 = arith.constant 0 : i32
      %dma_start3A_330 = arith.constant 0 : i32
      %dma_start3A_331 = tpu.memref_slice %arg9[%dma_start3A_329, %dma_start3A_330] : memref<40x144xf32, #tpu.memory_space<vmem>> -> memref<30x144xf32, #tpu.memory_space<vmem>>
      %dma_start3A_332 = arith.constant 0 : i32
      %dma_start3A_333 = tpu.memref_slice %arg12[%add3A_315, %dma_start3A_332] : memref<10080x144xf32, #tpu.memory_space<vmem_shared>> -> memref<30x144xf32, #tpu.memory_space<vmem_shared>>
      tpu.enqueue_dma source(%dma_start3A_333 : memref<30x144xf32, #tpu.memory_space<vmem_shared>>) target(%dma_start3A_331 : memref<30x144xf32, #tpu.memory_space<vmem>>) target_semaphore(%run_scoped3A : memref<!tpu.dma_semaphore, #tpu.memory_space<semaphore_mem>>)
      %dma_wait3A_334 = arith.constant 0 : i32
      %dma_wait3A_335 = arith.constant 0 : i32
      %dma_wait3A_336 = tpu.memref_slice %arg9[%dma_wait3A_334, %dma_wait3A_335] : memref<40x144xf32, #tpu.memory_space<vmem>> -> memref<30x144xf32, #tpu.memory_space<vmem>>
      %dma_wait3A_337 = arith.constant 0 : i32
      %dma_wait3A_338 = tpu.memref_slice %arg12[%add3A_315, %dma_wait3A_337] : memref<10080x144xf32, #tpu.memory_space<vmem_shared>> -> memref<30x144xf32, #tpu.memory_space<vmem_shared>>
      %dma_wait3A_339 = arith.constant 0 : i32
      %dma_wait3A_340 = arith.constant 0 : i32
      %dma_wait3A_341 = tpu.memref_slice %arg9[%dma_wait3A_339, %dma_wait3A_340] : memref<40x144xf32, #tpu.memory_space<vmem>> -> memref<30x144xf32, #tpu.memory_space<vmem>>
      %dma_wait3A_342 = arith.constant 0 : i32
      %dma_wait3A_343 = tpu.memref_slice %arg12[%add3A_315, %dma_wait3A_342] : memref<10080x144xf32, #tpu.memory_space<vmem_shared>> -> memref<30x144xf32, #tpu.memory_space<vmem_shared>>
      tpu.wait_dma2 semaphore(%run_scoped3A : memref<!tpu.dma_semaphore, #tpu.memory_space<semaphore_mem>>) src(%dma_wait3A_343 : memref<30x144xf32, #tpu.memory_space<vmem_shared>>) dst(%dma_wait3A_341 : memref<30x144xf32, #tpu.memory_space<vmem>>)
      tpu.yield
    }) : () -> ()
    "tpu.region"() ({
      %run_scoped3A = tpu.sem_alloc : memref<!tpu.dma_semaphore, #tpu.memory_space<semaphore_mem>>
      %dma_start3A_324 = arith.constant 0 : i32
      %dma_start3A_325 = arith.constant 0 : i32
      %dma_start3A_326 = tpu.memref_slice %arg9[%dma_start3A_324, %dma_start3A_325] : memref<40x144xf32, #tpu.memory_space<vmem>> -> memref<30x144xf32, #tpu.memory_space<vmem>>
      %dma_start3A_327 = arith.constant 0 : i32
      %dma_start3A_328 = tpu.memref_slice %arg7[%arg0, %add3A_315, %dma_start3A_327] : memref<2x10080x144xf32, #tpu.memory_space<hbm>> -> memref<1x30x144xf32, #tpu.memory_space<hbm>>
      %dma_start3A_329 = tpu.memref_squeeze %dma_start3A_328 : memref<1x30x144xf32, #tpu.memory_space<hbm>> -> memref<30x144xf32, #tpu.memory_space<hbm>>
      %dma_start3A_330 = arith.constant 0 : i32
      %dma_start3A_331 = tpu.memref_slice %arg7[%arg0, %add3A_315, %dma_start3A_330] : memref<2x10080x144xf32, #tpu.memory_space<hbm>> -> memref<1x30x144xf32, #tpu.memory_space<hbm>>
      %dma_start3A_332 = tpu.memref_squeeze %dma_start3A_331 : memref<1x30x144xf32, #tpu.memory_space<hbm>> -> memref<30x144xf32, #tpu.memory_space<hbm>>
      %dma_start3A_333 = arith.constant 0 : i32
      %dma_start3A_334 = arith.constant 0 : i32
      %dma_start3A_335 = tpu.memref_slice %arg9[%dma_start3A_333, %dma_start3A_334] : memref<40x144xf32, #tpu.memory_space<vmem>> -> memref<30x144xf32, #tpu.memory_space<vmem>>
      tpu.enqueue_dma source(%dma_start3A_335 : memref<30x144xf32, #tpu.memory_space<vmem>>) target(%dma_start3A_332 : memref<30x144xf32, #tpu.memory_space<hbm>>) target_semaphore(%run_scoped3A : memref<!tpu.dma_semaphore, #tpu.memory_space<semaphore_mem>>)
      %dma_wait3A_336 = arith.constant 0 : i32
      %dma_wait3A_337 = arith.constant 0 : i32
      %dma_wait3A_338 = tpu.memref_slice %arg9[%dma_wait3A_336, %dma_wait3A_337] : memref<40x144xf32, #tpu.memory_space<vmem>> -> memref<30x144xf32, #tpu.memory_space<vmem>>
      %dma_wait3A_339 = arith.constant 0 : i32
      %dma_wait3A_340 = tpu.memref_slice %arg7[%arg0, %add3A_315, %dma_wait3A_339] : memref<2x10080x144xf32, #tpu.memory_space<hbm>> -> memref<1x30x144xf32, #tpu.memory_space<hbm>>
      %dma_wait3A_341 = tpu.memref_squeeze %dma_wait3A_340 : memref<1x30x144xf32, #tpu.memory_space<hbm>> -> memref<30x144xf32, #tpu.memory_space<hbm>>
      %dma_wait3A_342 = arith.constant 0 : i32
      %dma_wait3A_343 = tpu.memref_slice %arg7[%arg0, %add3A_315, %dma_wait3A_342] : memref<2x10080x144xf32, #tpu.memory_space<hbm>> -> memref<1x30x144xf32, #tpu.memory_space<hbm>>
      %dma_wait3A_344 = tpu.memref_squeeze %dma_wait3A_343 : memref<1x30x144xf32, #tpu.memory_space<hbm>> -> memref<30x144xf32, #tpu.memory_space<hbm>>
      %dma_wait3A_345 = arith.constant 0 : i32
      %dma_wait3A_346 = arith.constant 0 : i32
      %dma_wait3A_347 = tpu.memref_slice %arg9[%dma_wait3A_345, %dma_wait3A_346] : memref<40x144xf32, #tpu.memory_space<vmem>> -> memref<30x144xf32, #tpu.memory_space<vmem>>
      tpu.wait_dma2 semaphore(%run_scoped3A : memref<!tpu.dma_semaphore, #tpu.memory_space<semaphore_mem>>) src(%dma_wait3A_347 : memref<30x144xf32, #tpu.memory_space<vmem>>) dst(%dma_wait3A_344 : memref<30x144xf32, #tpu.memory_space<hbm>>)
      tpu.yield
    }) : () -> ()
    %add3A_316 = arith.constant 510 : i32
    %add3A_317 = arith.addi %mul3A_12, %add3A_316 : i32
    "tpu.region"() ({
      %run_scoped3A = tpu.sem_alloc : memref<!tpu.dma_semaphore, #tpu.memory_space<semaphore_mem>>
      %dma_start3A_324 = arith.constant 0 : i32
      %dma_start3A_325 = arith.constant 0 : i32
      %dma_start3A_326 = tpu.memref_slice %arg9[%dma_start3A_324, %dma_start3A_325] : memref<40x144xf32, #tpu.memory_space<vmem>> -> memref<30x144xf32, #tpu.memory_space<vmem>>
      %dma_start3A_327 = arith.constant 0 : i32
      %dma_start3A_328 = tpu.memref_slice %arg12[%add3A_317, %dma_start3A_327] : memref<10080x144xf32, #tpu.memory_space<vmem_shared>> -> memref<30x144xf32, #tpu.memory_space<vmem_shared>>
      %dma_start3A_329 = arith.constant 0 : i32
      %dma_start3A_330 = arith.constant 0 : i32
      %dma_start3A_331 = tpu.memref_slice %arg9[%dma_start3A_329, %dma_start3A_330] : memref<40x144xf32, #tpu.memory_space<vmem>> -> memref<30x144xf32, #tpu.memory_space<vmem>>
      %dma_start3A_332 = arith.constant 0 : i32
      %dma_start3A_333 = tpu.memref_slice %arg12[%add3A_317, %dma_start3A_332] : memref<10080x144xf32, #tpu.memory_space<vmem_shared>> -> memref<30x144xf32, #tpu.memory_space<vmem_shared>>
      tpu.enqueue_dma source(%dma_start3A_333 : memref<30x144xf32, #tpu.memory_space<vmem_shared>>) target(%dma_start3A_331 : memref<30x144xf32, #tpu.memory_space<vmem>>) target_semaphore(%run_scoped3A : memref<!tpu.dma_semaphore, #tpu.memory_space<semaphore_mem>>)
      %dma_wait3A_334 = arith.constant 0 : i32
      %dma_wait3A_335 = arith.constant 0 : i32
      %dma_wait3A_336 = tpu.memref_slice %arg9[%dma_wait3A_334, %dma_wait3A_335] : memref<40x144xf32, #tpu.memory_space<vmem>> -> memref<30x144xf32, #tpu.memory_space<vmem>>
      %dma_wait3A_337 = arith.constant 0 : i32
      %dma_wait3A_338 = tpu.memref_slice %arg12[%add3A_317, %dma_wait3A_337] : memref<10080x144xf32, #tpu.memory_space<vmem_shared>> -> memref<30x144xf32, #tpu.memory_space<vmem_shared>>
      %dma_wait3A_339 = arith.constant 0 : i32
      %dma_wait3A_340 = arith.constant 0 : i32
      %dma_wait3A_341 = tpu.memref_slice %arg9[%dma_wait3A_339, %dma_wait3A_340] : memref<40x144xf32, #tpu.memory_space<vmem>> -> memref<30x144xf32, #tpu.memory_space<vmem>>
      %dma_wait3A_342 = arith.constant 0 : i32
      %dma_wait3A_343 = tpu.memref_slice %arg12[%add3A_317, %dma_wait3A_342] : memref<10080x144xf32, #tpu.memory_space<vmem_shared>> -> memref<30x144xf32, #tpu.memory_space<vmem_shared>>
      tpu.wait_dma2 semaphore(%run_scoped3A : memref<!tpu.dma_semaphore, #tpu.memory_space<semaphore_mem>>) src(%dma_wait3A_343 : memref<30x144xf32, #tpu.memory_space<vmem_shared>>) dst(%dma_wait3A_341 : memref<30x144xf32, #tpu.memory_space<vmem>>)
      tpu.yield
    }) : () -> ()
    "tpu.region"() ({
      %run_scoped3A = tpu.sem_alloc : memref<!tpu.dma_semaphore, #tpu.memory_space<semaphore_mem>>
      %dma_start3A_324 = arith.constant 0 : i32
      %dma_start3A_325 = arith.constant 0 : i32
      %dma_start3A_326 = tpu.memref_slice %arg9[%dma_start3A_324, %dma_start3A_325] : memref<40x144xf32, #tpu.memory_space<vmem>> -> memref<30x144xf32, #tpu.memory_space<vmem>>
      %dma_start3A_327 = arith.constant 0 : i32
      %dma_start3A_328 = tpu.memref_slice %arg7[%arg0, %add3A_317, %dma_start3A_327] : memref<2x10080x144xf32, #tpu.memory_space<hbm>> -> memref<1x30x144xf32, #tpu.memory_space<hbm>>
      %dma_start3A_329 = tpu.memref_squeeze %dma_start3A_328 : memref<1x30x144xf32, #tpu.memory_space<hbm>> -> memref<30x144xf32, #tpu.memory_space<hbm>>
      %dma_start3A_330 = arith.constant 0 : i32
      %dma_start3A_331 = tpu.memref_slice %arg7[%arg0, %add3A_317, %dma_start3A_330] : memref<2x10080x144xf32, #tpu.memory_space<hbm>> -> memref<1x30x144xf32, #tpu.memory_space<hbm>>
      %dma_start3A_332 = tpu.memref_squeeze %dma_start3A_331 : memref<1x30x144xf32, #tpu.memory_space<hbm>> -> memref<30x144xf32, #tpu.memory_space<hbm>>
      %dma_start3A_333 = arith.constant 0 : i32
      %dma_start3A_334 = arith.constant 0 : i32
      %dma_start3A_335 = tpu.memref_slice %arg9[%dma_start3A_333, %dma_start3A_334] : memref<40x144xf32, #tpu.memory_space<vmem>> -> memref<30x144xf32, #tpu.memory_space<vmem>>
      tpu.enqueue_dma source(%dma_start3A_335 : memref<30x144xf32, #tpu.memory_space<vmem>>) target(%dma_start3A_332 : memref<30x144xf32, #tpu.memory_space<hbm>>) target_semaphore(%run_scoped3A : memref<!tpu.dma_semaphore, #tpu.memory_space<semaphore_mem>>)
      %dma_wait3A_336 = arith.constant 0 : i32
      %dma_wait3A_337 = arith.constant 0 : i32
      %dma_wait3A_338 = tpu.memref_slice %arg9[%dma_wait3A_336, %dma_wait3A_337] : memref<40x144xf32, #tpu.memory_space<vmem>> -> memref<30x144xf32, #tpu.memory_space<vmem>>
      %dma_wait3A_339 = arith.constant 0 : i32
      %dma_wait3A_340 = tpu.memref_slice %arg7[%arg0, %add3A_317, %dma_wait3A_339] : memref<2x10080x144xf32, #tpu.memory_space<hbm>> -> memref<1x30x144xf32, #tpu.memory_space<hbm>>
      %dma_wait3A_341 = tpu.memref_squeeze %dma_wait3A_340 : memref<1x30x144xf32, #tpu.memory_space<hbm>> -> memref<30x144xf32, #tpu.memory_space<hbm>>
      %dma_wait3A_342 = arith.constant 0 : i32
      %dma_wait3A_343 = tpu.memref_slice %arg7[%arg0, %add3A_317, %dma_wait3A_342] : memref<2x10080x144xf32, #tpu.memory_space<hbm>> -> memref<1x30x144xf32, #tpu.memory_space<hbm>>
      %dma_wait3A_344 = tpu.memref_squeeze %dma_wait3A_343 : memref<1x30x144xf32, #tpu.memory_space<hbm>> -> memref<30x144xf32, #tpu.memory_space<hbm>>
      %dma_wait3A_345 = arith.constant 0 : i32
      %dma_wait3A_346 = arith.constant 0 : i32
      %dma_wait3A_347 = tpu.memref_slice %arg9[%dma_wait3A_345, %dma_wait3A_346] : memref<40x144xf32, #tpu.memory_space<vmem>> -> memref<30x144xf32, #tpu.memory_space<vmem>>
      tpu.wait_dma2 semaphore(%run_scoped3A : memref<!tpu.dma_semaphore, #tpu.memory_space<semaphore_mem>>) src(%dma_wait3A_347 : memref<30x144xf32, #tpu.memory_space<vmem>>) dst(%dma_wait3A_344 : memref<30x144xf32, #tpu.memory_space<hbm>>)
      tpu.yield
    }) : () -> ()
    %add3A_318 = arith.constant 540 : i32
    %add3A_319 = arith.addi %mul3A_12, %add3A_318 : i32
    "tpu.region"() ({
      %run_scoped3A = tpu.sem_alloc : memref<!tpu.dma_semaphore, #tpu.memory_space<semaphore_mem>>
      %dma_start3A_324 = arith.constant 0 : i32
      %dma_start3A_325 = arith.constant 0 : i32
      %dma_start3A_326 = tpu.memref_slice %arg9[%dma_start3A_324, %dma_start3A_325] : memref<40x144xf32, #tpu.memory_space<vmem>> -> memref<30x144xf32, #tpu.memory_space<vmem>>
      %dma_start3A_327 = arith.constant 0 : i32
      %dma_start3A_328 = tpu.memref_slice %arg12[%add3A_319, %dma_start3A_327] : memref<10080x144xf32, #tpu.memory_space<vmem_shared>> -> memref<30x144xf32, #tpu.memory_space<vmem_shared>>
      %dma_start3A_329 = arith.constant 0 : i32
      %dma_start3A_330 = arith.constant 0 : i32
      %dma_start3A_331 = tpu.memref_slice %arg9[%dma_start3A_329, %dma_start3A_330] : memref<40x144xf32, #tpu.memory_space<vmem>> -> memref<30x144xf32, #tpu.memory_space<vmem>>
      %dma_start3A_332 = arith.constant 0 : i32
      %dma_start3A_333 = tpu.memref_slice %arg12[%add3A_319, %dma_start3A_332] : memref<10080x144xf32, #tpu.memory_space<vmem_shared>> -> memref<30x144xf32, #tpu.memory_space<vmem_shared>>
      tpu.enqueue_dma source(%dma_start3A_333 : memref<30x144xf32, #tpu.memory_space<vmem_shared>>) target(%dma_start3A_331 : memref<30x144xf32, #tpu.memory_space<vmem>>) target_semaphore(%run_scoped3A : memref<!tpu.dma_semaphore, #tpu.memory_space<semaphore_mem>>)
      %dma_wait3A_334 = arith.constant 0 : i32
      %dma_wait3A_335 = arith.constant 0 : i32
      %dma_wait3A_336 = tpu.memref_slice %arg9[%dma_wait3A_334, %dma_wait3A_335] : memref<40x144xf32, #tpu.memory_space<vmem>> -> memref<30x144xf32, #tpu.memory_space<vmem>>
      %dma_wait3A_337 = arith.constant 0 : i32
      %dma_wait3A_338 = tpu.memref_slice %arg12[%add3A_319, %dma_wait3A_337] : memref<10080x144xf32, #tpu.memory_space<vmem_shared>> -> memref<30x144xf32, #tpu.memory_space<vmem_shared>>
      %dma_wait3A_339 = arith.constant 0 : i32
      %dma_wait3A_340 = arith.constant 0 : i32
      %dma_wait3A_341 = tpu.memref_slice %arg9[%dma_wait3A_339, %dma_wait3A_340] : memref<40x144xf32, #tpu.memory_space<vmem>> -> memref<30x144xf32, #tpu.memory_space<vmem>>
      %dma_wait3A_342 = arith.constant 0 : i32
      %dma_wait3A_343 = tpu.memref_slice %arg12[%add3A_319, %dma_wait3A_342] : memref<10080x144xf32, #tpu.memory_space<vmem_shared>> -> memref<30x144xf32, #tpu.memory_space<vmem_shared>>
      tpu.wait_dma2 semaphore(%run_scoped3A : memref<!tpu.dma_semaphore, #tpu.memory_space<semaphore_mem>>) src(%dma_wait3A_343 : memref<30x144xf32, #tpu.memory_space<vmem_shared>>) dst(%dma_wait3A_341 : memref<30x144xf32, #tpu.memory_space<vmem>>)
      tpu.yield
    }) : () -> ()
    "tpu.region"() ({
      %run_scoped3A = tpu.sem_alloc : memref<!tpu.dma_semaphore, #tpu.memory_space<semaphore_mem>>
      %dma_start3A_324 = arith.constant 0 : i32
      %dma_start3A_325 = arith.constant 0 : i32
      %dma_start3A_326 = tpu.memref_slice %arg9[%dma_start3A_324, %dma_start3A_325] : memref<40x144xf32, #tpu.memory_space<vmem>> -> memref<30x144xf32, #tpu.memory_space<vmem>>
      %dma_start3A_327 = arith.constant 0 : i32
      %dma_start3A_328 = tpu.memref_slice %arg7[%arg0, %add3A_319, %dma_start3A_327] : memref<2x10080x144xf32, #tpu.memory_space<hbm>> -> memref<1x30x144xf32, #tpu.memory_space<hbm>>
      %dma_start3A_329 = tpu.memref_squeeze %dma_start3A_328 : memref<1x30x144xf32, #tpu.memory_space<hbm>> -> memref<30x144xf32, #tpu.memory_space<hbm>>
      %dma_start3A_330 = arith.constant 0 : i32
      %dma_start3A_331 = tpu.memref_slice %arg7[%arg0, %add3A_319, %dma_start3A_330] : memref<2x10080x144xf32, #tpu.memory_space<hbm>> -> memref<1x30x144xf32, #tpu.memory_space<hbm>>
      %dma_start3A_332 = tpu.memref_squeeze %dma_start3A_331 : memref<1x30x144xf32, #tpu.memory_space<hbm>> -> memref<30x144xf32, #tpu.memory_space<hbm>>
      %dma_start3A_333 = arith.constant 0 : i32
      %dma_start3A_334 = arith.constant 0 : i32
      %dma_start3A_335 = tpu.memref_slice %arg9[%dma_start3A_333, %dma_start3A_334] : memref<40x144xf32, #tpu.memory_space<vmem>> -> memref<30x144xf32, #tpu.memory_space<vmem>>
      tpu.enqueue_dma source(%dma_start3A_335 : memref<30x144xf32, #tpu.memory_space<vmem>>) target(%dma_start3A_332 : memref<30x144xf32, #tpu.memory_space<hbm>>) target_semaphore(%run_scoped3A : memref<!tpu.dma_semaphore, #tpu.memory_space<semaphore_mem>>)
      %dma_wait3A_336 = arith.constant 0 : i32
      %dma_wait3A_337 = arith.constant 0 : i32
      %dma_wait3A_338 = tpu.memref_slice %arg9[%dma_wait3A_336, %dma_wait3A_337] : memref<40x144xf32, #tpu.memory_space<vmem>> -> memref<30x144xf32, #tpu.memory_space<vmem>>
      %dma_wait3A_339 = arith.constant 0 : i32
      %dma_wait3A_340 = tpu.memref_slice %arg7[%arg0, %add3A_319, %dma_wait3A_339] : memref<2x10080x144xf32, #tpu.memory_space<hbm>> -> memref<1x30x144xf32, #tpu.memory_space<hbm>>
      %dma_wait3A_341 = tpu.memref_squeeze %dma_wait3A_340 : memref<1x30x144xf32, #tpu.memory_space<hbm>> -> memref<30x144xf32, #tpu.memory_space<hbm>>
      %dma_wait3A_342 = arith.constant 0 : i32
      %dma_wait3A_343 = tpu.memref_slice %arg7[%arg0, %add3A_319, %dma_wait3A_342] : memref<2x10080x144xf32, #tpu.memory_space<hbm>> -> memref<1x30x144xf32, #tpu.memory_space<hbm>>
      %dma_wait3A_344 = tpu.memref_squeeze %dma_wait3A_343 : memref<1x30x144xf32, #tpu.memory_space<hbm>> -> memref<30x144xf32, #tpu.memory_space<hbm>>
      %dma_wait3A_345 = arith.constant 0 : i32
      %dma_wait3A_346 = arith.constant 0 : i32
      %dma_wait3A_347 = tpu.memref_slice %arg9[%dma_wait3A_345, %dma_wait3A_346] : memref<40x144xf32, #tpu.memory_space<vmem>> -> memref<30x144xf32, #tpu.memory_space<vmem>>
      tpu.wait_dma2 semaphore(%run_scoped3A : memref<!tpu.dma_semaphore, #tpu.memory_space<semaphore_mem>>) src(%dma_wait3A_347 : memref<30x144xf32, #tpu.memory_space<vmem>>) dst(%dma_wait3A_344 : memref<30x144xf32, #tpu.memory_space<hbm>>)
      tpu.yield
    }) : () -> ()
    %add3A_320 = arith.constant 570 : i32
    %add3A_321 = arith.addi %mul3A_12, %add3A_320 : i32
    "tpu.region"() ({
      %run_scoped3A = tpu.sem_alloc : memref<!tpu.dma_semaphore, #tpu.memory_space<semaphore_mem>>
      %dma_start3A_324 = arith.constant 0 : i32
      %dma_start3A_325 = arith.constant 0 : i32
      %dma_start3A_326 = tpu.memref_slice %arg9[%dma_start3A_324, %dma_start3A_325] : memref<40x144xf32, #tpu.memory_space<vmem>> -> memref<30x144xf32, #tpu.memory_space<vmem>>
      %dma_start3A_327 = arith.constant 0 : i32
      %dma_start3A_328 = tpu.memref_slice %arg12[%add3A_321, %dma_start3A_327] : memref<10080x144xf32, #tpu.memory_space<vmem_shared>> -> memref<30x144xf32, #tpu.memory_space<vmem_shared>>
      %dma_start3A_329 = arith.constant 0 : i32
      %dma_start3A_330 = arith.constant 0 : i32
      %dma_start3A_331 = tpu.memref_slice %arg9[%dma_start3A_329, %dma_start3A_330] : memref<40x144xf32, #tpu.memory_space<vmem>> -> memref<30x144xf32, #tpu.memory_space<vmem>>
      %dma_start3A_332 = arith.constant 0 : i32
      %dma_start3A_333 = tpu.memref_slice %arg12[%add3A_321, %dma_start3A_332] : memref<10080x144xf32, #tpu.memory_space<vmem_shared>> -> memref<30x144xf32, #tpu.memory_space<vmem_shared>>
      tpu.enqueue_dma source(%dma_start3A_333 : memref<30x144xf32, #tpu.memory_space<vmem_shared>>) target(%dma_start3A_331 : memref<30x144xf32, #tpu.memory_space<vmem>>) target_semaphore(%run_scoped3A : memref<!tpu.dma_semaphore, #tpu.memory_space<semaphore_mem>>)
      %dma_wait3A_334 = arith.constant 0 : i32
      %dma_wait3A_335 = arith.constant 0 : i32
      %dma_wait3A_336 = tpu.memref_slice %arg9[%dma_wait3A_334, %dma_wait3A_335] : memref<40x144xf32, #tpu.memory_space<vmem>> -> memref<30x144xf32, #tpu.memory_space<vmem>>
      %dma_wait3A_337 = arith.constant 0 : i32
      %dma_wait3A_338 = tpu.memref_slice %arg12[%add3A_321, %dma_wait3A_337] : memref<10080x144xf32, #tpu.memory_space<vmem_shared>> -> memref<30x144xf32, #tpu.memory_space<vmem_shared>>
      %dma_wait3A_339 = arith.constant 0 : i32
      %dma_wait3A_340 = arith.constant 0 : i32
      %dma_wait3A_341 = tpu.memref_slice %arg9[%dma_wait3A_339, %dma_wait3A_340] : memref<40x144xf32, #tpu.memory_space<vmem>> -> memref<30x144xf32, #tpu.memory_space<vmem>>
      %dma_wait3A_342 = arith.constant 0 : i32
      %dma_wait3A_343 = tpu.memref_slice %arg12[%add3A_321, %dma_wait3A_342] : memref<10080x144xf32, #tpu.memory_space<vmem_shared>> -> memref<30x144xf32, #tpu.memory_space<vmem_shared>>
      tpu.wait_dma2 semaphore(%run_scoped3A : memref<!tpu.dma_semaphore, #tpu.memory_space<semaphore_mem>>) src(%dma_wait3A_343 : memref<30x144xf32, #tpu.memory_space<vmem_shared>>) dst(%dma_wait3A_341 : memref<30x144xf32, #tpu.memory_space<vmem>>)
      tpu.yield
    }) : () -> ()
    "tpu.region"() ({
      %run_scoped3A = tpu.sem_alloc : memref<!tpu.dma_semaphore, #tpu.memory_space<semaphore_mem>>
      %dma_start3A_324 = arith.constant 0 : i32
      %dma_start3A_325 = arith.constant 0 : i32
      %dma_start3A_326 = tpu.memref_slice %arg9[%dma_start3A_324, %dma_start3A_325] : memref<40x144xf32, #tpu.memory_space<vmem>> -> memref<30x144xf32, #tpu.memory_space<vmem>>
      %dma_start3A_327 = arith.constant 0 : i32
      %dma_start3A_328 = tpu.memref_slice %arg7[%arg0, %add3A_321, %dma_start3A_327] : memref<2x10080x144xf32, #tpu.memory_space<hbm>> -> memref<1x30x144xf32, #tpu.memory_space<hbm>>
      %dma_start3A_329 = tpu.memref_squeeze %dma_start3A_328 : memref<1x30x144xf32, #tpu.memory_space<hbm>> -> memref<30x144xf32, #tpu.memory_space<hbm>>
      %dma_start3A_330 = arith.constant 0 : i32
      %dma_start3A_331 = tpu.memref_slice %arg7[%arg0, %add3A_321, %dma_start3A_330] : memref<2x10080x144xf32, #tpu.memory_space<hbm>> -> memref<1x30x144xf32, #tpu.memory_space<hbm>>
      %dma_start3A_332 = tpu.memref_squeeze %dma_start3A_331 : memref<1x30x144xf32, #tpu.memory_space<hbm>> -> memref<30x144xf32, #tpu.memory_space<hbm>>
      %dma_start3A_333 = arith.constant 0 : i32
      %dma_start3A_334 = arith.constant 0 : i32
      %dma_start3A_335 = tpu.memref_slice %arg9[%dma_start3A_333, %dma_start3A_334] : memref<40x144xf32, #tpu.memory_space<vmem>> -> memref<30x144xf32, #tpu.memory_space<vmem>>
      tpu.enqueue_dma source(%dma_start3A_335 : memref<30x144xf32, #tpu.memory_space<vmem>>) target(%dma_start3A_332 : memref<30x144xf32, #tpu.memory_space<hbm>>) target_semaphore(%run_scoped3A : memref<!tpu.dma_semaphore, #tpu.memory_space<semaphore_mem>>)
      %dma_wait3A_336 = arith.constant 0 : i32
      %dma_wait3A_337 = arith.constant 0 : i32
      %dma_wait3A_338 = tpu.memref_slice %arg9[%dma_wait3A_336, %dma_wait3A_337] : memref<40x144xf32, #tpu.memory_space<vmem>> -> memref<30x144xf32, #tpu.memory_space<vmem>>
      %dma_wait3A_339 = arith.constant 0 : i32
      %dma_wait3A_340 = tpu.memref_slice %arg7[%arg0, %add3A_321, %dma_wait3A_339] : memref<2x10080x144xf32, #tpu.memory_space<hbm>> -> memref<1x30x144xf32, #tpu.memory_space<hbm>>
      %dma_wait3A_341 = tpu.memref_squeeze %dma_wait3A_340 : memref<1x30x144xf32, #tpu.memory_space<hbm>> -> memref<30x144xf32, #tpu.memory_space<hbm>>
      %dma_wait3A_342 = arith.constant 0 : i32
      %dma_wait3A_343 = tpu.memref_slice %arg7[%arg0, %add3A_321, %dma_wait3A_342] : memref<2x10080x144xf32, #tpu.memory_space<hbm>> -> memref<1x30x144xf32, #tpu.memory_space<hbm>>
      %dma_wait3A_344 = tpu.memref_squeeze %dma_wait3A_343 : memref<1x30x144xf32, #tpu.memory_space<hbm>> -> memref<30x144xf32, #tpu.memory_space<hbm>>
      %dma_wait3A_345 = arith.constant 0 : i32
      %dma_wait3A_346 = arith.constant 0 : i32
      %dma_wait3A_347 = tpu.memref_slice %arg9[%dma_wait3A_345, %dma_wait3A_346] : memref<40x144xf32, #tpu.memory_space<vmem>> -> memref<30x144xf32, #tpu.memory_space<vmem>>
      tpu.wait_dma2 semaphore(%run_scoped3A : memref<!tpu.dma_semaphore, #tpu.memory_space<semaphore_mem>>) src(%dma_wait3A_347 : memref<30x144xf32, #tpu.memory_space<vmem>>) dst(%dma_wait3A_344 : memref<30x144xf32, #tpu.memory_space<hbm>>)
      tpu.yield
    }) : () -> ()
    %add3A_322 = arith.constant 600 : i32
    %add3A_323 = arith.addi %mul3A_12, %add3A_322 : i32
    "tpu.region"() ({
      %run_scoped3A = tpu.sem_alloc : memref<!tpu.dma_semaphore, #tpu.memory_space<semaphore_mem>>
      %dma_start3A_324 = arith.constant 0 : i32
      %dma_start3A_325 = arith.constant 0 : i32
      %dma_start3A_326 = tpu.memref_slice %arg9[%dma_start3A_324, %dma_start3A_325] : memref<40x144xf32, #tpu.memory_space<vmem>> -> memref<30x144xf32, #tpu.memory_space<vmem>>
      %dma_start3A_327 = arith.constant 0 : i32
      %dma_start3A_328 = tpu.memref_slice %arg12[%add3A_323, %dma_start3A_327] : memref<10080x144xf32, #tpu.memory_space<vmem_shared>> -> memref<30x144xf32, #tpu.memory_space<vmem_shared>>
      %dma_start3A_329 = arith.constant 0 : i32
      %dma_start3A_330 = arith.constant 0 : i32
      %dma_start3A_331 = tpu.memref_slice %arg9[%dma_start3A_329, %dma_start3A_330] : memref<40x144xf32, #tpu.memory_space<vmem>> -> memref<30x144xf32, #tpu.memory_space<vmem>>
      %dma_start3A_332 = arith.constant 0 : i32
      %dma_start3A_333 = tpu.memref_slice %arg12[%add3A_323, %dma_start3A_332] : memref<10080x144xf32, #tpu.memory_space<vmem_shared>> -> memref<30x144xf32, #tpu.memory_space<vmem_shared>>
      tpu.enqueue_dma source(%dma_start3A_333 : memref<30x144xf32, #tpu.memory_space<vmem_shared>>) target(%dma_start3A_331 : memref<30x144xf32, #tpu.memory_space<vmem>>) target_semaphore(%run_scoped3A : memref<!tpu.dma_semaphore, #tpu.memory_space<semaphore_mem>>)
      %dma_wait3A_334 = arith.constant 0 : i32
      %dma_wait3A_335 = arith.constant 0 : i32
      %dma_wait3A_336 = tpu.memref_slice %arg9[%dma_wait3A_334, %dma_wait3A_335] : memref<40x144xf32, #tpu.memory_space<vmem>> -> memref<30x144xf32, #tpu.memory_space<vmem>>
      %dma_wait3A_337 = arith.constant 0 : i32
      %dma_wait3A_338 = tpu.memref_slice %arg12[%add3A_323, %dma_wait3A_337] : memref<10080x144xf32, #tpu.memory_space<vmem_shared>> -> memref<30x144xf32, #tpu.memory_space<vmem_shared>>
      %dma_wait3A_339 = arith.constant 0 : i32
      %dma_wait3A_340 = arith.constant 0 : i32
      %dma_wait3A_341 = tpu.memref_slice %arg9[%dma_wait3A_339, %dma_wait3A_340] : memref<40x144xf32, #tpu.memory_space<vmem>> -> memref<30x144xf32, #tpu.memory_space<vmem>>
      %dma_wait3A_342 = arith.constant 0 : i32
      %dma_wait3A_343 = tpu.memref_slice %arg12[%add3A_323, %dma_wait3A_342] : memref<10080x144xf32, #tpu.memory_space<vmem_shared>> -> memref<30x144xf32, #tpu.memory_space<vmem_shared>>
      tpu.wait_dma2 semaphore(%run_scoped3A : memref<!tpu.dma_semaphore, #tpu.memory_space<semaphore_mem>>) src(%dma_wait3A_343 : memref<30x144xf32, #tpu.memory_space<vmem_shared>>) dst(%dma_wait3A_341 : memref<30x144xf32, #tpu.memory_space<vmem>>)
      tpu.yield
    }) : () -> ()
    "tpu.region"() ({
      %run_scoped3A = tpu.sem_alloc : memref<!tpu.dma_semaphore, #tpu.memory_space<semaphore_mem>>
      %dma_start3A_324 = arith.constant 0 : i32
      %dma_start3A_325 = arith.constant 0 : i32
      %dma_start3A_326 = tpu.memref_slice %arg9[%dma_start3A_324, %dma_start3A_325] : memref<40x144xf32, #tpu.memory_space<vmem>> -> memref<30x144xf32, #tpu.memory_space<vmem>>
      %dma_start3A_327 = arith.constant 0 : i32
      %dma_start3A_328 = tpu.memref_slice %arg7[%arg0, %add3A_323, %dma_start3A_327] : memref<2x10080x144xf32, #tpu.memory_space<hbm>> -> memref<1x30x144xf32, #tpu.memory_space<hbm>>
      %dma_start3A_329 = tpu.memref_squeeze %dma_start3A_328 : memref<1x30x144xf32, #tpu.memory_space<hbm>> -> memref<30x144xf32, #tpu.memory_space<hbm>>
      %dma_start3A_330 = arith.constant 0 : i32
      %dma_start3A_331 = tpu.memref_slice %arg7[%arg0, %add3A_323, %dma_start3A_330] : memref<2x10080x144xf32, #tpu.memory_space<hbm>> -> memref<1x30x144xf32, #tpu.memory_space<hbm>>
      %dma_start3A_332 = tpu.memref_squeeze %dma_start3A_331 : memref<1x30x144xf32, #tpu.memory_space<hbm>> -> memref<30x144xf32, #tpu.memory_space<hbm>>
      %dma_start3A_333 = arith.constant 0 : i32
      %dma_start3A_334 = arith.constant 0 : i32
      %dma_start3A_335 = tpu.memref_slice %arg9[%dma_start3A_333, %dma_start3A_334] : memref<40x144xf32, #tpu.memory_space<vmem>> -> memref<30x144xf32, #tpu.memory_space<vmem>>
      tpu.enqueue_dma source(%dma_start3A_335 : memref<30x144xf32, #tpu.memory_space<vmem>>) target(%dma_start3A_332 : memref<30x144xf32, #tpu.memory_space<hbm>>) target_semaphore(%run_scoped3A : memref<!tpu.dma_semaphore, #tpu.memory_space<semaphore_mem>>)
      %dma_wait3A_336 = arith.constant 0 : i32
      %dma_wait3A_337 = arith.constant 0 : i32
      %dma_wait3A_338 = tpu.memref_slice %arg9[%dma_wait3A_336, %dma_wait3A_337] : memref<40x144xf32, #tpu.memory_space<vmem>> -> memref<30x144xf32, #tpu.memory_space<vmem>>
      %dma_wait3A_339 = arith.constant 0 : i32
      %dma_wait3A_340 = tpu.memref_slice %arg7[%arg0, %add3A_323, %dma_wait3A_339] : memref<2x10080x144xf32, #tpu.memory_space<hbm>> -> memref<1x30x144xf32, #tpu.memory_space<hbm>>
      %dma_wait3A_341 = tpu.memref_squeeze %dma_wait3A_340 : memref<1x30x144xf32, #tpu.memory_space<hbm>> -> memref<30x144xf32, #tpu.memory_space<hbm>>
      %dma_wait3A_342 = arith.constant 0 : i32
      %dma_wait3A_343 = tpu.memref_slice %arg7[%arg0, %add3A_323, %dma_wait3A_342] : memref<2x10080x144xf32, #tpu.memory_space<hbm>> -> memref<1x30x144xf32, #tpu.memory_space<hbm>>
      %dma_wait3A_344 = tpu.memref_squeeze %dma_wait3A_343 : memref<1x30x144xf32, #tpu.memory_space<hbm>> -> memref<30x144xf32, #tpu.memory_space<hbm>>
      %dma_wait3A_345 = arith.constant 0 : i32
      %dma_wait3A_346 = arith.constant 0 : i32
      %dma_wait3A_347 = tpu.memref_slice %arg9[%dma_wait3A_345, %dma_wait3A_346] : memref<40x144xf32, #tpu.memory_space<vmem>> -> memref<30x144xf32, #tpu.memory_space<vmem>>
      tpu.wait_dma2 semaphore(%run_scoped3A : memref<!tpu.dma_semaphore, #tpu.memory_space<semaphore_mem>>) src(%dma_wait3A_347 : memref<30x144xf32, #tpu.memory_space<vmem>>) dst(%dma_wait3A_344 : memref<30x144xf32, #tpu.memory_space<hbm>>)
      tpu.yield
    }) : () -> ()
    return
  }
}

module attributes {stable_mosaic.version = 14 : i64} {
  func.func @_proj_body(%arg0: i32, %arg1: memref<400x128xf32, #tpu.memory_space<vmem>>, %arg2: memref<128x128xf32, #tpu.memory_space<vmem>>, %arg3: memref<128x128xf32, #tpu.memory_space<vmem>>, %arg4: memref<128x128xf32, #tpu.memory_space<vmem>>, %arg5: memref<400x128xf32, #tpu.memory_space<vmem>>, %arg6: memref<400x256xf32, #tpu.memory_space<vmem>>) attributes {dimension_semantics = [#tpu.dimension_semantics<arbitrary>], iteration_bounds = array<i64: 25>, scalar_prefetch = 0 : i64, scratch_operands = 0 : i64, tpu.core_type = #tpu.core_type<tc>, window_params = [{transform_indices = @transform_0, window_bounds = array<i64: 400, 128>}, {pipeline_mode = #tpu.pipeline_mode<synchronous>, transform_indices = @transform_1, window_bounds = array<i64: 128, 128>}, {pipeline_mode = #tpu.pipeline_mode<synchronous>, transform_indices = @transform_2, window_bounds = array<i64: 128, 128>}, {pipeline_mode = #tpu.pipeline_mode<synchronous>, transform_indices = @transform_3, window_bounds = array<i64: 128, 128>}, {transform_indices = @transform_4, window_bounds = array<i64: 400, 128>}, {transform_indices = @transform_5, window_bounds = array<i64: 400, 256>}]} {
    %get3A = arith.constant 0 : index
    %get3A_0 = arith.constant 0 : index
    %get3A_1 = vector.load %arg1[%get3A, %get3A_0] : memref<400x128xf32, #tpu.memory_space<vmem>>, vector<400x128xf32>
    %get3A_2 = arith.constant 0 : index
    %get3A_3 = arith.constant 0 : index
    %get3A_4 = vector.load %arg2[%get3A_2, %get3A_3] : memref<128x128xf32, #tpu.memory_space<vmem>>, vector<128x128xf32>
    %dot_general3A = arith.constant dense<0.000000e+00> : vector<400x128xf32>
    %dot_general3A_5 = tpu.matmul %get3A_1, %get3A_4, %dot_general3A {dimension_numbers = #tpu.dot_dimension_numbers<[1], [0], [0], [1], [0, 0, 1, 1], [], []>, transpose_lhs_hint = false} : vector<400x128xf32>, vector<128x128xf32>, vector<400x128xf32> -> vector<400x128xf32>
    %mul3A = arith.constant 2.500000e-01 : f32
    %mul3A_6 = vector.broadcast %mul3A : f32 to vector<400x128xf32>
    %mul3A_7 = arith.mulf %dot_general3A_5, %mul3A_6 : vector<400x128xf32>
    %swap3A = arith.constant 0 : index
    %swap3A_8 = arith.constant 0 : index
    %swap3A_9 = vector.load %arg5[%swap3A, %swap3A_8] : memref<400x128xf32, #tpu.memory_space<vmem>>, vector<400x128xf32>
    tpu.vector_store %arg5[%swap3A, %swap3A_8], %mul3A_7 {strides = array<i32>} : memref<400x128xf32, #tpu.memory_space<vmem>>, vector<400x128xf32>,
    %get3A_10 = arith.constant 0 : index
    %get3A_11 = arith.constant 0 : index
    %get3A_12 = vector.load %arg3[%get3A_10, %get3A_11] : memref<128x128xf32, #tpu.memory_space<vmem>>, vector<128x128xf32>
    %dot_general3A_13 = arith.constant dense<0.000000e+00> : vector<400x128xf32>
    %dot_general3A_14 = tpu.matmul %get3A_1, %get3A_12, %dot_general3A_13 {dimension_numbers = #tpu.dot_dimension_numbers<[1], [0], [0], [1], [0, 0, 1, 1], [], []>, transpose_lhs_hint = false} : vector<400x128xf32>, vector<128x128xf32>, vector<400x128xf32> -> vector<400x128xf32>
    %swap3A_15 = arith.constant 0 : index
    %swap3A_16 = arith.constant 0 : index
    %swap3A_17 = vector.load %arg6[%swap3A_15, %swap3A_16] : memref<400x256xf32, #tpu.memory_space<vmem>>, vector<400x128xf32>
    tpu.vector_store %arg6[%swap3A_15, %swap3A_16], %dot_general3A_14 {strides = array<i32>} : memref<400x256xf32, #tpu.memory_space<vmem>>, vector<400x128xf32>,
    %get3A_18 = arith.constant 0 : index
    %get3A_19 = arith.constant 0 : index
    %get3A_20 = vector.load %arg4[%get3A_18, %get3A_19] : memref<128x128xf32, #tpu.memory_space<vmem>>, vector<128x128xf32>
    %dot_general3A_21 = arith.constant dense<0.000000e+00> : vector<400x128xf32>
    %dot_general3A_22 = tpu.matmul %get3A_1, %get3A_20, %dot_general3A_21 {dimension_numbers = #tpu.dot_dimension_numbers<[1], [0], [0], [1], [0, 0, 1, 1], [], []>, transpose_lhs_hint = false} : vector<400x128xf32>, vector<128x128xf32>, vector<400x128xf32> -> vector<400x128xf32>
    %swap3A_23 = arith.constant 0 : index
    %swap3A_24 = arith.constant 128 : index
    %swap3A_25 = vector.load %arg6[%swap3A_23, %swap3A_24] : memref<400x256xf32, #tpu.memory_space<vmem>>, vector<400x128xf32>
    tpu.vector_store %arg6[%swap3A_23, %swap3A_24], %dot_general3A_22 {strides = array<i32>} : memref<400x256xf32, #tpu.memory_space<vmem>>, vector<400x128xf32>,
    return
  }
  func.func @transform_0(%arg0: i32) -> (i32, i32) {
    %c0_i32 = arith.constant 0 : i32
    %c0_i32_0 = arith.constant 0 : i32
    return %arg0, %c0_i32 : i32, i32
  }
  func.func @transform_1(%arg0: i32) -> (i32, i32) {
    %c0_i32 = arith.constant 0 : i32
    %c0_i32_0 = arith.constant 0 : i32
    %c0_i32_1 = arith.constant 0 : i32
    return %c0_i32, %c0_i32_0 : i32, i32
  }
  func.func @transform_2(%arg0: i32) -> (i32, i32) {
    %c0_i32 = arith.constant 0 : i32
    %c0_i32_0 = arith.constant 0 : i32
    %c0_i32_1 = arith.constant 0 : i32
    return %c0_i32, %c0_i32_0 : i32, i32
  }
  func.func @transform_3(%arg0: i32) -> (i32, i32) {
    %c0_i32 = arith.constant 0 : i32
    %c0_i32_0 = arith.constant 0 : i32
    %c0_i32_1 = arith.constant 0 : i32
    return %c0_i32, %c0_i32_0 : i32, i32
  }
  func.func @transform_4(%arg0: i32) -> (i32, i32) {
    %c0_i32 = arith.constant 0 : i32
    %c0_i32_0 = arith.constant 0 : i32
    return %arg0, %c0_i32 : i32, i32
  }
  func.func @transform_5(%arg0: i32) -> (i32, i32) {
    %c0_i32 = arith.constant 0 : i32
    %c0_i32_0 = arith.constant 0 : i32
    return %arg0, %c0_i32 : i32, i32
  }
}

module attributes {stable_mosaic.version = 14 : i64} {
  func.func @_rel_body(%arg0: memref<200x128xf32, #tpu.memory_space<vmem>>, %arg1: memref<128x128xf32, #tpu.memory_space<vmem>>, %arg2: memref<128x128xf32, #tpu.memory_space<vmem>>, %arg3: memref<200x256xf32, #tpu.memory_space<vmem>>) attributes {dimension_semantics = [], scalar_prefetch = 0 : i64, scratch_operands = 0 : i64, tpu.core_type = #tpu.core_type<tc>} {
    %get3A = arith.constant 0 : index
    %get3A_0 = arith.constant 0 : index
    %get3A_1 = vector.load %arg0[%get3A, %get3A_0] : memref<200x128xf32, #tpu.memory_space<vmem>>, vector<200x128xf32>
    %get3A_2 = arith.constant 0 : index
    %get3A_3 = arith.constant 0 : index
    %get3A_4 = vector.load %arg1[%get3A_2, %get3A_3] : memref<128x128xf32, #tpu.memory_space<vmem>>, vector<128x128xf32>
    %dot_general3A = arith.constant dense<0.000000e+00> : vector<200x128xf32>
    %dot_general3A_5 = tpu.matmul %get3A_1, %get3A_4, %dot_general3A {dimension_numbers = #tpu.dot_dimension_numbers<[1], [0], [0], [1], [0, 0, 1, 1], [], []>, transpose_lhs_hint = false} : vector<200x128xf32>, vector<128x128xf32>, vector<200x128xf32> -> vector<200x128xf32>
    %swap3A = arith.constant 0 : index
    %swap3A_6 = arith.constant 0 : index
    %swap3A_7 = vector.load %arg3[%swap3A, %swap3A_6] : memref<200x256xf32, #tpu.memory_space<vmem>>, vector<200x128xf32>
    tpu.vector_store %arg3[%swap3A, %swap3A_6], %dot_general3A_5 {strides = array<i32>} : memref<200x256xf32, #tpu.memory_space<vmem>>, vector<200x128xf32>,
    %get3A_8 = arith.constant 0 : index
    %get3A_9 = arith.constant 0 : index
    %get3A_10 = vector.load %arg2[%get3A_8, %get3A_9] : memref<128x128xf32, #tpu.memory_space<vmem>>, vector<128x128xf32>
    %dot_general3A_11 = arith.constant dense<0.000000e+00> : vector<200x128xf32>
    %dot_general3A_12 = tpu.matmul %get3A_1, %get3A_10, %dot_general3A_11 {dimension_numbers = #tpu.dot_dimension_numbers<[1], [0], [0], [1], [0, 0, 1, 1], [], []>, transpose_lhs_hint = false} : vector<200x128xf32>, vector<128x128xf32>, vector<200x128xf32> -> vector<200x128xf32>
    %swap3A_13 = arith.constant 0 : index
    %swap3A_14 = arith.constant 128 : index
    %swap3A_15 = vector.load %arg3[%swap3A_13, %swap3A_14] : memref<200x256xf32, #tpu.memory_space<vmem>>, vector<200x128xf32>
    tpu.vector_store %arg3[%swap3A_13, %swap3A_14], %dot_general3A_12 {strides = array<i32>} : memref<200x256xf32, #tpu.memory_space<vmem>>, vector<200x128xf32>,
    return
  }
}

module attributes {stable_mosaic.version = 14 : i64} {
  func.func @_fin_body(%arg0: i32, %arg1: memref<2x400x144xf32, #tpu.memory_space<vmem>>, %arg2: memref<144x128xf32, #tpu.memory_space<vmem>>, %arg3: memref<128x128xf32, #tpu.memory_space<vmem>>, %arg4: memref<400x128xf32, #tpu.memory_space<vmem>>) attributes {dimension_semantics = [#tpu.dimension_semantics<arbitrary>], iteration_bounds = array<i64: 25>, scalar_prefetch = 0 : i64, scratch_operands = 0 : i64, tpu.core_type = #tpu.core_type<tc>, window_params = [{transform_indices = @transform_0, window_bounds = array<i64: 2, 400, 144>}, {pipeline_mode = #tpu.pipeline_mode<synchronous>, transform_indices = @transform_1, window_bounds = array<i64: 144, 128>}, {pipeline_mode = #tpu.pipeline_mode<synchronous>, transform_indices = @transform_2, window_bounds = array<i64: 128, 128>}, {transform_indices = @transform_3, window_bounds = array<i64: 400, 128>}]} {
    %get3A = arith.constant 0 : index
    %get3A_0 = arith.constant 0 : index
    %get3A_1 = arith.constant 0 : index
    %get3A_2 = vector.load %arg1[%get3A, %get3A_0, %get3A_1] : memref<2x400x144xf32, #tpu.memory_space<vmem>>, vector<1x400x144xf32>
    %get3A_3 = vector.shape_cast %get3A_2 : vector<1x400x144xf32> to vector<400x144xf32>
    %get3A_4 = arith.constant 1 : index
    %get3A_5 = arith.constant 0 : index
    %get3A_6 = arith.constant 0 : index
    %get3A_7 = vector.load %arg1[%get3A_4, %get3A_5, %get3A_6] : memref<2x400x144xf32, #tpu.memory_space<vmem>>, vector<1x400x144xf32>
    %get3A_8 = vector.shape_cast %get3A_7 : vector<1x400x144xf32> to vector<400x144xf32>
    %add3A = arith.addf %get3A_3, %get3A_8 : vector<400x144xf32>
    %get3A_9 = arith.constant 0 : index
    %get3A_10 = arith.constant 0 : index
    %get3A_11 = vector.load %arg2[%get3A_9, %get3A_10] : memref<144x128xf32, #tpu.memory_space<vmem>>, vector<144x128xf32>
    %dot_general3A = arith.constant dense<0.000000e+00> : vector<400x128xf32>
    %dot_general3A_12 = tpu.matmul %add3A, %get3A_11, %dot_general3A {dimension_numbers = #tpu.dot_dimension_numbers<[1], [0], [0], [1], [0, 0, 1, 1], [], []>, precision = #tpu.contract_precision<fp32>, transpose_lhs_hint = false} : vector<400x144xf32>, vector<144x128xf32>, vector<400x128xf32> -> vector<400x128xf32>
    %slice3A = vector.extract_strided_slice %add3A {offsets = [0, 0], sizes = [400, 128], strides = [1, 1]} : vector<400x144xf32> to vector<400x128xf32>
    %add3A_13 = arith.constant 1.000000e-16 : f32
    %add3A_14 = vector.broadcast %add3A_13 : f32 to vector<400x128xf32>
    %add3A_15 = arith.addf %dot_general3A_12, %add3A_14 : vector<400x128xf32>
    %div3A = arith.divf %slice3A, %add3A_15 : vector<400x128xf32>
    %get3A_16 = arith.constant 0 : index
    %get3A_17 = arith.constant 0 : index
    %get3A_18 = vector.load %arg3[%get3A_16, %get3A_17] : memref<128x128xf32, #tpu.memory_space<vmem>>, vector<128x128xf32>
    %dot_general3A_19 = arith.constant dense<0.000000e+00> : vector<400x128xf32>
    %dot_general3A_20 = tpu.matmul %div3A, %get3A_18, %dot_general3A_19 {dimension_numbers = #tpu.dot_dimension_numbers<[1], [0], [0], [1], [0, 0, 1, 1], [], []>, precision = #tpu.contract_precision<fp32>, transpose_lhs_hint = false} : vector<400x128xf32>, vector<128x128xf32>, vector<400x128xf32> -> vector<400x128xf32>
    %swap3A = arith.constant 0 : index
    %swap3A_21 = arith.constant 0 : index
    %swap3A_22 = vector.load %arg4[%swap3A, %swap3A_21] : memref<400x128xf32, #tpu.memory_space<vmem>>, vector<400x128xf32>
    tpu.vector_store %arg4[%swap3A, %swap3A_21], %dot_general3A_20 {strides = array<i32>} : memref<400x128xf32, #tpu.memory_space<vmem>>, vector<400x128xf32>,
    return
  }
  func.func @transform_0(%arg0: i32) -> (i32, i32, i32) {
    %c0_i32 = arith.constant 0 : i32
    %c0_i32_0 = arith.constant 0 : i32
    %c0_i32_1 = arith.constant 0 : i32
    return %c0_i32, %arg0, %c0_i32_0 : i32, i32, i32
  }
  func.func @transform_1(%arg0: i32) -> (i32, i32) {
    %c0_i32 = arith.constant 0 : i32
    %c0_i32_0 = arith.constant 0 : i32
    %c0_i32_1 = arith.constant 0 : i32
    return %c0_i32, %c0_i32_0 : i32, i32
  }
  func.func @transform_2(%arg0: i32) -> (i32, i32) {
    %c0_i32 = arith.constant 0 : i32
    %c0_i32_0 = arith.constant 0 : i32
    %c0_i32_1 = arith.constant 0 : i32
    return %c0_i32, %c0_i32_0 : i32, i32
  }
  func.func @transform_3(%arg0: i32) -> (i32, i32) {
    %c0_i32 = arith.constant 0 : i32
    %c0_i32_0 = arith.constant 0 : i32
    return %arg0, %c0_i32 : i32, i32
  }
}

</mosaic_0001>

<sc_bundles>
// kernel: kernel.6.cloned.1.call-start
scs
__scs_entry_jumppad:
0x0: {  	(pc) =	sbr.rel $0x88, $3  }
0x1: {  	(tag) =	ssettag $0x0;
	lr =	simm.s32 $0x1  }
0x2: {  	[smem:$0x3F99] =	sst lr;
	_ =	strace $0xD0000000  }
0x3: {  	_ = 	snop  }
0x4: {  	_ = 	snop  }
0x5: {  	_ = 	snop  }
0x6: {  	_ = 	snop  }
0x7: {  	_ = 	snop  }
__scs_overlays_trampoline_lowered:
0x8: {  	[smem:$0x3FA8] =	sst s0  }
0x9: {  	[smem:$0x3FA9] =	sst s1  }
0xa: {  	[smem:$0x3FAA] =	sst s2  }
0xb: {  	[smem:$0x3FAB] =	sst s3  }
0xc: {  	[smem:$0x3FAC] =	sst s4  }
0xd: {  	[smem:$0x3FAD] =	sst s5  }
0xe: {  	[smem:$0x3FAE] =	sst s6  }
0xf: {  	[smem:$0x3FAF] =	sst s7  }
0x10: {  	[smem:$0x3FB0] =	sst s8  }
0x11: {  	[smem:$0x3FB1] =	sst s9;
	s0 =	simm.s32 @!p0 $0x0  }
0x12: {  	s1 =	sld [smem:$0x3F97];
	s0 =	simm.s32 @p0 $0x1  }
0x13: {  	[smem:$0x3FB2] =	sst s0;
	s0 =	simm.s32 @!p1 $0x0  }
0x14: {  	s2 =	sld [smem:$0x3F96];
	s0 =	simm.s32 @p1 $0x1  }
0x15: {  	[smem:$0x3FB3] =	sst s0;
	s0 =	simm.s32 @!p2 $0x0  }
0x16: {  	s3 =	sld [smem:$0x3FDB];
	s0 =	simm.s32 @p2 $0x1  }
0x17: {  	s4 =	simm.s32 $0x1BF5;
	[smem:$0x3FB5] =	sst s0  }
0x18: {  	s0 =	sld [smem:$0x3F98];
	_ =	swait.ge [sflag:s4], $0x0  }
0x19: {  	s7 =	sld [smem:$0x3F99]  }
0x1a: {  	s8 =	sadd.s32 $0xFFFFE003, lr  }
0x1b: {  	s9 =	sadd.s32 $0xFFFFFEF7, lr;
	s5 =	simm.s32 $0xFFFFFFFF;
	p2 =	slt.u32 s8, $0xFFFFF086  }
0x1c: {  	p1 =	slt.u32 s9, $0xF7A;
	s5 =	simm.s32 @!p2 $0x0  }
0x1d: {  	s5 =	simm.s32 @p1 $0x1;
	p0 =	seq.s32 s7, s2  }
0x1e: {  	s7 =	smul.u32 @!p0 $0xF7A, s2;
	p2 =	seq.s32 @!p0 s5, $0x0  }
0x1f: {  	s9 =	smul.u32 $0xF7A, s1;
	s8 =	simm.s32 @!p0 $0x1BF5;
	p2 =	por !p2, p0  }
0x20: {  	[sflag:s8] =	ssyncset.s32 @!p0 $0xFFFFF086;
	s6 =	sadd.s32 @!p0 s3, s7;
	s7 =	simm.s32 @!p0 $0x108  }
0x21: {  	s3 =	sadd.s32 s3, s9;
	s6 =	sadd.s32 @!p0 $0x88, s6;
	s7 =	simm.s32 @p2 $0x1082  }
0x22: {  	[simem:s7], [sflag:s8] =	dma.local @!p0 [hbm:s6], $0xF7A  }
0x23: {  	s9 =	sor.u32 $0xD0000000, s2;
	s6 =	simm.s32 $0x108;
	_ =	swait.ge @!p0 [sflag:s8], $0x0  }
0x24: {  	s3 =	sadd.s32 $0x88, s3;
	s6 =	simm.s32 @!p1 $0x1082;
	[sflag:s4] =	ssyncset.s32 $0xFFFFF086  }
0x25: {  	[simem:s6], [sflag:s4] =	dma.local [hbm:s3], $0xF7A  }
0x26: {  	[smem:$0x3F99] =	sst s1;
	(tag) =	ssettag s2;
	_ =	strace s9  }
0x27: {  	s1 =	sld [smem:$0x3FA9]  }
0x28: {  	s2 =	sld [smem:$0x3FAA]  }
0x29: {  	s4 =	sld [smem:$0x3FAC]  }
0x2a: {  	p0 =	seq.s32 s5, $0x0;
	s5 =	sld [smem:$0x3FAD]  }
0x2b: {  	s6 =	sld [smem:$0x3FAE]  }
0x2c: {  	s7 =	sld [smem:$0x3FAF]  }
0x2d: {  	s3 =	simm.s32 $0x108;
	s8 =	sld [smem:$0x3FB0]  }
0x2e: {  	s3 =	simm.s32 @!p0 $0x1082;
	s9 =	sld [smem:$0x3FB1]  }
0x2f: {  	lr =	sadd.s32 s0, s3;
	s0 =	sld [smem:$0x3FA8]  }
0x30: {  	s3 =	sld [smem:$0x3FAB]  }
0x31: {  	[smem:$0x3FB4] =	sst s10  }
0x32: {  	s10 =	sld [smem:$0x3FB2];
	_ =	sdelay $0x3  }
0x33: {  	p0 =	seq.s32 s10, $0x1;
	s10 =	sld [smem:$0x3FB4];
	_ =	sdelay $0x3  }
0x34: {  	[smem:$0x3FB4] =	sst s10  }
0x35: {  	s10 =	sld [smem:$0x3FB3];
	_ =	sdelay $0x3  }
0x36: {  	p1 =	seq.s32 s10, $0x1;
	s10 =	sld [smem:$0x3FB4];
	_ =	sdelay $0x3  }
0x37: {  	[smem:$0x3FB4] =	sst s10  }
0x38: {  	s10 =	sld [smem:$0x3FB5]  }
0x39: {  	_ = 	snop;
	(pc) =	sbr.ind lr, $3  }
0x3a: {  	_ = 	snop  }
0x3b: {  	_ = 	snop  }
0x3c: {  	p2 =	seq.s32 s10, $0x1;
	s10 =	sld [smem:$0x3FB4]  }
0x3d: {  	_ =	shalt  }
0x3e: {  	_ =	shalt  }
0x3f: {  	_ =	shalt  }
0x40: {  	_ =	shalt  }
0x41: {  	_ =	shalt  }
0x42: {  	_ =	shalt  }
0x43: {  	_ =	shalt  }
0x44: {  	_ =	shalt  }
0x45: {  	_ =	shalt  }
0x46: {  	_ =	shalt  }
0x47: {  	_ =	shalt  }
0x48: {  	_ =	shalt  }
0x49: {  	_ =	shalt  }
0x4a: {  	_ =	shalt  }
0x4b: {  	_ =	shalt  }
0x4c: {  	_ =	shalt  }
0x4d: {  	_ =	shalt  }
0x4e: {  	_ =	shalt  }
0x4f: {  	_ =	shalt  }
0x50: {  	_ =	shalt  }
0x51: {  	_ =	shalt  }
0x52: {  	_ =	shalt  }
0x53: {  	_ =	shalt  }
0x54: {  	_ =	shalt  }
0x55: {  	_ =	shalt  }
0x56: {  	_ =	shalt  }
0x57: {  	_ =	shalt  }
0x58: {  	_ =	shalt  }
0x59: {  	_ =	shalt  }
0x5a: {  	_ =	shalt  }
0x5b: {  	_ =	shalt  }
0x5c: {  	_ =	shalt  }
0x5d: {  	_ =	shalt  }
0x5e: {  	_ =	shalt  }
0x5f: {  	_ =	shalt  }
0x60: {  	_ =	shalt  }
0x61: {  	_ =	shalt  }
0x62: {  	_ =	shalt  }
0x63: {  	_ =	shalt  }
0x64: {  	_ =	shalt  }
0x65: {  	_ =	shalt  }
0x66: {  	_ =	shalt  }
0x67: {  	_ =	shalt  }
0x68: {  	_ =	shalt  }
0x69: {  	_ =	shalt  }
0x6a: {  	_ =	shalt  }
0x6b: {  	_ =	shalt  }
0x6c: {  	_ =	shalt  }
0x6d: {  	_ =	shalt  }
0x6e: {  	_ =	shalt  }
0x6f: {  	_ =	shalt  }
0x70: {  	_ =	shalt  }
0x71: {  	_ =	shalt  }
0x72: {  	_ =	shalt  }
0x73: {  	_ =	shalt  }
0x74: {  	_ =	shalt  }
0x75: {  	_ =	shalt  }
0x76: {  	_ =	shalt  }
0x77: {  	_ =	shalt  }
0x78: {  	_ =	shalt  }
0x79: {  	_ =	shalt  }
0x7a: {  	_ =	shalt  }
0x7b: {  	_ =	shalt  }
0x7c: {  	_ =	shalt  }
0x7d: {  	_ =	shalt  }
0x7e: {  	_ =	shalt  }
0x7f: {  	_ =	shalt  }
0x80: {  	_ =	shalt  }
0x81: {  	_ =	shalt  }
0x82: {  	_ =	shalt  }
0x83: {  	_ =	shalt  }
0x84: {  	_ =	shalt  }
0x85: {  	_ =	shalt  }
0x86: {  	_ =	shalt  }
0x87: {  	_ =	shalt  }
.Lfunc_end0:
.L_simem_size_0:
called_computation_lowered:
.L_overlay_start_0:
0x88: {  	s2 =	sld [smem:$0x3FD9]  }
0x89: {  	s3 =	sld [smem:$0x3FFE];
	_ =	sdelay $0x1  }
0x8a: {  	s1 =	srdreg.scid  }
0x8b: {  	s0 =	sand.u32 $0x1, s1  }
0x8c: {  	s17 =	sshll.u32 s0, $0xA;
	s2 =	sadd.s32 s3, s2  }
0x8d: {  	s2 =	sadd.s32 s2, s17  }
0x8e: {  	[smem:$0x3FC0] =	sst s2  }
0x8f: {  	_ = 	snop  }
0x90: {  	s2 =	sld [smem:$0x3FC7]  }
0x91: {  	s18 =	sld [smem:$0x3FD0];
	(tm) =	ssettm $0x1  }
0x92: {  	s4 =	sld [smem:$0x3FFB];
	_ =	sdelay $0x3  }
0x93: {  	_ =	strace s4  }
0x94: {  	s4 =	sld [smem:$0x3FFC];
	_ =	sdelay $0x3  }
0x95: {  	_ =	strace s4  }
0x96: {  	s4 =	sld [smem:$0x3FFD];
	_ =	sdelay $0x3  }
0x97: {  	_ =	strace s4  }
0x98: {  	_ =	strace $0x8FFFFFFF  }
0x99: {  	s19 =	sld [smem:$0x3FDB];
	_ =	sdelay $0x1  }
0x9a: {  	s5 =	simm.s32 $_scs_section_size  }
0x9b: {  	s6 =	simm.s32 $_size__tile_overlayer_lowered;
	s7 =	simm.s32 $_tile_overlayer_lowered  }
0x9c: {  	s22 =	simm.s32 $0x1BFF;
	s21 =	sshll.u32 s7, $0x1;
	s4 =	sadd.s32 s5, s19  }
0x9d: {  	s8 =	simm.s32 $0x0;
	s20 =	sshll.u32 s6, $0x1;
	s6 =	sadd.s32 s21, s4  }
0x9e: {  	[timem:s8], [sflag:s22] =	dma.local [hbm:s6], s20  }
0x9f: {  	_ =	swait.ge [sflag:s22], s20  }
0xa0: {  	s5 =	ssub.s32 $0x0, s20;
	[sflag:s22] =	ssyncset.done $0x0  }
0xa1: {  	[sflag:s22] =	ssyncadd.s32 s5;
	_ =	sdelay $0x1  }
0xa2: {  	s23 =	simm.s32 $0x1B8B  }
0xa3: {  	_ =	swait.ge [sflag:s23], $0x1  }
0xa4: {  	[sflag:s23] =	ssyncset.done $0x0  }
0xa5: {  	s25 =	simm.s32 $0x1B8E;
	s24 =	sld [smem:$0x3FFE];
	[sflag:s23] =	ssyncadd.s32 $0xFFFFFFFF  }
0xa6: {  	s26 =	simm.s32 $execute0_lowered;
	[smem:$0x3FD2] =	sst s25  }
0xa7: {  	s6 =	sshll.u32 s26, $0x1;
	_ =	strace $0x80000046;
	[dreg:$0x1] =	wrdreg $0xFFFFFFFF  }
0xa8: {  	s28 =	simm.s32 $_size_execute0_lowered;
	s4 =	sadd.s32 s4, s6;
	[dreg:$0x0] =	wrdreg $0x0  }
0xa9: {  	s6 =	sshll.u32 s28, $0x1;
	[dreg:$0x2] =	wrdreg s4  }
0xaa: {  	[dreg:$0x3] =	wrdreg s6  }
0xab: {  	[dreg:$0x4] =	wrdreg $0xC0  }
0xac: {  	_ =	task [dreg:s8], $0x5FFFF  }
0xad: {  	[dreg:$0x1] =	wrdreg $0xFFFFFFFF  }
0xae: {  	[dreg:$0x0] =	wrdreg $0x60  }
0xaf: {  	[dreg:$0x2] =	wrdreg s18  }
0xb0: {  	[dreg:$0x3] =	wrdreg s24  }
0xb1: {  	[dreg:$0x4] =	wrdreg s2  }
0xb2: {  	[dreg:$0x5] =	wrdreg $0x1F1D00  }
0xb3: {  	[dreg:$0x6] =	wrdreg $0x8F700  }
0xb4: {  	[dreg:$0x7] =	wrdreg $0x9  }
0xb5: {  	_ =	task.clear_ibuf [dreg:s8], $0x8FFFF;
	_ =	strace $0x90000046  }
0xb6: {  	s29 =	simm.s32 $0x9;
	_ =	strace $0x80000048  }
0xb7: {  	_ =	swait.ge [sflag:s29], $0x1  }
0xb8: {  	[sflag:s29] =	ssyncadd.s32 $0xFFFFFFFF  }
0xb9: {  	_ =	strace $0x90000048  }
0xba: {  	_ =	sfence  }
0xbb: {  	s30 =	sld [smem:$0x0];
	_ =	sdelay $0x2  }
0xbc: {  	s31 =	sshll.u32 s1, $0xD;
	s1 =	sshrl.u32 s1, $0x2  }
0xbd: {  	s3 =	sand.u32 $0x4000, s31;
	s1 =	sadd.s32 s1, s30  }
0xbe: {  	s0 =	sor.u32 s3, s0;
	s1 =	sshll.u32 s1, $0x11  }
0xbf: {  	s0 =	sor.u32 s1, s0  }
0xc0: {  	s0 =	sadd.s32 $0x8F2B, s0  }
0xc1: {  	[sflag:s0] =	ssyncadd.remote.s32 $0x1  }
0xc2: {  	_ =	sfence.sel $0xFFFF  }
0xc3: {  	[dreg:$0x0] =	wrdreg $0xFFFFFFFF;
	(pc) =	sbr.abs _section_cstart, $3  }
0xc4: {  	[dreg:$0x1] =	wrdreg $0xFFFFFFFF  }
0xc5: {  	_ =	task.clear_ibuf [dreg:s8], $0x2FFFF;
	_ =	strace $0x9FFFFFFF  }
0xc6: {  	(tm) =	ssettm $0x7FFFFFFF  }
0xc7: {  	_ =	shalt  }
tec
execute0_lowered:
.L_overlay_start_1:
0x0: {  	(tag) =	ssettag $0x1  }
0x1: {  	s0 =	srdreg.scid  }
0x2: {  	s4 =	rddreg [dreg:$0x1];
	s13 =	stileid.u32  }
0x3: {  	s14 =	sand.u32 $0x1, s0;
	s0 =	simm.s32 $0x0;
	s5 =	smul.u32 $0x16260, s13  }
0x4: {  	s15 =	sadd.s32 $0x65000, s4;
	s1 =	ssub.s32 $0x2, s14;
	[smem:$0x7FF] =	sst s0  }
0x5: {  	s22 =	smul.u32 $0x162600, s14;
	s2 =	sshrl.u32 s1, $0x1;
	s10 =	sadd.s32 $0x10E0, s5  }
0x6: {  	s9 =	sadd.s32 $0x21C0, s5;
	s11 =	sadd.s32 $0x32A0, s5;
	s12 =	sadd.s32 $0x4380, s5  }
0x7: {  	s6 =	sadd.s32 $0x5460, s5;
	s7 =	sadd.s32 $0x6540, s5;
	s8 =	sadd.s32 $0x7620, s5  }
0x8: {  	s3 =	sadd.s32 $0x97E0, s5;
	s29 =	sadd.s32 $0x10E00, s5;
	s31 =	sadd.s32 $0x140A0, s5  }
0x9: {  	s1 =	ssub.s32 s1, s2;
	s19 =	sadd.s32 s5, s22;
	s2 =	sadd.s32 $0x8700, s5  }
0xa: {  	s20 =	sadd.s32 s22, s10;
	s16 =	sadd.s32 s22, s9;
	s17 =	sadd.s32 s22, s11  }
0xb: {  	s24 =	sadd.s32 s22, s12;
	s25 =	sadd.s32 s22, s6;
	s26 =	sadd.s32 s22, s7  }
0xc: {  	[smem:$0x7F5] =	sst s1;
	s1 =	sshrl.u32 s19, $0x3;
	s16 =	sshrl.u32 s16, $0x3  }
0xd: {  	s23 =	sshrl.u32 s17, $0x3;
	s18 =	sshrl.u32 s26, $0x3;
	s19 =	sadd.s32 s22, s8  }
0xe: {  	s17 =	sadd.s32 $0xCA80, s5;
	s1 =	sadd.s32 s15, s1;
	s21 =	sadd.s32 s15, s16  }
0xf: {  	s16 =	sshrl.u32 s25, $0x3;
	[dreg:$0x6] =	wrdreg s1;
	s1 =	sshrl.u32 s20, $0x3  }
0x10: {  	[dreg:$0x8] =	wrdreg s21;
	s16 =	sadd.s32 s15, s16;
	s20 =	sadd.s32 s22, s2  }
0x11: {  	s21 =	sadd.s32 s22, s3;
	s1 =	sadd.s32 s15, s1;
	[dreg:$0xb] =	wrdreg s16  }
0x12: {  	s16 =	sshrl.u32 s20, $0x3;
	[dreg:$0x7] =	wrdreg s1;
	s1 =	sadd.s32 s15, s23  }
0x13: {  	s20 =	sadd.s32 s22, s17;
	s23 =	sadd.s32 s15, s16;
	[dreg:$0x9] =	wrdreg s1  }
0x14: {  	s16 =	sadd.s32 $0xB9A0, s5;
	s1 =	sshrl.u32 s24, $0x3;
	[dreg:$0xe] =	wrdreg s23  }
0x15: {  	s24 =	sshrl.u32 s21, $0x3;
	s23 =	sadd.s32 $0xDB60, s5;
	s1 =	sadd.s32 s15, s1  }
0x16: {  	s21 =	sadd.s32 $0xFD20, s5;
	[dreg:$0xa] =	wrdreg s1;
	s1 =	sadd.s32 s15, s18  }
0x17: {  	s18 =	sadd.s32 $0xA8C0, s5;
	[dreg:$0xc] =	wrdreg s1;
	s1 =	sshrl.u32 s19, $0x3  }
0x18: {  	s25 =	sadd.s32 s22, s18;
	s19 =	sadd.s32 s22, s16;
	s1 =	sadd.s32 s15, s1  }
0x19: {  	s19 =	sshrl.u32 s19, $0x3;
	[dreg:$0xd] =	wrdreg s1;
	s1 =	sadd.s32 s15, s24  }
0x1a: {  	s26 =	sadd.s32 s15, s19;
	[dreg:$0xf] =	wrdreg s1;
	s1 =	sshrl.u32 s25, $0x3  }
0x1b: {  	s19 =	sshrl.u32 s20, $0x3;
	s20 =	sadd.s32 s22, s23;
	s1 =	sadd.s32 s15, s1  }
0x1c: {  	[dreg:$0x10] =	wrdreg s1;
	s1 =	sadd.s32 s15, s19;
	s19 =	sadd.s32 $0xEC40, s5  }
0x1d: {  	[dreg:$0x12] =	wrdreg s1;
	s24 =	sadd.s32 s22, s19;
	s1 =	sshrl.u32 s20, $0x3  }
0x1e: {  	[dreg:$0x11] =	wrdreg s26;
	s20 =	sshrl.u32 s24, $0x3;
	s1 =	sadd.s32 s15, s1  }
0x1f: {  	s24 =	sadd.s32 s22, s21;
	[dreg:$0x13] =	wrdreg s1;
	s25 =	sadd.s32 s15, s20  }
0x20: {  	s26 =	sshrl.u32 s24, $0x3;
	s24 =	sadd.s32 $0x11EE0, s5;
	s20 =	sadd.s32 s22, s29  }
0x21: {  	[dreg:$0x14] =	wrdreg s25;
	s1 =	sadd.s32 s15, s26;
	s26 =	sadd.s32 $0x12FC0, s5  }
0x22: {  	s25 =	sadd.s32 s22, s24;
	[dreg:$0x15] =	wrdreg s1;
	s1 =	sshrl.u32 s20, $0x3  }
0x23: {  	s20 =	sshrl.u32 s25, $0x3;
	s25 =	sadd.s32 s22, s26;
	s1 =	sadd.s32 s15, s1  }
0x24: {  	s20 =	sadd.s32 s15, s20;
	s25 =	sshrl.u32 s25, $0x3;
	[dreg:$0x16] =	wrdreg s1  }
0x25: {  	[dreg:$0x17] =	wrdreg s20;
	s1 =	sadd.s32 s15, s25;
	s20 =	sadd.s32 s22, s31  }
0x26: {  	[dreg:$0x18] =	wrdreg s1;
	s1 =	sadd.s32 $0x15180, s5;
	s25 =	sshrl.u32 s20, $0x3  }
0x27: {  	s28 =	sadd.s32 s22, s1;
	s22 =	rddreg [dreg:$0x3];
	s25 =	sadd.s32 s15, s25  }
0x28: {  	[dreg:$0x19] =	wrdreg s25;
	s28 =	sshrl.u32 s28, $0x3  }
0x29: {  	s25 =	rddreg [dreg:$0x4];
	s15 =	sadd.s32 s15, s28  }
0x2a: {  	s20 =	sadd.s32 $0x1A00, s4;
	[dreg:$0x1a] =	wrdreg s15  }
0x2b: {  	s9 =	sadd.s32 s9, s25;
	_ =	strace $0x80000047;
	[dreg:$0x1b] =	wrdreg s20  }
0x2c: {  	s15 =	sadd.s32 s10, s25;
	s10 =	sadd.s32 s11, s25;
	[dreg:$0x1e] =	wrdreg s9  }
0x2d: {  	p0 =	sne.s32 s13, $0x0;
	s11 =	sadd.s32 s12, s25;
	[dreg:$0x1f] =	wrdreg s10  }
0x2e: {  	s14 =	sshll.u32 s14, $0x4;
	s12 =	sadd.s32 s6, s25;
	[smem:$0x7E8] =	sst s11  }
0x2f: {  	s14 =	sor.u32 s13, s14;
	s13 =	sadd.s32 s7, s25;
	[smem:$0x7E9] =	sst s12  }
0x30: {  	s2 =	sadd.s32 s2, s25;
	[smem:$0x7EA] =	sst s13  }
0x31: {  	s6 =	sadd.s32 s3, s25;
	[smem:$0x7EC] =	sst s2  }
0x32: {  	s30 =	sadd.s32 $0x3400, s4;
	s7 =	sadd.s32 s23, s25;
	[smem:$0x7ED] =	sst s6  }
0x33: {  	s28 =	sadd.s32 $0x16E00, s4;
	s1 =	sadd.s32 s1, s25;
	[smem:$0x7EE] =	sst s7  }
0x34: {  	s4 =	smul.u32 $0x2710, s14;
	s14 =	sadd.s32 s5, s25;
	[smem:$0x7F3] =	sst s1  }
0x35: {  	[dreg:$0x1c] =	wrdreg s14  }
0x36: {  	v0 =	vimm.s32 $0xFEDCBA98;
	v1 =	vimm.s32 $0x76543210;
	s18 =	sadd.s32 s18, s25;
	[dreg:$0x1d] =	wrdreg s15  }
0x37: {  	v2 =	vimm.s32 $0xBA98FEDC;
	v3 =	vimm.s32 $0x32107654;
	s16 =	sadd.s32 s16, s25;
	[smem:$0x7F9] =	sst s18  }
0x38: {  	vm0 =	vmmov $0xff;
	vm1 =	vcmask $0x2F20;
	v5 =	vimm.s32 $0xEFCDAB89;
	s17 =	sadd.s32 s17, s25;
	[smem:$0x7FA] =	sst s16  }
0x39: {  	vm2 =	vcmask $0xF00;
	v6 =	vimm.s32 $0x67452301;
	vm3 =	vcmask $0x700;
	s19 =	sadd.s32 s19, s25;
	[smem:$0x7FB] =	sst s17  }
0x3a: {  	v7 =	vimm.s32 $0x4;
	v8 =	vimm.s32 $0xC;
	v9 =	vimm.s32 $0x2;
	s21 =	sadd.s32 s21, s25;
	[smem:$0x7FC] =	sst s19  }
0x3b: {  	v0 =	vunpack.c.l.s4.s8 v0;
	v2 =	vunpack.c.l.s4.s8 v2;
	v3 =	vunpack.c.l.s4.s8 v3;
	s5 =	simm.s32 $0x1;
	s20 =	sadd.s32 s8, s25;
	[smem:$0x7FD] =	sst s21  }
0x3c: {  	v10 =	vimm.s32 $0xA;
	v11 =	vimm.s32 $0x6;
	v1 =	vunpack.c.l.s4.s8 v1;
	s8 =	sadd.s32 s29, s25;
	s9 =	sadd.s32 s24, s25;
	[smem:$0x7EB] =	sst s20  }
0x3d: {  	v0 =	vunpack.c.0.s8.s32 v0;
	v2 =	vunpack.c.0.s8.s32 v2;
	v3 =	vunpack.c.0.s8.s32 v3;
	s10 =	sadd.s32 s26, s25;
	s11 =	sshrl.u32 s4, $0x3;
	[smem:$0x7EF] =	sst s8  }
0x3e: {  	vm1 =	vmor vm2, vm1;
	v5 =	vunpack.c.l.s4.s8 v5;
	v1 =	vunpack.c.0.s8.s32 v1;
	s12 =	sadd.s32 s31, s25;
	s29 =	sadd.s32 $0x28, s4;
	[smem:$0x7F0] =	sst s9  }
0x3f: {  	v6 =	vunpack.c.l.s4.s8 v6;
	v4 =	vand.u32 $0xF, v0;
	v2 =	vcombine.low v3, v2;
	s26 =	sadd.s32 $0x50, s4;
	s31 =	simm.s32 $0x5;
	[smem:$0x7F1] =	sst s10  }
0x40: {  	v3 =	vimm.s32 $0xDCFE98BA;
	v1 =	vcombine.low v4, v1;
	v4 =	vimm.s32 $0x54761032;
	s4 =	simm.s32 $0x3F70;
	s6 =	simm.s32 $0x4;
	[smem:$0x7F2] =	sst s12  }
0x41: {  	vm2 =	vcmask $0x1710;
	v3 =	vunpack.c.l.s4.s8 v3;
	v4 =	vunpack.c.l.s4.s8 v4;
	s7 =	simm.s32 $0x78;
	s13 =	sadd.s32 s30, s11;
	s23 =	rddreg [dreg:$0x2]  }
0x42: {  	vm2 =	vmor vm3, vm2;
	vm3 =	vcmask $0x2720;
	v5 =	vunpack.c.0.s8.s32 v5;
	s24 =	sld [smem:$0x7F5];
	s8 =	simm.s32 $0xA0;
	s9 =	simm.s32 $0xC8  }
0x43: {  	v6 =	vunpack.c.0.s8.s32 v6;
	v3 =	vunpack.c.0.s8.s32 v3;
	v4 =	vunpack.c.0.s8.s32 v4;
	s12 =	simm.s32 $0x2;
	s10 =	simm.s32 $0x0;
	s20 =	smov.u32 s23  }
0x44: {  	v12 =	vimm.s32 $0xE;
	vm2 =	vmor vm2, vm3;
	vm3 =	vcmask $0x3730;
	s2 =	sadd.s32 s23, s11;
	[smem:$0x7F7] =	sst s13;
	s1 =	sadd.s32 $0x9C40, s13  }
0x45: {  	vm2 =	vmor vm2, vm3;
	v3 =	vcombine.low v4, v3;
	v4 =	vcombine.low v6, v5;
	s23 =	simm.s32 $0xF0;
	s11 =	simm.s32 $0x6770;
	[smem:$0x7F4] =	sst s2  }
0x46: {  	v0 =	vimm.f32 $0.0e+00;
	v2 =	vand.u32 $0xF, v2;
	v5 =	vimm.s32 $0x0;
	[smem:$0x7F8] =	sst s1;
	s1 =	simm.s32 $0x50;
	s2 =	smax.u32 s24, $0x1  }
0x47: {  	v6 =	vimm.s32 $0x8;
	v3 =	vand.u32 $0xF, v3;
	v4 =	vand.u32 $0xF, v4;
	s24 =	simm.s32 $0x28;
	[smem:$0x7F6] =	sst s2;
	s2 =	simm.s32 $0x3  }
.LBB2_1:
0x48: {  	[smem:$0x7E7] =	sst s10  }
0x49: {  	s3 =	sshrl.u32 @!p0 s22, $0x3;
	s10 =	simm.s32 @!p0 $0x1C05;
	s13 =	rddreg [dreg:$0x1b]  }
0x4a: {  	[spmem:s3], [sflag:s10] =	dma.local @!p0 [hbm:s13], $0x1900  }
0x4b: {  	s3 =	simm.s32 @!p0 $0x5  }
0x4c: {  	_ =	swait.ge @!p0 [sflag:s3], $0x1900  }
0x4d: {  	[sflag:s3] =	ssyncset.done @!p0 $0x0  }
0x4e: {  	s10 =	simm.s32 $0x240;
	[sflag:s3] =	ssyncadd.s32 @!p0 $0xFFFFE700;
	s3 =	simm.s32 $0x0  }
.LBB2_2:
0x4f: {  	p1 =	sne.s32 s10, $0x57C0;
	[tilespmem:s3+$0x170] =	vst v0  }
0x50: {  	[tilespmem:s3+$0xF0] =	vst v0  }
0x51: {  	[tilespmem:s3+$0x100] =	vst v0  }
0x52: {  	[tilespmem:s3+$0x110] =	vst v0  }
.Ltmp0:
0x53: {  	[tilespmem:s3+$0x120] =	vst v0;
	(pc) =	sbr.rel @p1 .LBB2_2-.Ltmp0, $4  }
0x54: {  	[tilespmem:s3+$0x130] =	vst v0  }
0x55: {  	[tilespmem:s3+$0x140] =	vst v0  }
0x56: {  	[tilespmem:s3+$0x150] =	vst v0  }
0x57: {  	[tilespmem:s3+$0x160] =	vst v0;
	s3 =	sshra.s32 s10, $0x2;
	s10 =	sadd.s32 $0x240, s10  }
0x58: {  	[tilespmem:s3+$0x170] =	vst v0  }
0x59: {  	[tilespmem:s3+$0xF0] =	vst v0  }
0x5a: {  	[tilespmem:s3+$0x100] =	vst v0  }
0x5b: {  	[tilespmem:s3+$0x110] =	vst v0  }
0x5c: {  	[tilespmem:s3+$0x120] =	vst v0  }
0x5d: {  	[tilespmem:s3+$0x130] =	vst v0  }
0x5e: {  	[tilespmem:s3+$0x140] =	vst v0  }
0x5f: {  	[tilespmem:s3+$0x150] =	vst v0  }
0x60: {  	[tilespmem:s3+$0x160] =	vst v0  }
0x61: {  	[spmem:s14] =	stream.linear.scatter [tilespmem:s23], [sflag:$0x5], $0x10E0, $0x38;
	[tilespmem:$0x1FE50] =	vst v63  }
0x62: {  	_ =	swait.ge [sflag:s31], $0x10E0  }
0x63: {  	[sflag:s31] =	ssyncset.done $0x0  }
0x64: {  	[sflag:s31] =	ssyncadd.s32 $0xFFFFEF20  }
0x65: {  	[spmem:s15] =	stream.linear.scatter [tilespmem:s23], [sflag:$0x5], $0x10E0, $0x38;
	[tilespmem:$0x1FE50] =	vst v63  }
0x66: {  	_ =	swait.ge [sflag:s31], $0x10E0  }
0x67: {  	[sflag:s31] =	ssyncset.done $0x0  }
0x68: {  	s10 =	rddreg [dreg:$0x1e];
	[sflag:s31] =	ssyncadd.s32 $0xFFFFEF20  }
0x69: {  	[spmem:s10] =	stream.linear.scatter [tilespmem:s23], [sflag:$0x5], $0x10E0, $0x38;
	[tilespmem:$0x1FE50] =	vst v63  }
0x6a: {  	_ =	swait.ge [sflag:s31], $0x10E0  }
0x6b: {  	[sflag:s31] =	ssyncset.done $0x0  }
0x6c: {  	s13 =	rddreg [dreg:$0x1f];
	[sflag:s31] =	ssyncadd.s32 $0xFFFFEF20  }
0x6d: {  	[spmem:s13] =	stream.linear.scatter [tilespmem:s23], [sflag:$0x5], $0x10E0, $0x38;
	[tilespmem:$0x1FE50] =	vst v63  }
0x6e: {  	_ =	swait.ge [sflag:s31], $0x10E0  }
0x6f: {  	s14 =	sld [smem:$0x7E8]  }
0x70: {  	[sflag:s31] =	ssyncset.done $0x0  }
0x71: {  	[sflag:s31] =	ssyncadd.s32 $0xFFFFEF20  }
0x72: {  	[spmem:s14] =	stream.linear.scatter [tilespmem:s23], [sflag:$0x5], $0x10E0, $0x38;
	[tilespmem:$0x1FE50] =	vst v63  }
0x73: {  	_ =	swait.ge [sflag:s31], $0x10E0  }
0x74: {  	s15 =	sld [smem:$0x7E9]  }
0x75: {  	[sflag:s31] =	ssyncset.done $0x0  }
0x76: {  	[sflag:s31] =	ssyncadd.s32 $0xFFFFEF20  }
0x77: {  	[spmem:s15] =	stream.linear.scatter [tilespmem:s23], [sflag:$0x5], $0x10E0, $0x38;
	[tilespmem:$0x1FE50] =	vst v63  }
0x78: {  	_ =	swait.ge [sflag:s31], $0x10E0  }
0x79: {  	s10 =	sld [smem:$0x7EA]  }
0x7a: {  	[sflag:s31] =	ssyncset.done $0x0  }
0x7b: {  	[sflag:s31] =	ssyncadd.s32 $0xFFFFEF20  }
0x7c: {  	[spmem:s10] =	stream.linear.scatter [tilespmem:s23], [sflag:$0x5], $0x10E0, $0x38;
	[tilespmem:$0x1FE50] =	vst v63  }
0x7d: {  	_ =	swait.ge [sflag:s31], $0x10E0  }
0x7e: {  	s13 =	sld [smem:$0x7EB]  }
0x7f: {  	[sflag:s31] =	ssyncset.done $0x0  }
0x80: {  	[sflag:s31] =	ssyncadd.s32 $0xFFFFEF20  }
0x81: {  	[spmem:s13] =	stream.linear.scatter [tilespmem:s23], [sflag:$0x5], $0x10E0, $0x38;
	[tilespmem:$0x1FE50] =	vst v63  }
0x82: {  	_ =	swait.ge [sflag:s31], $0x10E0  }
0x83: {  	s14 =	sld [smem:$0x7EC]  }
0x84: {  	[sflag:s31] =	ssyncset.done $0x0  }
0x85: {  	[sflag:s31] =	ssyncadd.s32 $0xFFFFEF20  }
0x86: {  	[spmem:s14] =	stream.linear.scatter [tilespmem:s23], [sflag:$0x5], $0x10E0, $0x38;
	[tilespmem:$0x1FE50] =	vst v63  }
0x87: {  	_ =	swait.ge [sflag:s31], $0x10E0  }
0x88: {  	s15 =	sld [smem:$0x7ED]  }
0x89: {  	[sflag:s31] =	ssyncset.done $0x0  }
0x8a: {  	[sflag:s31] =	ssyncadd.s32 $0xFFFFEF20  }
0x8b: {  	[spmem:s15] =	stream.linear.scatter [tilespmem:s23], [sflag:$0x5], $0x10E0, $0x38;
	[tilespmem:$0x1FE50] =	vst v63  }
0x8c: {  	_ =	swait.ge [sflag:s31], $0x10E0  }
0x8d: {  	[sflag:s31] =	ssyncset.done $0x0  }
0x8e: {  	[sflag:s31] =	ssyncadd.s32 $0xFFFFEF20  }
0x8f: {  	[spmem:s18] =	stream.linear.scatter [tilespmem:s23], [sflag:$0x5], $0x10E0, $0x38;
	[tilespmem:$0x1FE50] =	vst v63  }
0x90: {  	_ =	swait.ge [sflag:s31], $0x10E0  }
0x91: {  	[sflag:s31] =	ssyncset.done $0x0  }
0x92: {  	[sflag:s31] =	ssyncadd.s32 $0xFFFFEF20  }
0x93: {  	[spmem:s16] =	stream.linear.scatter [tilespmem:s23], [sflag:$0x5], $0x10E0, $0x38;
	[tilespmem:$0x1FE50] =	vst v63  }
0x94: {  	_ =	swait.ge [sflag:s31], $0x10E0  }
0x95: {  	[sflag:s31] =	ssyncset.done $0x0  }
0x96: {  	[sflag:s31] =	ssyncadd.s32 $0xFFFFEF20  }
0x97: {  	[spmem:s17] =	stream.linear.scatter [tilespmem:s23], [sflag:$0x5], $0x10E0, $0x38;
	[tilespmem:$0x1FE50] =	vst v63  }
0x98: {  	_ =	swait.ge [sflag:s31], $0x10E0  }
0x99: {  	s18 =	sld [smem:$0x7EE]  }
0x9a: {  	[sflag:s31] =	ssyncset.done $0x0  }
0x9b: {  	[sflag:s31] =	ssyncadd.s32 $0xFFFFEF20  }
0x9c: {  	[spmem:s18] =	stream.linear.scatter [tilespmem:s23], [sflag:$0x5], $0x10E0, $0x38;
	[tilespmem:$0x1FE50] =	vst v63  }
0x9d: {  	_ =	swait.ge [sflag:s31], $0x10E0  }
0x9e: {  	[sflag:s31] =	ssyncset.done $0x0  }
0x9f: {  	[sflag:s31] =	ssyncadd.s32 $0xFFFFEF20  }
0xa0: {  	[spmem:s19] =	stream.linear.scatter [tilespmem:s23], [sflag:$0x5], $0x10E0, $0x38;
	[tilespmem:$0x1FE50] =	vst v63  }
0xa1: {  	_ =	swait.ge [sflag:s31], $0x10E0  }
0xa2: {  	[sflag:s31] =	ssyncset.done $0x0  }
0xa3: {  	[sflag:s31] =	ssyncadd.s32 $0xFFFFEF20  }
0xa4: {  	[spmem:s21] =	stream.linear.scatter [tilespmem:s23], [sflag:$0x5], $0x10E0, $0x38;
	[tilespmem:$0x1FE50] =	vst v63  }
0xa5: {  	_ =	swait.ge [sflag:s31], $0x10E0  }
0xa6: {  	s10 =	sld [smem:$0x7EF]  }
0xa7: {  	[sflag:s31] =	ssyncset.done $0x0  }
0xa8: {  	[sflag:s31] =	ssyncadd.s32 $0xFFFFEF20  }
0xa9: {  	[spmem:s10] =	stream.linear.scatter [tilespmem:s23], [sflag:$0x5], $0x10E0, $0x38;
	[tilespmem:$0x1FE50] =	vst v63  }
0xaa: {  	_ =	swait.ge [sflag:s31], $0x10E0  }
0xab: {  	s13 =	sld [smem:$0x7F0]  }
0xac: {  	[sflag:s31] =	ssyncset.done $0x0  }
0xad: {  	[sflag:s31] =	ssyncadd.s32 $0xFFFFEF20  }
0xae: {  	[spmem:s13] =	stream.linear.scatter [tilespmem:s23], [sflag:$0x5], $0x10E0, $0x38;
	[tilespmem:$0x1FE50] =	vst v63  }
0xaf: {  	_ =	swait.ge [sflag:s31], $0x10E0  }
0xb0: {  	s14 =	sld [smem:$0x7F1]  }
0xb1: {  	[sflag:s31] =	ssyncset.done $0x0  }
0xb2: {  	[sflag:s31] =	ssyncadd.s32 $0xFFFFEF20  }
0xb3: {  	[spmem:s14] =	stream.linear.scatter [tilespmem:s23], [sflag:$0x5], $0x10E0, $0x38;
	[tilespmem:$0x1FE50] =	vst v63  }
0xb4: {  	_ =	swait.ge [sflag:s31], $0x10E0  }
0xb5: {  	s15 =	sld [smem:$0x7F2]  }
0xb6: {  	[sflag:s31] =	ssyncset.done $0x0  }
0xb7: {  	[sflag:s31] =	ssyncadd.s32 $0xFFFFEF20  }
0xb8: {  	[spmem:s15] =	stream.linear.scatter [tilespmem:s23], [sflag:$0x5], $0x10E0, $0x38;
	[tilespmem:$0x1FE50] =	vst v63  }
0xb9: {  	_ =	swait.ge [sflag:s31], $0x10E0  }
0xba: {  	s16 =	sld [smem:$0x7F3]  }
0xbb: {  	[sflag:s31] =	ssyncset.done $0x0  }
0xbc: {  	[sflag:s31] =	ssyncadd.s32 $0xFFFFEF20  }
0xbd: {  	[spmem:s16] =	stream.linear.scatter [tilespmem:s23], [sflag:$0x5], $0x10E0, $0x38;
	[tilespmem:$0x1FE50] =	vst v63  }
0xbe: {  	_ =	swait.ge [sflag:s31], $0x10E0  }
0xbf: {  	[sflag:s31] =	ssyncset.done $0x0  }
0xc0: {  	[sflag:s31] =	ssyncadd.s32 $0xFFFFEF20  }
0xc1: {  	[bflag:$0x0] =	sbarrier.arrive $0xFFFF  }
0xc2: {  	s17 =	sld [smem:$0x7F7];
	_ =	sdelay $0x1  }
0xc3: {  	s14 =	simm.s32 $0x0;
	s18 =	sld [smem:$0x7F8]  }
0xc4: {  	[tilespmem:s14], [sflag:$0x3] =	stream.linear.gather [hbm4b:s17+s14], $0x28, $0x38;
	[tilespmem:$0x1FE50] =	vst v63  }
0xc5: {  	s19 =	sld [smem:$0x7F4]  }
0xc6: {  	[tilespmem:s24], [sflag:$0x3] =	stream.linear.gather [hbm4b:s18+s14], $0x28, $0x38;
	[tilespmem:$0x1FE50] =	vst v63  }
0xc7: {  	_ = 	snop  }
0xc8: {  	[tilespmem:s1], [sflag:$0x3] =	stream.linear.gather [hbm4b:s19+s14], $0x28, $0x38;
	[tilespmem:$0x1FE50] =	vst v63  }
0xc9: {  	_ =	swait.ge [sflag:s2], $0x28  }
0xca: {  	[sflag:s2] =	ssyncset.done $0x0  }
0xcb: {  	[sflag:s2] =	ssyncadd.s32 $0xFFFFFFD8  }
0xcc: {  	_ =	swait.ge [sflag:s2], $0x28  }
0xcd: {  	[sflag:s2] =	ssyncset.done $0x0  }
0xce: {  	[sflag:s2] =	ssyncadd.s32 $0xFFFFFFD8  }
0xcf: {  	_ =	swait.ge [sflag:s2], $0x28  }
0xd0: {  	[sflag:s2] =	ssyncset.done $0x0  }
0xd1: {  	[sflag:s2] =	ssyncadd.s32 $0xFFFFFFD8  }
0xd2: {  	s10 =	simm.s32 $0x1770;
	s21 =	rddreg [dreg:$0x0]  }
0xd3: {  	[tilespmem:s10], [sflag:$0x1] =	stream.indirect.gather [hbm4b:s21+s24], $0x80, s24, s24, $0xb8;
	[tilespmem:$0x1FE50] =	vst v63  }
0xd4: {  	_ = 	snop  }
0xd5: {  	[tilespmem:s4], [sflag:$0x1] =	stream.indirect.gather [hbm4b:s28+s24], $0x100, s14, s24, $0xb8;
	[tilespmem:$0x1FE50] =	vst v63  }
0xd6: {  	_ = 	snop  }
0xd7: {  	[spmem:s25] =	stream.indirect.scatter.add.f32 [tilespmem:s23], [sflag:$0x4], $0x90, s24, s24, $0xb8;
	[tilespmem:$0x1FE50] =	vst v63  }
.LBB2_4:
0xd8: {  	_ =	swait.ge [sflag:s5], $0x1400  }
0xd9: {  	[sflag:s5] =	ssyncset.done $0x0  }
0xda: {  	[sflag:s5] =	ssyncadd.s32 $0xFFFFEC00  }
0xdb: {  	_ =	swait.ge [sflag:s5], $0x2800  }
0xdc: {  	[sflag:s5] =	ssyncset.done $0x0  }
0xdd: {  	s3 =	smul.u32 $0x50, s14;
	[sflag:s5] =	ssyncadd.s32 $0xFFFFD800  }
0xde: {  	[tilespmem:s4], [sflag:$0x1] =	stream.indirect.gather.add.f32 [spmem:s22], $0x100, s1, s24, $0xb8;
	[tilespmem:$0x1FE50] =	vst v63  }
0xdf: {  	s3 =	sadd.s32 s3, s29;
	_ =	swait.ge [sflag:s6], $0x1680  }
0xe0: {  	s3 =	sshrl.u32 s3, $0x3;
	[sflag:s6] =	ssyncset.done $0x0  }
0xe1: {  	s10 =	sadd.s32 s30, s3;
	[sflag:s6] =	ssyncadd.s32 $0xFFFFE980  }
0xe2: {  	[tilespmem:s7], [sflag:$0x3] =	stream.linear.gather [hbm4b:s10+s0], $0x28, $0x38;
	[tilespmem:$0x1FE50] =	vst v63  }
0xe3: {  	s10 =	sadd.s32 $0x9C40, s10  }
0xe4: {  	[tilespmem:s8], [sflag:$0x3] =	stream.linear.gather [hbm4b:s10+s0], $0x28, $0x38;
	[tilespmem:$0x1FE50] =	vst v63  }
0xe5: {  	s3 =	sadd.s32 s20, s3  }
0xe6: {  	[tilespmem:s9], [sflag:$0x3] =	stream.linear.gather [hbm4b:s3+s0], $0x28, $0x38;
	[tilespmem:$0x1FE50] =	vst v63  }
0xe7: {  	_ =	swait.ge [sflag:s2], $0x28  }
0xe8: {  	[sflag:s2] =	ssyncset.done $0x0  }
0xe9: {  	[sflag:s2] =	ssyncadd.s32 $0xFFFFFFD8  }
0xea: {  	_ =	swait.ge [sflag:s2], $0x28  }
0xeb: {  	[sflag:s2] =	ssyncset.done $0x0  }
0xec: {  	[sflag:s2] =	ssyncadd.s32 $0xFFFFFFD8  }
0xed: {  	_ =	swait.ge [sflag:s2], $0x28  }
0xee: {  	[sflag:s2] =	ssyncset.done $0x0  }
0xef: {  	[sflag:s2] =	ssyncadd.s32 $0xFFFFFFD8  }
0xf0: {  	s18 =	simm.s32 $0x2B70;
	s17 =	rddreg [dreg:$0x0]  }
0xf1: {  	[tilespmem:s18], [sflag:$0x2] =	stream.indirect.gather [hbm4b:s17+s24], $0x80, s8, s24, $0xb8;
	[tilespmem:$0x1FE50] =	vst v63  }
0xf2: {  	_ = 	snop  }
0xf3: {  	[tilespmem:s11], [sflag:$0x2] =	stream.indirect.gather [hbm4b:s28+s24], $0x100, s7, s24, $0xb8;
	[tilespmem:$0x1FE50] =	vst v63  }
0xf4: {  	_ =	swait.ge [sflag:s5], $0x2800  }
0xf5: {  	[sflag:s5] =	ssyncset.done $0x0  }
0xf6: {  	s15 =	simm.s32 $0x4070;
	[sflag:s5] =	ssyncadd.s32 $0xFFFFD800  }
0xf7: {  	v13 =	vld [tilespmem:s15+$0xFFFFFF10]  }
0xf8: {  	s19 =	simm.s32 $0x17F0;
	v14 =	vld [tilespmem:s15+$0xFFFFFF20]  }
0xf9: {  	v15 =	vld [tilespmem:s19+$0xFFFFFF90]  }
0xfa: {  	v17 =	vld [tilespmem:s15+$0x0]  }
0xfb: {  	v18 =	vld [tilespmem:s15+$0xFFFFFF00]  }
0xfc: {  	v19 =	vld [tilespmem:s19+$0xFFFFFF80]  }
0xfd: {  	v20 =	vld [tilespmem:s19+$0xFFFFFFE0]  }
0xfe: {  	v21 =	vld [tilespmem:s19+$0xFFFFFFA0]  }
0xff: {  	v22 =	vld [tilespmem:s15+$0xFFFFFF40]  }
0x100: {  	v23 =	vld [tilespmem:s19+$0xFFFFFFC0]  }
0x101: {  	v24 =	vld [tilespmem:s15+$0xFFFFFF60]  }
0x102: {  	v25 =	vld [tilespmem:s15+$0xFFFFFF50]  }
0x103: {  	v26 =	vld [tilespmem:s19+$0xFFFFFFD0]  }
0x104: {  	v27 =	vld [tilespmem:s19+$0x0]  }
0x105: {  	v28 =	vld [tilespmem:s19+$0x10]  }
0x106: {  	v29 =	vld [tilespmem:s15+$0x10];
	_ =	sdelay $0x1  }
0x107: {  	v32 =	vld [tilespmem:s19+$0x60];
	v13 =	vmul.f32 v13, v15;
	v18 =	vmul.f32 v18, v19  }
0x108: {  	v56 =	vld [tilespmem:s15+$0xFFFFFF70];
	v14 =	vmul.f32 v14, v21;
	v20 =	vmul.f32 v24, v20  }
0x109: {  	v15 =	vld [tilespmem:s15+$0x20];
	v22 =	vmul.f32 v22, v23;
	v23 =	vmul.f32 v25, v26  }
0x10a: {  	v19 =	vld [tilespmem:s19+$0x20];
	v17 =	vmul.f32 v17, v27;
	v28 =	vmul.f32 v29, v28  }
0x10b: {  	v21 =	vld [tilespmem:s15+$0x60];
	v30 =	vperm.xlane v13, v1;
	v31 =	vperm.xlane v18, v1  }
0x10c: {  	v24 =	vld [tilespmem:s15+$0x50];
	v26 =	vperm.xlane v20, v1;
	v27 =	vperm.xlane v23, v1  }
0x10d: {  	v29 =	vld [tilespmem:s19+$0x70];
	v13 =	vadd.f32 v30, v13;
	v30 =	vperm.xlane v14, v1;
	v18 =	vadd.f32 v31, v18  }
0x10e: {  	v31 =	vld [tilespmem:s19+$0x50];
	v20 =	vadd.f32 v26, v20;
	v26 =	vperm.xlane v22, v1;
	v23 =	vadd.f32 v27, v23  }
0x10f: {  	v13 =	vperm.xlane v13, v1;
	v14 =	vadd.f32 v30, v14;
	v30 =	vld [tilespmem:s15+$0x70]  }
0x110: {  	v25 =	vld [tilespmem:s15+$0x30];
	v22 =	vadd.f32 v26, v22;
	v23 =	vperm.xlane v23, v1  }
0x111: {  	v15 =	vmul.f32 v15, v19;
	v19 =	vld [tilespmem:s19+$0x30];
	v13 =	vsel vm0, v18, v13;
	v18 =	vperm.xlane v28, v1  }
0x112: {  	v33 =	vperm.xlane v17, v1;
	v27 =	vld [tilespmem:s19+$0xFFFFFFB0];
	v21 =	vmul.f32 v21, v32;
	v22 =	vsel vm0, v22, v23  }
0x113: {  	v26 =	vld [tilespmem:s15+$0xFFFFFF30];
	v55 =	vperm.xlane v13, v2;
	v23 =	vmul.f32 v24, v31;
	v18 =	vadd.f32 v18, v28  }
0x114: {  	v24 =	vld [tilespmem:s19+$0xFFFFFFF0];
	v31 =	vperm.xlane v15, v1;
	v29 =	vmul.f32 v30, v29  }
0x115: {  	v16 =	vld [tilespmem:s19+$0x40];
	v17 =	vadd.f32 v33, v17;
	v28 =	vperm.xlane v21, v1;
	v18 =	vperm.xlane v18, v1  }
0x116: {  	v19 =	vmul.f32 v25, v19;
	v30 =	vld [tilespmem:s15+$0x40];
	v13 =	vadd.f32 v55, v13;
	v25 =	vperm.xlane v29, v1  }
0x117: {  	v21 =	vadd.f32 v28, v21;
	v28 =	vperm.xlane v23, v1;
	v17 =	vsel vm0, v17, v18  }
0x118: {  	v18 =	vmul.f32 v26, v27;
	v26 =	vperm.xlane v19, v1;
	v25 =	vadd.f32 v25, v29  }
0x119: {  	s16 =	simm.s32 $0x4270;
	v15 =	vadd.f32 v31, v15;
	v24 =	vmul.f32 v56, v24;
	v27 =	vperm.xlane v17, v2  }
0x11a: {  	v59 =	vld [tilespmem:s16+$0x0];
	v23 =	vadd.f32 v28, v23;
	v57 =	vperm.xlane v18, v1;
	v25 =	vperm.xlane v25, v1  }
0x11b: {  	v34 =	vld [tilespmem:s16+$0xFFFFFF00];
	v16 =	vmul.f32 v30, v16;
	v19 =	vadd.f32 v26, v19;
	v26 =	vperm.xlane v22, v2  }
0x11c: {  	s21 =	simm.s32 $0x18F0;
	v60 =	vld [tilespmem:s16+$0x40];
	v18 =	vadd.f32 v57, v18;
	v21 =	vsel vm0, v21, v25;
	v25 =	vperm.xlane v24, v1  }
0x11d: {  	v28 =	vld [tilespmem:s21+$0xFFFFFF90];
	v23 =	vperm.xlane v23, v1;
	v17 =	vadd.f32 v27, v17;
	v58 =	vperm.xlane v16, v1  }
0x11e: {  	v27 =	vperm.xlane v21, v2;
	v18 =	vperm.xlane v18, v1;
	v24 =	vadd.f32 v25, v24;
	v25 =	vld [tilespmem:s21+$0xFFFFFF80]  }
0x11f: {  	v29 =	vld [tilespmem:s16+$0xFFFFFF10];
	v19 =	vperm.xlane v19, v1;
	v22 =	vadd.f32 v26, v22;
	v16 =	vadd.f32 v58, v16  }
0x120: {  	v61 =	vld [tilespmem:s21+$0xFFFFFFC0];
	v21 =	vadd.f32 v27, v21;
	v14 =	vsel vm0, v14, v18;
	v18 =	vperm.xlane v24, v1  }
0x121: {  	v31 =	vld [tilespmem:s16+$0xFFFFFF20];
	v15 =	vsel vm0, v15, v19;
	v16 =	vsel vm0, v16, v23;
	v23 =	vperm.xlane v14, v2  }
0x122: {  	v24 =	vld [tilespmem:s21+$0xFFFFFFA0];
	v19 =	vperm.xlane v21, v2;
	v21 =	vperm.xlane v16, v2;
	v18 =	vsel vm0, v20, v18  }
0x123: {  	v27 =	vld [tilespmem:s21+$0xFFFFFFE0];
	v14 =	vadd.f32 v23, v14;
	v20 =	vperm.xlane v15, v2;
	v25 =	vmul.f32 v34, v25  }
0x124: {  	v28 =	vmul.f32 v29, v28;
	v23 =	vld [tilespmem:s16+$0xFFFFFF40];
	v26 =	vperm.xlane v18, v2;
	v16 =	vadd.f32 v21, v16  }
0x125: {  	v21 =	vld [tilespmem:s16+$0xFFFFFF60];
	v14 =	vperm.xlane v14, v2;
	v15 =	vadd.f32 v20, v15;
	v20 =	vperm.xlane v25, v1  }
0x126: {  	v35 =	vld [tilespmem:s21+$0x10];
	v18 =	vadd.f32 v26, v18;
	v16 =	vsel vm1, v16, v19;
	v19 =	vperm.xlane v28, v1  }
0x127: {  	v29 =	vld [tilespmem:s21+$0xFFFFFFD0];
	v24 =	vmul.f32 v31, v24;
	v13 =	vsel vm1, v13, v14;
	v14 =	vperm.xlane v15, v2  }
0x128: {  	v26 =	vld [tilespmem:s16+$0xFFFFFF50];
	v15 =	vperm.xlane v18, v2;
	v19 =	vadd.f32 v19, v28;
	v28 =	vperm.xlane v13, v3  }
0x129: {  	v62 =	vld [tilespmem:s16+$0x10];
	v31 =	vperm.xlane v24, v1;
	v20 =	vadd.f32 v20, v25;
	v25 =	vperm.xlane v16, v3  }
0x12a: {  	v18 =	vld [tilespmem:s21+$0x0];
	v23 =	vmul.f32 v23, v61;
	v21 =	vmul.f32 v21, v27;
	v14 =	vsel vm1, v17, v14  }
0x12b: {  	v39 =	vld [tilespmem:s21+$0x50];
	v15 =	vsel vm1, v22, v15;
	v13 =	vadd.f32 v28, v13;
	v28 =	vperm.xlane v14, v3  }
0x12c: {  	v17 =	vld [tilespmem:s21+$0x20];
	v16 =	vadd.f32 v25, v16;
	v19 =	vperm.xlane v19, v1;
	v27 =	vperm.xlane v15, v3  }
0x12d: {  	v22 =	vld [tilespmem:s16+$0x20];
	v24 =	vadd.f32 v31, v24;
	v25 =	vperm.xlane v21, v1;
	v26 =	vmul.f32 v26, v29  }
0x12e: {  	v31 =	vld [tilespmem:s16+$0x60];
	v14 =	vadd.f32 v28, v14;
	v16 =	vperm.xlane v16, v3;
	v15 =	vadd.f32 v27, v15  }
0x12f: {  	v27 =	vld [tilespmem:s21+$0x60];
	v18 =	vmul.f32 v59, v18;
	v21 =	vadd.f32 v25, v21;
	v25 =	vperm.xlane v23, v1  }
0x130: {  	v40 =	vld [tilespmem:s21+$0x70];
	v29 =	vperm.xlane v26, v1;
	v14 =	vsel vm2, v14, v16;
	v16 =	vmul.f32 v62, v35  }
0x131: {  	v28 =	vld [tilespmem:s16+$0x50];
	v19 =	vsel vm0, v20, v19;
	v36 =	vperm.xlane v18, v1;
	v15 =	vperm.xlane v15, v3  }
0x132: {  	v20 =	vperm.xlane v14, v4;
	v17 =	vmul.f32 v22, v17;
	v22 =	vld [tilespmem:s16+$0x70];
	v26 =	vadd.f32 v29, v26  }
0x133: {  	v63 =	vld [tilespmem:s16+$0x30];
	v23 =	vadd.f32 v25, v23;
	v29 =	vperm.xlane v16, v1;
	v13 =	vsel vm2, v13, v15  }
0x134: {  	v41 =	vld [tilespmem:s16+$0xFFFFFF30];
	v15 =	vperm.xlane v26, v1;
	v14 =	vadd.f32 v20, v14;
	v25 =	vmul.f32 v31, v27  }
0x135: {  	v30 =	vld [tilespmem:s21+$0x40];
	v20 =	vperm.xlane v19, v2;
	v16 =	vadd.f32 v29, v16;
	v42 =	vperm.xlane v13, v4  }
0x136: {  	v27 =	vld [tilespmem:s21+$0x30];
	v15 =	vsel vm0, v23, v15;
	v23 =	vmul.f32 v28, v39;
	v29 =	vperm.xlane v25, v1  }
0x137: {  	v18 =	vadd.f32 v36, v18;
	v31 =	vld [tilespmem:s21+$0xFFFFFFB0];
	v16 =	vperm.xlane v16, v1;
	v22 =	vmul.f32 v22, v40  }
0x138: {  	v26 =	vld [tilespmem:s16+$0xFFFFFF70];
	v28 =	vperm.xlane v17, v1;
	v14 =	vmul.f32 $1.442695020e+00, v14;
	v13 =	vadd.f32 v42, v13  }
0x139: {  	v25 =	vadd.f32 v29, v25;
	v29 =	vld [tilespmem:s21+$0xFFFFFFF0];
	v16 =	vsel vm0, v18, v16;
	v18 =	vperm.xlane v22, v1  }
0x13a: {  	v19 =	vadd.f32 v20, v19;
	v20 =	vperm.xlane v23, v1;
	(erf) = vpow2.f32 v14  }
0x13b: {  	v13 =	vmul.f32 $1.442695020e+00, v13;
	v27 =	vmul.f32 v63, v27;
	v18 =	vadd.f32 v18, v22  }
0x13c: {  	v43 =	vperm.xlane v16, v2;
	v22 =	vmul.f32 v41, v31  }
0x13d: {  	v17 =	vadd.f32 v28, v17;
	v28 =	vperm.xlane v27, v1;
	v18 =	vperm.xlane v18, v1  }
0x13e: {  	s13 =	simm.s32 $0x4470;
	v20 =	vadd.f32 v20, v23;
	v26 =	vmul.f32 v26, v29;
	v29 =	vmul.f32 v60, v30  }
0x13f: {  	v44 =	vld [tilespmem:s13+$0xFFFFFF20];
	(erf) = vpow2.f32 v13;
	v16 =	vadd.f32 v43, v16;
	v23 =	vperm.xlane v22, v1  }
0x140: {  	s10 =	simm.s32 $0x19F0;
	v27 =	vadd.f32 v28, v27;
	v30 =	vld [tilespmem:s13+$0xFFFFFF10];
	v18 =	vsel vm0, v25, v18;
	v28 =	vperm.xlane v29, v1  }
0x141: {  	v22 =	vadd.f32 v23, v22;
	v25 =	vld [tilespmem:s10+$0xFFFFFF90];
	v23 =	vperm.xlane v26, v1;
	v31 =	vperm.xlane v18, v2  }
0x142: {  	v20 =	vperm.xlane v20, v1;
	v27 =	vperm.xlane v27, v1;
	v28 =	vadd.f32 v28, v29;
	v29 =	vld [tilespmem:s13+$0xFFFFFF00]  }
0x143: {  	v22 =	vperm.xlane v22, v1;
	v13 =	vpop (erf);
	v23 =	vadd.f32 v23, v26;
	v18 =	vadd.f32 v31, v18;
	v31 =	vld [tilespmem:s10+$0xFFFFFF80]  }
0x144: {  	v45 =	vld [tilespmem:s13+$0x0];
	v26 =	vperm.xlane v15, v2;
	v17 =	vsel vm0, v17, v27;
	v48 =	vperm.xlane v13, v5  }
0x145: {  	v47 =	vld [tilespmem:s13+$0x20];
	v22 =	vsel vm0, v24, v22;
	v20 =	vsel vm0, v28, v20;
	v23 =	vperm.xlane v23, v1  }
0x146: {  	v24 =	vld [tilespmem:s10+$0xFFFFFFE0];
	v27 =	vperm.xlane v22, v2;
	v25 =	vmul.f32 v30, v25;
	v14 =	vadd.f32 v26, v15  }
0x147: {  	v30 =	vld [tilespmem:s10+$0xFFFFFFA0];
	v28 =	vperm.xlane v20, v2;
	v21 =	vsel vm0, v21, v23;
	v23 =	vperm.xlane v17, v2  }
0x148: {  	v22 =	vadd.f32 v27, v22;
	v27 =	vld [tilespmem:s13+$0xFFFFFF40];
	v15 =	vmul.f32 v29, v31;
	v26 =	vperm.xlane v21, v2  }
0x149: {  	v18 =	vperm.xlane v18, v2;
	v29 =	vld [tilespmem:s10+$0xFFFFFFC0];
	v20 =	vadd.f32 v28, v20;
	v17 =	vadd.f32 v23, v17  }
0x14a: {  	v28 =	vld [tilespmem:s15+$0x80];
	v22 =	vperm.xlane v22, v2;
	v31 =	vperm.xlane v15, v1;
	v21 =	vadd.f32 v26, v21  }
0x14b: {  	v23 =	vld [tilespmem:s13+$0xFFFFFF60];
	v26 =	vperm.xlane v25, v1;
	v18 =	vsel vm1, v20, v18;
	v17 =	vperm.xlane v17, v2  }
0x14c: {  	v52 =	vld [tilespmem:s13+$0x30];
	v19 =	vsel vm1, v19, v22;
	v22 =	vmul.f32 v44, v30;
	v46 =	vperm.xlane v18, v3  }
0x14d: {  	v56 =	vld [tilespmem:s10+$0x30];
	v21 =	vperm.xlane v21, v2;
	v30 =	vperm.xlane v19, v3;
	v25 =	vadd.f32 v26, v25  }
0x14e: {  	v20 =	vld [tilespmem:s13+$0xFFFFFF50];
	v15 =	vadd.f32 v31, v15;
	v32 =	vperm.xlane v22, v1;
	v27 =	vmul.f32 v27, v29  }
0x14f: {  	v26 =	vld [tilespmem:s10+$0xFFFFFFD0];
	v18 =	vadd.f32 v46, v18;
	v17 =	vsel vm1, v16, v17;
	v28 =	vmul.f32 v28, v48  }
0x150: {  	v29 =	vld [tilespmem:s10+$0x0];
	v23 =	vmul.f32 v23, v24;
	v14 =	vsel vm1, v14, v21;
	v25 =	vperm.xlane v25, v1  }
0x151: {  	v31 =	vld [tilespmem:s13+$0x10];
	v19 =	vadd.f32 v30, v19;
	v24 =	vperm.xlane v14, v3;
	v49 =	vperm.xlane v18, v3  }
0x152: {  	v21 =	vld [tilespmem:s10+$0x10];
	v16 =	vadd.f32 v32, v22;
	v18 =	vperm.xlane v13, v7;
	v50 =	vperm.xlane v27, v1  }
0x153: {  	v22 =	vld [tilespmem:s10+$0x20];
	v32 =	vmul.f32 v52, v56;
	v30 =	vperm.xlane v23, v1;
	v15 =	vsel vm0, v15, v25  }
0x154: {  	v51 =	vld [tilespmem:s10+$0x60];
	v20 =	vmul.f32 v20, v26;
	v26 =	vperm.xlane v17, v3;
	v14 =	vadd.f32 v24, v14  }
0x155: {  	v37 =	vld [tilespmem:s15+$0xFFFFFF80];
	v38 =	vperm.xlane v15, v2;
	v24 =	vmul.f32 v45, v29  }
0x156: {  	s17 =	simm.s32 $0x180;
	v29 =	vld [tilespmem:s13+$0x60];
	v26 =	vadd.f32 v26, v17;
	v17 =	vadd.f32 v30, v23;
	v23 =	vperm.xlane v20, v1  }
0x157: {  	v53 =	vld [tilespmem:s10+$0x50];
	[tilespmem:s17+$0x0] =	vst v28;
	v27 =	vadd.f32 v50, v27;
	v21 =	vmul.f32 v31, v21;
	v30 =	vperm.xlane v24, v1  }
0x158: {  	v55 =	vld [tilespmem:s15+$0x90];
	v22 =	vmul.f32 v47, v22;
	v20 =	vadd.f32 v23, v20;
	v23 =	vperm.xlane v14, v3;
	v14 =	vpop (erf)  }
0x159: {  	v31 =	vld [tilespmem:s13+$0x50];
	v26 =	vsel vm2, v26, v49;
	v54 =	vperm.xlane v21, v1;
	v28 =	vperm.xlane v14, v5  }
0x15a: {  	v34 =	vld [tilespmem:s10+$0xFFFFFFF0];
	v25 =	vperm.xlane v26, v4;
	v24 =	vadd.f32 v30, v24;
	v63 =	vperm.xlane v14, v6  }
0x15b: {  	v39 =	vld [tilespmem:s13+$0x70];
	v29 =	vmul.f32 v29, v51;
	v23 =	vsel vm2, v19, v23;
	v37 =	vmul.f32 v37, v28  }
0x15c: {  	v30 =	vperm.xlane v20, v1;
	v19 =	vld [tilespmem:s10+$0x40];
	v26 =	vadd.f32 v25, v26;
	v25 =	vperm.xlane v13, v6  }
0x15d: {  	v21 =	vadd.f32 v54, v21;
	v20 =	vld [tilespmem:s13+$0x40];
	v60 =	vperm.xlane v23, v4;
	v57 =	vperm.xlane v29, v1;
	[tilespmem:s17+$0xFFFFFF70] =	vst v37  }
0x15e: {  	v28 =	vsel vm0, v27, v30;
	v27 =	vmul.f32 v31, v53;
	v25 =	vmul.f32 v55, v25;
	v59 =	vld [tilespmem:s15+$0xFFFFFF90]  }
0x15f: {  	v31 =	vperm.xlane v22, v1;
	v58 =	vperm.xlane v21, v1;
	v21 =	vadd.f32 v38, v15;
	v15 =	vld [tilespmem:s10+$0x70]  }
0x160: {  	v23 =	vadd.f32 v60, v23;
	v30 =	vadd.f32 v57, v29;
	v61 =	vperm.xlane v27, v1;
	v29 =	vld [tilespmem:s13+$0xFFFFFF70];
	[tilespmem:s17+$0x10] =	vst v25  }
0x161: {  	v62 =	vsel vm0, v24, v58;
	v31 =	vadd.f32 v31, v22;
	v22 =	vperm.xlane v32, v1;
	v24 =	vld [tilespmem:s15+$0xA0]  }
0x162: {  	v40 =	vperm.xlane v62, v2;
	v25 =	vadd.f32 v61, v27;
	v27 =	vmul.f32 $1.442695020e+00, v26  }
0x163: {  	s3 =	simm.s32 $0x2A0;
	v33 =	vld [tilespmem:s10+$0xFFFFFFB0];
	v32 =	vadd.f32 v22, v32;
	v22 =	vmul.f32 $1.442695020e+00, v23;
	v23 =	vmul.f32 v59, v63  }
0x164: {  	s18 =	simm.s32 $0x2A0;
	s19 =	simm.s32 $0x4470;
	v35 =	vld [tilespmem:s13+$0xFFFFFF30];
	s21 =	simm.s32 $0x4;
	v36 =	vmul.f32 v39, v15;
	v26 =	vadd.f32 v40, v62;
	v15 =	vperm.xlane v13, v10  }
.LBB2_5:
0x165: {  	s21 =	sadd.s32 $0x2, s21;
	v34 =	vmul.f32 v29, v34;
	v19 =	vmul.f32 v20, v19;
	[tilespmem:s17+$0xFFFFFF80] =	vst v23  }
0x166: {  	p1 =	slt.u32 s21, $0x26;
	v20 =	vperm.xlane v36, v1;
	v23 =	vld [tilespmem:s15+$0xFFFFFFA0];
	v18 =	vmul.f32 v24, v18  }
0x167: {  	v37 =	vperm.xlane v25, v1;
	s13 =	sadd.s32 $0x200, s13;
	v24 =	vperm.xlane v28, v2;
	v25 =	vld [tilespmem:s16+$0xFFFFFF80]  }
0x168: {  	v38 =	vperm.xlane v19, v1;
	v20 =	vadd.f32 v20, v36;
	v29 =	vld [tilespmem:s16+$0x80];
	v36 =	vperm.xlane v14, v7;
	[tilespmem:s17+$0x20] =	vst v18  }
0x169: {  	s10 =	sadd.s32 $0x100, s10;
	v39 =	vperm.xlane v13, v9;
	v18 =	vmul.f32 v35, v33;
	v33 =	vadd.f32 v24, v28;
	v35 =	vld [tilespmem:s15+$0xB0]  }
0x16a: {  	v24 =	vperm.xlane v13, v12;
	v40 =	vld [tilespmem:s13+$0xFFFFFF10];
	v20 =	vperm.xlane v20, v1  }
0x16b: {  	v38 =	vadd.f32 v38, v19;
	v41 =	vld [tilespmem:s13+$0xFFFFFF20];
	v28 =	vperm.xlane v18, v1;
	v36 =	vmul.f32 v23, v36  }
0x16c: {  	v32 =	vperm.xlane v32, v1;
	v23 =	vperm.xlane v14, v12;
	v42 =	vld [tilespmem:s10+$0xFFFFFF90];
	v20 =	vsel vm0, v30, v20  }
0x16d: {  	v19 =	vld [tilespmem:s10+$0x40];
	v18 =	vadd.f32 v28, v18;
	v30 =	vperm.xlane v20, v2;
	[tilespmem:s17+$0xFFFFFF90] =	vst v36;
	v28 =	vperm.xlane v13, v11  }
0x16e: {  	v43 =	vperm.xlane v13, v8;
	v37 =	vsel vm0, v38, v37;
	v36 =	vperm.xlane v34, v1;
	v38 =	vld [tilespmem:s15+$0xFFFFFFB0]  }
0x16f: {  	v31 =	vsel vm0, v31, v32;
	v32 =	vperm.xlane v14, v8;
	v44 =	vld [tilespmem:s13+$0x0];
	v20 =	vadd.f32 v30, v20  }
0x170: {  	v35 =	vmul.f32 v35, v43;
	v18 =	vperm.xlane v18, v1;
	v34 =	vadd.f32 v36, v34;
	v45 =	vld [tilespmem:s13+$0xFFFFFF00]  }
0x171: {  	v30 =	vperm.xlane v14, v11;
	v36 =	vld [tilespmem:s10+$0xFFFFFF80];
	v43 =	vperm.xlane v20, v2  }
0x172: {  	v16 =	vsel vm0, v16, v18;
	v18 =	vperm.xlane v34, v1;
	v20 =	vperm.xlane v37, v2;
	v46 =	vld [tilespmem:s10+$0xFFFFFFE0];
	[tilespmem:s17+$0x30] =	vst v35  }
0x173: {  	v34 =	vperm.xlane v16, v2;
	v32 =	vmul.f32 v38, v32;
	v35 =	vld [tilespmem:s15+$0xC0]  }
0x174: {  	v38 =	vmul.f32 v40, v42;
	v37 =	vadd.f32 v20, v37;
	v42 =	vperm.xlane v14, v9;
	v40 =	vld [tilespmem:s10+$0xFFFFFFA0]  }
0x175: {  	v17 =	vsel vm0, v17, v18;
	v18 =	vperm.xlane v31, v2;
	v16 =	vadd.f32 v34, v16;
	v20 =	vld [tilespmem:s13+$0x40];
	[tilespmem:s17+$0xFFFFFFA0] =	vst v32  }
0x176: {  	v34 =	vperm.xlane v17, v2;
	v32 =	vmul.f32 v45, v36;
	v36 =	vsel vm1, v37, v43;
	v37 =	vld [tilespmem:s15+$0xFFFFFFC0]  }
0x177: {  	v18 =	vadd.f32 v18, v31;
	v16 =	vperm.xlane v16, v2;
	v43 =	vld [tilespmem:s13+$0xFFFFFF40];
	(erf) = vpow2.f32 v27  }
0x178: {  	v17 =	vadd.f32 v34, v17;
	v27 =	vld [tilespmem:s10+$0xFFFFFFC0];
	v31 =	vperm.xlane v32, v1;
	v34 =	vmul.f32 v35, v39  }
0x179: {  	v18 =	vperm.xlane v18, v2;
	v39 =	vperm.xlane v38, v1;
	v16 =	vsel vm1, v21, v16;
	v35 =	vld [tilespmem:s13+$0xFFFFFF60]  }
0x17a: {  	v17 =	vperm.xlane v17, v2;
	v21 =	vmul.f32 v41, v40;
	v40 =	vld [tilespmem:s13+$0xFFFFFF50];
	[tilespmem:s17+$0x40] =	vst v34  }
0x17b: {  	v34 =	vadd.f32 v39, v38;
	v38 =	vperm.xlane v16, v3;
	v37 =	vmul.f32 v37, v42;
	v39 =	vld [tilespmem:s15+$0xD0]  }
0x17c: {  	v31 =	vadd.f32 v31, v32;
	v32 =	vperm.xlane v21, v1;
	v42 =	vperm.xlane v36, v3;
	v41 =	vld [tilespmem:s10+$0xFFFFFFD0]  }
0x17d: {  	v17 =	vsel vm1, v33, v17;
	v33 =	vadd.f32 v38, v16;
	v27 =	vmul.f32 v43, v27;
	v43 =	vld [tilespmem:s10+$0x0];
	[tilespmem:s17+$0xFFFFFFB0] =	vst v37  }
0x17e: {  	v37 =	vperm.xlane v17, v3;
	v36 =	vadd.f32 v42, v36;
	v35 =	vmul.f32 v35, v46;
	v38 =	vld [tilespmem:s15+$0xFFFFFFD0]  }
0x17f: {  	v18 =	vsel vm1, v26, v18;
	v42 =	vld [tilespmem:s10+$0x10];
	(erf) = vpow2.f32 v22;
	v22 =	vperm.xlane v14, v10  }
0x180: {  	v16 =	vadd.f32 v32, v21;
	v21 =	vperm.xlane v35, v1;
	v26 =	vld [tilespmem:s13+$0x10];
	v32 =	vpop (erf);
	v15 =	vmul.f32 v39, v15  }
0x181: {  	v34 =	vperm.xlane v34, v1;
	v37 =	vadd.f32 v37, v17;
	v39 =	vld [tilespmem:s13+$0x20];
	v45 =	vperm.xlane v32, v5  }
0x182: {  	v40 =	vmul.f32 v40, v41;
	v17 =	vadd.f32 v21, v35;
	v21 =	vld [tilespmem:s10+$0x20];
	v35 =	vperm.xlane v18, v3;
	[tilespmem:s17+$0x50] =	vst v15  }
0x183: {  	v15 =	vsel vm0, v31, v34;
	v31 =	vmul.f32 v44, v43;
	v22 =	vmul.f32 v38, v22;
	v34 =	vld [tilespmem:s15+$0xE0]  }
0x184: {  	v36 =	vperm.xlane v36, v3;
	v38 =	vld [tilespmem:s13+$0x60];
	v35 =	vadd.f32 v35, v18;
	v18 =	vperm.xlane v32, v7  }
0x185: {  	v41 =	vperm.xlane v27, v1;
	v43 =	vperm.xlane v40, v1;
	v44 =	vld [tilespmem:s10+$0x60];
	[tilespmem:s17+$0xFFFFFFC0] =	vst v22  }
0x186: {  	v29 =	vmul.f32 v29, v45;
	v22 =	vperm.xlane v31, v1;
	v35 =	vsel vm2, v35, v36;
	v36 =	vld [tilespmem:s15+$0xFFFFFFE0]  }
0x187: {  	v40 =	vadd.f32 v43, v40;
	v26 =	vmul.f32 v26, v42;
	v42 =	vld [tilespmem:s13+$0x50];
	v43 =	vperm.xlane v35, v4  }
0x188: {  	v39 =	vmul.f32 v39, v21;
	v22 =	vadd.f32 v22, v31;
	v21 =	vperm.xlane v37, v3;
	v45 =	vld [tilespmem:s13+$0x30];
	v31 =	vpop (erf)  }
0x189: {  	v27 =	vadd.f32 v41, v27;
	v41 =	vperm.xlane v26, v1;
	v28 =	vmul.f32 v34, v28;
	v37 =	vld [tilespmem:s10+$0x50];
	[tilespmem:s3+$0x0] =	vst v29  }
0x18a: {  	v33 =	vsel vm2, v33, v21;
	v21 =	vperm.xlane v31, v5;
	v29 =	vmul.f32 v38, v44;
	v34 =	vld [tilespmem:s16+$0x90]  }
0x18b: {  	v26 =	vadd.f32 v41, v26;
	v38 =	vperm.xlane v40, v1;
	v40 =	vld [tilespmem:s10+$0x30];
	v30 =	vmul.f32 v36, v30;
	[tilespmem:s17+$0x60] =	vst v28  }
0x18c: {  	v35 =	vadd.f32 v43, v35;
	v41 =	vperm.xlane v32, v6;
	v36 =	vperm.xlane v29, v1;
	v43 =	vld [tilespmem:s15+$0xF0]  }
0x18d: {  	v25 =	vmul.f32 v25, v21;
	v28 =	vsel vm0, v27, v38;
	v27 =	vperm.xlane v15, v2;
	v38 =	vld [tilespmem:s13+$0x70];
	[tilespmem:s17+$0xFFFFFFD0] =	vst v30  }
0x18e: {  	v37 =	vmul.f32 v42, v37;
	v42 =	vperm.xlane v39, v1;
	v30 =	vadd.f32 v36, v29;
	v36 =	vld [tilespmem:s15+$0xFFFFFFF0];
	[tilespmem:s17+$0x80] =	vst v13;
	s15 =	smov.u32 s16;
	s16 =	smov.u32 s19;
	s19 =	smov.u32 s13  }
0x18f: {  	s3 =	sadd.s32 $0x120, s3;
	v26 =	vperm.xlane v26, v1;
	v21 =	vadd.f32 v27, v15;
	v15 =	vld [tilespmem:s10+$0x70];
	[tilespmem:s18+$0xFFFFFF70] =	vst v25;
	v25 =	vmul.f32 v34, v41  }
0x190: {  	v13 =	vmovc v32;
	v41 =	vperm.xlane v33, v4;
	v27 =	vperm.xlane v37, v1;
	v44 =	vld [tilespmem:s15+$0xFFFFFF90];
	[tilespmem:s17+$0xFFFFFFF0] =	vst v14;
	v14 =	vmov v31  }
0x191: {  	v26 =	vsel vm0, v22, v26;
	v32 =	vmul.f32 v45, v40;
	v29 =	vld [tilespmem:s13+$0xFFFFFF70];
	[tilespmem:s18+$0x10] =	vst v25;
	v22 =	vmul.f32 v43, v24  }
.Ltmp1:
0x192: {  	v31 =	vadd.f32 v42, v39;
	v34 =	vld [tilespmem:s10+$0xFFFFFFF0];
	v25 =	vadd.f32 v27, v37;
	v37 =	vperm.xlane v14, v6;
	(pc) =	sbr.rel @p1 .LBB2_5-.Ltmp1, $4  }
0x193: {  	v40 =	vadd.f32 v41, v33;
	v39 =	vperm.xlane v32, v1;
	v24 =	vld [tilespmem:s15+$0xA0];
	v36 =	vmul.f32 v36, v23;
	[tilespmem:s17+$0x70] =	vst v22  }
0x194: {  	v41 =	vperm.xlane v26, v2;
	v27 =	vmul.f32 $1.442695020e+00, v35  }
0x195: {  	v22 =	vmul.f32 $1.442695020e+00, v40;
	v32 =	vadd.f32 v39, v32;
	v33 =	vld [tilespmem:s10+$0xFFFFFFB0];
	v23 =	vmul.f32 v44, v37;
	[tilespmem:s17+$0xFFFFFFE0] =	vst v36;
	s17 =	smov.u32 s18;
	s18 =	smov.u32 s3  }
0x196: {  	v26 =	vadd.f32 v41, v26;
	v36 =	vmul.f32 v38, v15;
	v15 =	vperm.xlane v13, v10;
	v35 =	vld [tilespmem:s13+$0xFFFFFF30]  }
0x197: {  	_ =	sdelay $0x1  }
0x198: {  	v29 =	vmul.f32 v29, v34;
	v43 =	vperm.xlane v36, v1  }
0x199: {  	v19 =	vmul.f32 v20, v19  }
0x19a: {  	v44 =	vperm.xlane v29, v1;
	v20 =	vadd.f32 v43, v36;
	v33 =	vmul.f32 v35, v33  }
0x19b: {  	v45 =	vperm.xlane v19, v1  }
0x19c: {  	v29 =	vadd.f32 v44, v29;
	v20 =	vperm.xlane v20, v1;
	v46 =	vperm.xlane v33, v1  }
0x19d: {  	v25 =	vperm.xlane v25, v1;
	v32 =	vperm.xlane v32, v1;
	v19 =	vadd.f32 v45, v19  }
0x19e: {  	v29 =	vperm.xlane v29, v1;
	v20 =	vsel vm0, v30, v20;
	v30 =	vadd.f32 v46, v33  }
0x19f: {  	v19 =	vsel vm0, v19, v25;
	v47 =	vperm.xlane v20, v2  }
0x1a0: {  	v17 =	vsel vm0, v17, v29;
	v29 =	vsel vm0, v31, v32;
	v25 =	vperm.xlane v30, v1  }
0x1a1: {  	v31 =	vperm.xlane v29, v2;
	v30 =	vperm.xlane v17, v2  }
0x1a2: {  	v20 =	vadd.f32 v47, v20;
	v16 =	vsel vm0, v16, v25;
	v25 =	vperm.xlane v19, v2  }
0x1a3: {  	v48 =	vperm.xlane v28, v2;
	v17 =	vadd.f32 v30, v17;
	v49 =	vperm.xlane v16, v2  }
0x1a4: {  	v20 =	vperm.xlane v20, v2;
	v19 =	vadd.f32 v25, v19;
	v25 =	vadd.f32 v31, v29  }
0x1a5: {  	v28 =	vadd.f32 v48, v28;
	v17 =	vperm.xlane v17, v2;
	v16 =	vadd.f32 v49, v16  }
0x1a6: {  	v19 =	vsel vm1, v19, v20;
	v20 =	vperm.xlane v25, v2  }
0x1a7: {  	v17 =	vsel vm1, v28, v17;
	v16 =	vperm.xlane v16, v2;
	v25 =	vperm.xlane v19, v3  }
0x1a8: {  	v28 =	vperm.xlane v17, v3;
	v20 =	vsel vm1, v26, v20  }
0x1a9: {  	v16 =	vsel vm1, v21, v16;
	v19 =	vadd.f32 v25, v19;
	v21 =	vperm.xlane v20, v3  }
0x1aa: {  	v17 =	vadd.f32 v28, v17;
	v25 =	vperm.xlane v16, v3  }
0x1ab: {  	v20 =	vadd.f32 v21, v20;
	v19 =	vperm.xlane v19, v3  }
0x1ac: {  	v17 =	vperm.xlane v17, v3;
	v16 =	vadd.f32 v25, v16  }
0x1ad: {  	v19 =	vsel vm2, v20, v19  }
0x1ae: {  	v20 =	vperm.xlane v19, v4;
	v16 =	vsel vm2, v16, v17  }
0x1af: {  	v17 =	vperm.xlane v16, v4  }
0x1b0: {  	(erf) = vpow2.f32 v27;
	v19 =	vadd.f32 v20, v19  }
0x1b1: {  	(erf) = vpow2.f32 v22;
	v16 =	vadd.f32 v17, v16  }
0x1b2: {  	v17 =	vmul.f32 $1.442695020e+00, v19  }
0x1b3: {  	v16 =	vmul.f32 $1.442695020e+00, v16  }
0x1b4: {  	(erf) = vpow2.f32 v17  }
0x1b5: {  	(erf) = vpow2.f32 v16;
	_ =	sdelay $0x1  }
0x1b6: {  	v17 =	vld [tilespmem:s16+$0x80]  }
0x1b7: {  	v19 =	vld [tilespmem:s16+$0xFFFFFF80]  }
0x1b8: {  	v20 =	vpop (erf)  }
0x1b9: {  	v21 =	vperm.xlane v20, v5;
	v16 =	vpop (erf)  }
0x1ba: {  	v25 =	vld [tilespmem:s19+$0x80];
	v22 =	vperm.xlane v16, v5  }
0x1bb: {  	v26 =	vld [tilespmem:s19+$0xFFFFFF80];
	v21 =	vmul.f32 v17, v21  }
0x1bc: {  	v22 =	vmul.f32 v19, v22;
	v17 =	vpop (erf)  }
0x1bd: {  	[tilespmem:s3+$0x0] =	vst v21;
	v21 =	vperm.xlane v17, v5;
	v19 =	vpop (erf)  }
0x1be: {  	v27 =	vld [tilespmem:s16+$0x90];
	[tilespmem:s18+$0xFFFFFF70] =	vst v22;
	v22 =	vperm.xlane v19, v5  }
0x1bf: {  	v28 =	vld [tilespmem:s16+$0xFFFFFF90];
	v21 =	vmul.f32 v25, v21  }
0x1c0: {  	[tilespmem:s17+$0xFFFFFF80] =	vst v23;
	s13 =	sadd.s32 $0x120, s3;
	v22 =	vmul.f32 v26, v22  }
0x1c1: {  	v23 =	vld [tilespmem:s15+$0xFFFFFFA0];
	v25 =	vperm.xlane v20, v6;
	[tilespmem:s13+$0x0] =	vst v21  }
0x1c2: {  	v21 =	vperm.xlane v16, v6;
	v26 =	vld [tilespmem:s19+$0x90];
	[tilespmem:s13+$0xFFFFFF70] =	vst v22  }
0x1c3: {  	v22 =	vmul.f32 v27, v25;
	v25 =	vld [tilespmem:s19+$0xFFFFFF90]  }
0x1c4: {  	v27 =	vperm.xlane v14, v7;
	v21 =	vmul.f32 v28, v21  }
0x1c5: {  	v18 =	vmul.f32 v24, v18;
	[tilespmem:s18+$0x10] =	vst v22;
	v22 =	vperm.xlane v17, v6  }
0x1c6: {  	v23 =	vmul.f32 v23, v27;
	v24 =	vld [tilespmem:s16+$0xA0];
	[tilespmem:s18+$0xFFFFFF80] =	vst v21;
	v21 =	vperm.xlane v19, v6  }
0x1c7: {  	[tilespmem:s17+$0x20] =	vst v18;
	v18 =	vld [tilespmem:s16+$0xFFFFFFA0];
	v22 =	vmul.f32 v26, v22  }
0x1c8: {  	[tilespmem:s17+$0xFFFFFF90] =	vst v23;
	v26 =	vld [tilespmem:s15+$0xB0];
	v21 =	vmul.f32 v25, v21  }
0x1c9: {  	v23 =	vld [tilespmem:s15+$0xFFFFFFB0];
	v25 =	vperm.xlane v20, v7;
	[tilespmem:s13+$0x10] =	vst v22  }
0x1ca: {  	v22 =	vperm.xlane v16, v7;
	v27 =	vld [tilespmem:s19+$0xA0];
	[tilespmem:s13+$0xFFFFFF80] =	vst v21  }
0x1cb: {  	v21 =	vperm.xlane v13, v8;
	v24 =	vmul.f32 v24, v25;
	v25 =	vld [tilespmem:s19+$0xFFFFFFA0]  }
0x1cc: {  	v28 =	vperm.xlane v14, v8;
	v18 =	vmul.f32 v18, v22  }
0x1cd: {  	v22 =	vperm.xlane v17, v7;
	v21 =	vmul.f32 v26, v21;
	[tilespmem:s18+$0x20] =	vst v24  }
0x1ce: {  	v23 =	vmul.f32 v23, v28;
	v24 =	vld [tilespmem:s16+$0xB0];
	[tilespmem:s18+$0xFFFFFF90] =	vst v18;
	v18 =	vperm.xlane v19, v7  }
0x1cf: {  	[tilespmem:s17+$0x30] =	vst v21;
	v21 =	vld [tilespmem:s16+$0xFFFFFFB0];
	v22 =	vmul.f32 v27, v22  }
0x1d0: {  	[tilespmem:s17+$0xFFFFFFA0] =	vst v23;
	v26 =	vld [tilespmem:s15+$0xC0];
	v18 =	vmul.f32 v25, v18  }
0x1d1: {  	v23 =	vld [tilespmem:s15+$0xFFFFFFC0];
	v25 =	vperm.xlane v20, v8;
	[tilespmem:s13+$0x20] =	vst v22  }
0x1d2: {  	v22 =	vperm.xlane v16, v8;
	v27 =	vld [tilespmem:s19+$0xB0];
	[tilespmem:s13+$0xFFFFFF90] =	vst v18  }
0x1d3: {  	v18 =	vperm.xlane v13, v9;
	v24 =	vmul.f32 v24, v25;
	v25 =	vld [tilespmem:s19+$0xFFFFFFB0]  }
0x1d4: {  	v28 =	vperm.xlane v14, v9;
	v21 =	vmul.f32 v21, v22  }
0x1d5: {  	v22 =	vperm.xlane v17, v8;
	v18 =	vmul.f32 v26, v18;
	[tilespmem:s18+$0x30] =	vst v24  }
0x1d6: {  	v23 =	vmul.f32 v23, v28;
	v24 =	vld [tilespmem:s16+$0xC0];
	[tilespmem:s18+$0xFFFFFFA0] =	vst v21;
	v21 =	vperm.xlane v19, v8  }
0x1d7: {  	[tilespmem:s17+$0x40] =	vst v18;
	v18 =	vld [tilespmem:s16+$0xFFFFFFC0];
	v22 =	vmul.f32 v27, v22  }
0x1d8: {  	[tilespmem:s17+$0xFFFFFFB0] =	vst v23;
	v26 =	vld [tilespmem:s15+$0xD0];
	v21 =	vmul.f32 v25, v21  }
0x1d9: {  	v23 =	vld [tilespmem:s15+$0xFFFFFFD0];
	v25 =	vperm.xlane v20, v9;
	[tilespmem:s13+$0x30] =	vst v22  }
0x1da: {  	v22 =	vperm.xlane v16, v9;
	v27 =	vld [tilespmem:s19+$0xC0];
	[tilespmem:s13+$0xFFFFFFA0] =	vst v21  }
0x1db: {  	v21 =	vmul.f32 v24, v25;
	v24 =	vld [tilespmem:s19+$0xFFFFFFC0]  }
0x1dc: {  	v25 =	vperm.xlane v14, v10;
	v18 =	vmul.f32 v18, v22  }
0x1dd: {  	v15 =	vmul.f32 v26, v15;
	[tilespmem:s18+$0x40] =	vst v21;
	v21 =	vperm.xlane v17, v9  }
0x1de: {  	v22 =	vmul.f32 v23, v25;
	v23 =	vld [tilespmem:s16+$0xD0];
	[tilespmem:s18+$0xFFFFFFB0] =	vst v18;
	v18 =	vperm.xlane v19, v9  }
0x1df: {  	[tilespmem:s17+$0x50] =	vst v15;
	v15 =	vld [tilespmem:s16+$0xFFFFFFD0];
	v21 =	vmul.f32 v27, v21  }
0x1e0: {  	[tilespmem:s17+$0xFFFFFFC0] =	vst v22;
	v25 =	vld [tilespmem:s15+$0xE0];
	v18 =	vmul.f32 v24, v18  }
0x1e1: {  	v22 =	vld [tilespmem:s15+$0xFFFFFFE0];
	v24 =	vperm.xlane v20, v10;
	[tilespmem:s13+$0x40] =	vst v21  }
0x1e2: {  	v21 =	vperm.xlane v16, v10;
	v26 =	vld [tilespmem:s19+$0xD0];
	[tilespmem:s13+$0xFFFFFFB0] =	vst v18  }
0x1e3: {  	v18 =	vperm.xlane v13, v11;
	v23 =	vmul.f32 v23, v24;
	v24 =	vld [tilespmem:s19+$0xFFFFFFD0]  }
0x1e4: {  	v27 =	vperm.xlane v14, v11;
	v15 =	vmul.f32 v15, v21  }
0x1e5: {  	v21 =	vperm.xlane v17, v10;
	v18 =	vmul.f32 v25, v18;
	[tilespmem:s18+$0x50] =	vst v23  }
0x1e6: {  	v22 =	vmul.f32 v22, v27;
	v23 =	vld [tilespmem:s16+$0xE0];
	[tilespmem:s18+$0xFFFFFFC0] =	vst v15;
	v15 =	vperm.xlane v19, v10  }
0x1e7: {  	[tilespmem:s17+$0x60] =	vst v18;
	v18 =	vld [tilespmem:s16+$0xFFFFFFE0];
	v21 =	vmul.f32 v26, v21  }
0x1e8: {  	[tilespmem:s17+$0xFFFFFFD0] =	vst v22;
	v25 =	vld [tilespmem:s15+$0xF0];
	v15 =	vmul.f32 v24, v15  }
0x1e9: {  	v22 =	vld [tilespmem:s15+$0xFFFFFFF0];
	v24 =	vperm.xlane v20, v11;
	[tilespmem:s13+$0x50] =	vst v21  }
0x1ea: {  	v21 =	vperm.xlane v16, v11;
	v26 =	vld [tilespmem:s19+$0xE0];
	[tilespmem:s13+$0xFFFFFFC0] =	vst v15  }
0x1eb: {  	[tilespmem:s17+$0x80] =	vst v13;
	v15 =	vperm.xlane v13, v12;
	v13 =	vmul.f32 v23, v24;
	v23 =	vld [tilespmem:s19+$0xFFFFFFE0]  }
0x1ec: {  	[tilespmem:s17+$0xFFFFFFF0] =	vst v14;
	v24 =	vperm.xlane v14, v12;
	v14 =	vmul.f32 v18, v21  }
0x1ed: {  	v15 =	vmul.f32 v25, v15;
	[tilespmem:s18+$0x60] =	vst v13;
	v13 =	vperm.xlane v17, v11  }
0x1ee: {  	v18 =	vmul.f32 v22, v24;
	v21 =	vld [tilespmem:s16+$0xF0];
	[tilespmem:s18+$0xFFFFFFD0] =	vst v14;
	v14 =	vperm.xlane v19, v11  }
0x1ef: {  	[tilespmem:s17+$0x70] =	vst v15;
	v15 =	vld [tilespmem:s16+$0xFFFFFFF0];
	v13 =	vmul.f32 v26, v13  }
0x1f0: {  	[tilespmem:s17+$0xFFFFFFE0] =	vst v18;
	v14 =	vmul.f32 v23, v14  }
0x1f1: {  	v18 =	vperm.xlane v20, v12;
	[tilespmem:s13+$0x60] =	vst v13  }
0x1f2: {  	v13 =	vperm.xlane v16, v12;
	v22 =	vld [tilespmem:s19+$0xF0];
	[tilespmem:s13+$0xFFFFFFD0] =	vst v14  }
0x1f3: {  	[tilespmem:s18+$0x80] =	vst v20;
	v14 =	vmul.f32 v21, v18;
	v18 =	vld [tilespmem:s19+$0xFFFFFFF0]  }
0x1f4: {  	[tilespmem:s18+$0xFFFFFFF0] =	vst v16;
	v13 =	vmul.f32 v15, v13  }
0x1f5: {  	[tilespmem:s18+$0x70] =	vst v14;
	v14 =	vperm.xlane v17, v12  }
0x1f6: {  	[tilespmem:s18+$0xFFFFFFE0] =	vst v13;
	v13 =	vperm.xlane v19, v12  }
0x1f7: {  	[tilespmem:s13+$0x80] =	vst v17;
	v14 =	vmul.f32 v22, v14  }
0x1f8: {  	[tilespmem:s13+$0xFFFFFFF0] =	vst v19;
	v13 =	vmul.f32 v18, v13  }
0x1f9: {  	[tilespmem:s13+$0x70] =	vst v14  }
0x1fa: {  	[tilespmem:s13+$0xFFFFFFE0] =	vst v13  }
0x1fb: {  	[spmem:s25] =	stream.indirect.scatter.add.f32 [tilespmem:s23], [sflag:$0x4], $0x90, s24, s24, $0xb8;
	[tilespmem:$0x1FE50] =	vst v63  }
0x1fc: {  	_ =	swait.ge [sflag:s12], $0x1400  }
0x1fd: {  	[sflag:s12] =	ssyncset.done $0x0  }
0x1fe: {  	[sflag:s12] =	ssyncadd.s32 $0xFFFFEC00  }
0x1ff: {  	s16 =	sshll.u32 s14, $0x1;
	_ =	swait.ge [sflag:s12], $0x2800  }
0x200: {  	s3 =	smin.u32 s16, $0xF7;
	[sflag:s12] =	ssyncset.done $0x0  }
0x201: {  	s3 =	smul.u32 $0x28, s3;
	[sflag:s12] =	ssyncadd.s32 $0xFFFFD800  }
0x202: {  	[tilespmem:s11], [sflag:$0x2] =	stream.indirect.gather.add.f32 [spmem:s22], $0x100, s9, s24, $0xb8;
	[tilespmem:$0x1FE50] =	vst v63  }
0x203: {  	s3 =	sadd.s32 s3, s26;
	_ =	swait.ge [sflag:s6], $0x1680  }
0x204: {  	s3 =	sshrl.u32 s3, $0x3;
	[sflag:s6] =	ssyncset.done $0x0  }
0x205: {  	s10 =	sadd.s32 s30, s3;
	[sflag:s6] =	ssyncadd.s32 $0xFFFFE980  }
0x206: {  	[tilespmem:s0], [sflag:$0x3] =	stream.linear.gather [hbm4b:s10+s0], $0x28, $0x38;
	[tilespmem:$0x1FE50] =	vst v63  }
0x207: {  	s10 =	sadd.s32 $0x9C40, s10  }
0x208: {  	[tilespmem:s24], [sflag:$0x3] =	stream.linear.gather [hbm4b:s10+s0], $0x28, $0x38;
	[tilespmem:$0x1FE50] =	vst v63  }
0x209: {  	s3 =	sadd.s32 s20, s3  }
0x20a: {  	[tilespmem:s1], [sflag:$0x3] =	stream.linear.gather [hbm4b:s3+s0], $0x28, $0x38;
	[tilespmem:$0x1FE50] =	vst v63  }
0x20b: {  	_ =	swait.ge [sflag:s2], $0x28  }
0x20c: {  	[sflag:s2] =	ssyncset.done $0x0  }
0x20d: {  	[sflag:s2] =	ssyncadd.s32 $0xFFFFFFD8  }
0x20e: {  	_ =	swait.ge [sflag:s2], $0x28  }
0x20f: {  	[sflag:s2] =	ssyncset.done $0x0  }
0x210: {  	[sflag:s2] =	ssyncadd.s32 $0xFFFFFFD8  }
0x211: {  	_ =	swait.ge [sflag:s2], $0x28  }
0x212: {  	[sflag:s2] =	ssyncset.done $0x0  }
0x213: {  	[sflag:s2] =	ssyncadd.s32 $0xFFFFFFD8  }
0x214: {  	s18 =	simm.s32 $0x1770;
	s17 =	rddreg [dreg:$0x0]  }
0x215: {  	[tilespmem:s18], [sflag:$0x1] =	stream.indirect.gather [hbm4b:s17+s24], $0x80, s24, s24, $0xb8;
	[tilespmem:$0x1FE50] =	vst v63  }
0x216: {  	_ = 	snop  }
0x217: {  	[tilespmem:s4], [sflag:$0x1] =	stream.indirect.gather [hbm4b:s28+s24], $0x100, s0, s24, $0xb8;
	[tilespmem:$0x1FE50] =	vst v63  }
0x218: {  	_ =	swait.ge [sflag:s12], $0x2800  }
0x219: {  	[sflag:s12] =	ssyncset.done $0x0  }
0x21a: {  	s15 =	simm.s32 $0x6960;
	[sflag:s12] =	ssyncadd.s32 $0xFFFFD800  }
0x21b: {  	v13 =	vld [tilespmem:s15+$0xFFFFFE20]  }
0x21c: {  	s19 =	simm.s32 $0x2C60;
	v14 =	vld [tilespmem:s15+$0xFFFFFE30]  }
0x21d: {  	v15 =	vld [tilespmem:s19+$0xFFFFFF20]  }
0x21e: {  	v17 =	vld [tilespmem:s15+$0xFFFFFF10]  }
0x21f: {  	v18 =	vld [tilespmem:s15+$0xFFFFFE10]  }
0x220: {  	v19 =	vld [tilespmem:s19+$0xFFFFFF10]  }
0x221: {  	v20 =	vld [tilespmem:s19+$0xFFFFFF70]  }
0x222: {  	v21 =	vld [tilespmem:s19+$0xFFFFFF30]  }
0x223: {  	v22 =	vld [tilespmem:s15+$0xFFFFFE50]  }
0x224: {  	v23 =	vld [tilespmem:s19+$0xFFFFFF50]  }
0x225: {  	v24 =	vld [tilespmem:s15+$0xFFFFFE70]  }
0x226: {  	v25 =	vld [tilespmem:s15+$0xFFFFFE60]  }
0x227: {  	v26 =	vld [tilespmem:s19+$0xFFFFFF60]  }
0x228: {  	v27 =	vld [tilespmem:s19+$0xFFFFFF90]  }
0x229: {  	v28 =	vld [tilespmem:s19+$0xFFFFFFA0]  }
0x22a: {  	v29 =	vld [tilespmem:s15+$0xFFFFFF20];
	_ =	sdelay $0x1  }
0x22b: {  	v50 =	vld [tilespmem:s19+$0xFFFFFFF0];
	v13 =	vmul.f32 v13, v15;
	v18 =	vmul.f32 v18, v19  }
0x22c: {  	v53 =	vld [tilespmem:s15+$0xFFFFFE80];
	v14 =	vmul.f32 v14, v21;
	v20 =	vmul.f32 v24, v20  }
0x22d: {  	v15 =	vld [tilespmem:s15+$0xFFFFFF30];
	v22 =	vmul.f32 v22, v23;
	v23 =	vmul.f32 v25, v26  }
0x22e: {  	v19 =	vld [tilespmem:s19+$0xFFFFFFB0];
	v17 =	vmul.f32 v17, v27;
	v28 =	vmul.f32 v29, v28  }
0x22f: {  	v21 =	vld [tilespmem:s15+$0xFFFFFF70];
	v30 =	vperm.xlane v13, v1;
	v31 =	vperm.xlane v18, v1  }
0x230: {  	v24 =	vld [tilespmem:s15+$0xFFFFFF60];
	v26 =	vperm.xlane v20, v1;
	v27 =	vperm.xlane v23, v1  }
0x231: {  	v29 =	vld [tilespmem:s19+$0x0];
	v13 =	vadd.f32 v30, v13;
	v30 =	vperm.xlane v14, v1;
	v18 =	vadd.f32 v31, v18  }
0x232: {  	v31 =	vld [tilespmem:s19+$0xFFFFFFE0];
	v20 =	vadd.f32 v26, v20;
	v26 =	vperm.xlane v22, v1;
	v23 =	vadd.f32 v27, v23  }
0x233: {  	v13 =	vperm.xlane v13, v1;
	v14 =	vadd.f32 v30, v14;
	v30 =	vld [tilespmem:s15+$0xFFFFFF80]  }
0x234: {  	v25 =	vld [tilespmem:s15+$0xFFFFFF40];
	v22 =	vadd.f32 v26, v22;
	v23 =	vperm.xlane v23, v1  }
0x235: {  	v15 =	vmul.f32 v15, v19;
	v19 =	vld [tilespmem:s19+$0xFFFFFFC0];
	v13 =	vsel vm0, v18, v13;
	v18 =	vperm.xlane v28, v1  }
0x236: {  	v51 =	vperm.xlane v17, v1;
	v27 =	vld [tilespmem:s19+$0xFFFFFF40];
	v21 =	vmul.f32 v21, v50;
	v22 =	vsel vm0, v22, v23  }
0x237: {  	v26 =	vld [tilespmem:s15+$0xFFFFFE40];
	v52 =	vperm.xlane v13, v2;
	v23 =	vmul.f32 v24, v31;
	v18 =	vadd.f32 v18, v28  }
0x238: {  	v24 =	vld [tilespmem:s19+$0xFFFFFF80];
	v31 =	vperm.xlane v15, v1;
	v29 =	vmul.f32 v30, v29  }
0x239: {  	v16 =	vld [tilespmem:s19+$0xFFFFFFD0];
	v17 =	vadd.f32 v51, v17;
	v28 =	vperm.xlane v21, v1;
	v18 =	vperm.xlane v18, v1  }
0x23a: {  	v19 =	vmul.f32 v25, v19;
	v30 =	vld [tilespmem:s15+$0xFFFFFF50];
	v13 =	vadd.f32 v52, v13;
	v25 =	vperm.xlane v29, v1  }
0x23b: {  	v21 =	vadd.f32 v28, v21;
	v28 =	vperm.xlane v23, v1;
	v17 =	vsel vm0, v17, v18  }
0x23c: {  	v18 =	vmul.f32 v26, v27;
	v26 =	vperm.xlane v19, v1;
	v25 =	vadd.f32 v25, v29  }
0x23d: {  	s16 =	simm.s32 $0x6B60;
	v15 =	vadd.f32 v31, v15;
	v24 =	vmul.f32 v53, v24;
	v27 =	vperm.xlane v17, v2  }
0x23e: {  	v56 =	vld [tilespmem:s16+$0xFFFFFF10];
	v23 =	vadd.f32 v28, v23;
	v54 =	vperm.xlane v18, v1;
	v25 =	vperm.xlane v25, v1  }
0x23f: {  	v57 =	vld [tilespmem:s16+$0xFFFFFE10];
	v16 =	vmul.f32 v30, v16;
	v19 =	vadd.f32 v26, v19;
	v26 =	vperm.xlane v22, v2  }
0x240: {  	s21 =	simm.s32 $0x2D60;
	v58 =	vld [tilespmem:s16+$0xFFFFFF50];
	v18 =	vadd.f32 v54, v18;
	v21 =	vsel vm0, v21, v25;
	v25 =	vperm.xlane v24, v1  }
0x241: {  	v28 =	vld [tilespmem:s21+$0xFFFFFF20];
	v23 =	vperm.xlane v23, v1;
	v17 =	vadd.f32 v27, v17;
	v55 =	vperm.xlane v16, v1  }
0x242: {  	v27 =	vperm.xlane v21, v2;
	v18 =	vperm.xlane v18, v1;
	v24 =	vadd.f32 v25, v24;
	v25 =	vld [tilespmem:s21+$0xFFFFFF10]  }
0x243: {  	v29 =	vld [tilespmem:s16+$0xFFFFFE20];
	v19 =	vperm.xlane v19, v1;
	v22 =	vadd.f32 v26, v22;
	v16 =	vadd.f32 v55, v16  }
0x244: {  	v59 =	vld [tilespmem:s21+$0xFFFFFF50];
	v21 =	vadd.f32 v27, v21;
	v14 =	vsel vm0, v14, v18;
	v18 =	vperm.xlane v24, v1  }
0x245: {  	v31 =	vld [tilespmem:s16+$0xFFFFFE30];
	v15 =	vsel vm0, v15, v19;
	v16 =	vsel vm0, v16, v23;
	v23 =	vperm.xlane v14, v2  }
0x246: {  	v24 =	vld [tilespmem:s21+$0xFFFFFF30];
	v19 =	vperm.xlane v21, v2;
	v21 =	vperm.xlane v16, v2;
	v18 =	vsel vm0, v20, v18  }
0x247: {  	v27 =	vld [tilespmem:s21+$0xFFFFFF70];
	v14 =	vadd.f32 v23, v14;
	v20 =	vperm.xlane v15, v2;
	v25 =	vmul.f32 v57, v25  }
0x248: {  	v28 =	vmul.f32 v29, v28;
	v23 =	vld [tilespmem:s16+$0xFFFFFE50];
	v26 =	vperm.xlane v18, v2;
	v16 =	vadd.f32 v21, v16  }
0x249: {  	v21 =	vld [tilespmem:s16+$0xFFFFFE70];
	v14 =	vperm.xlane v14, v2;
	v15 =	vadd.f32 v20, v15;
	v20 =	vperm.xlane v25, v1  }
0x24a: {  	v60 =	vld [tilespmem:s21+$0xFFFFFFA0];
	v18 =	vadd.f32 v26, v18;
	v16 =	vsel vm1, v16, v19;
	v19 =	vperm.xlane v28, v1  }
0x24b: {  	v29 =	vld [tilespmem:s21+$0xFFFFFF60];
	v24 =	vmul.f32 v31, v24;
	v13 =	vsel vm1, v13, v14;
	v14 =	vperm.xlane v15, v2  }
0x24c: {  	v26 =	vld [tilespmem:s16+$0xFFFFFE60];
	v15 =	vperm.xlane v18, v2;
	v19 =	vadd.f32 v19, v28;
	v28 =	vperm.xlane v13, v3  }
0x24d: {  	v61 =	vld [tilespmem:s16+$0xFFFFFF20];
	v31 =	vperm.xlane v24, v1;
	v20 =	vadd.f32 v20, v25;
	v25 =	vperm.xlane v16, v3  }
0x24e: {  	v18 =	vld [tilespmem:s21+$0xFFFFFF90];
	v23 =	vmul.f32 v23, v59;
	v21 =	vmul.f32 v21, v27;
	v14 =	vsel vm1, v17, v14  }
0x24f: {  	v39 =	vld [tilespmem:s21+$0xFFFFFFE0];
	v15 =	vsel vm1, v22, v15;
	v13 =	vadd.f32 v28, v13;
	v28 =	vperm.xlane v14, v3  }
0x250: {  	v17 =	vld [tilespmem:s21+$0xFFFFFFB0];
	v16 =	vadd.f32 v25, v16;
	v19 =	vperm.xlane v19, v1;
	v27 =	vperm.xlane v15, v3  }
0x251: {  	v22 =	vld [tilespmem:s16+$0xFFFFFF30];
	v24 =	vadd.f32 v31, v24;
	v25 =	vperm.xlane v21, v1;
	v26 =	vmul.f32 v26, v29  }
0x252: {  	v31 =	vld [tilespmem:s16+$0xFFFFFF70];
	v14 =	vadd.f32 v28, v14;
	v16 =	vperm.xlane v16, v3;
	v15 =	vadd.f32 v27, v15  }
0x253: {  	v27 =	vld [tilespmem:s21+$0xFFFFFFF0];
	v18 =	vmul.f32 v56, v18;
	v21 =	vadd.f32 v25, v21;
	v25 =	vperm.xlane v23, v1  }
0x254: {  	v40 =	vld [tilespmem:s21+$0x0];
	v29 =	vperm.xlane v26, v1;
	v14 =	vsel vm2, v14, v16;
	v16 =	vmul.f32 v61, v60  }
0x255: {  	v28 =	vld [tilespmem:s16+$0xFFFFFF60];
	v19 =	vsel vm0, v20, v19;
	v63 =	vperm.xlane v18, v1;
	v15 =	vperm.xlane v15, v3  }
0x256: {  	v20 =	vperm.xlane v14, v4;
	v17 =	vmul.f32 v22, v17;
	v22 =	vld [tilespmem:s16+$0xFFFFFF80];
	v26 =	vadd.f32 v29, v26  }
0x257: {  	v62 =	vld [tilespmem:s16+$0xFFFFFF40];
	v23 =	vadd.f32 v25, v23;
	v29 =	vperm.xlane v16, v1;
	v13 =	vsel vm2, v13, v15  }
0x258: {  	v41 =	vld [tilespmem:s16+$0xFFFFFE40];
	v15 =	vperm.xlane v26, v1;
	v14 =	vadd.f32 v20, v14;
	v25 =	vmul.f32 v31, v27  }
0x259: {  	v30 =	vld [tilespmem:s21+$0xFFFFFFD0];
	v20 =	vperm.xlane v19, v2;
	v16 =	vadd.f32 v29, v16;
	v42 =	vperm.xlane v13, v4  }
0x25a: {  	v27 =	vld [tilespmem:s21+$0xFFFFFFC0];
	v15 =	vsel vm0, v23, v15;
	v23 =	vmul.f32 v28, v39;
	v29 =	vperm.xlane v25, v1  }
0x25b: {  	v18 =	vadd.f32 v63, v18;
	v31 =	vld [tilespmem:s21+$0xFFFFFF40];
	v16 =	vperm.xlane v16, v1;
	v22 =	vmul.f32 v22, v40  }
0x25c: {  	v26 =	vld [tilespmem:s16+$0xFFFFFE80];
	v28 =	vperm.xlane v17, v1;
	v14 =	vmul.f32 $1.442695020e+00, v14;
	v13 =	vadd.f32 v42, v13  }
0x25d: {  	v25 =	vadd.f32 v29, v25;
	v29 =	vld [tilespmem:s21+$0xFFFFFF80];
	v16 =	vsel vm0, v18, v16;
	v18 =	vperm.xlane v22, v1  }
0x25e: {  	v19 =	vadd.f32 v20, v19;
	v20 =	vperm.xlane v23, v1;
	(erf) = vpow2.f32 v14  }
0x25f: {  	v13 =	vmul.f32 $1.442695020e+00, v13;
	v27 =	vmul.f32 v62, v27;
	v18 =	vadd.f32 v18, v22  }
0x260: {  	v43 =	vperm.xlane v16, v2;
	v22 =	vmul.f32 v41, v31  }
0x261: {  	v17 =	vadd.f32 v28, v17;
	v28 =	vperm.xlane v27, v1;
	v18 =	vperm.xlane v18, v1  }
0x262: {  	s13 =	simm.s32 $0x6D60;
	v20 =	vadd.f32 v20, v23;
	v26 =	vmul.f32 v26, v29;
	v29 =	vmul.f32 v58, v30  }
0x263: {  	v44 =	vld [tilespmem:s13+$0xFFFFFE30];
	(erf) = vpow2.f32 v13;
	v16 =	vadd.f32 v43, v16;
	v23 =	vperm.xlane v22, v1  }
0x264: {  	s10 =	simm.s32 $0x2E60;
	v27 =	vadd.f32 v28, v27;
	v30 =	vld [tilespmem:s13+$0xFFFFFE20];
	v18 =	vsel vm0, v25, v18;
	v28 =	vperm.xlane v29, v1  }
0x265: {  	v22 =	vadd.f32 v23, v22;
	v25 =	vld [tilespmem:s10+$0xFFFFFF20];
	v23 =	vperm.xlane v26, v1;
	v31 =	vperm.xlane v18, v2  }
0x266: {  	v20 =	vperm.xlane v20, v1;
	v27 =	vperm.xlane v27, v1;
	v28 =	vadd.f32 v28, v29;
	v29 =	vld [tilespmem:s13+$0xFFFFFE10]  }
0x267: {  	v22 =	vperm.xlane v22, v1;
	v13 =	vpop (erf);
	v23 =	vadd.f32 v23, v26;
	v18 =	vadd.f32 v31, v18;
	v31 =	vld [tilespmem:s10+$0xFFFFFF10]  }
0x268: {  	v45 =	vld [tilespmem:s13+$0xFFFFFF10];
	v26 =	vperm.xlane v15, v2;
	v17 =	vsel vm0, v17, v27;
	v48 =	vperm.xlane v13, v5  }
0x269: {  	v47 =	vld [tilespmem:s13+$0xFFFFFF30];
	v22 =	vsel vm0, v24, v22;
	v20 =	vsel vm0, v28, v20;
	v23 =	vperm.xlane v23, v1  }
0x26a: {  	v24 =	vld [tilespmem:s10+$0xFFFFFF70];
	v27 =	vperm.xlane v22, v2;
	v25 =	vmul.f32 v30, v25;
	v14 =	vadd.f32 v26, v15  }
0x26b: {  	v30 =	vld [tilespmem:s10+$0xFFFFFF30];
	v28 =	vperm.xlane v20, v2;
	v21 =	vsel vm0, v21, v23;
	v23 =	vperm.xlane v17, v2  }
0x26c: {  	v22 =	vadd.f32 v27, v22;
	v27 =	vld [tilespmem:s13+$0xFFFFFE50];
	v15 =	vmul.f32 v29, v31;
	v26 =	vperm.xlane v21, v2  }
0x26d: {  	v18 =	vperm.xlane v18, v2;
	v29 =	vld [tilespmem:s10+$0xFFFFFF50];
	v20 =	vadd.f32 v28, v20;
	v17 =	vadd.f32 v23, v17  }
0x26e: {  	v28 =	vld [tilespmem:s15+$0xFFFFFF90];
	v22 =	vperm.xlane v22, v2;
	v31 =	vperm.xlane v15, v1;
	v21 =	vadd.f32 v26, v21  }
0x26f: {  	v23 =	vld [tilespmem:s13+$0xFFFFFE70];
	v26 =	vperm.xlane v25, v1;
	v18 =	vsel vm1, v20, v18;
	v17 =	vperm.xlane v17, v2  }
0x270: {  	v52 =	vld [tilespmem:s13+$0xFFFFFF40];
	v19 =	vsel vm1, v19, v22;
	v22 =	vmul.f32 v44, v30;
	v46 =	vperm.xlane v18, v3  }
0x271: {  	v56 =	vld [tilespmem:s10+$0xFFFFFFC0];
	v21 =	vperm.xlane v21, v2;
	v30 =	vperm.xlane v19, v3;
	v25 =	vadd.f32 v26, v25  }
0x272: {  	v20 =	vld [tilespmem:s13+$0xFFFFFE60];
	v15 =	vadd.f32 v31, v15;
	v32 =	vperm.xlane v22, v1;
	v27 =	vmul.f32 v27, v29  }
0x273: {  	v26 =	vld [tilespmem:s10+$0xFFFFFF60];
	v18 =	vadd.f32 v46, v18;
	v17 =	vsel vm1, v16, v17;
	v28 =	vmul.f32 v28, v48  }
0x274: {  	v29 =	vld [tilespmem:s10+$0xFFFFFF90];
	v23 =	vmul.f32 v23, v24;
	v14 =	vsel vm1, v14, v21;
	v25 =	vperm.xlane v25, v1  }
0x275: {  	v31 =	vld [tilespmem:s13+$0xFFFFFF20];
	v19 =	vadd.f32 v30, v19;
	v24 =	vperm.xlane v14, v3;
	v49 =	vperm.xlane v18, v3  }
0x276: {  	v21 =	vld [tilespmem:s10+$0xFFFFFFA0];
	v16 =	vadd.f32 v32, v22;
	v18 =	vperm.xlane v13, v7;
	v50 =	vperm.xlane v27, v1  }
0x277: {  	v22 =	vld [tilespmem:s10+$0xFFFFFFB0];
	v32 =	vmul.f32 v52, v56;
	v30 =	vperm.xlane v23, v1;
	v15 =	vsel vm0, v15, v25  }
0x278: {  	v37 =	vld [tilespmem:s15+$0xFFFFFE90];
	v20 =	vmul.f32 v20, v26;
	v26 =	vperm.xlane v17, v3;
	v14 =	vadd.f32 v24, v14  }
0x279: {  	v51 =	vld [tilespmem:s10+$0xFFFFFFF0];
	v38 =	vperm.xlane v15, v2;
	v24 =	vmul.f32 v45, v29  }
0x27a: {  	s17 =	simm.s32 $0x180;
	v29 =	vld [tilespmem:s13+$0xFFFFFF70];
	v26 =	vadd.f32 v26, v17;
	v17 =	vadd.f32 v30, v23;
	v23 =	vperm.xlane v20, v1  }
0x27b: {  	v53 =	vld [tilespmem:s10+$0xFFFFFFE0];
	[tilespmem:s17+$0x0] =	vst v28;
	v27 =	vadd.f32 v50, v27;
	v21 =	vmul.f32 v31, v21;
	v30 =	vperm.xlane v24, v1  }
0x27c: {  	v55 =	vld [tilespmem:s15+$0xFFFFFFA0];
	v22 =	vmul.f32 v47, v22;
	v20 =	vadd.f32 v23, v20;
	v23 =	vperm.xlane v14, v3;
	v14 =	vpop (erf)  }
0x27d: {  	v31 =	vld [tilespmem:s13+$0xFFFFFF60];
	v26 =	vsel vm2, v26, v49;
	v54 =	vperm.xlane v21, v1;
	v28 =	vperm.xlane v14, v5  }
0x27e: {  	v34 =	vld [tilespmem:s10+$0xFFFFFF80];
	v25 =	vperm.xlane v26, v4;
	v24 =	vadd.f32 v30, v24;
	v63 =	vperm.xlane v14, v6  }
0x27f: {  	v39 =	vld [tilespmem:s13+$0xFFFFFF80];
	v29 =	vmul.f32 v29, v51;
	v23 =	vsel vm2, v19, v23;
	v37 =	vmul.f32 v37, v28  }
0x280: {  	v30 =	vperm.xlane v20, v1;
	v19 =	vld [tilespmem:s10+$0xFFFFFFD0];
	v26 =	vadd.f32 v25, v26;
	v25 =	vperm.xlane v13, v6  }
0x281: {  	v21 =	vadd.f32 v54, v21;
	v20 =	vld [tilespmem:s13+$0xFFFFFF50];
	v60 =	vperm.xlane v23, v4;
	v57 =	vperm.xlane v29, v1;
	[tilespmem:s17+$0xFFFFFF70] =	vst v37  }
0x282: {  	v28 =	vsel vm0, v27, v30;
	v27 =	vmul.f32 v31, v53;
	v25 =	vmul.f32 v55, v25;
	v59 =	vld [tilespmem:s15+$0xFFFFFEA0]  }
0x283: {  	v31 =	vperm.xlane v22, v1;
	v58 =	vperm.xlane v21, v1;
	v21 =	vadd.f32 v38, v15;
	v15 =	vld [tilespmem:s10+$0x0]  }
0x284: {  	v23 =	vadd.f32 v60, v23;
	v30 =	vadd.f32 v57, v29;
	v61 =	vperm.xlane v27, v1;
	v29 =	vld [tilespmem:s13+$0xFFFFFE80];
	[tilespmem:s17+$0x10] =	vst v25  }
0x285: {  	v62 =	vsel vm0, v24, v58;
	v31 =	vadd.f32 v31, v22;
	v22 =	vperm.xlane v32, v1;
	v24 =	vld [tilespmem:s15+$0xFFFFFFB0]  }
0x286: {  	v40 =	vperm.xlane v62, v2;
	v25 =	vadd.f32 v61, v27;
	v27 =	vmul.f32 $1.442695020e+00, v26  }
0x287: {  	s3 =	simm.s32 $0x2A0;
	v33 =	vld [tilespmem:s10+$0xFFFFFF40];
	v32 =	vadd.f32 v22, v32;
	v22 =	vmul.f32 $1.442695020e+00, v23;
	v23 =	vmul.f32 v59, v63  }
0x288: {  	s18 =	simm.s32 $0x2A0;
	v35 =	vld [tilespmem:s13+$0xFFFFFE40];
	s19 =	simm.s32 $0x6D60;
	s21 =	simm.s32 $0x4;
	v36 =	vmul.f32 v39, v15;
	v26 =	vadd.f32 v40, v62;
	v15 =	vperm.xlane v13, v10  }
.LBB2_7:
0x289: {  	s21 =	sadd.s32 $0x2, s21;
	v34 =	vmul.f32 v29, v34;
	v19 =	vmul.f32 v20, v19;
	[tilespmem:s17+$0xFFFFFF80] =	vst v23  }
0x28a: {  	p1 =	slt.u32 s21, $0x26;
	v20 =	vperm.xlane v36, v1;
	v23 =	vld [tilespmem:s15+$0xFFFFFEB0];
	v18 =	vmul.f32 v24, v18  }
0x28b: {  	v37 =	vperm.xlane v25, v1;
	s13 =	sadd.s32 $0x200, s13;
	v24 =	vperm.xlane v28, v2;
	v25 =	vld [tilespmem:s16+$0xFFFFFE90]  }
0x28c: {  	v38 =	vperm.xlane v19, v1;
	v20 =	vadd.f32 v20, v36;
	v29 =	vld [tilespmem:s16+$0xFFFFFF90];
	v36 =	vperm.xlane v14, v7;
	[tilespmem:s17+$0x20] =	vst v18  }
0x28d: {  	s10 =	sadd.s32 $0x100, s10;
	v39 =	vperm.xlane v13, v9;
	v18 =	vmul.f32 v35, v33;
	v33 =	vadd.f32 v24, v28;
	v35 =	vld [tilespmem:s15+$0xFFFFFFC0]  }
0x28e: {  	v24 =	vperm.xlane v13, v12;
	v40 =	vld [tilespmem:s13+$0xFFFFFE20];
	v20 =	vperm.xlane v20, v1  }
0x28f: {  	v38 =	vadd.f32 v38, v19;
	v41 =	vld [tilespmem:s13+$0xFFFFFE30];
	v28 =	vperm.xlane v18, v1;
	v36 =	vmul.f32 v23, v36  }
0x290: {  	v32 =	vperm.xlane v32, v1;
	v23 =	vperm.xlane v14, v12;
	v42 =	vld [tilespmem:s10+$0xFFFFFF20];
	v20 =	vsel vm0, v30, v20  }
0x291: {  	v19 =	vld [tilespmem:s10+$0xFFFFFFD0];
	v18 =	vadd.f32 v28, v18;
	v30 =	vperm.xlane v20, v2;
	[tilespmem:s17+$0xFFFFFF90] =	vst v36;
	v28 =	vperm.xlane v13, v11  }
0x292: {  	v43 =	vperm.xlane v13, v8;
	v37 =	vsel vm0, v38, v37;
	v36 =	vperm.xlane v34, v1;
	v38 =	vld [tilespmem:s15+$0xFFFFFEC0]  }
0x293: {  	v31 =	vsel vm0, v31, v32;
	v32 =	vperm.xlane v14, v8;
	v44 =	vld [tilespmem:s13+$0xFFFFFF10];
	v20 =	vadd.f32 v30, v20  }
0x294: {  	v35 =	vmul.f32 v35, v43;
	v18 =	vperm.xlane v18, v1;
	v34 =	vadd.f32 v36, v34;
	v45 =	vld [tilespmem:s13+$0xFFFFFE10]  }
0x295: {  	v30 =	vperm.xlane v14, v11;
	v36 =	vld [tilespmem:s10+$0xFFFFFF10];
	v43 =	vperm.xlane v20, v2  }
0x296: {  	v16 =	vsel vm0, v16, v18;
	v18 =	vperm.xlane v34, v1;
	v20 =	vperm.xlane v37, v2;
	v46 =	vld [tilespmem:s10+$0xFFFFFF70];
	[tilespmem:s17+$0x30] =	vst v35  }
0x297: {  	v34 =	vperm.xlane v16, v2;
	v32 =	vmul.f32 v38, v32;
	v35 =	vld [tilespmem:s15+$0xFFFFFFD0]  }
0x298: {  	v38 =	vmul.f32 v40, v42;
	v37 =	vadd.f32 v20, v37;
	v42 =	vperm.xlane v14, v9;
	v40 =	vld [tilespmem:s10+$0xFFFFFF30]  }
0x299: {  	v17 =	vsel vm0, v17, v18;
	v18 =	vperm.xlane v31, v2;
	v16 =	vadd.f32 v34, v16;
	v20 =	vld [tilespmem:s13+$0xFFFFFF50];
	[tilespmem:s17+$0xFFFFFFA0] =	vst v32  }
0x29a: {  	v34 =	vperm.xlane v17, v2;
	v32 =	vmul.f32 v45, v36;
	v36 =	vsel vm1, v37, v43;
	v37 =	vld [tilespmem:s15+$0xFFFFFED0]  }
0x29b: {  	v18 =	vadd.f32 v18, v31;
	v16 =	vperm.xlane v16, v2;
	v43 =	vld [tilespmem:s13+$0xFFFFFE50];
	(erf) = vpow2.f32 v27  }
0x29c: {  	v17 =	vadd.f32 v34, v17;
	v27 =	vld [tilespmem:s10+$0xFFFFFF50];
	v31 =	vperm.xlane v32, v1;
	v34 =	vmul.f32 v35, v39  }
0x29d: {  	v18 =	vperm.xlane v18, v2;
	v39 =	vperm.xlane v38, v1;
	v16 =	vsel vm1, v21, v16;
	v35 =	vld [tilespmem:s13+$0xFFFFFE70]  }
0x29e: {  	v17 =	vperm.xlane v17, v2;
	v21 =	vmul.f32 v41, v40;
	v40 =	vld [tilespmem:s13+$0xFFFFFE60];
	[tilespmem:s17+$0x40] =	vst v34  }
0x29f: {  	v34 =	vadd.f32 v39, v38;
	v38 =	vperm.xlane v16, v3;
	v37 =	vmul.f32 v37, v42;
	v39 =	vld [tilespmem:s15+$0xFFFFFFE0]  }
0x2a0: {  	v31 =	vadd.f32 v31, v32;
	v32 =	vperm.xlane v21, v1;
	v42 =	vperm.xlane v36, v3;
	v41 =	vld [tilespmem:s10+$0xFFFFFF60]  }
0x2a1: {  	v17 =	vsel vm1, v33, v17;
	v33 =	vadd.f32 v38, v16;
	v27 =	vmul.f32 v43, v27;
	v43 =	vld [tilespmem:s10+$0xFFFFFF90];
	[tilespmem:s17+$0xFFFFFFB0] =	vst v37  }
0x2a2: {  	v37 =	vperm.xlane v17, v3;
	v36 =	vadd.f32 v42, v36;
	v35 =	vmul.f32 v35, v46;
	v38 =	vld [tilespmem:s15+$0xFFFFFEE0]  }
0x2a3: {  	v18 =	vsel vm1, v26, v18;
	v42 =	vld [tilespmem:s10+$0xFFFFFFA0];
	(erf) = vpow2.f32 v22;
	v22 =	vperm.xlane v14, v10  }
0x2a4: {  	v16 =	vadd.f32 v32, v21;
	v21 =	vperm.xlane v35, v1;
	v26 =	vld [tilespmem:s13+$0xFFFFFF20];
	v32 =	vpop (erf);
	v15 =	vmul.f32 v39, v15  }
0x2a5: {  	v34 =	vperm.xlane v34, v1;
	v37 =	vadd.f32 v37, v17;
	v39 =	vld [tilespmem:s13+$0xFFFFFF30];
	v45 =	vperm.xlane v32, v5  }
0x2a6: {  	v40 =	vmul.f32 v40, v41;
	v17 =	vadd.f32 v21, v35;
	v21 =	vld [tilespmem:s10+$0xFFFFFFB0];
	v35 =	vperm.xlane v18, v3;
	[tilespmem:s17+$0x50] =	vst v15  }
0x2a7: {  	v15 =	vsel vm0, v31, v34;
	v31 =	vmul.f32 v44, v43;
	v22 =	vmul.f32 v38, v22;
	v34 =	vld [tilespmem:s15+$0xFFFFFFF0]  }
0x2a8: {  	v36 =	vperm.xlane v36, v3;
	v38 =	vld [tilespmem:s13+$0xFFFFFF70];
	v35 =	vadd.f32 v35, v18;
	v18 =	vperm.xlane v32, v7  }
0x2a9: {  	v41 =	vperm.xlane v27, v1;
	v43 =	vperm.xlane v40, v1;
	v44 =	vld [tilespmem:s10+$0xFFFFFFF0];
	[tilespmem:s17+$0xFFFFFFC0] =	vst v22  }
0x2aa: {  	v29 =	vmul.f32 v29, v45;
	v22 =	vperm.xlane v31, v1;
	v35 =	vsel vm2, v35, v36;
	v36 =	vld [tilespmem:s15+$0xFFFFFEF0]  }
0x2ab: {  	v40 =	vadd.f32 v43, v40;
	v26 =	vmul.f32 v26, v42;
	v42 =	vld [tilespmem:s13+$0xFFFFFF60];
	v43 =	vperm.xlane v35, v4  }
0x2ac: {  	v39 =	vmul.f32 v39, v21;
	v22 =	vadd.f32 v22, v31;
	v21 =	vperm.xlane v37, v3;
	v45 =	vld [tilespmem:s13+$0xFFFFFF40];
	v31 =	vpop (erf)  }
0x2ad: {  	v27 =	vadd.f32 v41, v27;
	v41 =	vperm.xlane v26, v1;
	v28 =	vmul.f32 v34, v28;
	v37 =	vld [tilespmem:s10+$0xFFFFFFE0];
	[tilespmem:s3+$0x0] =	vst v29  }
0x2ae: {  	v33 =	vsel vm2, v33, v21;
	v21 =	vperm.xlane v31, v5;
	v29 =	vmul.f32 v38, v44;
	v34 =	vld [tilespmem:s16+$0xFFFFFFA0]  }
0x2af: {  	v26 =	vadd.f32 v41, v26;
	v38 =	vperm.xlane v40, v1;
	v40 =	vld [tilespmem:s10+$0xFFFFFFC0];
	v30 =	vmul.f32 v36, v30;
	[tilespmem:s17+$0x60] =	vst v28  }
0x2b0: {  	v35 =	vadd.f32 v43, v35;
	v41 =	vperm.xlane v32, v6;
	v36 =	vperm.xlane v29, v1;
	v43 =	vld [tilespmem:s15+$0x0]  }
0x2b1: {  	v25 =	vmul.f32 v25, v21;
	v28 =	vsel vm0, v27, v38;
	v27 =	vperm.xlane v15, v2;
	v38 =	vld [tilespmem:s13+$0xFFFFFF80];
	[tilespmem:s17+$0xFFFFFFD0] =	vst v30  }
0x2b2: {  	v37 =	vmul.f32 v42, v37;
	v42 =	vperm.xlane v39, v1;
	v30 =	vadd.f32 v36, v29;
	v36 =	vld [tilespmem:s15+$0xFFFFFF00];
	[tilespmem:s17+$0x80] =	vst v13;
	s15 =	smov.u32 s16;
	s16 =	smov.u32 s19;
	s19 =	smov.u32 s13  }
0x2b3: {  	s3 =	sadd.s32 $0x120, s3;
	v26 =	vperm.xlane v26, v1;
	v21 =	vadd.f32 v27, v15;
	v15 =	vld [tilespmem:s10+$0x0];
	[tilespmem:s18+$0xFFFFFF70] =	vst v25;
	v25 =	vmul.f32 v34, v41  }
0x2b4: {  	v13 =	vmovc v32;
	v41 =	vperm.xlane v33, v4;
	v27 =	vperm.xlane v37, v1;
	v44 =	vld [tilespmem:s15+$0xFFFFFEA0];
	[tilespmem:s17+$0xFFFFFFF0] =	vst v14;
	v14 =	vmov v31  }
0x2b5: {  	v26 =	vsel vm0, v22, v26;
	v32 =	vmul.f32 v45, v40;
	v29 =	vld [tilespmem:s13+$0xFFFFFE80];
	[tilespmem:s18+$0x10] =	vst v25;
	v22 =	vmul.f32 v43, v24  }
.Ltmp2:
0x2b6: {  	v31 =	vadd.f32 v42, v39;
	v34 =	vld [tilespmem:s10+$0xFFFFFF80];
	v25 =	vadd.f32 v27, v37;
	v37 =	vperm.xlane v14, v6;
	(pc) =	sbr.rel @p1 .LBB2_7-.Ltmp2, $4  }
0x2b7: {  	v40 =	vadd.f32 v41, v33;
	v39 =	vperm.xlane v32, v1;
	v24 =	vld [tilespmem:s15+$0xFFFFFFB0];
	v36 =	vmul.f32 v36, v23;
	[tilespmem:s17+$0x70] =	vst v22  }
0x2b8: {  	v41 =	vperm.xlane v26, v2;
	v27 =	vmul.f32 $1.442695020e+00, v35  }
0x2b9: {  	v22 =	vmul.f32 $1.442695020e+00, v40;
	v32 =	vadd.f32 v39, v32;
	v33 =	vld [tilespmem:s10+$0xFFFFFF40];
	v23 =	vmul.f32 v44, v37;
	[tilespmem:s17+$0xFFFFFFE0] =	vst v36;
	s17 =	smov.u32 s18;
	s18 =	smov.u32 s3  }
0x2ba: {  	v26 =	vadd.f32 v41, v26;
	v36 =	vmul.f32 v38, v15;
	v15 =	vperm.xlane v13, v10;
	v35 =	vld [tilespmem:s13+$0xFFFFFE40]  }
0x2bb: {  	_ =	sdelay $0x1  }
0x2bc: {  	v29 =	vmul.f32 v29, v34  }
0x2bd: {  	v40 =	vperm.xlane v36, v1  }
0x2be: {  	v42 =	vperm.xlane v29, v1;
	v33 =	vmul.f32 v35, v33  }
0x2bf: {  	v19 =	vmul.f32 v20, v19;
	v41 =	vadd.f32 v40, v36  }
0x2c0: {  	v32 =	vperm.xlane v32, v1;
	v29 =	vadd.f32 v42, v29;
	v44 =	vperm.xlane v33, v1  }
0x2c1: {  	v43 =	vperm.xlane v19, v1;
	v20 =	vperm.xlane v41, v1  }
0x2c2: {  	v25 =	vperm.xlane v25, v1;
	v29 =	vperm.xlane v29, v1;
	v45 =	vadd.f32 v44, v33  }
0x2c3: {  	v48 =	vsel vm0, v31, v32;
	v19 =	vadd.f32 v43, v19;
	v20 =	vsel vm0, v30, v20  }
0x2c4: {  	v46 =	vperm.xlane v20, v2;
	v17 =	vsel vm0, v17, v29;
	v47 =	vperm.xlane v45, v1  }
0x2c5: {  	v31 =	vperm.xlane v48, v2;
	v19 =	vsel vm0, v19, v25;
	v49 =	vperm.xlane v17, v2  }
0x2c6: {  	v50 =	vperm.xlane v19, v2;
	v20 =	vadd.f32 v46, v20;
	v16 =	vsel vm0, v16, v47  }
0x2c7: {  	v51 =	vperm.xlane v28, v2;
	v17 =	vadd.f32 v49, v17;
	v52 =	vperm.xlane v16, v2  }
0x2c8: {  	v53 =	vadd.f32 v31, v48;
	v19 =	vadd.f32 v50, v19;
	v20 =	vperm.xlane v20, v2  }
0x2c9: {  	v28 =	vadd.f32 v51, v28;
	v17 =	vperm.xlane v17, v2;
	v16 =	vadd.f32 v52, v16  }
0x2ca: {  	v54 =	vperm.xlane v53, v2;
	v19 =	vsel vm1, v19, v20  }
0x2cb: {  	v55 =	vperm.xlane v19, v3;
	v17 =	vsel vm1, v28, v17;
	v16 =	vperm.xlane v16, v2  }
0x2cc: {  	v20 =	vsel vm1, v26, v54;
	v28 =	vperm.xlane v17, v3  }
0x2cd: {  	v56 =	vperm.xlane v20, v3;
	v19 =	vadd.f32 v55, v19;
	v16 =	vsel vm1, v21, v16  }
0x2ce: {  	v17 =	vadd.f32 v28, v17;
	v57 =	vperm.xlane v16, v3  }
0x2cf: {  	v20 =	vadd.f32 v56, v20;
	v19 =	vperm.xlane v19, v3  }
0x2d0: {  	v17 =	vperm.xlane v17, v3;
	v16 =	vadd.f32 v57, v16  }
0x2d1: {  	v19 =	vsel vm2, v20, v19  }
0x2d2: {  	v20 =	vperm.xlane v19, v4;
	v16 =	vsel vm2, v16, v17  }
0x2d3: {  	v17 =	vperm.xlane v16, v4  }
0x2d4: {  	(erf) = vpow2.f32 v27;
	v19 =	vadd.f32 v20, v19  }
0x2d5: {  	(erf) = vpow2.f32 v22;
	v16 =	vadd.f32 v17, v16  }
0x2d6: {  	v58 =	vmul.f32 $1.442695020e+00, v19  }
0x2d7: {  	v16 =	vmul.f32 $1.442695020e+00, v16  }
0x2d8: {  	(erf) = vpow2.f32 v58  }
0x2d9: {  	(erf) = vpow2.f32 v16;
	_ =	sdelay $0x1  }
0x2da: {  	v59 =	vld [tilespmem:s16+$0xFFFFFF90]  }
0x2db: {  	v60 =	vld [tilespmem:s16+$0xFFFFFE90]  }
0x2dc: {  	v20 =	vpop (erf)  }
0x2dd: {  	v61 =	vperm.xlane v20, v5;
	v16 =	vpop (erf)  }
0x2de: {  	v63 =	vld [tilespmem:s19+$0xFFFFFF90];
	v62 =	vperm.xlane v16, v5  }
0x2df: {  	v32 =	vld [tilespmem:s19+$0xFFFFFE90];
	v21 =	vmul.f32 v59, v61  }
0x2e0: {  	v22 =	vmul.f32 v60, v62;
	v17 =	vpop (erf)  }
0x2e1: {  	[tilespmem:s3+$0x0] =	vst v21;
	v33 =	vperm.xlane v17, v5;
	v19 =	vpop (erf)  }
0x2e2: {  	v34 =	vld [tilespmem:s16+$0xFFFFFFA0];
	[tilespmem:s18+$0xFFFFFF70] =	vst v22;
	v35 =	vperm.xlane v19, v5  }
0x2e3: {  	v36 =	vld [tilespmem:s16+$0xFFFFFEA0];
	v21 =	vmul.f32 v63, v33  }
0x2e4: {  	[tilespmem:s17+$0xFFFFFF80] =	vst v23;
	s21 =	sadd.s32 $0x120, s3;
	v22 =	vmul.f32 v32, v35  }
0x2e5: {  	v23 =	vld [tilespmem:s15+$0xFFFFFEB0];
	v37 =	vperm.xlane v20, v6;
	[tilespmem:s21+$0x0] =	vst v21  }
0x2e6: {  	v38 =	vperm.xlane v16, v6;
	v39 =	vld [tilespmem:s19+$0xFFFFFFA0];
	[tilespmem:s21+$0xFFFFFF70] =	vst v22  }
0x2e7: {  	v40 =	vmul.f32 v34, v37;
	v41 =	vld [tilespmem:s19+$0xFFFFFEA0]  }
0x2e8: {  	v42 =	vperm.xlane v14, v7;
	v21 =	vmul.f32 v36, v38  }
0x2e9: {  	v18 =	vmul.f32 v24, v18;
	v43 =	vperm.xlane v17, v6;
	[tilespmem:s18+$0x10] =	vst v40  }
0x2ea: {  	v23 =	vmul.f32 v23, v42;
	v44 =	vld [tilespmem:s16+$0xFFFFFFB0];
	v45 =	vperm.xlane v19, v6;
	[tilespmem:s18+$0xFFFFFF80] =	vst v21  }
0x2eb: {  	[tilespmem:s17+$0x20] =	vst v18;
	v46 =	vld [tilespmem:s16+$0xFFFFFEB0];
	v22 =	vmul.f32 v39, v43  }
0x2ec: {  	[tilespmem:s17+$0xFFFFFF90] =	vst v23;
	v47 =	vld [tilespmem:s15+$0xFFFFFFC0];
	v21 =	vmul.f32 v41, v45  }
0x2ed: {  	v23 =	vld [tilespmem:s15+$0xFFFFFEC0];
	v48 =	vperm.xlane v20, v7;
	[tilespmem:s21+$0x10] =	vst v22  }
0x2ee: {  	v49 =	vperm.xlane v16, v7;
	v50 =	vld [tilespmem:s19+$0xFFFFFFB0];
	[tilespmem:s21+$0xFFFFFF80] =	vst v21  }
0x2ef: {  	v51 =	vperm.xlane v13, v8;
	v24 =	vmul.f32 v44, v48;
	v52 =	vld [tilespmem:s19+$0xFFFFFEB0]  }
0x2f0: {  	v53 =	vperm.xlane v14, v8;
	v18 =	vmul.f32 v46, v49  }
0x2f1: {  	v54 =	vperm.xlane v17, v7;
	[tilespmem:s18+$0x20] =	vst v24;
	v21 =	vmul.f32 v47, v51  }
0x2f2: {  	v23 =	vmul.f32 v23, v53;
	v55 =	vperm.xlane v19, v7;
	v24 =	vld [tilespmem:s16+$0xFFFFFFC0];
	[tilespmem:s18+$0xFFFFFF90] =	vst v18  }
0x2f3: {  	[tilespmem:s17+$0x30] =	vst v21;
	v56 =	vld [tilespmem:s16+$0xFFFFFEC0];
	v22 =	vmul.f32 v50, v54  }
0x2f4: {  	[tilespmem:s17+$0xFFFFFFA0] =	vst v23;
	v57 =	vld [tilespmem:s15+$0xFFFFFFD0];
	v18 =	vmul.f32 v52, v55  }
0x2f5: {  	v23 =	vld [tilespmem:s15+$0xFFFFFED0];
	v58 =	vperm.xlane v20, v8;
	[tilespmem:s21+$0x20] =	vst v22  }
0x2f6: {  	v59 =	vperm.xlane v16, v8;
	v60 =	vld [tilespmem:s19+$0xFFFFFFC0];
	[tilespmem:s21+$0xFFFFFF90] =	vst v18  }
0x2f7: {  	v61 =	vperm.xlane v13, v9;
	v24 =	vmul.f32 v24, v58;
	v62 =	vld [tilespmem:s19+$0xFFFFFEC0]  }
0x2f8: {  	v63 =	vperm.xlane v14, v9;
	v21 =	vmul.f32 v56, v59  }
0x2f9: {  	v30 =	vperm.xlane v17, v8;
	[tilespmem:s18+$0x30] =	vst v24;
	v18 =	vmul.f32 v57, v61  }
0x2fa: {  	v31 =	vperm.xlane v19, v8;
	v23 =	vmul.f32 v23, v63;
	v24 =	vld [tilespmem:s16+$0xFFFFFFD0];
	[tilespmem:s18+$0xFFFFFFA0] =	vst v21  }
0x2fb: {  	[tilespmem:s17+$0x40] =	vst v18;
	v32 =	vld [tilespmem:s16+$0xFFFFFED0];
	v22 =	vmul.f32 v60, v30  }
0x2fc: {  	[tilespmem:s17+$0xFFFFFFB0] =	vst v23;
	v33 =	vld [tilespmem:s15+$0xFFFFFFE0];
	v21 =	vmul.f32 v62, v31  }
0x2fd: {  	v34 =	vperm.xlane v20, v9;
	v23 =	vld [tilespmem:s15+$0xFFFFFEE0];
	[tilespmem:s21+$0x30] =	vst v22  }
0x2fe: {  	v35 =	vperm.xlane v16, v9;
	v36 =	vld [tilespmem:s19+$0xFFFFFFD0];
	[tilespmem:s21+$0xFFFFFFA0] =	vst v21  }
0x2ff: {  	v37 =	vmul.f32 v24, v34;
	v38 =	vld [tilespmem:s19+$0xFFFFFED0]  }
0x300: {  	v39 =	vperm.xlane v14, v10;
	v18 =	vmul.f32 v32, v35  }
0x301: {  	v40 =	vperm.xlane v17, v9;
	[tilespmem:s18+$0x40] =	vst v37;
	v15 =	vmul.f32 v33, v15  }
0x302: {  	v43 =	vperm.xlane v19, v9;
	v41 =	vmul.f32 v23, v39;
	v42 =	vld [tilespmem:s16+$0xFFFFFFE0];
	[tilespmem:s18+$0xFFFFFFB0] =	vst v18  }
0x303: {  	[tilespmem:s17+$0x50] =	vst v15;
	v15 =	vld [tilespmem:s16+$0xFFFFFEE0];
	v21 =	vmul.f32 v36, v40  }
0x304: {  	[tilespmem:s17+$0xFFFFFFC0] =	vst v41;
	v44 =	vld [tilespmem:s15+$0xFFFFFFF0];
	v18 =	vmul.f32 v38, v43  }
0x305: {  	v45 =	vperm.xlane v20, v10;
	v22 =	vld [tilespmem:s15+$0xFFFFFEF0];
	[tilespmem:s21+$0x40] =	vst v21  }
0x306: {  	v46 =	vperm.xlane v16, v10;
	v47 =	vld [tilespmem:s19+$0xFFFFFFE0];
	[tilespmem:s21+$0xFFFFFFB0] =	vst v18  }
0x307: {  	v48 =	vperm.xlane v13, v11;
	v23 =	vmul.f32 v42, v45;
	v49 =	vld [tilespmem:s19+$0xFFFFFEE0]  }
0x308: {  	v50 =	vperm.xlane v14, v11;
	v15 =	vmul.f32 v15, v46  }
0x309: {  	v51 =	vperm.xlane v17, v10;
	[tilespmem:s18+$0x50] =	vst v23;
	v18 =	vmul.f32 v44, v48  }
0x30a: {  	v22 =	vmul.f32 v22, v50;
	v23 =	vld [tilespmem:s16+$0xFFFFFFF0];
	[tilespmem:s18+$0xFFFFFFC0] =	vst v15;
	v15 =	vperm.xlane v19, v10  }
0x30b: {  	[tilespmem:s17+$0x60] =	vst v18;
	v52 =	vld [tilespmem:s16+$0xFFFFFEF0];
	v21 =	vmul.f32 v47, v51  }
0x30c: {  	[tilespmem:s17+$0xFFFFFFD0] =	vst v22;
	v53 =	vld [tilespmem:s15+$0x0];
	v15 =	vmul.f32 v49, v15  }
0x30d: {  	v54 =	vperm.xlane v20, v11;
	v22 =	vld [tilespmem:s15+$0xFFFFFF00];
	[tilespmem:s21+$0x50] =	vst v21  }
0x30e: {  	v55 =	vperm.xlane v16, v11;
	v56 =	vld [tilespmem:s19+$0xFFFFFFF0];
	[tilespmem:s21+$0xFFFFFFC0] =	vst v15  }
0x30f: {  	[tilespmem:s17+$0x80] =	vst v13;
	v15 =	vperm.xlane v13, v12;
	v13 =	vmul.f32 v23, v54;
	v57 =	vld [tilespmem:s19+$0xFFFFFEF0]  }
0x310: {  	v58 =	vperm.xlane v14, v12;
	[tilespmem:s17+$0xFFFFFFF0] =	vst v14;
	v14 =	vmul.f32 v52, v55  }
0x311: {  	v15 =	vmul.f32 v53, v15;
	[tilespmem:s18+$0x60] =	vst v13;
	v13 =	vperm.xlane v17, v11  }
0x312: {  	v59 =	vmul.f32 v22, v58;
	[tilespmem:s18+$0xFFFFFFD0] =	vst v14;
	v14 =	vperm.xlane v19, v11;
	v60 =	vld [tilespmem:s16+$0x0]  }
0x313: {  	[tilespmem:s17+$0x70] =	vst v15;
	v15 =	vld [tilespmem:s16+$0xFFFFFF00];
	v13 =	vmul.f32 v56, v13  }
0x314: {  	[tilespmem:s17+$0xFFFFFFE0] =	vst v59;
	v14 =	vmul.f32 v57, v14  }
0x315: {  	v61 =	vperm.xlane v20, v12;
	[tilespmem:s21+$0x60] =	vst v13  }
0x316: {  	v13 =	vperm.xlane v16, v12;
	v62 =	vld [tilespmem:s19+$0x0];
	[tilespmem:s21+$0xFFFFFFD0] =	vst v14  }
0x317: {  	[tilespmem:s18+$0x80] =	vst v20;
	v14 =	vmul.f32 v60, v61;
	v63 =	vld [tilespmem:s19+$0xFFFFFF00]  }
0x318: {  	[tilespmem:s18+$0xFFFFFFF0] =	vst v16;
	v13 =	vmul.f32 v15, v13  }
0x319: {  	s14 =	sadd.s32 $0x1, s14;
	[tilespmem:s18+$0x70] =	vst v14;
	v14 =	vperm.xlane v17, v12  }
0x31a: {  	p1 =	sne.s32 s14, $0x7D;
	[tilespmem:s18+$0xFFFFFFE0] =	vst v13;
	v13 =	vperm.xlane v19, v12  }
.Ltmp3:
0x31b: {  	[tilespmem:s21+$0x80] =	vst v17;
	v14 =	vmul.f32 v62, v14;
	(pc) =	sbr.rel @p1 .LBB2_4-.Ltmp3, $4  }
0x31c: {  	[tilespmem:s21+$0xFFFFFFF0] =	vst v19;
	v13 =	vmul.f32 v63, v13  }
0x31d: {  	[tilespmem:s21+$0x70] =	vst v14  }
0x31e: {  	[tilespmem:s21+$0xFFFFFFE0] =	vst v13  }
0x31f: {  	[spmem:s25] =	stream.indirect.scatter.add.f32 [tilespmem:s23], [sflag:$0x4], $0x90, s8, s24, $0xb8;
	[tilespmem:$0x1FE50] =	vst v63  }
0x320: {  	_ =	swait.ge [sflag:s5], $0x1400  }
0x321: {  	[sflag:s5] =	ssyncset.done $0x0  }
0x322: {  	[sflag:s5] =	ssyncadd.s32 $0xFFFFEC00  }
0x323: {  	_ =	swait.ge [sflag:s5], $0x2800  }
0x324: {  	[sflag:s5] =	ssyncset.done $0x0  }
0x325: {  	[sflag:s5] =	ssyncadd.s32 $0xFFFFD800  }
0x326: {  	_ =	swait.ge [sflag:s6], $0x1680  }
0x327: {  	[sflag:s6] =	ssyncset.done $0x0  }
0x328: {  	[sflag:s6] =	ssyncadd.s32 $0xFFFFE980  }
0x329: {  	[bflag:$0x0] =	sbarrier.arrive $0xFFFF  }
0x32a: {  	s14 =	rddreg [dreg:$0x1c]  }
0x32b: {  	[tilespmem:s23], [sflag:$0x5] =	stream.linear.gather [spmem:s14], $0x10E0, $0x38;
	[tilespmem:$0x1FE50] =	vst v63  }
0x32c: {  	_ =	swait.ge [sflag:s31], $0x10E0  }
0x32d: {  	[sflag:s31] =	ssyncset.done $0x0  }
0x32e: {  	s3 =	rddreg [dreg:$0x6];
	[sflag:s31] =	ssyncadd.s32 $0xFFFFEF20  }
0x32f: {  	[hbm4b:s3+s0] =	stream.linear.scatter [tilespmem:s23], [sflag:$0x5], $0x10E0, $0x38;
	[tilespmem:$0x1FE50] =	vst v63  }
0x330: {  	_ =	swait.ge [sflag:s31], $0x10E0  }
0x331: {  	[sflag:s31] =	ssyncset.done $0x0  }
0x332: {  	s15 =	rddreg [dreg:$0x1d];
	[sflag:s31] =	ssyncadd.s32 $0xFFFFEF20  }
0x333: {  	[tilespmem:s23], [sflag:$0x5] =	stream.linear.gather [spmem:s15], $0x10E0, $0x38;
	[tilespmem:$0x1FE50] =	vst v63  }
0x334: {  	_ =	swait.ge [sflag:s31], $0x10E0  }
0x335: {  	[sflag:s31] =	ssyncset.done $0x0  }
0x336: {  	s16 =	rddreg [dreg:$0x7];
	[sflag:s31] =	ssyncadd.s32 $0xFFFFEF20  }
0x337: {  	[hbm4b:s16+s0] =	stream.linear.scatter [tilespmem:s23], [sflag:$0x5], $0x10E0, $0x38;
	[tilespmem:$0x1FE50] =	vst v63  }
0x338: {  	_ =	swait.ge [sflag:s31], $0x10E0  }
0x339: {  	[sflag:s31] =	ssyncset.done $0x0  }
0x33a: {  	s17 =	rddreg [dreg:$0x1e];
	[sflag:s31] =	ssyncadd.s32 $0xFFFFEF20  }
0x33b: {  	[tilespmem:s23], [sflag:$0x5] =	stream.linear.gather [spmem:s17], $0x10E0, $0x38;
	[tilespmem:$0x1FE50] =	vst v63  }
0x33c: {  	_ =	swait.ge [sflag:s31], $0x10E0  }
0x33d: {  	[sflag:s31] =	ssyncset.done $0x0  }
0x33e: {  	s18 =	rddreg [dreg:$0x8];
	[sflag:s31] =	ssyncadd.s32 $0xFFFFEF20  }
0x33f: {  	[hbm4b:s18+s0] =	stream.linear.scatter [tilespmem:s23], [sflag:$0x5], $0x10E0, $0x38;
	[tilespmem:$0x1FE50] =	vst v63  }
0x340: {  	_ =	swait.ge [sflag:s31], $0x10E0  }
0x341: {  	[sflag:s31] =	ssyncset.done $0x0  }
0x342: {  	s19 =	rddreg [dreg:$0x1f];
	[sflag:s31] =	ssyncadd.s32 $0xFFFFEF20  }
0x343: {  	[tilespmem:s23], [sflag:$0x5] =	stream.linear.gather [spmem:s19], $0x10E0, $0x38;
	[tilespmem:$0x1FE50] =	vst v63  }
0x344: {  	_ =	swait.ge [sflag:s31], $0x10E0  }
0x345: {  	[sflag:s31] =	ssyncset.done $0x0  }
0x346: {  	s21 =	rddreg [dreg:$0x9];
	[sflag:s31] =	ssyncadd.s32 $0xFFFFEF20  }
0x347: {  	[hbm4b:s21+s0] =	stream.linear.scatter [tilespmem:s23], [sflag:$0x5], $0x10E0, $0x38;
	[tilespmem:$0x1FE50] =	vst v63  }
0x348: {  	_ =	swait.ge [sflag:s31], $0x10E0  }
0x349: {  	s10 =	sld [smem:$0x7E8]  }
0x34a: {  	[sflag:s31] =	ssyncset.done $0x0  }
0x34b: {  	[sflag:s31] =	ssyncadd.s32 $0xFFFFEF20  }
0x34c: {  	[tilespmem:s23], [sflag:$0x5] =	stream.linear.gather [spmem:s10], $0x10E0, $0x38;
	[tilespmem:$0x1FE50] =	vst v63  }
0x34d: {  	_ =	swait.ge [sflag:s31], $0x10E0  }
0x34e: {  	[sflag:s31] =	ssyncset.done $0x0  }
0x34f: {  	s13 =	rddreg [dreg:$0xa];
	[sflag:s31] =	ssyncadd.s32 $0xFFFFEF20  }
0x350: {  	[hbm4b:s13+s0] =	stream.linear.scatter [tilespmem:s23], [sflag:$0x5], $0x10E0, $0x38;
	[tilespmem:$0x1FE50] =	vst v63  }
0x351: {  	_ =	swait.ge [sflag:s31], $0x10E0  }
0x352: {  	s16 =	sld [smem:$0x7E9]  }
0x353: {  	[sflag:s31] =	ssyncset.done $0x0  }
0x354: {  	[sflag:s31] =	ssyncadd.s32 $0xFFFFEF20  }
0x355: {  	[tilespmem:s23], [sflag:$0x5] =	stream.linear.gather [spmem:s16], $0x10E0, $0x38;
	[tilespmem:$0x1FE50] =	vst v63  }
0x356: {  	_ =	swait.ge [sflag:s31], $0x10E0  }
0x357: {  	[sflag:s31] =	ssyncset.done $0x0  }
0x358: {  	s17 =	rddreg [dreg:$0xb];
	[sflag:s31] =	ssyncadd.s32 $0xFFFFEF20  }
0x359: {  	[hbm4b:s17+s0] =	stream.linear.scatter [tilespmem:s23], [sflag:$0x5], $0x10E0, $0x38;
	[tilespmem:$0x1FE50] =	vst v63  }
0x35a: {  	_ =	swait.ge [sflag:s31], $0x10E0  }
0x35b: {  	s18 =	sld [smem:$0x7EA]  }
0x35c: {  	[sflag:s31] =	ssyncset.done $0x0  }
0x35d: {  	[sflag:s31] =	ssyncadd.s32 $0xFFFFEF20  }
0x35e: {  	[tilespmem:s23], [sflag:$0x5] =	stream.linear.gather [spmem:s18], $0x10E0, $0x38;
	[tilespmem:$0x1FE50] =	vst v63  }
0x35f: {  	_ =	swait.ge [sflag:s31], $0x10E0  }
0x360: {  	[sflag:s31] =	ssyncset.done $0x0  }
0x361: {  	s19 =	rddreg [dreg:$0xc];
	[sflag:s31] =	ssyncadd.s32 $0xFFFFEF20  }
0x362: {  	[hbm4b:s19+s0] =	stream.linear.scatter [tilespmem:s23], [sflag:$0x5], $0x10E0, $0x38;
	[tilespmem:$0x1FE50] =	vst v63  }
0x363: {  	_ =	swait.ge [sflag:s31], $0x10E0  }
0x364: {  	s21 =	sld [smem:$0x7EB]  }
0x365: {  	[sflag:s31] =	ssyncset.done $0x0  }
0x366: {  	[sflag:s31] =	ssyncadd.s32 $0xFFFFEF20  }
0x367: {  	[tilespmem:s23], [sflag:$0x5] =	stream.linear.gather [spmem:s21], $0x10E0, $0x38;
	[tilespmem:$0x1FE50] =	vst v63  }
0x368: {  	_ =	swait.ge [sflag:s31], $0x10E0  }
0x369: {  	[sflag:s31] =	ssyncset.done $0x0  }
0x36a: {  	s10 =	rddreg [dreg:$0xd];
	[sflag:s31] =	ssyncadd.s32 $0xFFFFEF20  }
0x36b: {  	[hbm4b:s10+s0] =	stream.linear.scatter [tilespmem:s23], [sflag:$0x5], $0x10E0, $0x38;
	[tilespmem:$0x1FE50] =	vst v63  }
0x36c: {  	_ =	swait.ge [sflag:s31], $0x10E0  }
0x36d: {  	s13 =	sld [smem:$0x7EC]  }
0x36e: {  	[sflag:s31] =	ssyncset.done $0x0  }
0x36f: {  	[sflag:s31] =	ssyncadd.s32 $0xFFFFEF20  }
0x370: {  	[tilespmem:s23], [sflag:$0x5] =	stream.linear.gather [spmem:s13], $0x10E0, $0x38;
	[tilespmem:$0x1FE50] =	vst v63  }
0x371: {  	_ =	swait.ge [sflag:s31], $0x10E0  }
0x372: {  	[sflag:s31] =	ssyncset.done $0x0  }
0x373: {  	s16 =	rddreg [dreg:$0xe];
	[sflag:s31] =	ssyncadd.s32 $0xFFFFEF20  }
0x374: {  	[hbm4b:s16+s0] =	stream.linear.scatter [tilespmem:s23], [sflag:$0x5], $0x10E0, $0x38;
	[tilespmem:$0x1FE50] =	vst v63  }
0x375: {  	_ =	swait.ge [sflag:s31], $0x10E0  }
0x376: {  	s17 =	sld [smem:$0x7ED]  }
0x377: {  	[sflag:s31] =	ssyncset.done $0x0  }
0x378: {  	[sflag:s31] =	ssyncadd.s32 $0xFFFFEF20  }
0x379: {  	[tilespmem:s23], [sflag:$0x5] =	stream.linear.gather [spmem:s17], $0x10E0, $0x38;
	[tilespmem:$0x1FE50] =	vst v63  }
0x37a: {  	_ =	swait.ge [sflag:s31], $0x10E0  }
0x37b: {  	[sflag:s31] =	ssyncset.done $0x0  }
0x37c: {  	s18 =	rddreg [dreg:$0xf];
	[sflag:s31] =	ssyncadd.s32 $0xFFFFEF20  }
0x37d: {  	[hbm4b:s18+s0] =	stream.linear.scatter [tilespmem:s23], [sflag:$0x5], $0x10E0, $0x38;
	[tilespmem:$0x1FE50] =	vst v63  }
0x37e: {  	_ =	swait.ge [sflag:s31], $0x10E0  }
0x37f: {  	s18 =	sld [smem:$0x7F9]  }
0x380: {  	[sflag:s31] =	ssyncset.done $0x0  }
0x381: {  	[sflag:s31] =	ssyncadd.s32 $0xFFFFEF20  }
0x382: {  	[tilespmem:s23], [sflag:$0x5] =	stream.linear.gather [spmem:s18], $0x10E0, $0x38;
	[tilespmem:$0x1FE50] =	vst v63  }
0x383: {  	_ =	swait.ge [sflag:s31], $0x10E0  }
0x384: {  	[sflag:s31] =	ssyncset.done $0x0  }
0x385: {  	s19 =	rddreg [dreg:$0x10];
	[sflag:s31] =	ssyncadd.s32 $0xFFFFEF20  }
0x386: {  	[hbm4b:s19+s0] =	stream.linear.scatter [tilespmem:s23], [sflag:$0x5], $0x10E0, $0x38;
	[tilespmem:$0x1FE50] =	vst v63  }
0x387: {  	_ =	swait.ge [sflag:s31], $0x10E0  }
0x388: {  	s16 =	sld [smem:$0x7FA]  }
0x389: {  	[sflag:s31] =	ssyncset.done $0x0  }
0x38a: {  	[sflag:s31] =	ssyncadd.s32 $0xFFFFEF20  }
0x38b: {  	[tilespmem:s23], [sflag:$0x5] =	stream.linear.gather [spmem:s16], $0x10E0, $0x38;
	[tilespmem:$0x1FE50] =	vst v63  }
0x38c: {  	_ =	swait.ge [sflag:s31], $0x10E0  }
0x38d: {  	[sflag:s31] =	ssyncset.done $0x0  }
0x38e: {  	s21 =	rddreg [dreg:$0x11];
	[sflag:s31] =	ssyncadd.s32 $0xFFFFEF20  }
0x38f: {  	[hbm4b:s21+s0] =	stream.linear.scatter [tilespmem:s23], [sflag:$0x5], $0x10E0, $0x38;
	[tilespmem:$0x1FE50] =	vst v63  }
0x390: {  	_ =	swait.ge [sflag:s31], $0x10E0  }
0x391: {  	s17 =	sld [smem:$0x7FB]  }
0x392: {  	[sflag:s31] =	ssyncset.done $0x0  }
0x393: {  	[sflag:s31] =	ssyncadd.s32 $0xFFFFEF20  }
0x394: {  	[tilespmem:s23], [sflag:$0x5] =	stream.linear.gather [spmem:s17], $0x10E0, $0x38;
	[tilespmem:$0x1FE50] =	vst v63  }
0x395: {  	_ =	swait.ge [sflag:s31], $0x10E0  }
0x396: {  	[sflag:s31] =	ssyncset.done $0x0  }
0x397: {  	s10 =	rddreg [dreg:$0x12];
	[sflag:s31] =	ssyncadd.s32 $0xFFFFEF20  }
0x398: {  	[hbm4b:s10+s0] =	stream.linear.scatter [tilespmem:s23], [sflag:$0x5], $0x10E0, $0x38;
	[tilespmem:$0x1FE50] =	vst v63  }
0x399: {  	_ =	swait.ge [sflag:s31], $0x10E0  }
0x39a: {  	s13 =	sld [smem:$0x7EE]  }
0x39b: {  	[sflag:s31] =	ssyncset.done $0x0  }
0x39c: {  	[sflag:s31] =	ssyncadd.s32 $0xFFFFEF20  }
0x39d: {  	[tilespmem:s23], [sflag:$0x5] =	stream.linear.gather [spmem:s13], $0x10E0, $0x38;
	[tilespmem:$0x1FE50] =	vst v63  }
0x39e: {  	_ =	swait.ge [sflag:s31], $0x10E0  }
0x39f: {  	[sflag:s31] =	ssyncset.done $0x0  }
0x3a0: {  	s19 =	rddreg [dreg:$0x13];
	[sflag:s31] =	ssyncadd.s32 $0xFFFFEF20  }
0x3a1: {  	[hbm4b:s19+s0] =	stream.linear.scatter [tilespmem:s23], [sflag:$0x5], $0x10E0, $0x38;
	[tilespmem:$0x1FE50] =	vst v63  }
0x3a2: {  	_ =	swait.ge [sflag:s31], $0x10E0  }
0x3a3: {  	s19 =	sld [smem:$0x7FC]  }
0x3a4: {  	[sflag:s31] =	ssyncset.done $0x0  }
0x3a5: {  	[sflag:s31] =	ssyncadd.s32 $0xFFFFEF20  }
0x3a6: {  	[tilespmem:s23], [sflag:$0x5] =	stream.linear.gather [spmem:s19], $0x10E0, $0x38;
	[tilespmem:$0x1FE50] =	vst v63  }
0x3a7: {  	_ =	swait.ge [sflag:s31], $0x10E0  }
0x3a8: {  	[sflag:s31] =	ssyncset.done $0x0  }
0x3a9: {  	s21 =	rddreg [dreg:$0x14];
	[sflag:s31] =	ssyncadd.s32 $0xFFFFEF20  }
0x3aa: {  	[hbm4b:s21+s0] =	stream.linear.scatter [tilespmem:s23], [sflag:$0x5], $0x10E0, $0x38;
	[tilespmem:$0x1FE50] =	vst v63  }
0x3ab: {  	_ =	swait.ge [sflag:s31], $0x10E0  }
0x3ac: {  	s21 =	sld [smem:$0x7FD]  }
0x3ad: {  	[sflag:s31] =	ssyncset.done $0x0  }
0x3ae: {  	[sflag:s31] =	ssyncadd.s32 $0xFFFFEF20  }
0x3af: {  	[tilespmem:s23], [sflag:$0x5] =	stream.linear.gather [spmem:s21], $0x10E0, $0x38;
	[tilespmem:$0x1FE50] =	vst v63  }
0x3b0: {  	_ =	swait.ge [sflag:s31], $0x10E0  }
0x3b1: {  	[sflag:s31] =	ssyncset.done $0x0  }
0x3b2: {  	s10 =	rddreg [dreg:$0x15];
	[sflag:s31] =	ssyncadd.s32 $0xFFFFEF20  }
0x3b3: {  	[hbm4b:s10+s0] =	stream.linear.scatter [tilespmem:s23], [sflag:$0x5], $0x10E0, $0x38;
	[tilespmem:$0x1FE50] =	vst v63  }
0x3b4: {  	_ =	swait.ge [sflag:s31], $0x10E0  }
0x3b5: {  	s13 =	sld [smem:$0x7EF]  }
0x3b6: {  	[sflag:s31] =	ssyncset.done $0x0  }
0x3b7: {  	[sflag:s31] =	ssyncadd.s32 $0xFFFFEF20  }
0x3b8: {  	[tilespmem:s23], [sflag:$0x5] =	stream.linear.gather [spmem:s13], $0x10E0, $0x38;
	[tilespmem:$0x1FE50] =	vst v63  }
0x3b9: {  	_ =	swait.ge [sflag:s31], $0x10E0  }
0x3ba: {  	[sflag:s31] =	ssyncset.done $0x0  }
0x3bb: {  	s10 =	rddreg [dreg:$0x16];
	[sflag:s31] =	ssyncadd.s32 $0xFFFFEF20  }
0x3bc: {  	[hbm4b:s10+s0] =	stream.linear.scatter [tilespmem:s23], [sflag:$0x5], $0x10E0, $0x38;
	[tilespmem:$0x1FE50] =	vst v63  }
0x3bd: {  	_ =	swait.ge [sflag:s31], $0x10E0  }
0x3be: {  	s13 =	sld [smem:$0x7F0]  }
0x3bf: {  	[sflag:s31] =	ssyncset.done $0x0  }
0x3c0: {  	[sflag:s31] =	ssyncadd.s32 $0xFFFFEF20  }
0x3c1: {  	[tilespmem:s23], [sflag:$0x5] =	stream.linear.gather [spmem:s13], $0x10E0, $0x38;
	[tilespmem:$0x1FE50] =	vst v63  }
0x3c2: {  	_ =	swait.ge [sflag:s31], $0x10E0  }
0x3c3: {  	[sflag:s31] =	ssyncset.done $0x0  }
0x3c4: {  	s10 =	rddreg [dreg:$0x17];
	[sflag:s31] =	ssyncadd.s32 $0xFFFFEF20  }
0x3c5: {  	[hbm4b:s10+s0] =	stream.linear.scatter [tilespmem:s23], [sflag:$0x5], $0x10E0, $0x38;
	[tilespmem:$0x1FE50] =	vst v63  }
0x3c6: {  	_ =	swait.ge [sflag:s31], $0x10E0  }
0x3c7: {  	s13 =	sld [smem:$0x7F1]  }
0x3c8: {  	[sflag:s31] =	ssyncset.done $0x0  }
0x3c9: {  	[sflag:s31] =	ssyncadd.s32 $0xFFFFEF20  }
0x3ca: {  	[tilespmem:s23], [sflag:$0x5] =	stream.linear.gather [spmem:s13], $0x10E0, $0x38;
	[tilespmem:$0x1FE50] =	vst v63  }
0x3cb: {  	_ =	swait.ge [sflag:s31], $0x10E0  }
0x3cc: {  	[sflag:s31] =	ssyncset.done $0x0  }
0x3cd: {  	s10 =	rddreg [dreg:$0x18];
	[sflag:s31] =	ssyncadd.s32 $0xFFFFEF20  }
0x3ce: {  	[hbm4b:s10+s0] =	stream.linear.scatter [tilespmem:s23], [sflag:$0x5], $0x10E0, $0x38;
	[tilespmem:$0x1FE50] =	vst v63  }
0x3cf: {  	_ =	swait.ge [sflag:s31], $0x10E0  }
0x3d0: {  	s13 =	sld [smem:$0x7F2]  }
0x3d1: {  	[sflag:s31] =	ssyncset.done $0x0  }
0x3d2: {  	[sflag:s31] =	ssyncadd.s32 $0xFFFFEF20  }
0x3d3: {  	[tilespmem:s23], [sflag:$0x5] =	stream.linear.gather [spmem:s13], $0x10E0, $0x38;
	[tilespmem:$0x1FE50] =	vst v63  }
0x3d4: {  	_ =	swait.ge [sflag:s31], $0x10E0  }
0x3d5: {  	[sflag:s31] =	ssyncset.done $0x0  }
0x3d6: {  	s10 =	rddreg [dreg:$0x19];
	[sflag:s31] =	ssyncadd.s32 $0xFFFFEF20  }
0x3d7: {  	[hbm4b:s10+s0] =	stream.linear.scatter [tilespmem:s23], [sflag:$0x5], $0x10E0, $0x38;
	[tilespmem:$0x1FE50] =	vst v63  }
0x3d8: {  	_ =	swait.ge [sflag:s31], $0x10E0  }
0x3d9: {  	s13 =	sld [smem:$0x7F3]  }
0x3da: {  	[sflag:s31] =	ssyncset.done $0x0  }
0x3db: {  	[sflag:s31] =	ssyncadd.s32 $0xFFFFEF20  }
0x3dc: {  	[tilespmem:s23], [sflag:$0x5] =	stream.linear.gather [spmem:s13], $0x10E0, $0x38;
	[tilespmem:$0x1FE50] =	vst v63  }
0x3dd: {  	_ =	swait.ge [sflag:s31], $0x10E0  }
0x3de: {  	[sflag:s31] =	ssyncset.done $0x0  }
0x3df: {  	s10 =	rddreg [dreg:$0x1a];
	[sflag:s31] =	ssyncadd.s32 $0xFFFFEF20  }
0x3e0: {  	[hbm4b:s10+s0] =	stream.linear.scatter [tilespmem:s23], [sflag:$0x5], $0x10E0, $0x38;
	[tilespmem:$0x1FE50] =	vst v63  }
0x3e1: {  	_ =	swait.ge [sflag:s31], $0x10E0  }
0x3e2: {  	s10 =	sld [smem:$0x7E7]  }
0x3e3: {  	s13 =	sld [smem:$0x7F6];
	_ =	sdelay $0x1  }
0x3e4: {  	s10 =	sadd.s32 $0x1, s10  }
0x3e5: {  	p1 =	sne.s32 s10, s13  }
.Ltmp4:
0x3e6: {  	_ = 	snop;
	(pc) =	sbr.rel @p1 .LBB2_1-.Ltmp4, $3  }
0x3e7: {  	_ =	sdelay $0x1  }
0x3e8: {  	[sflag:s31] =	ssyncset.done $0x0  }
0x3e9: {  	[sflag:s31] =	ssyncadd.s32 $0xFFFFEF20  }
0x3ea: {  	_ =	sfence.sel $0x180000  }
0x3eb: {  	[bflag:$0x0] =	sbarrier.arrive $0xFFFF  }
0x3ec: {  	_ =	strace $0x90000047  }
0x3ed: {  	[bflag:$0x2] =	sbarrier.arrive $0xFFFF  }
0x3ee: {  	s0 =	rddreg [dreg:$0x5]  }
0x3ef: {  	s0 =	sadd.s32 @!p0 $0x100000, s0  }
0x3f0: {  	[sflag:s0] =	ssyncadd.tile.s32 @!p0 $0x1;
	_ =	shalt  }
.Lfunc_end2:
_tile_overlayer_lowered:
.L_overlay_start_2:
0x3f1: {  	(tag) =	ssettag $0x2  }
0x3f2: {  	s0 =	rddreg [dreg:$0x0];
	s2 =	stileid.u32  }
0x3f3: {  	s1 =	rddreg [dreg:$0x1];
	p0 =	sne.s32 s2, $0x0  }
0x3f4: {  	s3 =	rddreg [dreg:$0x2];
	[bflag:$0x3] =	sbarrier.arrive $0xFFFF;
	s2 =	simm.s32 @!p0 $0x1C05  }
0x3f5: {  	[timem:s3], [sflag:s2] =	dma.local @!p0 [hbm:s0], s1  }
0x3f6: {  	s0 =	simm.s32 @!p0 $0x5  }
0x3f7: {  	_ =	swait.ge @!p0 [sflag:s0], s1  }
0x3f8: {  	s1 =	ssub.s32 @!p0 $0x0, s1;
	[sflag:s0] =	ssyncset.done @!p0 $0x0  }
0x3f9: {  	[sflag:s0] =	ssyncadd.s32 @!p0 s1  }
0x3fa: {  	[bflag:$0x3] =	sbarrier.arrive $0xFFFF  }
0x3fb: {  	_ =	shalt  }

</sc_bundles>
